<compile_context>
chip_gen: v7x
topology: tpu7x:2x2x1
jax: 0.10.2.dev20260603
libtpu: 0.0.44.dev20260713+nightly
codegen_flags: <defaults>
</compile_context>

<pallas_src>
import functools

import jax
import jax.numpy as jnp
from jax import lax
from jax.experimental import pallas as pl
from jax.experimental.pallas import tpu as pltpu
from jax.experimental.pallas import tpu_sc as plsc

VOCAB = 1000000
CONTEXT = 200
EMBED = 64
BATCH = 4096
SEQ = 200

B = BATCH * SEQ
NC, NS = 2, 16
NW = NC * NS
RPW = B // NW
SUPER = 400
NSUP = RPW // SUPER
NVG = SUPER // 16
NBUF = 3


def _sc_body(idx_hbm, tok_hbm, pos_hbm, out_hbm,
             idx_v, pos_v, gbuf, g0, g1, g2, s0, s1, s2):
    gsems = (g0, g1, g2)
    ssems = (s0, s1, s2)
    wid = lax.axis_index("s") * NC + lax.axis_index("c")

    pltpu.sync_copy(idx_hbm.at[wid], idx_v)
    pltpu.sync_copy(pos_hbm, pos_v)

    def fire_gathers(s, b):
        base = s * SUPER
        for q in range(NVG):
            vals = idx_v[pl.ds(base + q * 16, 16)]
            pltpu.async_copy(
                tok_hbm.at[vals], gbuf.at[b, pl.ds(q * 16, 16)], gsems[b]
            )

    def fire_store(s, b):
        row0 = wid * RPW + s * SUPER
        pltpu.async_copy(
            gbuf.at[b],
            out_hbm.at[pl.ds(row0, SUPER), pl.ds(0, EMBED)],
            ssems[b],
        )

    def drain(sem, b):
        pltpu.make_async_copy(
            out_hbm.at[pl.ds(0, SUPER), pl.ds(0, EMBED)], gbuf.at[b], sem
        ).wait()

    def add_pos(b):
        for half in range(2):
            base = half * SEQ

            def body(r4, _):
                for q in range(4):
                    r = r4 * 4 + q
                    for k in range(EMBED // 16):
                        sl = pl.ds(k * 16, 16)
                        plsc.addupdate(gbuf.at[b, base + r, sl], pos_v[r, sl])
                return 0

            lax.fori_loop(0, SEQ // 4, body, 0)

    def process(s, b):
        drain(gsems[b], b)
        add_pos(b)
        fire_store(s, b)

        @pl.when(s + 2 < NSUP)
        def _():
            b2 = (b + 2) % NBUF

            @pl.when(s + 2 >= NBUF)
            def _():
                drain(ssems[b2], b2)

            fire_gathers(s + 2, b2)

    fire_gathers(0, 0)
    fire_gathers(1, 1)

    def step(i, carry):
        for b3 in range(NBUF):
            process(NBUF * i + b3, b3)
        return carry

    lax.fori_loop(0, (NSUP - 1) // NBUF, step, 0)

    process(NSUP - 1, (NSUP - 1) % NBUF)
    for s in range(NSUP - 3, NSUP):
        drain(ssems[s % NBUF], s % NBUF)


@jax.jit
def _tok_pos_embed(idx2, token_table, position_table):
    mesh = plsc.VectorSubcoreMesh(core_axis_name="c", subcore_axis_name="s")
    f = functools.partial(
        pl.kernel,
        out_type=jax.ShapeDtypeStruct((B, 2 * EMBED), jnp.float32),
        mesh=mesh,
        compiler_params=pltpu.CompilerParams(use_tc_tiling_on_sc=False),
        scratch_types=[
            pltpu.VMEM((RPW,), jnp.int32),
            pltpu.VMEM((CONTEXT, EMBED), jnp.float32),
            pltpu.VMEM((NBUF, SUPER, EMBED), jnp.float32),
        ] + [pltpu.SemaphoreType.DMA] * (2 * NBUF),
    )(_sc_body)
    return f(idx2, token_table, position_table)


def kernel(inputs, token_table, position_table):
    idx2 = inputs.astype(jnp.int32).reshape(NW, RPW)
    out = _tok_pos_embed(idx2, token_table, position_table)
    return out[:, :EMBED].reshape(BATCH, SEQ, EMBED)

# --- scband reference (transcript-rebuilt; emitter-appended) ---
"""Pipeline reference for scband-token-and-position-embedding-21809843929845 (READ-ONLY COPY).

The authoritative reference and input builder live on the scoring server;
editing this copy changes nothing except your own understanding.
"""

import jax, jax.numpy as jnp
import numpy as np

VOCAB = 1000000
CONTEXT = 200
EMBED = 64
BATCH = 4096
SEQ = 200

def setup_inputs(seed: int = 0) -> dict:
    key = jax.random.key(seed)
    k1, k2, k3 = jax.random.split(key, 3)
    inputs = jax.random.randint(k1, (BATCH, SEQ), 0, VOCAB, dtype=jnp.int64 if jax.config.jax_enable_x64 else jnp.int32)
    token_table = jax.random.normal(k2, (VOCAB, EMBED), dtype=jnp.float32) * 0.02
    position_table = jax.random.normal(k3, (CONTEXT, EMBED), dtype=jnp.float32) * 0.02
    return {"inputs": inputs, "token_table": token_table, "position_table": position_table}

def reference(inputs, token_table, position_table):
    # token embedding lookup: gather rows of token_table
    x = jnp.take(token_table, inputs, axis=0)  # [B, S, E]
    # position embedding for positions 0..S-1
    seq_len = inputs.shape[-1]
    positions = jnp.arange(seq_len)
    pos = jnp.take(position_table, positions, axis=0)  # [S, E]
    return x + pos[None, :, :]

if __name__ == "__main__":
    import jax
    _d = setup_inputs()
    print(jax.jit(kernel)(*tuple(_d.values())))

</pallas_src>

<mosaic_0001>
#map = affine_map<(d0, d1) -> (0, 0)>
module attributes {stable_mosaic.version = 14 : i64} {
  func.func @_sc_body(%arg0: i32, %arg1: i32, %arg2: memref<32x25600xi32, #tpu.memory_space<hbm>>, %arg3: memref<1000000x64xf32, #tpu.memory_space<hbm>>, %arg4: memref<200x64xf32, #tpu.memory_space<hbm>>, %arg5: memref<819200x128xf32, #tpu.memory_space<hbm>>, %arg6: memref<25600xi32, #tpu.memory_space<vmem>>, %arg7: memref<200x64xf32, #tpu.memory_space<vmem>>, %arg8: memref<3x400x64xf32, #tpu.memory_space<vmem>>, %arg9: memref<!tpu.dma_semaphore, #tpu.memory_space<semaphore_mem>>, %arg10: memref<!tpu.dma_semaphore, #tpu.memory_space<semaphore_mem>>, %arg11: memref<!tpu.dma_semaphore, #tpu.memory_space<semaphore_mem>>, %arg12: memref<!tpu.dma_semaphore, #tpu.memory_space<semaphore_mem>>, %arg13: memref<!tpu.dma_semaphore, #tpu.memory_space<semaphore_mem>>, %arg14: memref<!tpu.dma_semaphore, #tpu.memory_space<semaphore_mem>>) attributes {dimension_semantics = [#tpu.dimension_semantics<core_parallel>, #tpu.dimension_semantics<subcore_parallel>], iteration_bounds = array<i64: 2, 16>, scalar_prefetch = 0 : i64, scratch_operands = 9 : i64, tpu.core_type = #tpu.core_type<sc_vector_subcore>, window_params = [{transform_indices = #map}, {transform_indices = #map}, {transform_indices = #map}, {transform_indices = #map}]} {
    %mul3A = arith.constant 2 : i32
    %mul3A_0 = arith.muli %arg1, %mul3A : i32
    %add3A = arith.addi %mul3A_0, %arg0 : i32
    "tpu.region"() ({
      %run_scoped3A = tpu.sem_alloc : memref<!tpu.dma_semaphore, #tpu.memory_space<semaphore_mem>>
      %dma_start3A_644 = arith.constant 0 : i32
      %dma_start3A_645 = tpu.memref_slice %arg2[%add3A, %dma_start3A_644] : memref<32x25600xi32, #tpu.memory_space<hbm>> -> memref<1x25600xi32, #tpu.memory_space<hbm>>
      %dma_start3A_646 = tpu.memref_squeeze %dma_start3A_645 : memref<1x25600xi32, #tpu.memory_space<hbm>> -> memref<25600xi32, #tpu.memory_space<hbm>>
      %dma_start3A_647 = arith.constant 0 : i32
      %dma_start3A_648 = tpu.memref_slice %arg2[%add3A, %dma_start3A_647] : memref<32x25600xi32, #tpu.memory_space<hbm>> -> memref<1x25600xi32, #tpu.memory_space<hbm>>
      %dma_start3A_649 = tpu.memref_squeeze %dma_start3A_648 : memref<1x25600xi32, #tpu.memory_space<hbm>> -> memref<25600xi32, #tpu.memory_space<hbm>>
      tpu.enqueue_dma source(%dma_start3A_649 : memref<25600xi32, #tpu.memory_space<hbm>>) target(%arg6 : memref<25600xi32, #tpu.memory_space<vmem>>) target_semaphore(%run_scoped3A : memref<!tpu.dma_semaphore, #tpu.memory_space<semaphore_mem>>)
      %dma_wait3A_650 = arith.constant 0 : i32
      %dma_wait3A_651 = tpu.memref_slice %arg2[%add3A, %dma_wait3A_650] : memref<32x25600xi32, #tpu.memory_space<hbm>> -> memref<1x25600xi32, #tpu.memory_space<hbm>>
      %dma_wait3A_652 = tpu.memref_squeeze %dma_wait3A_651 : memref<1x25600xi32, #tpu.memory_space<hbm>> -> memref<25600xi32, #tpu.memory_space<hbm>>
      %dma_wait3A_653 = arith.constant 0 : i32
      %dma_wait3A_654 = tpu.memref_slice %arg2[%add3A, %dma_wait3A_653] : memref<32x25600xi32, #tpu.memory_space<hbm>> -> memref<1x25600xi32, #tpu.memory_space<hbm>>
      %dma_wait3A_655 = tpu.memref_squeeze %dma_wait3A_654 : memref<1x25600xi32, #tpu.memory_space<hbm>> -> memref<25600xi32, #tpu.memory_space<hbm>>
      tpu.wait_dma2 semaphore(%run_scoped3A : memref<!tpu.dma_semaphore, #tpu.memory_space<semaphore_mem>>) src(%dma_wait3A_655 : memref<25600xi32, #tpu.memory_space<hbm>>) dst(%arg6 : memref<25600xi32, #tpu.memory_space<vmem>>)
      tpu.yield
    }) : () -> ()
    "tpu.region"() ({
      %run_scoped3A = tpu.sem_alloc : memref<!tpu.dma_semaphore, #tpu.memory_space<semaphore_mem>>
      tpu.enqueue_dma source(%arg4 : memref<200x64xf32, #tpu.memory_space<hbm>>) target(%arg7 : memref<200x64xf32, #tpu.memory_space<vmem>>) target_semaphore(%run_scoped3A : memref<!tpu.dma_semaphore, #tpu.memory_space<semaphore_mem>>)
      tpu.wait_dma2 semaphore(%run_scoped3A : memref<!tpu.dma_semaphore, #tpu.memory_space<semaphore_mem>>) src(%arg4 : memref<200x64xf32, #tpu.memory_space<hbm>>) dst(%arg7 : memref<200x64xf32, #tpu.memory_space<vmem>>)
      tpu.yield
    }) : () -> ()
    %get3A = arith.constant 0 : index
    %get3A_1 = tpu.vector_load %arg6[%get3A] {strides = array<i32>} : memref<25600xi32, #tpu.memory_space<vmem>>, vector<16xi32>,
    %get3A_2 = vector.shape_cast %get3A_1 : vector<16xi32> to vector<16xi32>
    %dma_start3A = arith.constant 0 : i32
    %dma_start3A_3 = arith.constant 0 : i32
    %dma_start3A_4 = arith.constant 0 : i32
    %dma_start3A_5 = tpu.memref_slice %arg8[%dma_start3A, %dma_start3A_3, %dma_start3A_4] : memref<3x400x64xf32, #tpu.memory_space<vmem>> -> memref<1x16x64xf32, #tpu.memory_space<vmem>>
    %dma_start3A_6 = tpu.memref_squeeze %dma_start3A_5 : memref<1x16x64xf32, #tpu.memory_space<vmem>> -> memref<16x64xf32, #tpu.memory_space<vmem>>
    %dma_start3A_7 = arith.constant 0 : i32
    %dma_start3A_8 = arith.constant 0 : i32
    %dma_start3A_9 = tpu.memref_slice %arg3[%dma_start3A_7, %dma_start3A_8] : memref<1000000x64xf32, #tpu.memory_space<hbm>> -> memref<1000000x64xf32, #tpu.memory_space<hbm>>
    tpu.enqueue_indirect_dma source(%dma_start3A_9 : memref<1000000x64xf32, #tpu.memory_space<hbm>>) target(%dma_start3A_6 : memref<16x64xf32, #tpu.memory_space<vmem>>) offsets(%get3A_2 : vector<16xi32>) semaphore(%arg9 : memref<!tpu.dma_semaphore, #tpu.memory_space<semaphore_mem>>)
    %get3A_10 = arith.constant 16 : index
    %get3A_11 = tpu.vector_load %arg6[%get3A_10] {strides = array<i32>} : memref<25600xi32, #tpu.memory_space<vmem>>, vector<16xi32>,
    %get3A_12 = vector.shape_cast %get3A_11 : vector<16xi32> to vector<16xi32>
    %dma_start3A_13 = arith.constant 0 : i32
    %dma_start3A_14 = arith.constant 16 : i32
    %dma_start3A_15 = arith.constant 0 : i32
    %dma_start3A_16 = tpu.memref_slice %arg8[%dma_start3A_13, %dma_start3A_14, %dma_start3A_15] : memref<3x400x64xf32, #tpu.memory_space<vmem>> -> memref<1x16x64xf32, #tpu.memory_space<vmem>>
    %dma_start3A_17 = tpu.memref_squeeze %dma_start3A_16 : memref<1x16x64xf32, #tpu.memory_space<vmem>> -> memref<16x64xf32, #tpu.memory_space<vmem>>
    %dma_start3A_18 = arith.constant 0 : i32
    %dma_start3A_19 = arith.constant 0 : i32
    %dma_start3A_20 = tpu.memref_slice %arg3[%dma_start3A_18, %dma_start3A_19] : memref<1000000x64xf32, #tpu.memory_space<hbm>> -> memref<1000000x64xf32, #tpu.memory_space<hbm>>
    tpu.enqueue_indirect_dma source(%dma_start3A_20 : memref<1000000x64xf32, #tpu.memory_space<hbm>>) target(%dma_start3A_17 : memref<16x64xf32, #tpu.memory_space<vmem>>) offsets(%get3A_12 : vector<16xi32>) semaphore(%arg9 : memref<!tpu.dma_semaphore, #tpu.memory_space<semaphore_mem>>)
    %get3A_21 = arith.constant 32 : index
    %get3A_22 = tpu.vector_load %arg6[%get3A_21] {strides = array<i32>} : memref<25600xi32, #tpu.memory_space<vmem>>, vector<16xi32>,
    %get3A_23 = vector.shape_cast %get3A_22 : vector<16xi32> to vector<16xi32>
    %dma_start3A_24 = arith.constant 0 : i32
    %dma_start3A_25 = arith.constant 32 : i32
    %dma_start3A_26 = arith.constant 0 : i32
    %dma_start3A_27 = tpu.memref_slice %arg8[%dma_start3A_24, %dma_start3A_25, %dma_start3A_26] : memref<3x400x64xf32, #tpu.memory_space<vmem>> -> memref<1x16x64xf32, #tpu.memory_space<vmem>>
    %dma_start3A_28 = tpu.memref_squeeze %dma_start3A_27 : memref<1x16x64xf32, #tpu.memory_space<vmem>> -> memref<16x64xf32, #tpu.memory_space<vmem>>
    %dma_start3A_29 = arith.constant 0 : i32
    %dma_start3A_30 = arith.constant 0 : i32
    %dma_start3A_31 = tpu.memref_slice %arg3[%dma_start3A_29, %dma_start3A_30] : memref<1000000x64xf32, #tpu.memory_space<hbm>> -> memref<1000000x64xf32, #tpu.memory_space<hbm>>
    tpu.enqueue_indirect_dma source(%dma_start3A_31 : memref<1000000x64xf32, #tpu.memory_space<hbm>>) target(%dma_start3A_28 : memref<16x64xf32, #tpu.memory_space<vmem>>) offsets(%get3A_23 : vector<16xi32>) semaphore(%arg9 : memref<!tpu.dma_semaphore, #tpu.memory_space<semaphore_mem>>)
    %get3A_32 = arith.constant 48 : index
    %get3A_33 = tpu.vector_load %arg6[%get3A_32] {strides = array<i32>} : memref<25600xi32, #tpu.memory_space<vmem>>, vector<16xi32>,
    %get3A_34 = vector.shape_cast %get3A_33 : vector<16xi32> to vector<16xi32>
    %dma_start3A_35 = arith.constant 0 : i32
    %dma_start3A_36 = arith.constant 48 : i32
    %dma_start3A_37 = arith.constant 0 : i32
    %dma_start3A_38 = tpu.memref_slice %arg8[%dma_start3A_35, %dma_start3A_36, %dma_start3A_37] : memref<3x400x64xf32, #tpu.memory_space<vmem>> -> memref<1x16x64xf32, #tpu.memory_space<vmem>>
    %dma_start3A_39 = tpu.memref_squeeze %dma_start3A_38 : memref<1x16x64xf32, #tpu.memory_space<vmem>> -> memref<16x64xf32, #tpu.memory_space<vmem>>
    %dma_start3A_40 = arith.constant 0 : i32
    %dma_start3A_41 = arith.constant 0 : i32
    %dma_start3A_42 = tpu.memref_slice %arg3[%dma_start3A_40, %dma_start3A_41] : memref<1000000x64xf32, #tpu.memory_space<hbm>> -> memref<1000000x64xf32, #tpu.memory_space<hbm>>
    tpu.enqueue_indirect_dma source(%dma_start3A_42 : memref<1000000x64xf32, #tpu.memory_space<hbm>>) target(%dma_start3A_39 : memref<16x64xf32, #tpu.memory_space<vmem>>) offsets(%get3A_34 : vector<16xi32>) semaphore(%arg9 : memref<!tpu.dma_semaphore, #tpu.memory_space<semaphore_mem>>)
    %get3A_43 = arith.constant 64 : index
    %get3A_44 = tpu.vector_load %arg6[%get3A_43] {strides = array<i32>} : memref<25600xi32, #tpu.memory_space<vmem>>, vector<16xi32>,
    %get3A_45 = vector.shape_cast %get3A_44 : vector<16xi32> to vector<16xi32>
    %dma_start3A_46 = arith.constant 0 : i32
    %dma_start3A_47 = arith.constant 64 : i32
    %dma_start3A_48 = arith.constant 0 : i32
    %dma_start3A_49 = tpu.memref_slice %arg8[%dma_start3A_46, %dma_start3A_47, %dma_start3A_48] : memref<3x400x64xf32, #tpu.memory_space<vmem>> -> memref<1x16x64xf32, #tpu.memory_space<vmem>>
    %dma_start3A_50 = tpu.memref_squeeze %dma_start3A_49 : memref<1x16x64xf32, #tpu.memory_space<vmem>> -> memref<16x64xf32, #tpu.memory_space<vmem>>
    %dma_start3A_51 = arith.constant 0 : i32
    %dma_start3A_52 = arith.constant 0 : i32
    %dma_start3A_53 = tpu.memref_slice %arg3[%dma_start3A_51, %dma_start3A_52] : memref<1000000x64xf32, #tpu.memory_space<hbm>> -> memref<1000000x64xf32, #tpu.memory_space<hbm>>
    tpu.enqueue_indirect_dma source(%dma_start3A_53 : memref<1000000x64xf32, #tpu.memory_space<hbm>>) target(%dma_start3A_50 : memref<16x64xf32, #tpu.memory_space<vmem>>) offsets(%get3A_45 : vector<16xi32>) semaphore(%arg9 : memref<!tpu.dma_semaphore, #tpu.memory_space<semaphore_mem>>)
    %get3A_54 = arith.constant 80 : index
    %get3A_55 = tpu.vector_load %arg6[%get3A_54] {strides = array<i32>} : memref<25600xi32, #tpu.memory_space<vmem>>, vector<16xi32>,
    %get3A_56 = vector.shape_cast %get3A_55 : vector<16xi32> to vector<16xi32>
    %dma_start3A_57 = arith.constant 0 : i32
    %dma_start3A_58 = arith.constant 80 : i32
    %dma_start3A_59 = arith.constant 0 : i32
    %dma_start3A_60 = tpu.memref_slice %arg8[%dma_start3A_57, %dma_start3A_58, %dma_start3A_59] : memref<3x400x64xf32, #tpu.memory_space<vmem>> -> memref<1x16x64xf32, #tpu.memory_space<vmem>>
    %dma_start3A_61 = tpu.memref_squeeze %dma_start3A_60 : memref<1x16x64xf32, #tpu.memory_space<vmem>> -> memref<16x64xf32, #tpu.memory_space<vmem>>
    %dma_start3A_62 = arith.constant 0 : i32
    %dma_start3A_63 = arith.constant 0 : i32
    %dma_start3A_64 = tpu.memref_slice %arg3[%dma_start3A_62, %dma_start3A_63] : memref<1000000x64xf32, #tpu.memory_space<hbm>> -> memref<1000000x64xf32, #tpu.memory_space<hbm>>
    tpu.enqueue_indirect_dma source(%dma_start3A_64 : memref<1000000x64xf32, #tpu.memory_space<hbm>>) target(%dma_start3A_61 : memref<16x64xf32, #tpu.memory_space<vmem>>) offsets(%get3A_56 : vector<16xi32>) semaphore(%arg9 : memref<!tpu.dma_semaphore, #tpu.memory_space<semaphore_mem>>)
    %get3A_65 = arith.constant 96 : index
    %get3A_66 = tpu.vector_load %arg6[%get3A_65] {strides = array<i32>} : memref<25600xi32, #tpu.memory_space<vmem>>, vector<16xi32>,
    %get3A_67 = vector.shape_cast %get3A_66 : vector<16xi32> to vector<16xi32>
    %dma_start3A_68 = arith.constant 0 : i32
    %dma_start3A_69 = arith.constant 96 : i32
    %dma_start3A_70 = arith.constant 0 : i32
    %dma_start3A_71 = tpu.memref_slice %arg8[%dma_start3A_68, %dma_start3A_69, %dma_start3A_70] : memref<3x400x64xf32, #tpu.memory_space<vmem>> -> memref<1x16x64xf32, #tpu.memory_space<vmem>>
    %dma_start3A_72 = tpu.memref_squeeze %dma_start3A_71 : memref<1x16x64xf32, #tpu.memory_space<vmem>> -> memref<16x64xf32, #tpu.memory_space<vmem>>
    %dma_start3A_73 = arith.constant 0 : i32
    %dma_start3A_74 = arith.constant 0 : i32
    %dma_start3A_75 = tpu.memref_slice %arg3[%dma_start3A_73, %dma_start3A_74] : memref<1000000x64xf32, #tpu.memory_space<hbm>> -> memref<1000000x64xf32, #tpu.memory_space<hbm>>
    tpu.enqueue_indirect_dma source(%dma_start3A_75 : memref<1000000x64xf32, #tpu.memory_space<hbm>>) target(%dma_start3A_72 : memref<16x64xf32, #tpu.memory_space<vmem>>) offsets(%get3A_67 : vector<16xi32>) semaphore(%arg9 : memref<!tpu.dma_semaphore, #tpu.memory_space<semaphore_mem>>)
    %get3A_76 = arith.constant 112 : index
    %get3A_77 = tpu.vector_load %arg6[%get3A_76] {strides = array<i32>} : memref<25600xi32, #tpu.memory_space<vmem>>, vector<16xi32>,
    %get3A_78 = vector.shape_cast %get3A_77 : vector<16xi32> to vector<16xi32>
    %dma_start3A_79 = arith.constant 0 : i32
    %dma_start3A_80 = arith.constant 112 : i32
    %dma_start3A_81 = arith.constant 0 : i32
    %dma_start3A_82 = tpu.memref_slice %arg8[%dma_start3A_79, %dma_start3A_80, %dma_start3A_81] : memref<3x400x64xf32, #tpu.memory_space<vmem>> -> memref<1x16x64xf32, #tpu.memory_space<vmem>>
    %dma_start3A_83 = tpu.memref_squeeze %dma_start3A_82 : memref<1x16x64xf32, #tpu.memory_space<vmem>> -> memref<16x64xf32, #tpu.memory_space<vmem>>
    %dma_start3A_84 = arith.constant 0 : i32
    %dma_start3A_85 = arith.constant 0 : i32
    %dma_start3A_86 = tpu.memref_slice %arg3[%dma_start3A_84, %dma_start3A_85] : memref<1000000x64xf32, #tpu.memory_space<hbm>> -> memref<1000000x64xf32, #tpu.memory_space<hbm>>
    tpu.enqueue_indirect_dma source(%dma_start3A_86 : memref<1000000x64xf32, #tpu.memory_space<hbm>>) target(%dma_start3A_83 : memref<16x64xf32, #tpu.memory_space<vmem>>) offsets(%get3A_78 : vector<16xi32>) semaphore(%arg9 : memref<!tpu.dma_semaphore, #tpu.memory_space<semaphore_mem>>)
    %get3A_87 = arith.constant 128 : index
    %get3A_88 = tpu.vector_load %arg6[%get3A_87] {strides = array<i32>} : memref<25600xi32, #tpu.memory_space<vmem>>, vector<16xi32>,
    %get3A_89 = vector.shape_cast %get3A_88 : vector<16xi32> to vector<16xi32>
    %dma_start3A_90 = arith.constant 0 : i32
    %dma_start3A_91 = arith.constant 128 : i32
    %dma_start3A_92 = arith.constant 0 : i32
    %dma_start3A_93 = tpu.memref_slice %arg8[%dma_start3A_90, %dma_start3A_91, %dma_start3A_92] : memref<3x400x64xf32, #tpu.memory_space<vmem>> -> memref<1x16x64xf32, #tpu.memory_space<vmem>>
    %dma_start3A_94 = tpu.memref_squeeze %dma_start3A_93 : memref<1x16x64xf32, #tpu.memory_space<vmem>> -> memref<16x64xf32, #tpu.memory_space<vmem>>
    %dma_start3A_95 = arith.constant 0 : i32
    %dma_start3A_96 = arith.constant 0 : i32
    %dma_start3A_97 = tpu.memref_slice %arg3[%dma_start3A_95, %dma_start3A_96] : memref<1000000x64xf32, #tpu.memory_space<hbm>> -> memref<1000000x64xf32, #tpu.memory_space<hbm>>
    tpu.enqueue_indirect_dma source(%dma_start3A_97 : memref<1000000x64xf32, #tpu.memory_space<hbm>>) target(%dma_start3A_94 : memref<16x64xf32, #tpu.memory_space<vmem>>) offsets(%get3A_89 : vector<16xi32>) semaphore(%arg9 : memref<!tpu.dma_semaphore, #tpu.memory_space<semaphore_mem>>)
    %get3A_98 = arith.constant 144 : index
    %get3A_99 = tpu.vector_load %arg6[%get3A_98] {strides = array<i32>} : memref<25600xi32, #tpu.memory_space<vmem>>, vector<16xi32>,
    %get3A_100 = vector.shape_cast %get3A_99 : vector<16xi32> to vector<16xi32>
    %dma_start3A_101 = arith.constant 0 : i32
    %dma_start3A_102 = arith.constant 144 : i32
    %dma_start3A_103 = arith.constant 0 : i32
    %dma_start3A_104 = tpu.memref_slice %arg8[%dma_start3A_101, %dma_start3A_102, %dma_start3A_103] : memref<3x400x64xf32, #tpu.memory_space<vmem>> -> memref<1x16x64xf32, #tpu.memory_space<vmem>>
    %dma_start3A_105 = tpu.memref_squeeze %dma_start3A_104 : memref<1x16x64xf32, #tpu.memory_space<vmem>> -> memref<16x64xf32, #tpu.memory_space<vmem>>
    %dma_start3A_106 = arith.constant 0 : i32
    %dma_start3A_107 = arith.constant 0 : i32
    %dma_start3A_108 = tpu.memref_slice %arg3[%dma_start3A_106, %dma_start3A_107] : memref<1000000x64xf32, #tpu.memory_space<hbm>> -> memref<1000000x64xf32, #tpu.memory_space<hbm>>
    tpu.enqueue_indirect_dma source(%dma_start3A_108 : memref<1000000x64xf32, #tpu.memory_space<hbm>>) target(%dma_start3A_105 : memref<16x64xf32, #tpu.memory_space<vmem>>) offsets(%get3A_100 : vector<16xi32>) semaphore(%arg9 : memref<!tpu.dma_semaphore, #tpu.memory_space<semaphore_mem>>)
    %get3A_109 = arith.constant 160 : index
    %get3A_110 = tpu.vector_load %arg6[%get3A_109] {strides = array<i32>} : memref<25600xi32, #tpu.memory_space<vmem>>, vector<16xi32>,
    %get3A_111 = vector.shape_cast %get3A_110 : vector<16xi32> to vector<16xi32>
    %dma_start3A_112 = arith.constant 0 : i32
    %dma_start3A_113 = arith.constant 160 : i32
    %dma_start3A_114 = arith.constant 0 : i32
    %dma_start3A_115 = tpu.memref_slice %arg8[%dma_start3A_112, %dma_start3A_113, %dma_start3A_114] : memref<3x400x64xf32, #tpu.memory_space<vmem>> -> memref<1x16x64xf32, #tpu.memory_space<vmem>>
    %dma_start3A_116 = tpu.memref_squeeze %dma_start3A_115 : memref<1x16x64xf32, #tpu.memory_space<vmem>> -> memref<16x64xf32, #tpu.memory_space<vmem>>
    %dma_start3A_117 = arith.constant 0 : i32
    %dma_start3A_118 = arith.constant 0 : i32
    %dma_start3A_119 = tpu.memref_slice %arg3[%dma_start3A_117, %dma_start3A_118] : memref<1000000x64xf32, #tpu.memory_space<hbm>> -> memref<1000000x64xf32, #tpu.memory_space<hbm>>
    tpu.enqueue_indirect_dma source(%dma_start3A_119 : memref<1000000x64xf32, #tpu.memory_space<hbm>>) target(%dma_start3A_116 : memref<16x64xf32, #tpu.memory_space<vmem>>) offsets(%get3A_111 : vector<16xi32>) semaphore(%arg9 : memref<!tpu.dma_semaphore, #tpu.memory_space<semaphore_mem>>)
    %get3A_120 = arith.constant 176 : index
    %get3A_121 = tpu.vector_load %arg6[%get3A_120] {strides = array<i32>} : memref<25600xi32, #tpu.memory_space<vmem>>, vector<16xi32>,
    %get3A_122 = vector.shape_cast %get3A_121 : vector<16xi32> to vector<16xi32>
    %dma_start3A_123 = arith.constant 0 : i32
    %dma_start3A_124 = arith.constant 176 : i32
    %dma_start3A_125 = arith.constant 0 : i32
    %dma_start3A_126 = tpu.memref_slice %arg8[%dma_start3A_123, %dma_start3A_124, %dma_start3A_125] : memref<3x400x64xf32, #tpu.memory_space<vmem>> -> memref<1x16x64xf32, #tpu.memory_space<vmem>>
    %dma_start3A_127 = tpu.memref_squeeze %dma_start3A_126 : memref<1x16x64xf32, #tpu.memory_space<vmem>> -> memref<16x64xf32, #tpu.memory_space<vmem>>
    %dma_start3A_128 = arith.constant 0 : i32
    %dma_start3A_129 = arith.constant 0 : i32
    %dma_start3A_130 = tpu.memref_slice %arg3[%dma_start3A_128, %dma_start3A_129] : memref<1000000x64xf32, #tpu.memory_space<hbm>> -> memref<1000000x64xf32, #tpu.memory_space<hbm>>
    tpu.enqueue_indirect_dma source(%dma_start3A_130 : memref<1000000x64xf32, #tpu.memory_space<hbm>>) target(%dma_start3A_127 : memref<16x64xf32, #tpu.memory_space<vmem>>) offsets(%get3A_122 : vector<16xi32>) semaphore(%arg9 : memref<!tpu.dma_semaphore, #tpu.memory_space<semaphore_mem>>)
    %get3A_131 = arith.constant 192 : index
    %get3A_132 = tpu.vector_load %arg6[%get3A_131] {strides = array<i32>} : memref<25600xi32, #tpu.memory_space<vmem>>, vector<16xi32>,
    %get3A_133 = vector.shape_cast %get3A_132 : vector<16xi32> to vector<16xi32>
    %dma_start3A_134 = arith.constant 0 : i32
    %dma_start3A_135 = arith.constant 192 : i32
    %dma_start3A_136 = arith.constant 0 : i32
    %dma_start3A_137 = tpu.memref_slice %arg8[%dma_start3A_134, %dma_start3A_135, %dma_start3A_136] : memref<3x400x64xf32, #tpu.memory_space<vmem>> -> memref<1x16x64xf32, #tpu.memory_space<vmem>>
    %dma_start3A_138 = tpu.memref_squeeze %dma_start3A_137 : memref<1x16x64xf32, #tpu.memory_space<vmem>> -> memref<16x64xf32, #tpu.memory_space<vmem>>
    %dma_start3A_139 = arith.constant 0 : i32
    %dma_start3A_140 = arith.constant 0 : i32
    %dma_start3A_141 = tpu.memref_slice %arg3[%dma_start3A_139, %dma_start3A_140] : memref<1000000x64xf32, #tpu.memory_space<hbm>> -> memref<1000000x64xf32, #tpu.memory_space<hbm>>
    tpu.enqueue_indirect_dma source(%dma_start3A_141 : memref<1000000x64xf32, #tpu.memory_space<hbm>>) target(%dma_start3A_138 : memref<16x64xf32, #tpu.memory_space<vmem>>) offsets(%get3A_133 : vector<16xi32>) semaphore(%arg9 : memref<!tpu.dma_semaphore, #tpu.memory_space<semaphore_mem>>)
    %get3A_142 = arith.constant 208 : index
    %get3A_143 = tpu.vector_load %arg6[%get3A_142] {strides = array<i32>} : memref<25600xi32, #tpu.memory_space<vmem>>, vector<16xi32>,
    %get3A_144 = vector.shape_cast %get3A_143 : vector<16xi32> to vector<16xi32>
    %dma_start3A_145 = arith.constant 0 : i32
    %dma_start3A_146 = arith.constant 208 : i32
    %dma_start3A_147 = arith.constant 0 : i32
    %dma_start3A_148 = tpu.memref_slice %arg8[%dma_start3A_145, %dma_start3A_146, %dma_start3A_147] : memref<3x400x64xf32, #tpu.memory_space<vmem>> -> memref<1x16x64xf32, #tpu.memory_space<vmem>>
    %dma_start3A_149 = tpu.memref_squeeze %dma_start3A_148 : memref<1x16x64xf32, #tpu.memory_space<vmem>> -> memref<16x64xf32, #tpu.memory_space<vmem>>
    %dma_start3A_150 = arith.constant 0 : i32
    %dma_start3A_151 = arith.constant 0 : i32
    %dma_start3A_152 = tpu.memref_slice %arg3[%dma_start3A_150, %dma_start3A_151] : memref<1000000x64xf32, #tpu.memory_space<hbm>> -> memref<1000000x64xf32, #tpu.memory_space<hbm>>
    tpu.enqueue_indirect_dma source(%dma_start3A_152 : memref<1000000x64xf32, #tpu.memory_space<hbm>>) target(%dma_start3A_149 : memref<16x64xf32, #tpu.memory_space<vmem>>) offsets(%get3A_144 : vector<16xi32>) semaphore(%arg9 : memref<!tpu.dma_semaphore, #tpu.memory_space<semaphore_mem>>)
    %get3A_153 = arith.constant 224 : index
    %get3A_154 = tpu.vector_load %arg6[%get3A_153] {strides = array<i32>} : memref<25600xi32, #tpu.memory_space<vmem>>, vector<16xi32>,
    %get3A_155 = vector.shape_cast %get3A_154 : vector<16xi32> to vector<16xi32>
    %dma_start3A_156 = arith.constant 0 : i32
    %dma_start3A_157 = arith.constant 224 : i32
    %dma_start3A_158 = arith.constant 0 : i32
    %dma_start3A_159 = tpu.memref_slice %arg8[%dma_start3A_156, %dma_start3A_157, %dma_start3A_158] : memref<3x400x64xf32, #tpu.memory_space<vmem>> -> memref<1x16x64xf32, #tpu.memory_space<vmem>>
    %dma_start3A_160 = tpu.memref_squeeze %dma_start3A_159 : memref<1x16x64xf32, #tpu.memory_space<vmem>> -> memref<16x64xf32, #tpu.memory_space<vmem>>
    %dma_start3A_161 = arith.constant 0 : i32
    %dma_start3A_162 = arith.constant 0 : i32
    %dma_start3A_163 = tpu.memref_slice %arg3[%dma_start3A_161, %dma_start3A_162] : memref<1000000x64xf32, #tpu.memory_space<hbm>> -> memref<1000000x64xf32, #tpu.memory_space<hbm>>
    tpu.enqueue_indirect_dma source(%dma_start3A_163 : memref<1000000x64xf32, #tpu.memory_space<hbm>>) target(%dma_start3A_160 : memref<16x64xf32, #tpu.memory_space<vmem>>) offsets(%get3A_155 : vector<16xi32>) semaphore(%arg9 : memref<!tpu.dma_semaphore, #tpu.memory_space<semaphore_mem>>)
    %get3A_164 = arith.constant 240 : index
    %get3A_165 = tpu.vector_load %arg6[%get3A_164] {strides = array<i32>} : memref<25600xi32, #tpu.memory_space<vmem>>, vector<16xi32>,
    %get3A_166 = vector.shape_cast %get3A_165 : vector<16xi32> to vector<16xi32>
    %dma_start3A_167 = arith.constant 0 : i32
    %dma_start3A_168 = arith.constant 240 : i32
    %dma_start3A_169 = arith.constant 0 : i32
    %dma_start3A_170 = tpu.memref_slice %arg8[%dma_start3A_167, %dma_start3A_168, %dma_start3A_169] : memref<3x400x64xf32, #tpu.memory_space<vmem>> -> memref<1x16x64xf32, #tpu.memory_space<vmem>>
    %dma_start3A_171 = tpu.memref_squeeze %dma_start3A_170 : memref<1x16x64xf32, #tpu.memory_space<vmem>> -> memref<16x64xf32, #tpu.memory_space<vmem>>
    %dma_start3A_172 = arith.constant 0 : i32
    %dma_start3A_173 = arith.constant 0 : i32
    %dma_start3A_174 = tpu.memref_slice %arg3[%dma_start3A_172, %dma_start3A_173] : memref<1000000x64xf32, #tpu.memory_space<hbm>> -> memref<1000000x64xf32, #tpu.memory_space<hbm>>
    tpu.enqueue_indirect_dma source(%dma_start3A_174 : memref<1000000x64xf32, #tpu.memory_space<hbm>>) target(%dma_start3A_171 : memref<16x64xf32, #tpu.memory_space<vmem>>) offsets(%get3A_166 : vector<16xi32>) semaphore(%arg9 : memref<!tpu.dma_semaphore, #tpu.memory_space<semaphore_mem>>)
    %get3A_175 = arith.constant 256 : index
    %get3A_176 = tpu.vector_load %arg6[%get3A_175] {strides = array<i32>} : memref<25600xi32, #tpu.memory_space<vmem>>, vector<16xi32>,
    %get3A_177 = vector.shape_cast %get3A_176 : vector<16xi32> to vector<16xi32>
    %dma_start3A_178 = arith.constant 0 : i32
    %dma_start3A_179 = arith.constant 256 : i32
    %dma_start3A_180 = arith.constant 0 : i32
    %dma_start3A_181 = tpu.memref_slice %arg8[%dma_start3A_178, %dma_start3A_179, %dma_start3A_180] : memref<3x400x64xf32, #tpu.memory_space<vmem>> -> memref<1x16x64xf32, #tpu.memory_space<vmem>>
    %dma_start3A_182 = tpu.memref_squeeze %dma_start3A_181 : memref<1x16x64xf32, #tpu.memory_space<vmem>> -> memref<16x64xf32, #tpu.memory_space<vmem>>
    %dma_start3A_183 = arith.constant 0 : i32
    %dma_start3A_184 = arith.constant 0 : i32
    %dma_start3A_185 = tpu.memref_slice %arg3[%dma_start3A_183, %dma_start3A_184] : memref<1000000x64xf32, #tpu.memory_space<hbm>> -> memref<1000000x64xf32, #tpu.memory_space<hbm>>
    tpu.enqueue_indirect_dma source(%dma_start3A_185 : memref<1000000x64xf32, #tpu.memory_space<hbm>>) target(%dma_start3A_182 : memref<16x64xf32, #tpu.memory_space<vmem>>) offsets(%get3A_177 : vector<16xi32>) semaphore(%arg9 : memref<!tpu.dma_semaphore, #tpu.memory_space<semaphore_mem>>)
    %get3A_186 = arith.constant 272 : index
    %get3A_187 = tpu.vector_load %arg6[%get3A_186] {strides = array<i32>} : memref<25600xi32, #tpu.memory_space<vmem>>, vector<16xi32>,
    %get3A_188 = vector.shape_cast %get3A_187 : vector<16xi32> to vector<16xi32>
    %dma_start3A_189 = arith.constant 0 : i32
    %dma_start3A_190 = arith.constant 272 : i32
    %dma_start3A_191 = arith.constant 0 : i32
    %dma_start3A_192 = tpu.memref_slice %arg8[%dma_start3A_189, %dma_start3A_190, %dma_start3A_191] : memref<3x400x64xf32, #tpu.memory_space<vmem>> -> memref<1x16x64xf32, #tpu.memory_space<vmem>>
    %dma_start3A_193 = tpu.memref_squeeze %dma_start3A_192 : memref<1x16x64xf32, #tpu.memory_space<vmem>> -> memref<16x64xf32, #tpu.memory_space<vmem>>
    %dma_start3A_194 = arith.constant 0 : i32
    %dma_start3A_195 = arith.constant 0 : i32
    %dma_start3A_196 = tpu.memref_slice %arg3[%dma_start3A_194, %dma_start3A_195] : memref<1000000x64xf32, #tpu.memory_space<hbm>> -> memref<1000000x64xf32, #tpu.memory_space<hbm>>
    tpu.enqueue_indirect_dma source(%dma_start3A_196 : memref<1000000x64xf32, #tpu.memory_space<hbm>>) target(%dma_start3A_193 : memref<16x64xf32, #tpu.memory_space<vmem>>) offsets(%get3A_188 : vector<16xi32>) semaphore(%arg9 : memref<!tpu.dma_semaphore, #tpu.memory_space<semaphore_mem>>)
    %get3A_197 = arith.constant 288 : index
    %get3A_198 = tpu.vector_load %arg6[%get3A_197] {strides = array<i32>} : memref<25600xi32, #tpu.memory_space<vmem>>, vector<16xi32>,
    %get3A_199 = vector.shape_cast %get3A_198 : vector<16xi32> to vector<16xi32>
    %dma_start3A_200 = arith.constant 0 : i32
    %dma_start3A_201 = arith.constant 288 : i32
    %dma_start3A_202 = arith.constant 0 : i32
    %dma_start3A_203 = tpu.memref_slice %arg8[%dma_start3A_200, %dma_start3A_201, %dma_start3A_202] : memref<3x400x64xf32, #tpu.memory_space<vmem>> -> memref<1x16x64xf32, #tpu.memory_space<vmem>>
    %dma_start3A_204 = tpu.memref_squeeze %dma_start3A_203 : memref<1x16x64xf32, #tpu.memory_space<vmem>> -> memref<16x64xf32, #tpu.memory_space<vmem>>
    %dma_start3A_205 = arith.constant 0 : i32
    %dma_start3A_206 = arith.constant 0 : i32
    %dma_start3A_207 = tpu.memref_slice %arg3[%dma_start3A_205, %dma_start3A_206] : memref<1000000x64xf32, #tpu.memory_space<hbm>> -> memref<1000000x64xf32, #tpu.memory_space<hbm>>
    tpu.enqueue_indirect_dma source(%dma_start3A_207 : memref<1000000x64xf32, #tpu.memory_space<hbm>>) target(%dma_start3A_204 : memref<16x64xf32, #tpu.memory_space<vmem>>) offsets(%get3A_199 : vector<16xi32>) semaphore(%arg9 : memref<!tpu.dma_semaphore, #tpu.memory_space<semaphore_mem>>)
    %get3A_208 = arith.constant 304 : index
    %get3A_209 = tpu.vector_load %arg6[%get3A_208] {strides = array<i32>} : memref<25600xi32, #tpu.memory_space<vmem>>, vector<16xi32>,
    %get3A_210 = vector.shape_cast %get3A_209 : vector<16xi32> to vector<16xi32>
    %dma_start3A_211 = arith.constant 0 : i32
    %dma_start3A_212 = arith.constant 304 : i32
    %dma_start3A_213 = arith.constant 0 : i32
    %dma_start3A_214 = tpu.memref_slice %arg8[%dma_start3A_211, %dma_start3A_212, %dma_start3A_213] : memref<3x400x64xf32, #tpu.memory_space<vmem>> -> memref<1x16x64xf32, #tpu.memory_space<vmem>>
    %dma_start3A_215 = tpu.memref_squeeze %dma_start3A_214 : memref<1x16x64xf32, #tpu.memory_space<vmem>> -> memref<16x64xf32, #tpu.memory_space<vmem>>
    %dma_start3A_216 = arith.constant 0 : i32
    %dma_start3A_217 = arith.constant 0 : i32
    %dma_start3A_218 = tpu.memref_slice %arg3[%dma_start3A_216, %dma_start3A_217] : memref<1000000x64xf32, #tpu.memory_space<hbm>> -> memref<1000000x64xf32, #tpu.memory_space<hbm>>
    tpu.enqueue_indirect_dma source(%dma_start3A_218 : memref<1000000x64xf32, #tpu.memory_space<hbm>>) target(%dma_start3A_215 : memref<16x64xf32, #tpu.memory_space<vmem>>) offsets(%get3A_210 : vector<16xi32>) semaphore(%arg9 : memref<!tpu.dma_semaphore, #tpu.memory_space<semaphore_mem>>)
    %get3A_219 = arith.constant 320 : index
    %get3A_220 = tpu.vector_load %arg6[%get3A_219] {strides = array<i32>} : memref<25600xi32, #tpu.memory_space<vmem>>, vector<16xi32>,
    %get3A_221 = vector.shape_cast %get3A_220 : vector<16xi32> to vector<16xi32>
    %dma_start3A_222 = arith.constant 0 : i32
    %dma_start3A_223 = arith.constant 320 : i32
    %dma_start3A_224 = arith.constant 0 : i32
    %dma_start3A_225 = tpu.memref_slice %arg8[%dma_start3A_222, %dma_start3A_223, %dma_start3A_224] : memref<3x400x64xf32, #tpu.memory_space<vmem>> -> memref<1x16x64xf32, #tpu.memory_space<vmem>>
    %dma_start3A_226 = tpu.memref_squeeze %dma_start3A_225 : memref<1x16x64xf32, #tpu.memory_space<vmem>> -> memref<16x64xf32, #tpu.memory_space<vmem>>
    %dma_start3A_227 = arith.constant 0 : i32
    %dma_start3A_228 = arith.constant 0 : i32
    %dma_start3A_229 = tpu.memref_slice %arg3[%dma_start3A_227, %dma_start3A_228] : memref<1000000x64xf32, #tpu.memory_space<hbm>> -> memref<1000000x64xf32, #tpu.memory_space<hbm>>
    tpu.enqueue_indirect_dma source(%dma_start3A_229 : memref<1000000x64xf32, #tpu.memory_space<hbm>>) target(%dma_start3A_226 : memref<16x64xf32, #tpu.memory_space<vmem>>) offsets(%get3A_221 : vector<16xi32>) semaphore(%arg9 : memref<!tpu.dma_semaphore, #tpu.memory_space<semaphore_mem>>)
    %get3A_230 = arith.constant 336 : index
    %get3A_231 = tpu.vector_load %arg6[%get3A_230] {strides = array<i32>} : memref<25600xi32, #tpu.memory_space<vmem>>, vector<16xi32>,
    %get3A_232 = vector.shape_cast %get3A_231 : vector<16xi32> to vector<16xi32>
    %dma_start3A_233 = arith.constant 0 : i32
    %dma_start3A_234 = arith.constant 336 : i32
    %dma_start3A_235 = arith.constant 0 : i32
    %dma_start3A_236 = tpu.memref_slice %arg8[%dma_start3A_233, %dma_start3A_234, %dma_start3A_235] : memref<3x400x64xf32, #tpu.memory_space<vmem>> -> memref<1x16x64xf32, #tpu.memory_space<vmem>>
    %dma_start3A_237 = tpu.memref_squeeze %dma_start3A_236 : memref<1x16x64xf32, #tpu.memory_space<vmem>> -> memref<16x64xf32, #tpu.memory_space<vmem>>
    %dma_start3A_238 = arith.constant 0 : i32
    %dma_start3A_239 = arith.constant 0 : i32
    %dma_start3A_240 = tpu.memref_slice %arg3[%dma_start3A_238, %dma_start3A_239] : memref<1000000x64xf32, #tpu.memory_space<hbm>> -> memref<1000000x64xf32, #tpu.memory_space<hbm>>
    tpu.enqueue_indirect_dma source(%dma_start3A_240 : memref<1000000x64xf32, #tpu.memory_space<hbm>>) target(%dma_start3A_237 : memref<16x64xf32, #tpu.memory_space<vmem>>) offsets(%get3A_232 : vector<16xi32>) semaphore(%arg9 : memref<!tpu.dma_semaphore, #tpu.memory_space<semaphore_mem>>)
    %get3A_241 = arith.constant 352 : index
    %get3A_242 = tpu.vector_load %arg6[%get3A_241] {strides = array<i32>} : memref<25600xi32, #tpu.memory_space<vmem>>, vector<16xi32>,
    %get3A_243 = vector.shape_cast %get3A_242 : vector<16xi32> to vector<16xi32>
    %dma_start3A_244 = arith.constant 0 : i32
    %dma_start3A_245 = arith.constant 352 : i32
    %dma_start3A_246 = arith.constant 0 : i32
    %dma_start3A_247 = tpu.memref_slice %arg8[%dma_start3A_244, %dma_start3A_245, %dma_start3A_246] : memref<3x400x64xf32, #tpu.memory_space<vmem>> -> memref<1x16x64xf32, #tpu.memory_space<vmem>>
    %dma_start3A_248 = tpu.memref_squeeze %dma_start3A_247 : memref<1x16x64xf32, #tpu.memory_space<vmem>> -> memref<16x64xf32, #tpu.memory_space<vmem>>
    %dma_start3A_249 = arith.constant 0 : i32
    %dma_start3A_250 = arith.constant 0 : i32
    %dma_start3A_251 = tpu.memref_slice %arg3[%dma_start3A_249, %dma_start3A_250] : memref<1000000x64xf32, #tpu.memory_space<hbm>> -> memref<1000000x64xf32, #tpu.memory_space<hbm>>
    tpu.enqueue_indirect_dma source(%dma_start3A_251 : memref<1000000x64xf32, #tpu.memory_space<hbm>>) target(%dma_start3A_248 : memref<16x64xf32, #tpu.memory_space<vmem>>) offsets(%get3A_243 : vector<16xi32>) semaphore(%arg9 : memref<!tpu.dma_semaphore, #tpu.memory_space<semaphore_mem>>)
    %get3A_252 = arith.constant 368 : index
    %get3A_253 = tpu.vector_load %arg6[%get3A_252] {strides = array<i32>} : memref<25600xi32, #tpu.memory_space<vmem>>, vector<16xi32>,
    %get3A_254 = vector.shape_cast %get3A_253 : vector<16xi32> to vector<16xi32>
    %dma_start3A_255 = arith.constant 0 : i32
    %dma_start3A_256 = arith.constant 368 : i32
    %dma_start3A_257 = arith.constant 0 : i32
    %dma_start3A_258 = tpu.memref_slice %arg8[%dma_start3A_255, %dma_start3A_256, %dma_start3A_257] : memref<3x400x64xf32, #tpu.memory_space<vmem>> -> memref<1x16x64xf32, #tpu.memory_space<vmem>>
    %dma_start3A_259 = tpu.memref_squeeze %dma_start3A_258 : memref<1x16x64xf32, #tpu.memory_space<vmem>> -> memref<16x64xf32, #tpu.memory_space<vmem>>
    %dma_start3A_260 = arith.constant 0 : i32
    %dma_start3A_261 = arith.constant 0 : i32
    %dma_start3A_262 = tpu.memref_slice %arg3[%dma_start3A_260, %dma_start3A_261] : memref<1000000x64xf32, #tpu.memory_space<hbm>> -> memref<1000000x64xf32, #tpu.memory_space<hbm>>
    tpu.enqueue_indirect_dma source(%dma_start3A_262 : memref<1000000x64xf32, #tpu.memory_space<hbm>>) target(%dma_start3A_259 : memref<16x64xf32, #tpu.memory_space<vmem>>) offsets(%get3A_254 : vector<16xi32>) semaphore(%arg9 : memref<!tpu.dma_semaphore, #tpu.memory_space<semaphore_mem>>)
    %get3A_263 = arith.constant 384 : index
    %get3A_264 = tpu.vector_load %arg6[%get3A_263] {strides = array<i32>} : memref<25600xi32, #tpu.memory_space<vmem>>, vector<16xi32>,
    %get3A_265 = vector.shape_cast %get3A_264 : vector<16xi32> to vector<16xi32>
    %dma_start3A_266 = arith.constant 0 : i32
    %dma_start3A_267 = arith.constant 384 : i32
    %dma_start3A_268 = arith.constant 0 : i32
    %dma_start3A_269 = tpu.memref_slice %arg8[%dma_start3A_266, %dma_start3A_267, %dma_start3A_268] : memref<3x400x64xf32, #tpu.memory_space<vmem>> -> memref<1x16x64xf32, #tpu.memory_space<vmem>>
    %dma_start3A_270 = tpu.memref_squeeze %dma_start3A_269 : memref<1x16x64xf32, #tpu.memory_space<vmem>> -> memref<16x64xf32, #tpu.memory_space<vmem>>
    %dma_start3A_271 = arith.constant 0 : i32
    %dma_start3A_272 = arith.constant 0 : i32
    %dma_start3A_273 = tpu.memref_slice %arg3[%dma_start3A_271, %dma_start3A_272] : memref<1000000x64xf32, #tpu.memory_space<hbm>> -> memref<1000000x64xf32, #tpu.memory_space<hbm>>
    tpu.enqueue_indirect_dma source(%dma_start3A_273 : memref<1000000x64xf32, #tpu.memory_space<hbm>>) target(%dma_start3A_270 : memref<16x64xf32, #tpu.memory_space<vmem>>) offsets(%get3A_265 : vector<16xi32>) semaphore(%arg9 : memref<!tpu.dma_semaphore, #tpu.memory_space<semaphore_mem>>)
    %get3A_274 = arith.constant 400 : index
    %get3A_275 = tpu.vector_load %arg6[%get3A_274] {strides = array<i32>} : memref<25600xi32, #tpu.memory_space<vmem>>, vector<16xi32>,
    %get3A_276 = vector.shape_cast %get3A_275 : vector<16xi32> to vector<16xi32>
    %dma_start3A_277 = arith.constant 1 : i32
    %dma_start3A_278 = arith.constant 0 : i32
    %dma_start3A_279 = arith.constant 0 : i32
    %dma_start3A_280 = tpu.memref_slice %arg8[%dma_start3A_277, %dma_start3A_278, %dma_start3A_279] : memref<3x400x64xf32, #tpu.memory_space<vmem>> -> memref<1x16x64xf32, #tpu.memory_space<vmem>>
    %dma_start3A_281 = tpu.memref_squeeze %dma_start3A_280 : memref<1x16x64xf32, #tpu.memory_space<vmem>> -> memref<16x64xf32, #tpu.memory_space<vmem>>
    %dma_start3A_282 = arith.constant 0 : i32
    %dma_start3A_283 = arith.constant 0 : i32
    %dma_start3A_284 = tpu.memref_slice %arg3[%dma_start3A_282, %dma_start3A_283] : memref<1000000x64xf32, #tpu.memory_space<hbm>> -> memref<1000000x64xf32, #tpu.memory_space<hbm>>
    tpu.enqueue_indirect_dma source(%dma_start3A_284 : memref<1000000x64xf32, #tpu.memory_space<hbm>>) target(%dma_start3A_281 : memref<16x64xf32, #tpu.memory_space<vmem>>) offsets(%get3A_276 : vector<16xi32>) semaphore(%arg10 : memref<!tpu.dma_semaphore, #tpu.memory_space<semaphore_mem>>)
    %get3A_285 = arith.constant 416 : index
    %get3A_286 = tpu.vector_load %arg6[%get3A_285] {strides = array<i32>} : memref<25600xi32, #tpu.memory_space<vmem>>, vector<16xi32>,
    %get3A_287 = vector.shape_cast %get3A_286 : vector<16xi32> to vector<16xi32>
    %dma_start3A_288 = arith.constant 1 : i32
    %dma_start3A_289 = arith.constant 16 : i32
    %dma_start3A_290 = arith.constant 0 : i32
    %dma_start3A_291 = tpu.memref_slice %arg8[%dma_start3A_288, %dma_start3A_289, %dma_start3A_290] : memref<3x400x64xf32, #tpu.memory_space<vmem>> -> memref<1x16x64xf32, #tpu.memory_space<vmem>>
    %dma_start3A_292 = tpu.memref_squeeze %dma_start3A_291 : memref<1x16x64xf32, #tpu.memory_space<vmem>> -> memref<16x64xf32, #tpu.memory_space<vmem>>
    %dma_start3A_293 = arith.constant 0 : i32
    %dma_start3A_294 = arith.constant 0 : i32
    %dma_start3A_295 = tpu.memref_slice %arg3[%dma_start3A_293, %dma_start3A_294] : memref<1000000x64xf32, #tpu.memory_space<hbm>> -> memref<1000000x64xf32, #tpu.memory_space<hbm>>
    tpu.enqueue_indirect_dma source(%dma_start3A_295 : memref<1000000x64xf32, #tpu.memory_space<hbm>>) target(%dma_start3A_292 : memref<16x64xf32, #tpu.memory_space<vmem>>) offsets(%get3A_287 : vector<16xi32>) semaphore(%arg10 : memref<!tpu.dma_semaphore, #tpu.memory_space<semaphore_mem>>)
    %get3A_296 = arith.constant 432 : index
    %get3A_297 = tpu.vector_load %arg6[%get3A_296] {strides = array<i32>} : memref<25600xi32, #tpu.memory_space<vmem>>, vector<16xi32>,
    %get3A_298 = vector.shape_cast %get3A_297 : vector<16xi32> to vector<16xi32>
    %dma_start3A_299 = arith.constant 1 : i32
    %dma_start3A_300 = arith.constant 32 : i32
    %dma_start3A_301 = arith.constant 0 : i32
    %dma_start3A_302 = tpu.memref_slice %arg8[%dma_start3A_299, %dma_start3A_300, %dma_start3A_301] : memref<3x400x64xf32, #tpu.memory_space<vmem>> -> memref<1x16x64xf32, #tpu.memory_space<vmem>>
    %dma_start3A_303 = tpu.memref_squeeze %dma_start3A_302 : memref<1x16x64xf32, #tpu.memory_space<vmem>> -> memref<16x64xf32, #tpu.memory_space<vmem>>
    %dma_start3A_304 = arith.constant 0 : i32
    %dma_start3A_305 = arith.constant 0 : i32
    %dma_start3A_306 = tpu.memref_slice %arg3[%dma_start3A_304, %dma_start3A_305] : memref<1000000x64xf32, #tpu.memory_space<hbm>> -> memref<1000000x64xf32, #tpu.memory_space<hbm>>
    tpu.enqueue_indirect_dma source(%dma_start3A_306 : memref<1000000x64xf32, #tpu.memory_space<hbm>>) target(%dma_start3A_303 : memref<16x64xf32, #tpu.memory_space<vmem>>) offsets(%get3A_298 : vector<16xi32>) semaphore(%arg10 : memref<!tpu.dma_semaphore, #tpu.memory_space<semaphore_mem>>)
    %get3A_307 = arith.constant 448 : index
    %get3A_308 = tpu.vector_load %arg6[%get3A_307] {strides = array<i32>} : memref<25600xi32, #tpu.memory_space<vmem>>, vector<16xi32>,
    %get3A_309 = vector.shape_cast %get3A_308 : vector<16xi32> to vector<16xi32>
    %dma_start3A_310 = arith.constant 1 : i32
    %dma_start3A_311 = arith.constant 48 : i32
    %dma_start3A_312 = arith.constant 0 : i32
    %dma_start3A_313 = tpu.memref_slice %arg8[%dma_start3A_310, %dma_start3A_311, %dma_start3A_312] : memref<3x400x64xf32, #tpu.memory_space<vmem>> -> memref<1x16x64xf32, #tpu.memory_space<vmem>>
    %dma_start3A_314 = tpu.memref_squeeze %dma_start3A_313 : memref<1x16x64xf32, #tpu.memory_space<vmem>> -> memref<16x64xf32, #tpu.memory_space<vmem>>
    %dma_start3A_315 = arith.constant 0 : i32
    %dma_start3A_316 = arith.constant 0 : i32
    %dma_start3A_317 = tpu.memref_slice %arg3[%dma_start3A_315, %dma_start3A_316] : memref<1000000x64xf32, #tpu.memory_space<hbm>> -> memref<1000000x64xf32, #tpu.memory_space<hbm>>
    tpu.enqueue_indirect_dma source(%dma_start3A_317 : memref<1000000x64xf32, #tpu.memory_space<hbm>>) target(%dma_start3A_314 : memref<16x64xf32, #tpu.memory_space<vmem>>) offsets(%get3A_309 : vector<16xi32>) semaphore(%arg10 : memref<!tpu.dma_semaphore, #tpu.memory_space<semaphore_mem>>)
    %get3A_318 = arith.constant 464 : index
    %get3A_319 = tpu.vector_load %arg6[%get3A_318] {strides = array<i32>} : memref<25600xi32, #tpu.memory_space<vmem>>, vector<16xi32>,
    %get3A_320 = vector.shape_cast %get3A_319 : vector<16xi32> to vector<16xi32>
    %dma_start3A_321 = arith.constant 1 : i32
    %dma_start3A_322 = arith.constant 64 : i32
    %dma_start3A_323 = arith.constant 0 : i32
    %dma_start3A_324 = tpu.memref_slice %arg8[%dma_start3A_321, %dma_start3A_322, %dma_start3A_323] : memref<3x400x64xf32, #tpu.memory_space<vmem>> -> memref<1x16x64xf32, #tpu.memory_space<vmem>>
    %dma_start3A_325 = tpu.memref_squeeze %dma_start3A_324 : memref<1x16x64xf32, #tpu.memory_space<vmem>> -> memref<16x64xf32, #tpu.memory_space<vmem>>
    %dma_start3A_326 = arith.constant 0 : i32
    %dma_start3A_327 = arith.constant 0 : i32
    %dma_start3A_328 = tpu.memref_slice %arg3[%dma_start3A_326, %dma_start3A_327] : memref<1000000x64xf32, #tpu.memory_space<hbm>> -> memref<1000000x64xf32, #tpu.memory_space<hbm>>
    tpu.enqueue_indirect_dma source(%dma_start3A_328 : memref<1000000x64xf32, #tpu.memory_space<hbm>>) target(%dma_start3A_325 : memref<16x64xf32, #tpu.memory_space<vmem>>) offsets(%get3A_320 : vector<16xi32>) semaphore(%arg10 : memref<!tpu.dma_semaphore, #tpu.memory_space<semaphore_mem>>)
    %get3A_329 = arith.constant 480 : index
    %get3A_330 = tpu.vector_load %arg6[%get3A_329] {strides = array<i32>} : memref<25600xi32, #tpu.memory_space<vmem>>, vector<16xi32>,
    %get3A_331 = vector.shape_cast %get3A_330 : vector<16xi32> to vector<16xi32>
    %dma_start3A_332 = arith.constant 1 : i32
    %dma_start3A_333 = arith.constant 80 : i32
    %dma_start3A_334 = arith.constant 0 : i32
    %dma_start3A_335 = tpu.memref_slice %arg8[%dma_start3A_332, %dma_start3A_333, %dma_start3A_334] : memref<3x400x64xf32, #tpu.memory_space<vmem>> -> memref<1x16x64xf32, #tpu.memory_space<vmem>>
    %dma_start3A_336 = tpu.memref_squeeze %dma_start3A_335 : memref<1x16x64xf32, #tpu.memory_space<vmem>> -> memref<16x64xf32, #tpu.memory_space<vmem>>
    %dma_start3A_337 = arith.constant 0 : i32
    %dma_start3A_338 = arith.constant 0 : i32
    %dma_start3A_339 = tpu.memref_slice %arg3[%dma_start3A_337, %dma_start3A_338] : memref<1000000x64xf32, #tpu.memory_space<hbm>> -> memref<1000000x64xf32, #tpu.memory_space<hbm>>
    tpu.enqueue_indirect_dma source(%dma_start3A_339 : memref<1000000x64xf32, #tpu.memory_space<hbm>>) target(%dma_start3A_336 : memref<16x64xf32, #tpu.memory_space<vmem>>) offsets(%get3A_331 : vector<16xi32>) semaphore(%arg10 : memref<!tpu.dma_semaphore, #tpu.memory_space<semaphore_mem>>)
    %get3A_340 = arith.constant 496 : index
    %get3A_341 = tpu.vector_load %arg6[%get3A_340] {strides = array<i32>} : memref<25600xi32, #tpu.memory_space<vmem>>, vector<16xi32>,
    %get3A_342 = vector.shape_cast %get3A_341 : vector<16xi32> to vector<16xi32>
    %dma_start3A_343 = arith.constant 1 : i32
    %dma_start3A_344 = arith.constant 96 : i32
    %dma_start3A_345 = arith.constant 0 : i32
    %dma_start3A_346 = tpu.memref_slice %arg8[%dma_start3A_343, %dma_start3A_344, %dma_start3A_345] : memref<3x400x64xf32, #tpu.memory_space<vmem>> -> memref<1x16x64xf32, #tpu.memory_space<vmem>>
    %dma_start3A_347 = tpu.memref_squeeze %dma_start3A_346 : memref<1x16x64xf32, #tpu.memory_space<vmem>> -> memref<16x64xf32, #tpu.memory_space<vmem>>
    %dma_start3A_348 = arith.constant 0 : i32
    %dma_start3A_349 = arith.constant 0 : i32
    %dma_start3A_350 = tpu.memref_slice %arg3[%dma_start3A_348, %dma_start3A_349] : memref<1000000x64xf32, #tpu.memory_space<hbm>> -> memref<1000000x64xf32, #tpu.memory_space<hbm>>
    tpu.enqueue_indirect_dma source(%dma_start3A_350 : memref<1000000x64xf32, #tpu.memory_space<hbm>>) target(%dma_start3A_347 : memref<16x64xf32, #tpu.memory_space<vmem>>) offsets(%get3A_342 : vector<16xi32>) semaphore(%arg10 : memref<!tpu.dma_semaphore, #tpu.memory_space<semaphore_mem>>)
    %get3A_351 = arith.constant 512 : index
    %get3A_352 = tpu.vector_load %arg6[%get3A_351] {strides = array<i32>} : memref<25600xi32, #tpu.memory_space<vmem>>, vector<16xi32>,
    %get3A_353 = vector.shape_cast %get3A_352 : vector<16xi32> to vector<16xi32>
    %dma_start3A_354 = arith.constant 1 : i32
    %dma_start3A_355 = arith.constant 112 : i32
    %dma_start3A_356 = arith.constant 0 : i32
    %dma_start3A_357 = tpu.memref_slice %arg8[%dma_start3A_354, %dma_start3A_355, %dma_start3A_356] : memref<3x400x64xf32, #tpu.memory_space<vmem>> -> memref<1x16x64xf32, #tpu.memory_space<vmem>>
    %dma_start3A_358 = tpu.memref_squeeze %dma_start3A_357 : memref<1x16x64xf32, #tpu.memory_space<vmem>> -> memref<16x64xf32, #tpu.memory_space<vmem>>
    %dma_start3A_359 = arith.constant 0 : i32
    %dma_start3A_360 = arith.constant 0 : i32
    %dma_start3A_361 = tpu.memref_slice %arg3[%dma_start3A_359, %dma_start3A_360] : memref<1000000x64xf32, #tpu.memory_space<hbm>> -> memref<1000000x64xf32, #tpu.memory_space<hbm>>
    tpu.enqueue_indirect_dma source(%dma_start3A_361 : memref<1000000x64xf32, #tpu.memory_space<hbm>>) target(%dma_start3A_358 : memref<16x64xf32, #tpu.memory_space<vmem>>) offsets(%get3A_353 : vector<16xi32>) semaphore(%arg10 : memref<!tpu.dma_semaphore, #tpu.memory_space<semaphore_mem>>)
    %get3A_362 = arith.constant 528 : index
    %get3A_363 = tpu.vector_load %arg6[%get3A_362] {strides = array<i32>} : memref<25600xi32, #tpu.memory_space<vmem>>, vector<16xi32>,
    %get3A_364 = vector.shape_cast %get3A_363 : vector<16xi32> to vector<16xi32>
    %dma_start3A_365 = arith.constant 1 : i32
    %dma_start3A_366 = arith.constant 128 : i32
    %dma_start3A_367 = arith.constant 0 : i32
    %dma_start3A_368 = tpu.memref_slice %arg8[%dma_start3A_365, %dma_start3A_366, %dma_start3A_367] : memref<3x400x64xf32, #tpu.memory_space<vmem>> -> memref<1x16x64xf32, #tpu.memory_space<vmem>>
    %dma_start3A_369 = tpu.memref_squeeze %dma_start3A_368 : memref<1x16x64xf32, #tpu.memory_space<vmem>> -> memref<16x64xf32, #tpu.memory_space<vmem>>
    %dma_start3A_370 = arith.constant 0 : i32
    %dma_start3A_371 = arith.constant 0 : i32
    %dma_start3A_372 = tpu.memref_slice %arg3[%dma_start3A_370, %dma_start3A_371] : memref<1000000x64xf32, #tpu.memory_space<hbm>> -> memref<1000000x64xf32, #tpu.memory_space<hbm>>
    tpu.enqueue_indirect_dma source(%dma_start3A_372 : memref<1000000x64xf32, #tpu.memory_space<hbm>>) target(%dma_start3A_369 : memref<16x64xf32, #tpu.memory_space<vmem>>) offsets(%get3A_364 : vector<16xi32>) semaphore(%arg10 : memref<!tpu.dma_semaphore, #tpu.memory_space<semaphore_mem>>)
    %get3A_373 = arith.constant 544 : index
    %get3A_374 = tpu.vector_load %arg6[%get3A_373] {strides = array<i32>} : memref<25600xi32, #tpu.memory_space<vmem>>, vector<16xi32>,
    %get3A_375 = vector.shape_cast %get3A_374 : vector<16xi32> to vector<16xi32>
    %dma_start3A_376 = arith.constant 1 : i32
    %dma_start3A_377 = arith.constant 144 : i32
    %dma_start3A_378 = arith.constant 0 : i32
    %dma_start3A_379 = tpu.memref_slice %arg8[%dma_start3A_376, %dma_start3A_377, %dma_start3A_378] : memref<3x400x64xf32, #tpu.memory_space<vmem>> -> memref<1x16x64xf32, #tpu.memory_space<vmem>>
    %dma_start3A_380 = tpu.memref_squeeze %dma_start3A_379 : memref<1x16x64xf32, #tpu.memory_space<vmem>> -> memref<16x64xf32, #tpu.memory_space<vmem>>
    %dma_start3A_381 = arith.constant 0 : i32
    %dma_start3A_382 = arith.constant 0 : i32
    %dma_start3A_383 = tpu.memref_slice %arg3[%dma_start3A_381, %dma_start3A_382] : memref<1000000x64xf32, #tpu.memory_space<hbm>> -> memref<1000000x64xf32, #tpu.memory_space<hbm>>
    tpu.enqueue_indirect_dma source(%dma_start3A_383 : memref<1000000x64xf32, #tpu.memory_space<hbm>>) target(%dma_start3A_380 : memref<16x64xf32, #tpu.memory_space<vmem>>) offsets(%get3A_375 : vector<16xi32>) semaphore(%arg10 : memref<!tpu.dma_semaphore, #tpu.memory_space<semaphore_mem>>)
    %get3A_384 = arith.constant 560 : index
    %get3A_385 = tpu.vector_load %arg6[%get3A_384] {strides = array<i32>} : memref<25600xi32, #tpu.memory_space<vmem>>, vector<16xi32>,
    %get3A_386 = vector.shape_cast %get3A_385 : vector<16xi32> to vector<16xi32>
    %dma_start3A_387 = arith.constant 1 : i32
    %dma_start3A_388 = arith.constant 160 : i32
    %dma_start3A_389 = arith.constant 0 : i32
    %dma_start3A_390 = tpu.memref_slice %arg8[%dma_start3A_387, %dma_start3A_388, %dma_start3A_389] : memref<3x400x64xf32, #tpu.memory_space<vmem>> -> memref<1x16x64xf32, #tpu.memory_space<vmem>>
    %dma_start3A_391 = tpu.memref_squeeze %dma_start3A_390 : memref<1x16x64xf32, #tpu.memory_space<vmem>> -> memref<16x64xf32, #tpu.memory_space<vmem>>
    %dma_start3A_392 = arith.constant 0 : i32
    %dma_start3A_393 = arith.constant 0 : i32
    %dma_start3A_394 = tpu.memref_slice %arg3[%dma_start3A_392, %dma_start3A_393] : memref<1000000x64xf32, #tpu.memory_space<hbm>> -> memref<1000000x64xf32, #tpu.memory_space<hbm>>
    tpu.enqueue_indirect_dma source(%dma_start3A_394 : memref<1000000x64xf32, #tpu.memory_space<hbm>>) target(%dma_start3A_391 : memref<16x64xf32, #tpu.memory_space<vmem>>) offsets(%get3A_386 : vector<16xi32>) semaphore(%arg10 : memref<!tpu.dma_semaphore, #tpu.memory_space<semaphore_mem>>)
    %get3A_395 = arith.constant 576 : index
    %get3A_396 = tpu.vector_load %arg6[%get3A_395] {strides = array<i32>} : memref<25600xi32, #tpu.memory_space<vmem>>, vector<16xi32>,
    %get3A_397 = vector.shape_cast %get3A_396 : vector<16xi32> to vector<16xi32>
    %dma_start3A_398 = arith.constant 1 : i32
    %dma_start3A_399 = arith.constant 176 : i32
    %dma_start3A_400 = arith.constant 0 : i32
    %dma_start3A_401 = tpu.memref_slice %arg8[%dma_start3A_398, %dma_start3A_399, %dma_start3A_400] : memref<3x400x64xf32, #tpu.memory_space<vmem>> -> memref<1x16x64xf32, #tpu.memory_space<vmem>>
    %dma_start3A_402 = tpu.memref_squeeze %dma_start3A_401 : memref<1x16x64xf32, #tpu.memory_space<vmem>> -> memref<16x64xf32, #tpu.memory_space<vmem>>
    %dma_start3A_403 = arith.constant 0 : i32
    %dma_start3A_404 = arith.constant 0 : i32
    %dma_start3A_405 = tpu.memref_slice %arg3[%dma_start3A_403, %dma_start3A_404] : memref<1000000x64xf32, #tpu.memory_space<hbm>> -> memref<1000000x64xf32, #tpu.memory_space<hbm>>
    tpu.enqueue_indirect_dma source(%dma_start3A_405 : memref<1000000x64xf32, #tpu.memory_space<hbm>>) target(%dma_start3A_402 : memref<16x64xf32, #tpu.memory_space<vmem>>) offsets(%get3A_397 : vector<16xi32>) semaphore(%arg10 : memref<!tpu.dma_semaphore, #tpu.memory_space<semaphore_mem>>)
    %get3A_406 = arith.constant 592 : index
    %get3A_407 = tpu.vector_load %arg6[%get3A_406] {strides = array<i32>} : memref<25600xi32, #tpu.memory_space<vmem>>, vector<16xi32>,
    %get3A_408 = vector.shape_cast %get3A_407 : vector<16xi32> to vector<16xi32>
    %dma_start3A_409 = arith.constant 1 : i32
    %dma_start3A_410 = arith.constant 192 : i32
    %dma_start3A_411 = arith.constant 0 : i32
    %dma_start3A_412 = tpu.memref_slice %arg8[%dma_start3A_409, %dma_start3A_410, %dma_start3A_411] : memref<3x400x64xf32, #tpu.memory_space<vmem>> -> memref<1x16x64xf32, #tpu.memory_space<vmem>>
    %dma_start3A_413 = tpu.memref_squeeze %dma_start3A_412 : memref<1x16x64xf32, #tpu.memory_space<vmem>> -> memref<16x64xf32, #tpu.memory_space<vmem>>
    %dma_start3A_414 = arith.constant 0 : i32
    %dma_start3A_415 = arith.constant 0 : i32
    %dma_start3A_416 = tpu.memref_slice %arg3[%dma_start3A_414, %dma_start3A_415] : memref<1000000x64xf32, #tpu.memory_space<hbm>> -> memref<1000000x64xf32, #tpu.memory_space<hbm>>
    tpu.enqueue_indirect_dma source(%dma_start3A_416 : memref<1000000x64xf32, #tpu.memory_space<hbm>>) target(%dma_start3A_413 : memref<16x64xf32, #tpu.memory_space<vmem>>) offsets(%get3A_408 : vector<16xi32>) semaphore(%arg10 : memref<!tpu.dma_semaphore, #tpu.memory_space<semaphore_mem>>)
    %get3A_417 = arith.constant 608 : index
    %get3A_418 = tpu.vector_load %arg6[%get3A_417] {strides = array<i32>} : memref<25600xi32, #tpu.memory_space<vmem>>, vector<16xi32>,
    %get3A_419 = vector.shape_cast %get3A_418 : vector<16xi32> to vector<16xi32>
    %dma_start3A_420 = arith.constant 1 : i32
    %dma_start3A_421 = arith.constant 208 : i32
    %dma_start3A_422 = arith.constant 0 : i32
    %dma_start3A_423 = tpu.memref_slice %arg8[%dma_start3A_420, %dma_start3A_421, %dma_start3A_422] : memref<3x400x64xf32, #tpu.memory_space<vmem>> -> memref<1x16x64xf32, #tpu.memory_space<vmem>>
    %dma_start3A_424 = tpu.memref_squeeze %dma_start3A_423 : memref<1x16x64xf32, #tpu.memory_space<vmem>> -> memref<16x64xf32, #tpu.memory_space<vmem>>
    %dma_start3A_425 = arith.constant 0 : i32
    %dma_start3A_426 = arith.constant 0 : i32
    %dma_start3A_427 = tpu.memref_slice %arg3[%dma_start3A_425, %dma_start3A_426] : memref<1000000x64xf32, #tpu.memory_space<hbm>> -> memref<1000000x64xf32, #tpu.memory_space<hbm>>
    tpu.enqueue_indirect_dma source(%dma_start3A_427 : memref<1000000x64xf32, #tpu.memory_space<hbm>>) target(%dma_start3A_424 : memref<16x64xf32, #tpu.memory_space<vmem>>) offsets(%get3A_419 : vector<16xi32>) semaphore(%arg10 : memref<!tpu.dma_semaphore, #tpu.memory_space<semaphore_mem>>)
    %get3A_428 = arith.constant 624 : index
    %get3A_429 = tpu.vector_load %arg6[%get3A_428] {strides = array<i32>} : memref<25600xi32, #tpu.memory_space<vmem>>, vector<16xi32>,
    %get3A_430 = vector.shape_cast %get3A_429 : vector<16xi32> to vector<16xi32>
    %dma_start3A_431 = arith.constant 1 : i32
    %dma_start3A_432 = arith.constant 224 : i32
    %dma_start3A_433 = arith.constant 0 : i32
    %dma_start3A_434 = tpu.memref_slice %arg8[%dma_start3A_431, %dma_start3A_432, %dma_start3A_433] : memref<3x400x64xf32, #tpu.memory_space<vmem>> -> memref<1x16x64xf32, #tpu.memory_space<vmem>>
    %dma_start3A_435 = tpu.memref_squeeze %dma_start3A_434 : memref<1x16x64xf32, #tpu.memory_space<vmem>> -> memref<16x64xf32, #tpu.memory_space<vmem>>
    %dma_start3A_436 = arith.constant 0 : i32
    %dma_start3A_437 = arith.constant 0 : i32
    %dma_start3A_438 = tpu.memref_slice %arg3[%dma_start3A_436, %dma_start3A_437] : memref<1000000x64xf32, #tpu.memory_space<hbm>> -> memref<1000000x64xf32, #tpu.memory_space<hbm>>
    tpu.enqueue_indirect_dma source(%dma_start3A_438 : memref<1000000x64xf32, #tpu.memory_space<hbm>>) target(%dma_start3A_435 : memref<16x64xf32, #tpu.memory_space<vmem>>) offsets(%get3A_430 : vector<16xi32>) semaphore(%arg10 : memref<!tpu.dma_semaphore, #tpu.memory_space<semaphore_mem>>)
    %get3A_439 = arith.constant 640 : index
    %get3A_440 = tpu.vector_load %arg6[%get3A_439] {strides = array<i32>} : memref<25600xi32, #tpu.memory_space<vmem>>, vector<16xi32>,
    %get3A_441 = vector.shape_cast %get3A_440 : vector<16xi32> to vector<16xi32>
    %dma_start3A_442 = arith.constant 1 : i32
    %dma_start3A_443 = arith.constant 240 : i32
    %dma_start3A_444 = arith.constant 0 : i32
    %dma_start3A_445 = tpu.memref_slice %arg8[%dma_start3A_442, %dma_start3A_443, %dma_start3A_444] : memref<3x400x64xf32, #tpu.memory_space<vmem>> -> memref<1x16x64xf32, #tpu.memory_space<vmem>>
    %dma_start3A_446 = tpu.memref_squeeze %dma_start3A_445 : memref<1x16x64xf32, #tpu.memory_space<vmem>> -> memref<16x64xf32, #tpu.memory_space<vmem>>
    %dma_start3A_447 = arith.constant 0 : i32
    %dma_start3A_448 = arith.constant 0 : i32
    %dma_start3A_449 = tpu.memref_slice %arg3[%dma_start3A_447, %dma_start3A_448] : memref<1000000x64xf32, #tpu.memory_space<hbm>> -> memref<1000000x64xf32, #tpu.memory_space<hbm>>
    tpu.enqueue_indirect_dma source(%dma_start3A_449 : memref<1000000x64xf32, #tpu.memory_space<hbm>>) target(%dma_start3A_446 : memref<16x64xf32, #tpu.memory_space<vmem>>) offsets(%get3A_441 : vector<16xi32>) semaphore(%arg10 : memref<!tpu.dma_semaphore, #tpu.memory_space<semaphore_mem>>)
    %get3A_450 = arith.constant 656 : index
    %get3A_451 = tpu.vector_load %arg6[%get3A_450] {strides = array<i32>} : memref<25600xi32, #tpu.memory_space<vmem>>, vector<16xi32>,
    %get3A_452 = vector.shape_cast %get3A_451 : vector<16xi32> to vector<16xi32>
    %dma_start3A_453 = arith.constant 1 : i32
    %dma_start3A_454 = arith.constant 256 : i32
    %dma_start3A_455 = arith.constant 0 : i32
    %dma_start3A_456 = tpu.memref_slice %arg8[%dma_start3A_453, %dma_start3A_454, %dma_start3A_455] : memref<3x400x64xf32, #tpu.memory_space<vmem>> -> memref<1x16x64xf32, #tpu.memory_space<vmem>>
    %dma_start3A_457 = tpu.memref_squeeze %dma_start3A_456 : memref<1x16x64xf32, #tpu.memory_space<vmem>> -> memref<16x64xf32, #tpu.memory_space<vmem>>
    %dma_start3A_458 = arith.constant 0 : i32
    %dma_start3A_459 = arith.constant 0 : i32
    %dma_start3A_460 = tpu.memref_slice %arg3[%dma_start3A_458, %dma_start3A_459] : memref<1000000x64xf32, #tpu.memory_space<hbm>> -> memref<1000000x64xf32, #tpu.memory_space<hbm>>
    tpu.enqueue_indirect_dma source(%dma_start3A_460 : memref<1000000x64xf32, #tpu.memory_space<hbm>>) target(%dma_start3A_457 : memref<16x64xf32, #tpu.memory_space<vmem>>) offsets(%get3A_452 : vector<16xi32>) semaphore(%arg10 : memref<!tpu.dma_semaphore, #tpu.memory_space<semaphore_mem>>)
    %get3A_461 = arith.constant 672 : index
    %get3A_462 = tpu.vector_load %arg6[%get3A_461] {strides = array<i32>} : memref<25600xi32, #tpu.memory_space<vmem>>, vector<16xi32>,
    %get3A_463 = vector.shape_cast %get3A_462 : vector<16xi32> to vector<16xi32>
    %dma_start3A_464 = arith.constant 1 : i32
    %dma_start3A_465 = arith.constant 272 : i32
    %dma_start3A_466 = arith.constant 0 : i32
    %dma_start3A_467 = tpu.memref_slice %arg8[%dma_start3A_464, %dma_start3A_465, %dma_start3A_466] : memref<3x400x64xf32, #tpu.memory_space<vmem>> -> memref<1x16x64xf32, #tpu.memory_space<vmem>>
    %dma_start3A_468 = tpu.memref_squeeze %dma_start3A_467 : memref<1x16x64xf32, #tpu.memory_space<vmem>> -> memref<16x64xf32, #tpu.memory_space<vmem>>
    %dma_start3A_469 = arith.constant 0 : i32
    %dma_start3A_470 = arith.constant 0 : i32
    %dma_start3A_471 = tpu.memref_slice %arg3[%dma_start3A_469, %dma_start3A_470] : memref<1000000x64xf32, #tpu.memory_space<hbm>> -> memref<1000000x64xf32, #tpu.memory_space<hbm>>
    tpu.enqueue_indirect_dma source(%dma_start3A_471 : memref<1000000x64xf32, #tpu.memory_space<hbm>>) target(%dma_start3A_468 : memref<16x64xf32, #tpu.memory_space<vmem>>) offsets(%get3A_463 : vector<16xi32>) semaphore(%arg10 : memref<!tpu.dma_semaphore, #tpu.memory_space<semaphore_mem>>)
    %get3A_472 = arith.constant 688 : index
    %get3A_473 = tpu.vector_load %arg6[%get3A_472] {strides = array<i32>} : memref<25600xi32, #tpu.memory_space<vmem>>, vector<16xi32>,
    %get3A_474 = vector.shape_cast %get3A_473 : vector<16xi32> to vector<16xi32>
    %dma_start3A_475 = arith.constant 1 : i32
    %dma_start3A_476 = arith.constant 288 : i32
    %dma_start3A_477 = arith.constant 0 : i32
    %dma_start3A_478 = tpu.memref_slice %arg8[%dma_start3A_475, %dma_start3A_476, %dma_start3A_477] : memref<3x400x64xf32, #tpu.memory_space<vmem>> -> memref<1x16x64xf32, #tpu.memory_space<vmem>>
    %dma_start3A_479 = tpu.memref_squeeze %dma_start3A_478 : memref<1x16x64xf32, #tpu.memory_space<vmem>> -> memref<16x64xf32, #tpu.memory_space<vmem>>
    %dma_start3A_480 = arith.constant 0 : i32
    %dma_start3A_481 = arith.constant 0 : i32
    %dma_start3A_482 = tpu.memref_slice %arg3[%dma_start3A_480, %dma_start3A_481] : memref<1000000x64xf32, #tpu.memory_space<hbm>> -> memref<1000000x64xf32, #tpu.memory_space<hbm>>
    tpu.enqueue_indirect_dma source(%dma_start3A_482 : memref<1000000x64xf32, #tpu.memory_space<hbm>>) target(%dma_start3A_479 : memref<16x64xf32, #tpu.memory_space<vmem>>) offsets(%get3A_474 : vector<16xi32>) semaphore(%arg10 : memref<!tpu.dma_semaphore, #tpu.memory_space<semaphore_mem>>)
    %get3A_483 = arith.constant 704 : index
    %get3A_484 = tpu.vector_load %arg6[%get3A_483] {strides = array<i32>} : memref<25600xi32, #tpu.memory_space<vmem>>, vector<16xi32>,
    %get3A_485 = vector.shape_cast %get3A_484 : vector<16xi32> to vector<16xi32>
    %dma_start3A_486 = arith.constant 1 : i32
    %dma_start3A_487 = arith.constant 304 : i32
    %dma_start3A_488 = arith.constant 0 : i32
    %dma_start3A_489 = tpu.memref_slice %arg8[%dma_start3A_486, %dma_start3A_487, %dma_start3A_488] : memref<3x400x64xf32, #tpu.memory_space<vmem>> -> memref<1x16x64xf32, #tpu.memory_space<vmem>>
    %dma_start3A_490 = tpu.memref_squeeze %dma_start3A_489 : memref<1x16x64xf32, #tpu.memory_space<vmem>> -> memref<16x64xf32, #tpu.memory_space<vmem>>
    %dma_start3A_491 = arith.constant 0 : i32
    %dma_start3A_492 = arith.constant 0 : i32
    %dma_start3A_493 = tpu.memref_slice %arg3[%dma_start3A_491, %dma_start3A_492] : memref<1000000x64xf32, #tpu.memory_space<hbm>> -> memref<1000000x64xf32, #tpu.memory_space<hbm>>
    tpu.enqueue_indirect_dma source(%dma_start3A_493 : memref<1000000x64xf32, #tpu.memory_space<hbm>>) target(%dma_start3A_490 : memref<16x64xf32, #tpu.memory_space<vmem>>) offsets(%get3A_485 : vector<16xi32>) semaphore(%arg10 : memref<!tpu.dma_semaphore, #tpu.memory_space<semaphore_mem>>)
    %get3A_494 = arith.constant 720 : index
    %get3A_495 = tpu.vector_load %arg6[%get3A_494] {strides = array<i32>} : memref<25600xi32, #tpu.memory_space<vmem>>, vector<16xi32>,
    %get3A_496 = vector.shape_cast %get3A_495 : vector<16xi32> to vector<16xi32>
    %dma_start3A_497 = arith.constant 1 : i32
    %dma_start3A_498 = arith.constant 320 : i32
    %dma_start3A_499 = arith.constant 0 : i32
    %dma_start3A_500 = tpu.memref_slice %arg8[%dma_start3A_497, %dma_start3A_498, %dma_start3A_499] : memref<3x400x64xf32, #tpu.memory_space<vmem>> -> memref<1x16x64xf32, #tpu.memory_space<vmem>>
    %dma_start3A_501 = tpu.memref_squeeze %dma_start3A_500 : memref<1x16x64xf32, #tpu.memory_space<vmem>> -> memref<16x64xf32, #tpu.memory_space<vmem>>
    %dma_start3A_502 = arith.constant 0 : i32
    %dma_start3A_503 = arith.constant 0 : i32
    %dma_start3A_504 = tpu.memref_slice %arg3[%dma_start3A_502, %dma_start3A_503] : memref<1000000x64xf32, #tpu.memory_space<hbm>> -> memref<1000000x64xf32, #tpu.memory_space<hbm>>
    tpu.enqueue_indirect_dma source(%dma_start3A_504 : memref<1000000x64xf32, #tpu.memory_space<hbm>>) target(%dma_start3A_501 : memref<16x64xf32, #tpu.memory_space<vmem>>) offsets(%get3A_496 : vector<16xi32>) semaphore(%arg10 : memref<!tpu.dma_semaphore, #tpu.memory_space<semaphore_mem>>)
    %get3A_505 = arith.constant 736 : index
    %get3A_506 = tpu.vector_load %arg6[%get3A_505] {strides = array<i32>} : memref<25600xi32, #tpu.memory_space<vmem>>, vector<16xi32>,
    %get3A_507 = vector.shape_cast %get3A_506 : vector<16xi32> to vector<16xi32>
    %dma_start3A_508 = arith.constant 1 : i32
    %dma_start3A_509 = arith.constant 336 : i32
    %dma_start3A_510 = arith.constant 0 : i32
    %dma_start3A_511 = tpu.memref_slice %arg8[%dma_start3A_508, %dma_start3A_509, %dma_start3A_510] : memref<3x400x64xf32, #tpu.memory_space<vmem>> -> memref<1x16x64xf32, #tpu.memory_space<vmem>>
    %dma_start3A_512 = tpu.memref_squeeze %dma_start3A_511 : memref<1x16x64xf32, #tpu.memory_space<vmem>> -> memref<16x64xf32, #tpu.memory_space<vmem>>
    %dma_start3A_513 = arith.constant 0 : i32
    %dma_start3A_514 = arith.constant 0 : i32
    %dma_start3A_515 = tpu.memref_slice %arg3[%dma_start3A_513, %dma_start3A_514] : memref<1000000x64xf32, #tpu.memory_space<hbm>> -> memref<1000000x64xf32, #tpu.memory_space<hbm>>
    tpu.enqueue_indirect_dma source(%dma_start3A_515 : memref<1000000x64xf32, #tpu.memory_space<hbm>>) target(%dma_start3A_512 : memref<16x64xf32, #tpu.memory_space<vmem>>) offsets(%get3A_507 : vector<16xi32>) semaphore(%arg10 : memref<!tpu.dma_semaphore, #tpu.memory_space<semaphore_mem>>)
    %get3A_516 = arith.constant 752 : index
    %get3A_517 = tpu.vector_load %arg6[%get3A_516] {strides = array<i32>} : memref<25600xi32, #tpu.memory_space<vmem>>, vector<16xi32>,
    %get3A_518 = vector.shape_cast %get3A_517 : vector<16xi32> to vector<16xi32>
    %dma_start3A_519 = arith.constant 1 : i32
    %dma_start3A_520 = arith.constant 352 : i32
    %dma_start3A_521 = arith.constant 0 : i32
    %dma_start3A_522 = tpu.memref_slice %arg8[%dma_start3A_519, %dma_start3A_520, %dma_start3A_521] : memref<3x400x64xf32, #tpu.memory_space<vmem>> -> memref<1x16x64xf32, #tpu.memory_space<vmem>>
    %dma_start3A_523 = tpu.memref_squeeze %dma_start3A_522 : memref<1x16x64xf32, #tpu.memory_space<vmem>> -> memref<16x64xf32, #tpu.memory_space<vmem>>
    %dma_start3A_524 = arith.constant 0 : i32
    %dma_start3A_525 = arith.constant 0 : i32
    %dma_start3A_526 = tpu.memref_slice %arg3[%dma_start3A_524, %dma_start3A_525] : memref<1000000x64xf32, #tpu.memory_space<hbm>> -> memref<1000000x64xf32, #tpu.memory_space<hbm>>
    tpu.enqueue_indirect_dma source(%dma_start3A_526 : memref<1000000x64xf32, #tpu.memory_space<hbm>>) target(%dma_start3A_523 : memref<16x64xf32, #tpu.memory_space<vmem>>) offsets(%get3A_518 : vector<16xi32>) semaphore(%arg10 : memref<!tpu.dma_semaphore, #tpu.memory_space<semaphore_mem>>)
    %get3A_527 = arith.constant 768 : index
    %get3A_528 = tpu.vector_load %arg6[%get3A_527] {strides = array<i32>} : memref<25600xi32, #tpu.memory_space<vmem>>, vector<16xi32>,
    %get3A_529 = vector.shape_cast %get3A_528 : vector<16xi32> to vector<16xi32>
    %dma_start3A_530 = arith.constant 1 : i32
    %dma_start3A_531 = arith.constant 368 : i32
    %dma_start3A_532 = arith.constant 0 : i32
    %dma_start3A_533 = tpu.memref_slice %arg8[%dma_start3A_530, %dma_start3A_531, %dma_start3A_532] : memref<3x400x64xf32, #tpu.memory_space<vmem>> -> memref<1x16x64xf32, #tpu.memory_space<vmem>>
    %dma_start3A_534 = tpu.memref_squeeze %dma_start3A_533 : memref<1x16x64xf32, #tpu.memory_space<vmem>> -> memref<16x64xf32, #tpu.memory_space<vmem>>
    %dma_start3A_535 = arith.constant 0 : i32
    %dma_start3A_536 = arith.constant 0 : i32
    %dma_start3A_537 = tpu.memref_slice %arg3[%dma_start3A_535, %dma_start3A_536] : memref<1000000x64xf32, #tpu.memory_space<hbm>> -> memref<1000000x64xf32, #tpu.memory_space<hbm>>
    tpu.enqueue_indirect_dma source(%dma_start3A_537 : memref<1000000x64xf32, #tpu.memory_space<hbm>>) target(%dma_start3A_534 : memref<16x64xf32, #tpu.memory_space<vmem>>) offsets(%get3A_529 : vector<16xi32>) semaphore(%arg10 : memref<!tpu.dma_semaphore, #tpu.memory_space<semaphore_mem>>)
    %get3A_538 = arith.constant 784 : index
    %get3A_539 = tpu.vector_load %arg6[%get3A_538] {strides = array<i32>} : memref<25600xi32, #tpu.memory_space<vmem>>, vector<16xi32>,
    %get3A_540 = vector.shape_cast %get3A_539 : vector<16xi32> to vector<16xi32>
    %dma_start3A_541 = arith.constant 1 : i32
    %dma_start3A_542 = arith.constant 384 : i32
    %dma_start3A_543 = arith.constant 0 : i32
    %dma_start3A_544 = tpu.memref_slice %arg8[%dma_start3A_541, %dma_start3A_542, %dma_start3A_543] : memref<3x400x64xf32, #tpu.memory_space<vmem>> -> memref<1x16x64xf32, #tpu.memory_space<vmem>>
    %dma_start3A_545 = tpu.memref_squeeze %dma_start3A_544 : memref<1x16x64xf32, #tpu.memory_space<vmem>> -> memref<16x64xf32, #tpu.memory_space<vmem>>
    %dma_start3A_546 = arith.constant 0 : i32
    %dma_start3A_547 = arith.constant 0 : i32
    %dma_start3A_548 = tpu.memref_slice %arg3[%dma_start3A_546, %dma_start3A_547] : memref<1000000x64xf32, #tpu.memory_space<hbm>> -> memref<1000000x64xf32, #tpu.memory_space<hbm>>
    tpu.enqueue_indirect_dma source(%dma_start3A_548 : memref<1000000x64xf32, #tpu.memory_space<hbm>>) target(%dma_start3A_545 : memref<16x64xf32, #tpu.memory_space<vmem>>) offsets(%get3A_540 : vector<16xi32>) semaphore(%arg10 : memref<!tpu.dma_semaphore, #tpu.memory_space<semaphore_mem>>)
    %scan3A = arith.constant 0 : i32
    %scan3A_549 = arith.constant 0 : i32
    %scan3A_550 = arith.constant 21 : i32
    %scan3A_551 = arith.addi %scan3A_549, %scan3A_550 : i32
    %scan3A_552 = arith.constant 1 : i32
    scf.for %scan3A_644 = %scan3A_549 to %scan3A_551 step %scan3A_552  : i32 {
      %mul3A_645 = arith.constant 3 : i32
      %mul3A_646 = arith.muli %mul3A_645, %scan3A_644 : i32
      %add3A_647 = arith.constant 0 : i32
      %add3A_648 = arith.addi %mul3A_646, %add3A_647 : i32
      %dma_wait3A_649 = arith.constant 0 : i32
      %dma_wait3A_650 = arith.constant 0 : i32
      %dma_wait3A_651 = arith.constant 0 : i32
      %dma_wait3A_652 = tpu.memref_slice %arg8[%dma_wait3A_649, %dma_wait3A_650, %dma_wait3A_651] : memref<3x400x64xf32, #tpu.memory_space<vmem>> -> memref<1x400x64xf32, #tpu.memory_space<vmem>>
      %dma_wait3A_653 = tpu.memref_squeeze %dma_wait3A_652 : memref<1x400x64xf32, #tpu.memory_space<vmem>> -> memref<400x64xf32, #tpu.memory_space<vmem>>
      %dma_wait3A_654 = arith.constant 0 : i32
      %dma_wait3A_655 = arith.constant 0 : i32
      %dma_wait3A_656 = tpu.memref_slice %arg5[%dma_wait3A_654, %dma_wait3A_655] : memref<819200x128xf32, #tpu.memory_space<hbm>> -> memref<400x64xf32, #tpu.memory_space<hbm>>
      %dma_wait3A_657 = arith.constant 0 : i32
      %dma_wait3A_658 = arith.constant 0 : i32
      %dma_wait3A_659 = tpu.memref_slice %arg8[%dma_wait3A_649, %dma_wait3A_657, %dma_wait3A_658] : memref<3x400x64xf32, #tpu.memory_space<vmem>> -> memref<1x400x64xf32, #tpu.memory_space<vmem>>
      %dma_wait3A_660 = tpu.memref_squeeze %dma_wait3A_659 : memref<1x400x64xf32, #tpu.memory_space<vmem>> -> memref<400x64xf32, #tpu.memory_space<vmem>>
      %dma_wait3A_661 = arith.constant 0 : i32
      %dma_wait3A_662 = arith.constant 0 : i32
      %dma_wait3A_663 = tpu.memref_slice %arg5[%dma_wait3A_661, %dma_wait3A_662] : memref<819200x128xf32, #tpu.memory_space<hbm>> -> memref<400x64xf32, #tpu.memory_space<hbm>>
      tpu.wait_dma2 semaphore(%arg9 : memref<!tpu.dma_semaphore, #tpu.memory_space<semaphore_mem>>) src(%dma_wait3A_663 : memref<400x64xf32, #tpu.memory_space<hbm>>) dst(%dma_wait3A_660 : memref<400x64xf32, #tpu.memory_space<vmem>>)
      %scan3A_664 = arith.constant 0 : i32
      %scan3A_665 = arith.constant 0 : i32
      %scan3A_666 = arith.constant 50 : i32
      %scan3A_667 = arith.addi %scan3A_665, %scan3A_666 : i32
      %scan3A_668 = arith.constant 1 : i32
      %scan3A_669 = scf.for %scan3A_816 = %scan3A_665 to %scan3A_667 step %scan3A_668 iter_args(%scan3A_817 = %scan3A_664) -> (i32)  : i32 {
        %mul3A_818 = arith.constant 4 : i32
        %mul3A_819 = arith.muli %scan3A_816, %mul3A_818 : i32
        %add3A_820 = arith.constant 0 : i32
        %add3A_821 = arith.addi %mul3A_819, %add3A_820 : i32
        %add3A_822 = arith.constant 0 : i32
        %add3A_823 = arith.addi %add3A_822, %add3A_821 : i32
        %get3A_824 = arith.index_cast %add3A_821 : i32 to index
        %get3A_825 = arith.constant 0 : index
        %get3A_826 = tpu.vector_load %arg7[%get3A_824, %get3A_825] {strides = array<i32>} : memref<200x64xf32, #tpu.memory_space<vmem>>, vector<1x16xf32>,
        %get3A_827 = vector.shape_cast %get3A_826 : vector<1x16xf32> to vector<16xf32>
        %swap3A = arith.constant 0 : i32
        %swap3A_828 = arith.index_cast %swap3A : i32 to index
        %swap3A_829 = arith.index_cast %add3A_823 : i32 to index
        %swap3A_830 = arith.constant 0 : index
        %swap3A_831 = tpu.vector_load %arg8[%swap3A_828, %swap3A_829, %swap3A_830] {strides = array<i32>} : memref<3x400x64xf32, #tpu.memory_space<vmem>>, vector<1x1x16xf32>,
        %swap3A_832 = vector.shape_cast %swap3A_831 : vector<1x1x16xf32> to vector<16xf32>
        %swap3A_833 = vector.shape_cast %get3A_827 : vector<16xf32> to vector<1x1x16xf32>
        tpu.vector_store %arg8[%swap3A_828, %swap3A_829, %swap3A_830], %swap3A_833 {add = true, strides = array<i32>} : memref<3x400x64xf32, #tpu.memory_space<vmem>>, vector<1x1x16xf32>,
        %add3A_834 = arith.constant 0 : i32
        %add3A_835 = arith.addi %add3A_834, %add3A_821 : i32
        %get3A_836 = arith.index_cast %add3A_821 : i32 to index
        %get3A_837 = arith.constant 16 : index
        %get3A_838 = tpu.vector_load %arg7[%get3A_836, %get3A_837] {strides = array<i32>} : memref<200x64xf32, #tpu.memory_space<vmem>>, vector<1x16xf32>,
        %get3A_839 = vector.shape_cast %get3A_838 : vector<1x16xf32> to vector<16xf32>
        %swap3A_840 = arith.constant 0 : i32
        %swap3A_841 = arith.index_cast %swap3A_840 : i32 to index
        %swap3A_842 = arith.index_cast %add3A_835 : i32 to index
        %swap3A_843 = arith.constant 16 : index
        %swap3A_844 = tpu.vector_load %arg8[%swap3A_841, %swap3A_842, %swap3A_843] {strides = array<i32>} : memref<3x400x64xf32, #tpu.memory_space<vmem>>, vector<1x1x16xf32>,
        %swap3A_845 = vector.shape_cast %swap3A_844 : vector<1x1x16xf32> to vector<16xf32>
        %swap3A_846 = vector.shape_cast %get3A_839 : vector<16xf32> to vector<1x1x16xf32>
        tpu.vector_store %arg8[%swap3A_841, %swap3A_842, %swap3A_843], %swap3A_846 {add = true, strides = array<i32>} : memref<3x400x64xf32, #tpu.memory_space<vmem>>, vector<1x1x16xf32>,
        %add3A_847 = arith.constant 0 : i32
        %add3A_848 = arith.addi %add3A_847, %add3A_821 : i32
        %get3A_849 = arith.index_cast %add3A_821 : i32 to index
        %get3A_850 = arith.constant 32 : index
        %get3A_851 = tpu.vector_load %arg7[%get3A_849, %get3A_850] {strides = array<i32>} : memref<200x64xf32, #tpu.memory_space<vmem>>, vector<1x16xf32>,
        %get3A_852 = vector.shape_cast %get3A_851 : vector<1x16xf32> to vector<16xf32>
        %swap3A_853 = arith.constant 0 : i32
        %swap3A_854 = arith.index_cast %swap3A_853 : i32 to index
        %swap3A_855 = arith.index_cast %add3A_848 : i32 to index
        %swap3A_856 = arith.constant 32 : index
        %swap3A_857 = tpu.vector_load %arg8[%swap3A_854, %swap3A_855, %swap3A_856] {strides = array<i32>} : memref<3x400x64xf32, #tpu.memory_space<vmem>>, vector<1x1x16xf32>,
        %swap3A_858 = vector.shape_cast %swap3A_857 : vector<1x1x16xf32> to vector<16xf32>
        %swap3A_859 = vector.shape_cast %get3A_852 : vector<16xf32> to vector<1x1x16xf32>
        tpu.vector_store %arg8[%swap3A_854, %swap3A_855, %swap3A_856], %swap3A_859 {add = true, strides = array<i32>} : memref<3x400x64xf32, #tpu.memory_space<vmem>>, vector<1x1x16xf32>,
        %add3A_860 = arith.constant 0 : i32
        %add3A_861 = arith.addi %add3A_860, %add3A_821 : i32
        %get3A_862 = arith.index_cast %add3A_821 : i32 to index
        %get3A_863 = arith.constant 48 : index
        %get3A_864 = tpu.vector_load %arg7[%get3A_862, %get3A_863] {strides = array<i32>} : memref<200x64xf32, #tpu.memory_space<vmem>>, vector<1x16xf32>,
        %get3A_865 = vector.shape_cast %get3A_864 : vector<1x16xf32> to vector<16xf32>
        %swap3A_866 = arith.constant 0 : i32
        %swap3A_867 = arith.index_cast %swap3A_866 : i32 to index
        %swap3A_868 = arith.index_cast %add3A_861 : i32 to index
        %swap3A_869 = arith.constant 48 : index
        %swap3A_870 = tpu.vector_load %arg8[%swap3A_867, %swap3A_868, %swap3A_869] {strides = array<i32>} : memref<3x400x64xf32, #tpu.memory_space<vmem>>, vector<1x1x16xf32>,
        %swap3A_871 = vector.shape_cast %swap3A_870 : vector<1x1x16xf32> to vector<16xf32>
        %swap3A_872 = vector.shape_cast %get3A_865 : vector<16xf32> to vector<1x1x16xf32>
        tpu.vector_store %arg8[%swap3A_867, %swap3A_868, %swap3A_869], %swap3A_872 {add = true, strides = array<i32>} : memref<3x400x64xf32, #tpu.memory_space<vmem>>, vector<1x1x16xf32>,
        %mul3A_873 = arith.constant 4 : i32
        %mul3A_874 = arith.muli %scan3A_816, %mul3A_873 : i32
        %add3A_875 = arith.constant 1 : i32
        %add3A_876 = arith.addi %mul3A_874, %add3A_875 : i32
        %add3A_877 = arith.constant 0 : i32
        %add3A_878 = arith.addi %add3A_877, %add3A_876 : i32
        %get3A_879 = arith.index_cast %add3A_876 : i32 to index
        %get3A_880 = arith.constant 0 : index
        %get3A_881 = tpu.vector_load %arg7[%get3A_879, %get3A_880] {strides = array<i32>} : memref<200x64xf32, #tpu.memory_space<vmem>>, vector<1x16xf32>,
        %get3A_882 = vector.shape_cast %get3A_881 : vector<1x16xf32> to vector<16xf32>
        %swap3A_883 = arith.constant 0 : i32
        %swap3A_884 = arith.index_cast %swap3A_883 : i32 to index
        %swap3A_885 = arith.index_cast %add3A_878 : i32 to index
        %swap3A_886 = arith.constant 0 : index
        %swap3A_887 = tpu.vector_load %arg8[%swap3A_884, %swap3A_885, %swap3A_886] {strides = array<i32>} : memref<3x400x64xf32, #tpu.memory_space<vmem>>, vector<1x1x16xf32>,
        %swap3A_888 = vector.shape_cast %swap3A_887 : vector<1x1x16xf32> to vector<16xf32>
        %swap3A_889 = vector.shape_cast %get3A_882 : vector<16xf32> to vector<1x1x16xf32>
        tpu.vector_store %arg8[%swap3A_884, %swap3A_885, %swap3A_886], %swap3A_889 {add = true, strides = array<i32>} : memref<3x400x64xf32, #tpu.memory_space<vmem>>, vector<1x1x16xf32>,
        %add3A_890 = arith.constant 0 : i32
        %add3A_891 = arith.addi %add3A_890, %add3A_876 : i32
        %get3A_892 = arith.index_cast %add3A_876 : i32 to index
        %get3A_893 = arith.constant 16 : index
        %get3A_894 = tpu.vector_load %arg7[%get3A_892, %get3A_893] {strides = array<i32>} : memref<200x64xf32, #tpu.memory_space<vmem>>, vector<1x16xf32>,
        %get3A_895 = vector.shape_cast %get3A_894 : vector<1x16xf32> to vector<16xf32>
        %swap3A_896 = arith.constant 0 : i32
        %swap3A_897 = arith.index_cast %swap3A_896 : i32 to index
        %swap3A_898 = arith.index_cast %add3A_891 : i32 to index
        %swap3A_899 = arith.constant 16 : index
        %swap3A_900 = tpu.vector_load %arg8[%swap3A_897, %swap3A_898, %swap3A_899] {strides = array<i32>} : memref<3x400x64xf32, #tpu.memory_space<vmem>>, vector<1x1x16xf32>,
        %swap3A_901 = vector.shape_cast %swap3A_900 : vector<1x1x16xf32> to vector<16xf32>
        %swap3A_902 = vector.shape_cast %get3A_895 : vector<16xf32> to vector<1x1x16xf32>
        tpu.vector_store %arg8[%swap3A_897, %swap3A_898, %swap3A_899], %swap3A_902 {add = true, strides = array<i32>} : memref<3x400x64xf32, #tpu.memory_space<vmem>>, vector<1x1x16xf32>,
        %add3A_903 = arith.constant 0 : i32
        %add3A_904 = arith.addi %add3A_903, %add3A_876 : i32
        %get3A_905 = arith.index_cast %add3A_876 : i32 to index
        %get3A_906 = arith.constant 32 : index
        %get3A_907 = tpu.vector_load %arg7[%get3A_905, %get3A_906] {strides = array<i32>} : memref<200x64xf32, #tpu.memory_space<vmem>>, vector<1x16xf32>,
        %get3A_908 = vector.shape_cast %get3A_907 : vector<1x16xf32> to vector<16xf32>
        %swap3A_909 = arith.constant 0 : i32
        %swap3A_910 = arith.index_cast %swap3A_909 : i32 to index
        %swap3A_911 = arith.index_cast %add3A_904 : i32 to index
        %swap3A_912 = arith.constant 32 : index
        %swap3A_913 = tpu.vector_load %arg8[%swap3A_910, %swap3A_911, %swap3A_912] {strides = array<i32>} : memref<3x400x64xf32, #tpu.memory_space<vmem>>, vector<1x1x16xf32>,
        %swap3A_914 = vector.shape_cast %swap3A_913 : vector<1x1x16xf32> to vector<16xf32>
        %swap3A_915 = vector.shape_cast %get3A_908 : vector<16xf32> to vector<1x1x16xf32>
        tpu.vector_store %arg8[%swap3A_910, %swap3A_911, %swap3A_912], %swap3A_915 {add = true, strides = array<i32>} : memref<3x400x64xf32, #tpu.memory_space<vmem>>, vector<1x1x16xf32>,
        %add3A_916 = arith.constant 0 : i32
        %add3A_917 = arith.addi %add3A_916, %add3A_876 : i32
        %get3A_918 = arith.index_cast %add3A_876 : i32 to index
        %get3A_919 = arith.constant 48 : index
        %get3A_920 = tpu.vector_load %arg7[%get3A_918, %get3A_919] {strides = array<i32>} : memref<200x64xf32, #tpu.memory_space<vmem>>, vector<1x16xf32>,
        %get3A_921 = vector.shape_cast %get3A_920 : vector<1x16xf32> to vector<16xf32>
        %swap3A_922 = arith.constant 0 : i32
        %swap3A_923 = arith.index_cast %swap3A_922 : i32 to index
        %swap3A_924 = arith.index_cast %add3A_917 : i32 to index
        %swap3A_925 = arith.constant 48 : index
        %swap3A_926 = tpu.vector_load %arg8[%swap3A_923, %swap3A_924, %swap3A_925] {strides = array<i32>} : memref<3x400x64xf32, #tpu.memory_space<vmem>>, vector<1x1x16xf32>,
        %swap3A_927 = vector.shape_cast %swap3A_926 : vector<1x1x16xf32> to vector<16xf32>
        %swap3A_928 = vector.shape_cast %get3A_921 : vector<16xf32> to vector<1x1x16xf32>
        tpu.vector_store %arg8[%swap3A_923, %swap3A_924, %swap3A_925], %swap3A_928 {add = true, strides = array<i32>} : memref<3x400x64xf32, #tpu.memory_space<vmem>>, vector<1x1x16xf32>,
        %mul3A_929 = arith.constant 4 : i32
        %mul3A_930 = arith.muli %scan3A_816, %mul3A_929 : i32
        %add3A_931 = arith.constant 2 : i32
        %add3A_932 = arith.addi %mul3A_930, %add3A_931 : i32
        %add3A_933 = arith.constant 0 : i32
        %add3A_934 = arith.addi %add3A_933, %add3A_932 : i32
        %get3A_935 = arith.index_cast %add3A_932 : i32 to index
        %get3A_936 = arith.constant 0 : index
        %get3A_937 = tpu.vector_load %arg7[%get3A_935, %get3A_936] {strides = array<i32>} : memref<200x64xf32, #tpu.memory_space<vmem>>, vector<1x16xf32>,
        %get3A_938 = vector.shape_cast %get3A_937 : vector<1x16xf32> to vector<16xf32>
        %swap3A_939 = arith.constant 0 : i32
        %swap3A_940 = arith.index_cast %swap3A_939 : i32 to index
        %swap3A_941 = arith.index_cast %add3A_934 : i32 to index
        %swap3A_942 = arith.constant 0 : index
        %swap3A_943 = tpu.vector_load %arg8[%swap3A_940, %swap3A_941, %swap3A_942] {strides = array<i32>} : memref<3x400x64xf32, #tpu.memory_space<vmem>>, vector<1x1x16xf32>,
        %swap3A_944 = vector.shape_cast %swap3A_943 : vector<1x1x16xf32> to vector<16xf32>
        %swap3A_945 = vector.shape_cast %get3A_938 : vector<16xf32> to vector<1x1x16xf32>
        tpu.vector_store %arg8[%swap3A_940, %swap3A_941, %swap3A_942], %swap3A_945 {add = true, strides = array<i32>} : memref<3x400x64xf32, #tpu.memory_space<vmem>>, vector<1x1x16xf32>,
        %add3A_946 = arith.constant 0 : i32
        %add3A_947 = arith.addi %add3A_946, %add3A_932 : i32
        %get3A_948 = arith.index_cast %add3A_932 : i32 to index
        %get3A_949 = arith.constant 16 : index
        %get3A_950 = tpu.vector_load %arg7[%get3A_948, %get3A_949] {strides = array<i32>} : memref<200x64xf32, #tpu.memory_space<vmem>>, vector<1x16xf32>,
        %get3A_951 = vector.shape_cast %get3A_950 : vector<1x16xf32> to vector<16xf32>
        %swap3A_952 = arith.constant 0 : i32
        %swap3A_953 = arith.index_cast %swap3A_952 : i32 to index
        %swap3A_954 = arith.index_cast %add3A_947 : i32 to index
        %swap3A_955 = arith.constant 16 : index
        %swap3A_956 = tpu.vector_load %arg8[%swap3A_953, %swap3A_954, %swap3A_955] {strides = array<i32>} : memref<3x400x64xf32, #tpu.memory_space<vmem>>, vector<1x1x16xf32>,
        %swap3A_957 = vector.shape_cast %swap3A_956 : vector<1x1x16xf32> to vector<16xf32>
        %swap3A_958 = vector.shape_cast %get3A_951 : vector<16xf32> to vector<1x1x16xf32>
        tpu.vector_store %arg8[%swap3A_953, %swap3A_954, %swap3A_955], %swap3A_958 {add = true, strides = array<i32>} : memref<3x400x64xf32, #tpu.memory_space<vmem>>, vector<1x1x16xf32>,
        %add3A_959 = arith.constant 0 : i32
        %add3A_960 = arith.addi %add3A_959, %add3A_932 : i32
        %get3A_961 = arith.index_cast %add3A_932 : i32 to index
        %get3A_962 = arith.constant 32 : index
        %get3A_963 = tpu.vector_load %arg7[%get3A_961, %get3A_962] {strides = array<i32>} : memref<200x64xf32, #tpu.memory_space<vmem>>, vector<1x16xf32>,
        %get3A_964 = vector.shape_cast %get3A_963 : vector<1x16xf32> to vector<16xf32>
        %swap3A_965 = arith.constant 0 : i32
        %swap3A_966 = arith.index_cast %swap3A_965 : i32 to index
        %swap3A_967 = arith.index_cast %add3A_960 : i32 to index
        %swap3A_968 = arith.constant 32 : index
        %swap3A_969 = tpu.vector_load %arg8[%swap3A_966, %swap3A_967, %swap3A_968] {strides = array<i32>} : memref<3x400x64xf32, #tpu.memory_space<vmem>>, vector<1x1x16xf32>,
        %swap3A_970 = vector.shape_cast %swap3A_969 : vector<1x1x16xf32> to vector<16xf32>
        %swap3A_971 = vector.shape_cast %get3A_964 : vector<16xf32> to vector<1x1x16xf32>
        tpu.vector_store %arg8[%swap3A_966, %swap3A_967, %swap3A_968], %swap3A_971 {add = true, strides = array<i32>} : memref<3x400x64xf32, #tpu.memory_space<vmem>>, vector<1x1x16xf32>,
        %add3A_972 = arith.constant 0 : i32
        %add3A_973 = arith.addi %add3A_972, %add3A_932 : i32
        %get3A_974 = arith.index_cast %add3A_932 : i32 to index
        %get3A_975 = arith.constant 48 : index
        %get3A_976 = tpu.vector_load %arg7[%get3A_974, %get3A_975] {strides = array<i32>} : memref<200x64xf32, #tpu.memory_space<vmem>>, vector<1x16xf32>,
        %get3A_977 = vector.shape_cast %get3A_976 : vector<1x16xf32> to vector<16xf32>
        %swap3A_978 = arith.constant 0 : i32
        %swap3A_979 = arith.index_cast %swap3A_978 : i32 to index
        %swap3A_980 = arith.index_cast %add3A_973 : i32 to index
        %swap3A_981 = arith.constant 48 : index
        %swap3A_982 = tpu.vector_load %arg8[%swap3A_979, %swap3A_980, %swap3A_981] {strides = array<i32>} : memref<3x400x64xf32, #tpu.memory_space<vmem>>, vector<1x1x16xf32>,
        %swap3A_983 = vector.shape_cast %swap3A_982 : vector<1x1x16xf32> to vector<16xf32>
        %swap3A_984 = vector.shape_cast %get3A_977 : vector<16xf32> to vector<1x1x16xf32>
        tpu.vector_store %arg8[%swap3A_979, %swap3A_980, %swap3A_981], %swap3A_984 {add = true, strides = array<i32>} : memref<3x400x64xf32, #tpu.memory_space<vmem>>, vector<1x1x16xf32>,
        %mul3A_985 = arith.constant 4 : i32
        %mul3A_986 = arith.muli %scan3A_816, %mul3A_985 : i32
        %add3A_987 = arith.constant 3 : i32
        %add3A_988 = arith.addi %mul3A_986, %add3A_987 : i32
        %add3A_989 = arith.constant 0 : i32
        %add3A_990 = arith.addi %add3A_989, %add3A_988 : i32
        %get3A_991 = arith.index_cast %add3A_988 : i32 to index
        %get3A_992 = arith.constant 0 : index
        %get3A_993 = tpu.vector_load %arg7[%get3A_991, %get3A_992] {strides = array<i32>} : memref<200x64xf32, #tpu.memory_space<vmem>>, vector<1x16xf32>,
        %get3A_994 = vector.shape_cast %get3A_993 : vector<1x16xf32> to vector<16xf32>
        %swap3A_995 = arith.constant 0 : i32
        %swap3A_996 = arith.index_cast %swap3A_995 : i32 to index
        %swap3A_997 = arith.index_cast %add3A_990 : i32 to index
        %swap3A_998 = arith.constant 0 : index
        %swap3A_999 = tpu.vector_load %arg8[%swap3A_996, %swap3A_997, %swap3A_998] {strides = array<i32>} : memref<3x400x64xf32, #tpu.memory_space<vmem>>, vector<1x1x16xf32>,
        %swap3A_1000 = vector.shape_cast %swap3A_999 : vector<1x1x16xf32> to vector<16xf32>
        %swap3A_1001 = vector.shape_cast %get3A_994 : vector<16xf32> to vector<1x1x16xf32>
        tpu.vector_store %arg8[%swap3A_996, %swap3A_997, %swap3A_998], %swap3A_1001 {add = true, strides = array<i32>} : memref<3x400x64xf32, #tpu.memory_space<vmem>>, vector<1x1x16xf32>,
        %add3A_1002 = arith.constant 0 : i32
        %add3A_1003 = arith.addi %add3A_1002, %add3A_988 : i32
        %get3A_1004 = arith.index_cast %add3A_988 : i32 to index
        %get3A_1005 = arith.constant 16 : index
        %get3A_1006 = tpu.vector_load %arg7[%get3A_1004, %get3A_1005] {strides = array<i32>} : memref<200x64xf32, #tpu.memory_space<vmem>>, vector<1x16xf32>,
        %get3A_1007 = vector.shape_cast %get3A_1006 : vector<1x16xf32> to vector<16xf32>
        %swap3A_1008 = arith.constant 0 : i32
        %swap3A_1009 = arith.index_cast %swap3A_1008 : i32 to index
        %swap3A_1010 = arith.index_cast %add3A_1003 : i32 to index
        %swap3A_1011 = arith.constant 16 : index
        %swap3A_1012 = tpu.vector_load %arg8[%swap3A_1009, %swap3A_1010, %swap3A_1011] {strides = array<i32>} : memref<3x400x64xf32, #tpu.memory_space<vmem>>, vector<1x1x16xf32>,
        %swap3A_1013 = vector.shape_cast %swap3A_1012 : vector<1x1x16xf32> to vector<16xf32>
        %swap3A_1014 = vector.shape_cast %get3A_1007 : vector<16xf32> to vector<1x1x16xf32>
        tpu.vector_store %arg8[%swap3A_1009, %swap3A_1010, %swap3A_1011], %swap3A_1014 {add = true, strides = array<i32>} : memref<3x400x64xf32, #tpu.memory_space<vmem>>, vector<1x1x16xf32>,
        %add3A_1015 = arith.constant 0 : i32
        %add3A_1016 = arith.addi %add3A_1015, %add3A_988 : i32
        %get3A_1017 = arith.index_cast %add3A_988 : i32 to index
        %get3A_1018 = arith.constant 32 : index
        %get3A_1019 = tpu.vector_load %arg7[%get3A_1017, %get3A_1018] {strides = array<i32>} : memref<200x64xf32, #tpu.memory_space<vmem>>, vector<1x16xf32>,
        %get3A_1020 = vector.shape_cast %get3A_1019 : vector<1x16xf32> to vector<16xf32>
        %swap3A_1021 = arith.constant 0 : i32
        %swap3A_1022 = arith.index_cast %swap3A_1021 : i32 to index
        %swap3A_1023 = arith.index_cast %add3A_1016 : i32 to index
        %swap3A_1024 = arith.constant 32 : index
        %swap3A_1025 = tpu.vector_load %arg8[%swap3A_1022, %swap3A_1023, %swap3A_1024] {strides = array<i32>} : memref<3x400x64xf32, #tpu.memory_space<vmem>>, vector<1x1x16xf32>,
        %swap3A_1026 = vector.shape_cast %swap3A_1025 : vector<1x1x16xf32> to vector<16xf32>
        %swap3A_1027 = vector.shape_cast %get3A_1020 : vector<16xf32> to vector<1x1x16xf32>
        tpu.vector_store %arg8[%swap3A_1022, %swap3A_1023, %swap3A_1024], %swap3A_1027 {add = true, strides = array<i32>} : memref<3x400x64xf32, #tpu.memory_space<vmem>>, vector<1x1x16xf32>,
        %add3A_1028 = arith.constant 0 : i32
        %add3A_1029 = arith.addi %add3A_1028, %add3A_988 : i32
        %get3A_1030 = arith.index_cast %add3A_988 : i32 to index
        %get3A_1031 = arith.constant 48 : index
        %get3A_1032 = tpu.vector_load %arg7[%get3A_1030, %get3A_1031] {strides = array<i32>} : memref<200x64xf32, #tpu.memory_space<vmem>>, vector<1x16xf32>,
        %get3A_1033 = vector.shape_cast %get3A_1032 : vector<1x16xf32> to vector<16xf32>
        %swap3A_1034 = arith.constant 0 : i32
        %swap3A_1035 = arith.index_cast %swap3A_1034 : i32 to index
        %swap3A_1036 = arith.index_cast %add3A_1029 : i32 to index
        %swap3A_1037 = arith.constant 48 : index
        %swap3A_1038 = tpu.vector_load %arg8[%swap3A_1035, %swap3A_1036, %swap3A_1037] {strides = array<i32>} : memref<3x400x64xf32, #tpu.memory_space<vmem>>, vector<1x1x16xf32>,
        %swap3A_1039 = vector.shape_cast %swap3A_1038 : vector<1x1x16xf32> to vector<16xf32>
        %swap3A_1040 = vector.shape_cast %get3A_1033 : vector<16xf32> to vector<1x1x16xf32>
        tpu.vector_store %arg8[%swap3A_1035, %swap3A_1036, %swap3A_1037], %swap3A_1040 {add = true, strides = array<i32>} : memref<3x400x64xf32, #tpu.memory_space<vmem>>, vector<1x1x16xf32>,
        %scan3A_1041 = arith.constant 0 : i32
        scf.yield %scan3A_1041 : i32
      }
      %scan3A_670 = arith.constant 50 : i32
      %scan3A_671 = arith.constant 0 : i32
      %scan3A_672 = arith.constant 0 : i32
      %scan3A_673 = arith.constant 50 : i32
      %scan3A_674 = arith.addi %scan3A_672, %scan3A_673 : i32
      %scan3A_675 = arith.constant 1 : i32
      %scan3A_676 = scf.for %scan3A_816 = %scan3A_672 to %scan3A_674 step %scan3A_675 iter_args(%scan3A_817 = %scan3A_671) -> (i32)  : i32 {
        %mul3A_818 = arith.constant 4 : i32
        %mul3A_819 = arith.muli %scan3A_816, %mul3A_818 : i32
        %add3A_820 = arith.constant 0 : i32
        %add3A_821 = arith.addi %mul3A_819, %add3A_820 : i32
        %add3A_822 = arith.constant 200 : i32
        %add3A_823 = arith.addi %add3A_822, %add3A_821 : i32
        %get3A_824 = arith.index_cast %add3A_821 : i32 to index
        %get3A_825 = arith.constant 0 : index
        %get3A_826 = tpu.vector_load %arg7[%get3A_824, %get3A_825] {strides = array<i32>} : memref<200x64xf32, #tpu.memory_space<vmem>>, vector<1x16xf32>,
        %get3A_827 = vector.shape_cast %get3A_826 : vector<1x16xf32> to vector<16xf32>
        %swap3A = arith.constant 0 : i32
        %swap3A_828 = arith.index_cast %swap3A : i32 to index
        %swap3A_829 = arith.index_cast %add3A_823 : i32 to index
        %swap3A_830 = arith.constant 0 : index
        %swap3A_831 = tpu.vector_load %arg8[%swap3A_828, %swap3A_829, %swap3A_830] {strides = array<i32>} : memref<3x400x64xf32, #tpu.memory_space<vmem>>, vector<1x1x16xf32>,
        %swap3A_832 = vector.shape_cast %swap3A_831 : vector<1x1x16xf32> to vector<16xf32>
        %swap3A_833 = vector.shape_cast %get3A_827 : vector<16xf32> to vector<1x1x16xf32>
        tpu.vector_store %arg8[%swap3A_828, %swap3A_829, %swap3A_830], %swap3A_833 {add = true, strides = array<i32>} : memref<3x400x64xf32, #tpu.memory_space<vmem>>, vector<1x1x16xf32>,
        %add3A_834 = arith.constant 200 : i32
        %add3A_835 = arith.addi %add3A_834, %add3A_821 : i32
        %get3A_836 = arith.index_cast %add3A_821 : i32 to index
        %get3A_837 = arith.constant 16 : index
        %get3A_838 = tpu.vector_load %arg7[%get3A_836, %get3A_837] {strides = array<i32>} : memref<200x64xf32, #tpu.memory_space<vmem>>, vector<1x16xf32>,
        %get3A_839 = vector.shape_cast %get3A_838 : vector<1x16xf32> to vector<16xf32>
        %swap3A_840 = arith.constant 0 : i32
        %swap3A_841 = arith.index_cast %swap3A_840 : i32 to index
        %swap3A_842 = arith.index_cast %add3A_835 : i32 to index
        %swap3A_843 = arith.constant 16 : index
        %swap3A_844 = tpu.vector_load %arg8[%swap3A_841, %swap3A_842, %swap3A_843] {strides = array<i32>} : memref<3x400x64xf32, #tpu.memory_space<vmem>>, vector<1x1x16xf32>,
        %swap3A_845 = vector.shape_cast %swap3A_844 : vector<1x1x16xf32> to vector<16xf32>
        %swap3A_846 = vector.shape_cast %get3A_839 : vector<16xf32> to vector<1x1x16xf32>
        tpu.vector_store %arg8[%swap3A_841, %swap3A_842, %swap3A_843], %swap3A_846 {add = true, strides = array<i32>} : memref<3x400x64xf32, #tpu.memory_space<vmem>>, vector<1x1x16xf32>,
        %add3A_847 = arith.constant 200 : i32
        %add3A_848 = arith.addi %add3A_847, %add3A_821 : i32
        %get3A_849 = arith.index_cast %add3A_821 : i32 to index
        %get3A_850 = arith.constant 32 : index
        %get3A_851 = tpu.vector_load %arg7[%get3A_849, %get3A_850] {strides = array<i32>} : memref<200x64xf32, #tpu.memory_space<vmem>>, vector<1x16xf32>,
        %get3A_852 = vector.shape_cast %get3A_851 : vector<1x16xf32> to vector<16xf32>
        %swap3A_853 = arith.constant 0 : i32
        %swap3A_854 = arith.index_cast %swap3A_853 : i32 to index
        %swap3A_855 = arith.index_cast %add3A_848 : i32 to index
        %swap3A_856 = arith.constant 32 : index
        %swap3A_857 = tpu.vector_load %arg8[%swap3A_854, %swap3A_855, %swap3A_856] {strides = array<i32>} : memref<3x400x64xf32, #tpu.memory_space<vmem>>, vector<1x1x16xf32>,
        %swap3A_858 = vector.shape_cast %swap3A_857 : vector<1x1x16xf32> to vector<16xf32>
        %swap3A_859 = vector.shape_cast %get3A_852 : vector<16xf32> to vector<1x1x16xf32>
        tpu.vector_store %arg8[%swap3A_854, %swap3A_855, %swap3A_856], %swap3A_859 {add = true, strides = array<i32>} : memref<3x400x64xf32, #tpu.memory_space<vmem>>, vector<1x1x16xf32>,
        %add3A_860 = arith.constant 200 : i32
        %add3A_861 = arith.addi %add3A_860, %add3A_821 : i32
        %get3A_862 = arith.index_cast %add3A_821 : i32 to index
        %get3A_863 = arith.constant 48 : index
        %get3A_864 = tpu.vector_load %arg7[%get3A_862, %get3A_863] {strides = array<i32>} : memref<200x64xf32, #tpu.memory_space<vmem>>, vector<1x16xf32>,
        %get3A_865 = vector.shape_cast %get3A_864 : vector<1x16xf32> to vector<16xf32>
        %swap3A_866 = arith.constant 0 : i32
        %swap3A_867 = arith.index_cast %swap3A_866 : i32 to index
        %swap3A_868 = arith.index_cast %add3A_861 : i32 to index
        %swap3A_869 = arith.constant 48 : index
        %swap3A_870 = tpu.vector_load %arg8[%swap3A_867, %swap3A_868, %swap3A_869] {strides = array<i32>} : memref<3x400x64xf32, #tpu.memory_space<vmem>>, vector<1x1x16xf32>,
        %swap3A_871 = vector.shape_cast %swap3A_870 : vector<1x1x16xf32> to vector<16xf32>
        %swap3A_872 = vector.shape_cast %get3A_865 : vector<16xf32> to vector<1x1x16xf32>
        tpu.vector_store %arg8[%swap3A_867, %swap3A_868, %swap3A_869], %swap3A_872 {add = true, strides = array<i32>} : memref<3x400x64xf32, #tpu.memory_space<vmem>>, vector<1x1x16xf32>,
        %mul3A_873 = arith.constant 4 : i32
        %mul3A_874 = arith.muli %scan3A_816, %mul3A_873 : i32
        %add3A_875 = arith.constant 1 : i32
        %add3A_876 = arith.addi %mul3A_874, %add3A_875 : i32
        %add3A_877 = arith.constant 200 : i32
        %add3A_878 = arith.addi %add3A_877, %add3A_876 : i32
        %get3A_879 = arith.index_cast %add3A_876 : i32 to index
        %get3A_880 = arith.constant 0 : index
        %get3A_881 = tpu.vector_load %arg7[%get3A_879, %get3A_880] {strides = array<i32>} : memref<200x64xf32, #tpu.memory_space<vmem>>, vector<1x16xf32>,
        %get3A_882 = vector.shape_cast %get3A_881 : vector<1x16xf32> to vector<16xf32>
        %swap3A_883 = arith.constant 0 : i32
        %swap3A_884 = arith.index_cast %swap3A_883 : i32 to index
        %swap3A_885 = arith.index_cast %add3A_878 : i32 to index
        %swap3A_886 = arith.constant 0 : index
        %swap3A_887 = tpu.vector_load %arg8[%swap3A_884, %swap3A_885, %swap3A_886] {strides = array<i32>} : memref<3x400x64xf32, #tpu.memory_space<vmem>>, vector<1x1x16xf32>,
        %swap3A_888 = vector.shape_cast %swap3A_887 : vector<1x1x16xf32> to vector<16xf32>
        %swap3A_889 = vector.shape_cast %get3A_882 : vector<16xf32> to vector<1x1x16xf32>
        tpu.vector_store %arg8[%swap3A_884, %swap3A_885, %swap3A_886], %swap3A_889 {add = true, strides = array<i32>} : memref<3x400x64xf32, #tpu.memory_space<vmem>>, vector<1x1x16xf32>,
        %add3A_890 = arith.constant 200 : i32
        %add3A_891 = arith.addi %add3A_890, %add3A_876 : i32
        %get3A_892 = arith.index_cast %add3A_876 : i32 to index
        %get3A_893 = arith.constant 16 : index
        %get3A_894 = tpu.vector_load %arg7[%get3A_892, %get3A_893] {strides = array<i32>} : memref<200x64xf32, #tpu.memory_space<vmem>>, vector<1x16xf32>,
        %get3A_895 = vector.shape_cast %get3A_894 : vector<1x16xf32> to vector<16xf32>
        %swap3A_896 = arith.constant 0 : i32
        %swap3A_897 = arith.index_cast %swap3A_896 : i32 to index
        %swap3A_898 = arith.index_cast %add3A_891 : i32 to index
        %swap3A_899 = arith.constant 16 : index
        %swap3A_900 = tpu.vector_load %arg8[%swap3A_897, %swap3A_898, %swap3A_899] {strides = array<i32>} : memref<3x400x64xf32, #tpu.memory_space<vmem>>, vector<1x1x16xf32>,
        %swap3A_901 = vector.shape_cast %swap3A_900 : vector<1x1x16xf32> to vector<16xf32>
        %swap3A_902 = vector.shape_cast %get3A_895 : vector<16xf32> to vector<1x1x16xf32>
        tpu.vector_store %arg8[%swap3A_897, %swap3A_898, %swap3A_899], %swap3A_902 {add = true, strides = array<i32>} : memref<3x400x64xf32, #tpu.memory_space<vmem>>, vector<1x1x16xf32>,
        %add3A_903 = arith.constant 200 : i32
        %add3A_904 = arith.addi %add3A_903, %add3A_876 : i32
        %get3A_905 = arith.index_cast %add3A_876 : i32 to index
        %get3A_906 = arith.constant 32 : index
        %get3A_907 = tpu.vector_load %arg7[%get3A_905, %get3A_906] {strides = array<i32>} : memref<200x64xf32, #tpu.memory_space<vmem>>, vector<1x16xf32>,
        %get3A_908 = vector.shape_cast %get3A_907 : vector<1x16xf32> to vector<16xf32>
        %swap3A_909 = arith.constant 0 : i32
        %swap3A_910 = arith.index_cast %swap3A_909 : i32 to index
        %swap3A_911 = arith.index_cast %add3A_904 : i32 to index
        %swap3A_912 = arith.constant 32 : index
        %swap3A_913 = tpu.vector_load %arg8[%swap3A_910, %swap3A_911, %swap3A_912] {strides = array<i32>} : memref<3x400x64xf32, #tpu.memory_space<vmem>>, vector<1x1x16xf32>,
        %swap3A_914 = vector.shape_cast %swap3A_913 : vector<1x1x16xf32> to vector<16xf32>
        %swap3A_915 = vector.shape_cast %get3A_908 : vector<16xf32> to vector<1x1x16xf32>
        tpu.vector_store %arg8[%swap3A_910, %swap3A_911, %swap3A_912], %swap3A_915 {add = true, strides = array<i32>} : memref<3x400x64xf32, #tpu.memory_space<vmem>>, vector<1x1x16xf32>,
        %add3A_916 = arith.constant 200 : i32
        %add3A_917 = arith.addi %add3A_916, %add3A_876 : i32
        %get3A_918 = arith.index_cast %add3A_876 : i32 to index
        %get3A_919 = arith.constant 48 : index
        %get3A_920 = tpu.vector_load %arg7[%get3A_918, %get3A_919] {strides = array<i32>} : memref<200x64xf32, #tpu.memory_space<vmem>>, vector<1x16xf32>,
        %get3A_921 = vector.shape_cast %get3A_920 : vector<1x16xf32> to vector<16xf32>
        %swap3A_922 = arith.constant 0 : i32
        %swap3A_923 = arith.index_cast %swap3A_922 : i32 to index
        %swap3A_924 = arith.index_cast %add3A_917 : i32 to index
        %swap3A_925 = arith.constant 48 : index
        %swap3A_926 = tpu.vector_load %arg8[%swap3A_923, %swap3A_924, %swap3A_925] {strides = array<i32>} : memref<3x400x64xf32, #tpu.memory_space<vmem>>, vector<1x1x16xf32>,
        %swap3A_927 = vector.shape_cast %swap3A_926 : vector<1x1x16xf32> to vector<16xf32>
        %swap3A_928 = vector.shape_cast %get3A_921 : vector<16xf32> to vector<1x1x16xf32>
        tpu.vector_store %arg8[%swap3A_923, %swap3A_924, %swap3A_925], %swap3A_928 {add = true, strides = array<i32>} : memref<3x400x64xf32, #tpu.memory_space<vmem>>, vector<1x1x16xf32>,
        %mul3A_929 = arith.constant 4 : i32
        %mul3A_930 = arith.muli %scan3A_816, %mul3A_929 : i32
        %add3A_931 = arith.constant 2 : i32
        %add3A_932 = arith.addi %mul3A_930, %add3A_931 : i32
        %add3A_933 = arith.constant 200 : i32
        %add3A_934 = arith.addi %add3A_933, %add3A_932 : i32
        %get3A_935 = arith.index_cast %add3A_932 : i32 to index
        %get3A_936 = arith.constant 0 : index
        %get3A_937 = tpu.vector_load %arg7[%get3A_935, %get3A_936] {strides = array<i32>} : memref<200x64xf32, #tpu.memory_space<vmem>>, vector<1x16xf32>,
        %get3A_938 = vector.shape_cast %get3A_937 : vector<1x16xf32> to vector<16xf32>
        %swap3A_939 = arith.constant 0 : i32
        %swap3A_940 = arith.index_cast %swap3A_939 : i32 to index
        %swap3A_941 = arith.index_cast %add3A_934 : i32 to index
        %swap3A_942 = arith.constant 0 : index
        %swap3A_943 = tpu.vector_load %arg8[%swap3A_940, %swap3A_941, %swap3A_942] {strides = array<i32>} : memref<3x400x64xf32, #tpu.memory_space<vmem>>, vector<1x1x16xf32>,
        %swap3A_944 = vector.shape_cast %swap3A_943 : vector<1x1x16xf32> to vector<16xf32>
        %swap3A_945 = vector.shape_cast %get3A_938 : vector<16xf32> to vector<1x1x16xf32>
        tpu.vector_store %arg8[%swap3A_940, %swap3A_941, %swap3A_942], %swap3A_945 {add = true, strides = array<i32>} : memref<3x400x64xf32, #tpu.memory_space<vmem>>, vector<1x1x16xf32>,
        %add3A_946 = arith.constant 200 : i32
        %add3A_947 = arith.addi %add3A_946, %add3A_932 : i32
        %get3A_948 = arith.index_cast %add3A_932 : i32 to index
        %get3A_949 = arith.constant 16 : index
        %get3A_950 = tpu.vector_load %arg7[%get3A_948, %get3A_949] {strides = array<i32>} : memref<200x64xf32, #tpu.memory_space<vmem>>, vector<1x16xf32>,
        %get3A_951 = vector.shape_cast %get3A_950 : vector<1x16xf32> to vector<16xf32>
        %swap3A_952 = arith.constant 0 : i32
        %swap3A_953 = arith.index_cast %swap3A_952 : i32 to index
        %swap3A_954 = arith.index_cast %add3A_947 : i32 to index
        %swap3A_955 = arith.constant 16 : index
        %swap3A_956 = tpu.vector_load %arg8[%swap3A_953, %swap3A_954, %swap3A_955] {strides = array<i32>} : memref<3x400x64xf32, #tpu.memory_space<vmem>>, vector<1x1x16xf32>,
        %swap3A_957 = vector.shape_cast %swap3A_956 : vector<1x1x16xf32> to vector<16xf32>
        %swap3A_958 = vector.shape_cast %get3A_951 : vector<16xf32> to vector<1x1x16xf32>
        tpu.vector_store %arg8[%swap3A_953, %swap3A_954, %swap3A_955], %swap3A_958 {add = true, strides = array<i32>} : memref<3x400x64xf32, #tpu.memory_space<vmem>>, vector<1x1x16xf32>,
        %add3A_959 = arith.constant 200 : i32
        %add3A_960 = arith.addi %add3A_959, %add3A_932 : i32
        %get3A_961 = arith.index_cast %add3A_932 : i32 to index
        %get3A_962 = arith.constant 32 : index
        %get3A_963 = tpu.vector_load %arg7[%get3A_961, %get3A_962] {strides = array<i32>} : memref<200x64xf32, #tpu.memory_space<vmem>>, vector<1x16xf32>,
        %get3A_964 = vector.shape_cast %get3A_963 : vector<1x16xf32> to vector<16xf32>
        %swap3A_965 = arith.constant 0 : i32
        %swap3A_966 = arith.index_cast %swap3A_965 : i32 to index
        %swap3A_967 = arith.index_cast %add3A_960 : i32 to index
        %swap3A_968 = arith.constant 32 : index
        %swap3A_969 = tpu.vector_load %arg8[%swap3A_966, %swap3A_967, %swap3A_968] {strides = array<i32>} : memref<3x400x64xf32, #tpu.memory_space<vmem>>, vector<1x1x16xf32>,
        %swap3A_970 = vector.shape_cast %swap3A_969 : vector<1x1x16xf32> to vector<16xf32>
        %swap3A_971 = vector.shape_cast %get3A_964 : vector<16xf32> to vector<1x1x16xf32>
        tpu.vector_store %arg8[%swap3A_966, %swap3A_967, %swap3A_968], %swap3A_971 {add = true, strides = array<i32>} : memref<3x400x64xf32, #tpu.memory_space<vmem>>, vector<1x1x16xf32>,
        %add3A_972 = arith.constant 200 : i32
        %add3A_973 = arith.addi %add3A_972, %add3A_932 : i32
        %get3A_974 = arith.index_cast %add3A_932 : i32 to index
        %get3A_975 = arith.constant 48 : index
        %get3A_976 = tpu.vector_load %arg7[%get3A_974, %get3A_975] {strides = array<i32>} : memref<200x64xf32, #tpu.memory_space<vmem>>, vector<1x16xf32>,
        %get3A_977 = vector.shape_cast %get3A_976 : vector<1x16xf32> to vector<16xf32>
        %swap3A_978 = arith.constant 0 : i32
        %swap3A_979 = arith.index_cast %swap3A_978 : i32 to index
        %swap3A_980 = arith.index_cast %add3A_973 : i32 to index
        %swap3A_981 = arith.constant 48 : index
        %swap3A_982 = tpu.vector_load %arg8[%swap3A_979, %swap3A_980, %swap3A_981] {strides = array<i32>} : memref<3x400x64xf32, #tpu.memory_space<vmem>>, vector<1x1x16xf32>,
        %swap3A_983 = vector.shape_cast %swap3A_982 : vector<1x1x16xf32> to vector<16xf32>
        %swap3A_984 = vector.shape_cast %get3A_977 : vector<16xf32> to vector<1x1x16xf32>
        tpu.vector_store %arg8[%swap3A_979, %swap3A_980, %swap3A_981], %swap3A_984 {add = true, strides = array<i32>} : memref<3x400x64xf32, #tpu.memory_space<vmem>>, vector<1x1x16xf32>,
        %mul3A_985 = arith.constant 4 : i32
        %mul3A_986 = arith.muli %scan3A_816, %mul3A_985 : i32
        %add3A_987 = arith.constant 3 : i32
        %add3A_988 = arith.addi %mul3A_986, %add3A_987 : i32
        %add3A_989 = arith.constant 200 : i32
        %add3A_990 = arith.addi %add3A_989, %add3A_988 : i32
        %get3A_991 = arith.index_cast %add3A_988 : i32 to index
        %get3A_992 = arith.constant 0 : index
        %get3A_993 = tpu.vector_load %arg7[%get3A_991, %get3A_992] {strides = array<i32>} : memref<200x64xf32, #tpu.memory_space<vmem>>, vector<1x16xf32>,
        %get3A_994 = vector.shape_cast %get3A_993 : vector<1x16xf32> to vector<16xf32>
        %swap3A_995 = arith.constant 0 : i32
        %swap3A_996 = arith.index_cast %swap3A_995 : i32 to index
        %swap3A_997 = arith.index_cast %add3A_990 : i32 to index
        %swap3A_998 = arith.constant 0 : index
        %swap3A_999 = tpu.vector_load %arg8[%swap3A_996, %swap3A_997, %swap3A_998] {strides = array<i32>} : memref<3x400x64xf32, #tpu.memory_space<vmem>>, vector<1x1x16xf32>,
        %swap3A_1000 = vector.shape_cast %swap3A_999 : vector<1x1x16xf32> to vector<16xf32>
        %swap3A_1001 = vector.shape_cast %get3A_994 : vector<16xf32> to vector<1x1x16xf32>
        tpu.vector_store %arg8[%swap3A_996, %swap3A_997, %swap3A_998], %swap3A_1001 {add = true, strides = array<i32>} : memref<3x400x64xf32, #tpu.memory_space<vmem>>, vector<1x1x16xf32>,
        %add3A_1002 = arith.constant 200 : i32
        %add3A_1003 = arith.addi %add3A_1002, %add3A_988 : i32
        %get3A_1004 = arith.index_cast %add3A_988 : i32 to index
        %get3A_1005 = arith.constant 16 : index
        %get3A_1006 = tpu.vector_load %arg7[%get3A_1004, %get3A_1005] {strides = array<i32>} : memref<200x64xf32, #tpu.memory_space<vmem>>, vector<1x16xf32>,
        %get3A_1007 = vector.shape_cast %get3A_1006 : vector<1x16xf32> to vector<16xf32>
        %swap3A_1008 = arith.constant 0 : i32
        %swap3A_1009 = arith.index_cast %swap3A_1008 : i32 to index
        %swap3A_1010 = arith.index_cast %add3A_1003 : i32 to index
        %swap3A_1011 = arith.constant 16 : index
        %swap3A_1012 = tpu.vector_load %arg8[%swap3A_1009, %swap3A_1010, %swap3A_1011] {strides = array<i32>} : memref<3x400x64xf32, #tpu.memory_space<vmem>>, vector<1x1x16xf32>,
        %swap3A_1013 = vector.shape_cast %swap3A_1012 : vector<1x1x16xf32> to vector<16xf32>
        %swap3A_1014 = vector.shape_cast %get3A_1007 : vector<16xf32> to vector<1x1x16xf32>
        tpu.vector_store %arg8[%swap3A_1009, %swap3A_1010, %swap3A_1011], %swap3A_1014 {add = true, strides = array<i32>} : memref<3x400x64xf32, #tpu.memory_space<vmem>>, vector<1x1x16xf32>,
        %add3A_1015 = arith.constant 200 : i32
        %add3A_1016 = arith.addi %add3A_1015, %add3A_988 : i32
        %get3A_1017 = arith.index_cast %add3A_988 : i32 to index
        %get3A_1018 = arith.constant 32 : index
        %get3A_1019 = tpu.vector_load %arg7[%get3A_1017, %get3A_1018] {strides = array<i32>} : memref<200x64xf32, #tpu.memory_space<vmem>>, vector<1x16xf32>,
        %get3A_1020 = vector.shape_cast %get3A_1019 : vector<1x16xf32> to vector<16xf32>
        %swap3A_1021 = arith.constant 0 : i32
        %swap3A_1022 = arith.index_cast %swap3A_1021 : i32 to index
        %swap3A_1023 = arith.index_cast %add3A_1016 : i32 to index
        %swap3A_1024 = arith.constant 32 : index
        %swap3A_1025 = tpu.vector_load %arg8[%swap3A_1022, %swap3A_1023, %swap3A_1024] {strides = array<i32>} : memref<3x400x64xf32, #tpu.memory_space<vmem>>, vector<1x1x16xf32>,
        %swap3A_1026 = vector.shape_cast %swap3A_1025 : vector<1x1x16xf32> to vector<16xf32>
        %swap3A_1027 = vector.shape_cast %get3A_1020 : vector<16xf32> to vector<1x1x16xf32>
        tpu.vector_store %arg8[%swap3A_1022, %swap3A_1023, %swap3A_1024], %swap3A_1027 {add = true, strides = array<i32>} : memref<3x400x64xf32, #tpu.memory_space<vmem>>, vector<1x1x16xf32>,
        %add3A_1028 = arith.constant 200 : i32
        %add3A_1029 = arith.addi %add3A_1028, %add3A_988 : i32
        %get3A_1030 = arith.index_cast %add3A_988 : i32 to index
        %get3A_1031 = arith.constant 48 : index
        %get3A_1032 = tpu.vector_load %arg7[%get3A_1030, %get3A_1031] {strides = array<i32>} : memref<200x64xf32, #tpu.memory_space<vmem>>, vector<1x16xf32>,
        %get3A_1033 = vector.shape_cast %get3A_1032 : vector<1x16xf32> to vector<16xf32>
        %swap3A_1034 = arith.constant 0 : i32
        %swap3A_1035 = arith.index_cast %swap3A_1034 : i32 to index
        %swap3A_1036 = arith.index_cast %add3A_1029 : i32 to index
        %swap3A_1037 = arith.constant 48 : index
        %swap3A_1038 = tpu.vector_load %arg8[%swap3A_1035, %swap3A_1036, %swap3A_1037] {strides = array<i32>} : memref<3x400x64xf32, #tpu.memory_space<vmem>>, vector<1x1x16xf32>,
        %swap3A_1039 = vector.shape_cast %swap3A_1038 : vector<1x1x16xf32> to vector<16xf32>
        %swap3A_1040 = vector.shape_cast %get3A_1033 : vector<16xf32> to vector<1x1x16xf32>
        tpu.vector_store %arg8[%swap3A_1035, %swap3A_1036, %swap3A_1037], %swap3A_1040 {add = true, strides = array<i32>} : memref<3x400x64xf32, #tpu.memory_space<vmem>>, vector<1x1x16xf32>,
        %scan3A_1041 = arith.constant 0 : i32
        scf.yield %scan3A_1041 : i32
      }
      %scan3A_677 = arith.constant 50 : i32
      %mul3A_678 = arith.constant 25600 : i32
      %mul3A_679 = arith.muli %add3A, %mul3A_678 : i32
      %mul3A_680 = arith.constant 400 : i32
      %mul3A_681 = arith.muli %add3A_648, %mul3A_680 : i32
      %add3A_682 = arith.addi %mul3A_679, %mul3A_681 : i32
      %dma_start3A_683 = arith.constant 0 : i32
      %dma_start3A_684 = arith.constant 0 : i32
      %dma_start3A_685 = arith.constant 0 : i32
      %dma_start3A_686 = tpu.memref_slice %arg8[%dma_start3A_683, %dma_start3A_684, %dma_start3A_685] : memref<3x400x64xf32, #tpu.memory_space<vmem>> -> memref<1x400x64xf32, #tpu.memory_space<vmem>>
      %dma_start3A_687 = tpu.memref_squeeze %dma_start3A_686 : memref<1x400x64xf32, #tpu.memory_space<vmem>> -> memref<400x64xf32, #tpu.memory_space<vmem>>
      %dma_start3A_688 = arith.constant 0 : i32
      %dma_start3A_689 = tpu.memref_slice %arg5[%add3A_682, %dma_start3A_688] : memref<819200x128xf32, #tpu.memory_space<hbm>> -> memref<400x64xf32, #tpu.memory_space<hbm>>
      %dma_start3A_690 = arith.constant 0 : i32
      %dma_start3A_691 = tpu.memref_slice %arg5[%add3A_682, %dma_start3A_690] : memref<819200x128xf32, #tpu.memory_space<hbm>> -> memref<400x64xf32, #tpu.memory_space<hbm>>
      %dma_start3A_692 = arith.constant 0 : i32
      %dma_start3A_693 = arith.constant 0 : i32
      %dma_start3A_694 = tpu.memref_slice %arg8[%dma_start3A_683, %dma_start3A_692, %dma_start3A_693] : memref<3x400x64xf32, #tpu.memory_space<vmem>> -> memref<1x400x64xf32, #tpu.memory_space<vmem>>
      %dma_start3A_695 = tpu.memref_squeeze %dma_start3A_694 : memref<1x400x64xf32, #tpu.memory_space<vmem>> -> memref<400x64xf32, #tpu.memory_space<vmem>>
      tpu.enqueue_dma source(%dma_start3A_695 : memref<400x64xf32, #tpu.memory_space<vmem>>) target(%dma_start3A_691 : memref<400x64xf32, #tpu.memory_space<hbm>>) target_semaphore(%arg12 : memref<!tpu.dma_semaphore, #tpu.memory_space<semaphore_mem>>)
      %add3A_696 = arith.constant 2 : i32
      %add3A_697 = arith.addi %add3A_648, %add3A_696 : i32
      %lt3A = arith.constant 64 : i32
      %lt3A_698 = arith.cmpi slt, %add3A_697, %lt3A : i32
      %convert_element_type3A = arith.extui %lt3A_698 : i1 to i32
      %cond3A = arith.constant 0 : i32
      %cond3A_699 = arith.cmpi ne, %convert_element_type3A, %cond3A : i32
      scf.if %cond3A_699 {
        %add3A_816 = arith.constant 2 : i32
        %add3A_817 = arith.addi %add3A_648, %add3A_816 : i32
        %ge3A = arith.constant 3 : i32
        %ge3A_818 = arith.cmpi sge, %add3A_817, %ge3A : i32
        %convert_element_type3A_819 = arith.extui %ge3A_818 : i1 to i32
        %cond3A_820 = arith.constant 0 : i32
        %cond3A_821 = arith.cmpi ne, %convert_element_type3A_819, %cond3A_820 : i32
        scf.if %cond3A_821 {
          %dma_wait3A_1151 = arith.constant 2 : i32
          %dma_wait3A_1152 = arith.constant 0 : i32
          %dma_wait3A_1153 = arith.constant 0 : i32
          %dma_wait3A_1154 = tpu.memref_slice %arg8[%dma_wait3A_1151, %dma_wait3A_1152, %dma_wait3A_1153] : memref<3x400x64xf32, #tpu.memory_space<vmem>> -> memref<1x400x64xf32, #tpu.memory_space<vmem>>
          %dma_wait3A_1155 = tpu.memref_squeeze %dma_wait3A_1154 : memref<1x400x64xf32, #tpu.memory_space<vmem>> -> memref<400x64xf32, #tpu.memory_space<vmem>>
          %dma_wait3A_1156 = arith.constant 0 : i32
          %dma_wait3A_1157 = arith.constant 0 : i32
          %dma_wait3A_1158 = tpu.memref_slice %arg5[%dma_wait3A_1156, %dma_wait3A_1157] : memref<819200x128xf32, #tpu.memory_space<hbm>> -> memref<400x64xf32, #tpu.memory_space<hbm>>
          %dma_wait3A_1159 = arith.constant 0 : i32
          %dma_wait3A_1160 = arith.constant 0 : i32
          %dma_wait3A_1161 = tpu.memref_slice %arg8[%dma_wait3A_1151, %dma_wait3A_1159, %dma_wait3A_1160] : memref<3x400x64xf32, #tpu.memory_space<vmem>> -> memref<1x400x64xf32, #tpu.memory_space<vmem>>
          %dma_wait3A_1162 = tpu.memref_squeeze %dma_wait3A_1161 : memref<1x400x64xf32, #tpu.memory_space<vmem>> -> memref<400x64xf32, #tpu.memory_space<vmem>>
          %dma_wait3A_1163 = arith.constant 0 : i32
          %dma_wait3A_1164 = arith.constant 0 : i32
          %dma_wait3A_1165 = tpu.memref_slice %arg5[%dma_wait3A_1163, %dma_wait3A_1164] : memref<819200x128xf32, #tpu.memory_space<hbm>> -> memref<400x64xf32, #tpu.memory_space<hbm>>
          tpu.wait_dma2 semaphore(%arg14 : memref<!tpu.dma_semaphore, #tpu.memory_space<semaphore_mem>>) src(%dma_wait3A_1165 : memref<400x64xf32, #tpu.memory_space<hbm>>) dst(%dma_wait3A_1162 : memref<400x64xf32, #tpu.memory_space<vmem>>)
        } else {
        }
        %add3A_822 = arith.constant 2 : i32
        %add3A_823 = arith.addi %add3A_648, %add3A_822 : i32
        %mul3A_824 = arith.constant 400 : i32
        %mul3A_825 = arith.muli %add3A_823, %mul3A_824 : i32
        %add3A_826 = arith.constant 0 : i32
        %add3A_827 = arith.addi %mul3A_825, %add3A_826 : i32
        %get3A_828 = arith.index_cast %add3A_827 : i32 to index
        %get3A_829 = tpu.vector_load %arg6[%get3A_828] {strides = array<i32>} : memref<25600xi32, #tpu.memory_space<vmem>>, vector<16xi32>,
        %get3A_830 = vector.shape_cast %get3A_829 : vector<16xi32> to vector<16xi32>
        %dma_start3A_831 = arith.constant 2 : i32
        %dma_start3A_832 = arith.constant 0 : i32
        %dma_start3A_833 = arith.constant 0 : i32
        %dma_start3A_834 = tpu.memref_slice %arg8[%dma_start3A_831, %dma_start3A_832, %dma_start3A_833] : memref<3x400x64xf32, #tpu.memory_space<vmem>> -> memref<1x16x64xf32, #tpu.memory_space<vmem>>
        %dma_start3A_835 = tpu.memref_squeeze %dma_start3A_834 : memref<1x16x64xf32, #tpu.memory_space<vmem>> -> memref<16x64xf32, #tpu.memory_space<vmem>>
        %dma_start3A_836 = arith.constant 0 : i32
        %dma_start3A_837 = arith.constant 0 : i32
        %dma_start3A_838 = tpu.memref_slice %arg3[%dma_start3A_836, %dma_start3A_837] : memref<1000000x64xf32, #tpu.memory_space<hbm>> -> memref<1000000x64xf32, #tpu.memory_space<hbm>>
        tpu.enqueue_indirect_dma source(%dma_start3A_838 : memref<1000000x64xf32, #tpu.memory_space<hbm>>) target(%dma_start3A_835 : memref<16x64xf32, #tpu.memory_space<vmem>>) offsets(%get3A_830 : vector<16xi32>) semaphore(%arg11 : memref<!tpu.dma_semaphore, #tpu.memory_space<semaphore_mem>>)
        %add3A_839 = arith.constant 16 : i32
        %add3A_840 = arith.addi %mul3A_825, %add3A_839 : i32
        %get3A_841 = arith.index_cast %add3A_840 : i32 to index
        %get3A_842 = tpu.vector_load %arg6[%get3A_841] {strides = array<i32>} : memref<25600xi32, #tpu.memory_space<vmem>>, vector<16xi32>,
        %get3A_843 = vector.shape_cast %get3A_842 : vector<16xi32> to vector<16xi32>
        %dma_start3A_844 = arith.constant 2 : i32
        %dma_start3A_845 = arith.constant 16 : i32
        %dma_start3A_846 = arith.constant 0 : i32
        %dma_start3A_847 = tpu.memref_slice %arg8[%dma_start3A_844, %dma_start3A_845, %dma_start3A_846] : memref<3x400x64xf32, #tpu.memory_space<vmem>> -> memref<1x16x64xf32, #tpu.memory_space<vmem>>
        %dma_start3A_848 = tpu.memref_squeeze %dma_start3A_847 : memref<1x16x64xf32, #tpu.memory_space<vmem>> -> memref<16x64xf32, #tpu.memory_space<vmem>>
        %dma_start3A_849 = arith.constant 0 : i32
        %dma_start3A_850 = arith.constant 0 : i32
        %dma_start3A_851 = tpu.memref_slice %arg3[%dma_start3A_849, %dma_start3A_850] : memref<1000000x64xf32, #tpu.memory_space<hbm>> -> memref<1000000x64xf32, #tpu.memory_space<hbm>>
        tpu.enqueue_indirect_dma source(%dma_start3A_851 : memref<1000000x64xf32, #tpu.memory_space<hbm>>) target(%dma_start3A_848 : memref<16x64xf32, #tpu.memory_space<vmem>>) offsets(%get3A_843 : vector<16xi32>) semaphore(%arg11 : memref<!tpu.dma_semaphore, #tpu.memory_space<semaphore_mem>>)
        %add3A_852 = arith.constant 32 : i32
        %add3A_853 = arith.addi %mul3A_825, %add3A_852 : i32
        %get3A_854 = arith.index_cast %add3A_853 : i32 to index
        %get3A_855 = tpu.vector_load %arg6[%get3A_854] {strides = array<i32>} : memref<25600xi32, #tpu.memory_space<vmem>>, vector<16xi32>,
        %get3A_856 = vector.shape_cast %get3A_855 : vector<16xi32> to vector<16xi32>
        %dma_start3A_857 = arith.constant 2 : i32
        %dma_start3A_858 = arith.constant 32 : i32
        %dma_start3A_859 = arith.constant 0 : i32
        %dma_start3A_860 = tpu.memref_slice %arg8[%dma_start3A_857, %dma_start3A_858, %dma_start3A_859] : memref<3x400x64xf32, #tpu.memory_space<vmem>> -> memref<1x16x64xf32, #tpu.memory_space<vmem>>
        %dma_start3A_861 = tpu.memref_squeeze %dma_start3A_860 : memref<1x16x64xf32, #tpu.memory_space<vmem>> -> memref<16x64xf32, #tpu.memory_space<vmem>>
        %dma_start3A_862 = arith.constant 0 : i32
        %dma_start3A_863 = arith.constant 0 : i32
        %dma_start3A_864 = tpu.memref_slice %arg3[%dma_start3A_862, %dma_start3A_863] : memref<1000000x64xf32, #tpu.memory_space<hbm>> -> memref<1000000x64xf32, #tpu.memory_space<hbm>>
        tpu.enqueue_indirect_dma source(%dma_start3A_864 : memref<1000000x64xf32, #tpu.memory_space<hbm>>) target(%dma_start3A_861 : memref<16x64xf32, #tpu.memory_space<vmem>>) offsets(%get3A_856 : vector<16xi32>) semaphore(%arg11 : memref<!tpu.dma_semaphore, #tpu.memory_space<semaphore_mem>>)
        %add3A_865 = arith.constant 48 : i32
        %add3A_866 = arith.addi %mul3A_825, %add3A_865 : i32
        %get3A_867 = arith.index_cast %add3A_866 : i32 to index
        %get3A_868 = tpu.vector_load %arg6[%get3A_867] {strides = array<i32>} : memref<25600xi32, #tpu.memory_space<vmem>>, vector<16xi32>,
        %get3A_869 = vector.shape_cast %get3A_868 : vector<16xi32> to vector<16xi32>
        %dma_start3A_870 = arith.constant 2 : i32
        %dma_start3A_871 = arith.constant 48 : i32
        %dma_start3A_872 = arith.constant 0 : i32
        %dma_start3A_873 = tpu.memref_slice %arg8[%dma_start3A_870, %dma_start3A_871, %dma_start3A_872] : memref<3x400x64xf32, #tpu.memory_space<vmem>> -> memref<1x16x64xf32, #tpu.memory_space<vmem>>
        %dma_start3A_874 = tpu.memref_squeeze %dma_start3A_873 : memref<1x16x64xf32, #tpu.memory_space<vmem>> -> memref<16x64xf32, #tpu.memory_space<vmem>>
        %dma_start3A_875 = arith.constant 0 : i32
        %dma_start3A_876 = arith.constant 0 : i32
        %dma_start3A_877 = tpu.memref_slice %arg3[%dma_start3A_875, %dma_start3A_876] : memref<1000000x64xf32, #tpu.memory_space<hbm>> -> memref<1000000x64xf32, #tpu.memory_space<hbm>>
        tpu.enqueue_indirect_dma source(%dma_start3A_877 : memref<1000000x64xf32, #tpu.memory_space<hbm>>) target(%dma_start3A_874 : memref<16x64xf32, #tpu.memory_space<vmem>>) offsets(%get3A_869 : vector<16xi32>) semaphore(%arg11 : memref<!tpu.dma_semaphore, #tpu.memory_space<semaphore_mem>>)
        %add3A_878 = arith.constant 64 : i32
        %add3A_879 = arith.addi %mul3A_825, %add3A_878 : i32
        %get3A_880 = arith.index_cast %add3A_879 : i32 to index
        %get3A_881 = tpu.vector_load %arg6[%get3A_880] {strides = array<i32>} : memref<25600xi32, #tpu.memory_space<vmem>>, vector<16xi32>,
        %get3A_882 = vector.shape_cast %get3A_881 : vector<16xi32> to vector<16xi32>
        %dma_start3A_883 = arith.constant 2 : i32
        %dma_start3A_884 = arith.constant 64 : i32
        %dma_start3A_885 = arith.constant 0 : i32
        %dma_start3A_886 = tpu.memref_slice %arg8[%dma_start3A_883, %dma_start3A_884, %dma_start3A_885] : memref<3x400x64xf32, #tpu.memory_space<vmem>> -> memref<1x16x64xf32, #tpu.memory_space<vmem>>
        %dma_start3A_887 = tpu.memref_squeeze %dma_start3A_886 : memref<1x16x64xf32, #tpu.memory_space<vmem>> -> memref<16x64xf32, #tpu.memory_space<vmem>>
        %dma_start3A_888 = arith.constant 0 : i32
        %dma_start3A_889 = arith.constant 0 : i32
        %dma_start3A_890 = tpu.memref_slice %arg3[%dma_start3A_888, %dma_start3A_889] : memref<1000000x64xf32, #tpu.memory_space<hbm>> -> memref<1000000x64xf32, #tpu.memory_space<hbm>>
        tpu.enqueue_indirect_dma source(%dma_start3A_890 : memref<1000000x64xf32, #tpu.memory_space<hbm>>) target(%dma_start3A_887 : memref<16x64xf32, #tpu.memory_space<vmem>>) offsets(%get3A_882 : vector<16xi32>) semaphore(%arg11 : memref<!tpu.dma_semaphore, #tpu.memory_space<semaphore_mem>>)
        %add3A_891 = arith.constant 80 : i32
        %add3A_892 = arith.addi %mul3A_825, %add3A_891 : i32
        %get3A_893 = arith.index_cast %add3A_892 : i32 to index
        %get3A_894 = tpu.vector_load %arg6[%get3A_893] {strides = array<i32>} : memref<25600xi32, #tpu.memory_space<vmem>>, vector<16xi32>,
        %get3A_895 = vector.shape_cast %get3A_894 : vector<16xi32> to vector<16xi32>
        %dma_start3A_896 = arith.constant 2 : i32
        %dma_start3A_897 = arith.constant 80 : i32
        %dma_start3A_898 = arith.constant 0 : i32
        %dma_start3A_899 = tpu.memref_slice %arg8[%dma_start3A_896, %dma_start3A_897, %dma_start3A_898] : memref<3x400x64xf32, #tpu.memory_space<vmem>> -> memref<1x16x64xf32, #tpu.memory_space<vmem>>
        %dma_start3A_900 = tpu.memref_squeeze %dma_start3A_899 : memref<1x16x64xf32, #tpu.memory_space<vmem>> -> memref<16x64xf32, #tpu.memory_space<vmem>>
        %dma_start3A_901 = arith.constant 0 : i32
        %dma_start3A_902 = arith.constant 0 : i32
        %dma_start3A_903 = tpu.memref_slice %arg3[%dma_start3A_901, %dma_start3A_902] : memref<1000000x64xf32, #tpu.memory_space<hbm>> -> memref<1000000x64xf32, #tpu.memory_space<hbm>>
        tpu.enqueue_indirect_dma source(%dma_start3A_903 : memref<1000000x64xf32, #tpu.memory_space<hbm>>) target(%dma_start3A_900 : memref<16x64xf32, #tpu.memory_space<vmem>>) offsets(%get3A_895 : vector<16xi32>) semaphore(%arg11 : memref<!tpu.dma_semaphore, #tpu.memory_space<semaphore_mem>>)
        %add3A_904 = arith.constant 96 : i32
        %add3A_905 = arith.addi %mul3A_825, %add3A_904 : i32
        %get3A_906 = arith.index_cast %add3A_905 : i32 to index
        %get3A_907 = tpu.vector_load %arg6[%get3A_906] {strides = array<i32>} : memref<25600xi32, #tpu.memory_space<vmem>>, vector<16xi32>,
        %get3A_908 = vector.shape_cast %get3A_907 : vector<16xi32> to vector<16xi32>
        %dma_start3A_909 = arith.constant 2 : i32
        %dma_start3A_910 = arith.constant 96 : i32
        %dma_start3A_911 = arith.constant 0 : i32
        %dma_start3A_912 = tpu.memref_slice %arg8[%dma_start3A_909, %dma_start3A_910, %dma_start3A_911] : memref<3x400x64xf32, #tpu.memory_space<vmem>> -> memref<1x16x64xf32, #tpu.memory_space<vmem>>
        %dma_start3A_913 = tpu.memref_squeeze %dma_start3A_912 : memref<1x16x64xf32, #tpu.memory_space<vmem>> -> memref<16x64xf32, #tpu.memory_space<vmem>>
        %dma_start3A_914 = arith.constant 0 : i32
        %dma_start3A_915 = arith.constant 0 : i32
        %dma_start3A_916 = tpu.memref_slice %arg3[%dma_start3A_914, %dma_start3A_915] : memref<1000000x64xf32, #tpu.memory_space<hbm>> -> memref<1000000x64xf32, #tpu.memory_space<hbm>>
        tpu.enqueue_indirect_dma source(%dma_start3A_916 : memref<1000000x64xf32, #tpu.memory_space<hbm>>) target(%dma_start3A_913 : memref<16x64xf32, #tpu.memory_space<vmem>>) offsets(%get3A_908 : vector<16xi32>) semaphore(%arg11 : memref<!tpu.dma_semaphore, #tpu.memory_space<semaphore_mem>>)
        %add3A_917 = arith.constant 112 : i32
        %add3A_918 = arith.addi %mul3A_825, %add3A_917 : i32
        %get3A_919 = arith.index_cast %add3A_918 : i32 to index
        %get3A_920 = tpu.vector_load %arg6[%get3A_919] {strides = array<i32>} : memref<25600xi32, #tpu.memory_space<vmem>>, vector<16xi32>,
        %get3A_921 = vector.shape_cast %get3A_920 : vector<16xi32> to vector<16xi32>
        %dma_start3A_922 = arith.constant 2 : i32
        %dma_start3A_923 = arith.constant 112 : i32
        %dma_start3A_924 = arith.constant 0 : i32
        %dma_start3A_925 = tpu.memref_slice %arg8[%dma_start3A_922, %dma_start3A_923, %dma_start3A_924] : memref<3x400x64xf32, #tpu.memory_space<vmem>> -> memref<1x16x64xf32, #tpu.memory_space<vmem>>
        %dma_start3A_926 = tpu.memref_squeeze %dma_start3A_925 : memref<1x16x64xf32, #tpu.memory_space<vmem>> -> memref<16x64xf32, #tpu.memory_space<vmem>>
        %dma_start3A_927 = arith.constant 0 : i32
        %dma_start3A_928 = arith.constant 0 : i32
        %dma_start3A_929 = tpu.memref_slice %arg3[%dma_start3A_927, %dma_start3A_928] : memref<1000000x64xf32, #tpu.memory_space<hbm>> -> memref<1000000x64xf32, #tpu.memory_space<hbm>>
        tpu.enqueue_indirect_dma source(%dma_start3A_929 : memref<1000000x64xf32, #tpu.memory_space<hbm>>) target(%dma_start3A_926 : memref<16x64xf32, #tpu.memory_space<vmem>>) offsets(%get3A_921 : vector<16xi32>) semaphore(%arg11 : memref<!tpu.dma_semaphore, #tpu.memory_space<semaphore_mem>>)
        %add3A_930 = arith.constant 128 : i32
        %add3A_931 = arith.addi %mul3A_825, %add3A_930 : i32
        %get3A_932 = arith.index_cast %add3A_931 : i32 to index
        %get3A_933 = tpu.vector_load %arg6[%get3A_932] {strides = array<i32>} : memref<25600xi32, #tpu.memory_space<vmem>>, vector<16xi32>,
        %get3A_934 = vector.shape_cast %get3A_933 : vector<16xi32> to vector<16xi32>
        %dma_start3A_935 = arith.constant 2 : i32
        %dma_start3A_936 = arith.constant 128 : i32
        %dma_start3A_937 = arith.constant 0 : i32
        %dma_start3A_938 = tpu.memref_slice %arg8[%dma_start3A_935, %dma_start3A_936, %dma_start3A_937] : memref<3x400x64xf32, #tpu.memory_space<vmem>> -> memref<1x16x64xf32, #tpu.memory_space<vmem>>
        %dma_start3A_939 = tpu.memref_squeeze %dma_start3A_938 : memref<1x16x64xf32, #tpu.memory_space<vmem>> -> memref<16x64xf32, #tpu.memory_space<vmem>>
        %dma_start3A_940 = arith.constant 0 : i32
        %dma_start3A_941 = arith.constant 0 : i32
        %dma_start3A_942 = tpu.memref_slice %arg3[%dma_start3A_940, %dma_start3A_941] : memref<1000000x64xf32, #tpu.memory_space<hbm>> -> memref<1000000x64xf32, #tpu.memory_space<hbm>>
        tpu.enqueue_indirect_dma source(%dma_start3A_942 : memref<1000000x64xf32, #tpu.memory_space<hbm>>) target(%dma_start3A_939 : memref<16x64xf32, #tpu.memory_space<vmem>>) offsets(%get3A_934 : vector<16xi32>) semaphore(%arg11 : memref<!tpu.dma_semaphore, #tpu.memory_space<semaphore_mem>>)
        %add3A_943 = arith.constant 144 : i32
        %add3A_944 = arith.addi %mul3A_825, %add3A_943 : i32
        %get3A_945 = arith.index_cast %add3A_944 : i32 to index
        %get3A_946 = tpu.vector_load %arg6[%get3A_945] {strides = array<i32>} : memref<25600xi32, #tpu.memory_space<vmem>>, vector<16xi32>,
        %get3A_947 = vector.shape_cast %get3A_946 : vector<16xi32> to vector<16xi32>
        %dma_start3A_948 = arith.constant 2 : i32
        %dma_start3A_949 = arith.constant 144 : i32
        %dma_start3A_950 = arith.constant 0 : i32
        %dma_start3A_951 = tpu.memref_slice %arg8[%dma_start3A_948, %dma_start3A_949, %dma_start3A_950] : memref<3x400x64xf32, #tpu.memory_space<vmem>> -> memref<1x16x64xf32, #tpu.memory_space<vmem>>
        %dma_start3A_952 = tpu.memref_squeeze %dma_start3A_951 : memref<1x16x64xf32, #tpu.memory_space<vmem>> -> memref<16x64xf32, #tpu.memory_space<vmem>>
        %dma_start3A_953 = arith.constant 0 : i32
        %dma_start3A_954 = arith.constant 0 : i32
        %dma_start3A_955 = tpu.memref_slice %arg3[%dma_start3A_953, %dma_start3A_954] : memref<1000000x64xf32, #tpu.memory_space<hbm>> -> memref<1000000x64xf32, #tpu.memory_space<hbm>>
        tpu.enqueue_indirect_dma source(%dma_start3A_955 : memref<1000000x64xf32, #tpu.memory_space<hbm>>) target(%dma_start3A_952 : memref<16x64xf32, #tpu.memory_space<vmem>>) offsets(%get3A_947 : vector<16xi32>) semaphore(%arg11 : memref<!tpu.dma_semaphore, #tpu.memory_space<semaphore_mem>>)
        %add3A_956 = arith.constant 160 : i32
        %add3A_957 = arith.addi %mul3A_825, %add3A_956 : i32
        %get3A_958 = arith.index_cast %add3A_957 : i32 to index
        %get3A_959 = tpu.vector_load %arg6[%get3A_958] {strides = array<i32>} : memref<25600xi32, #tpu.memory_space<vmem>>, vector<16xi32>,
        %get3A_960 = vector.shape_cast %get3A_959 : vector<16xi32> to vector<16xi32>
        %dma_start3A_961 = arith.constant 2 : i32
        %dma_start3A_962 = arith.constant 160 : i32
        %dma_start3A_963 = arith.constant 0 : i32
        %dma_start3A_964 = tpu.memref_slice %arg8[%dma_start3A_961, %dma_start3A_962, %dma_start3A_963] : memref<3x400x64xf32, #tpu.memory_space<vmem>> -> memref<1x16x64xf32, #tpu.memory_space<vmem>>
        %dma_start3A_965 = tpu.memref_squeeze %dma_start3A_964 : memref<1x16x64xf32, #tpu.memory_space<vmem>> -> memref<16x64xf32, #tpu.memory_space<vmem>>
        %dma_start3A_966 = arith.constant 0 : i32
        %dma_start3A_967 = arith.constant 0 : i32
        %dma_start3A_968 = tpu.memref_slice %arg3[%dma_start3A_966, %dma_start3A_967] : memref<1000000x64xf32, #tpu.memory_space<hbm>> -> memref<1000000x64xf32, #tpu.memory_space<hbm>>
        tpu.enqueue_indirect_dma source(%dma_start3A_968 : memref<1000000x64xf32, #tpu.memory_space<hbm>>) target(%dma_start3A_965 : memref<16x64xf32, #tpu.memory_space<vmem>>) offsets(%get3A_960 : vector<16xi32>) semaphore(%arg11 : memref<!tpu.dma_semaphore, #tpu.memory_space<semaphore_mem>>)
        %add3A_969 = arith.constant 176 : i32
        %add3A_970 = arith.addi %mul3A_825, %add3A_969 : i32
        %get3A_971 = arith.index_cast %add3A_970 : i32 to index
        %get3A_972 = tpu.vector_load %arg6[%get3A_971] {strides = array<i32>} : memref<25600xi32, #tpu.memory_space<vmem>>, vector<16xi32>,
        %get3A_973 = vector.shape_cast %get3A_972 : vector<16xi32> to vector<16xi32>
        %dma_start3A_974 = arith.constant 2 : i32
        %dma_start3A_975 = arith.constant 176 : i32
        %dma_start3A_976 = arith.constant 0 : i32
        %dma_start3A_977 = tpu.memref_slice %arg8[%dma_start3A_974, %dma_start3A_975, %dma_start3A_976] : memref<3x400x64xf32, #tpu.memory_space<vmem>> -> memref<1x16x64xf32, #tpu.memory_space<vmem>>
        %dma_start3A_978 = tpu.memref_squeeze %dma_start3A_977 : memref<1x16x64xf32, #tpu.memory_space<vmem>> -> memref<16x64xf32, #tpu.memory_space<vmem>>
        %dma_start3A_979 = arith.constant 0 : i32
        %dma_start3A_980 = arith.constant 0 : i32
        %dma_start3A_981 = tpu.memref_slice %arg3[%dma_start3A_979, %dma_start3A_980] : memref<1000000x64xf32, #tpu.memory_space<hbm>> -> memref<1000000x64xf32, #tpu.memory_space<hbm>>
        tpu.enqueue_indirect_dma source(%dma_start3A_981 : memref<1000000x64xf32, #tpu.memory_space<hbm>>) target(%dma_start3A_978 : memref<16x64xf32, #tpu.memory_space<vmem>>) offsets(%get3A_973 : vector<16xi32>) semaphore(%arg11 : memref<!tpu.dma_semaphore, #tpu.memory_space<semaphore_mem>>)
        %add3A_982 = arith.constant 192 : i32
        %add3A_983 = arith.addi %mul3A_825, %add3A_982 : i32
        %get3A_984 = arith.index_cast %add3A_983 : i32 to index
        %get3A_985 = tpu.vector_load %arg6[%get3A_984] {strides = array<i32>} : memref<25600xi32, #tpu.memory_space<vmem>>, vector<16xi32>,
        %get3A_986 = vector.shape_cast %get3A_985 : vector<16xi32> to vector<16xi32>
        %dma_start3A_987 = arith.constant 2 : i32
        %dma_start3A_988 = arith.constant 192 : i32
        %dma_start3A_989 = arith.constant 0 : i32
        %dma_start3A_990 = tpu.memref_slice %arg8[%dma_start3A_987, %dma_start3A_988, %dma_start3A_989] : memref<3x400x64xf32, #tpu.memory_space<vmem>> -> memref<1x16x64xf32, #tpu.memory_space<vmem>>
        %dma_start3A_991 = tpu.memref_squeeze %dma_start3A_990 : memref<1x16x64xf32, #tpu.memory_space<vmem>> -> memref<16x64xf32, #tpu.memory_space<vmem>>
        %dma_start3A_992 = arith.constant 0 : i32
        %dma_start3A_993 = arith.constant 0 : i32
        %dma_start3A_994 = tpu.memref_slice %arg3[%dma_start3A_992, %dma_start3A_993] : memref<1000000x64xf32, #tpu.memory_space<hbm>> -> memref<1000000x64xf32, #tpu.memory_space<hbm>>
        tpu.enqueue_indirect_dma source(%dma_start3A_994 : memref<1000000x64xf32, #tpu.memory_space<hbm>>) target(%dma_start3A_991 : memref<16x64xf32, #tpu.memory_space<vmem>>) offsets(%get3A_986 : vector<16xi32>) semaphore(%arg11 : memref<!tpu.dma_semaphore, #tpu.memory_space<semaphore_mem>>)
        %add3A_995 = arith.constant 208 : i32
        %add3A_996 = arith.addi %mul3A_825, %add3A_995 : i32
        %get3A_997 = arith.index_cast %add3A_996 : i32 to index
        %get3A_998 = tpu.vector_load %arg6[%get3A_997] {strides = array<i32>} : memref<25600xi32, #tpu.memory_space<vmem>>, vector<16xi32>,
        %get3A_999 = vector.shape_cast %get3A_998 : vector<16xi32> to vector<16xi32>
        %dma_start3A_1000 = arith.constant 2 : i32
        %dma_start3A_1001 = arith.constant 208 : i32
        %dma_start3A_1002 = arith.constant 0 : i32
        %dma_start3A_1003 = tpu.memref_slice %arg8[%dma_start3A_1000, %dma_start3A_1001, %dma_start3A_1002] : memref<3x400x64xf32, #tpu.memory_space<vmem>> -> memref<1x16x64xf32, #tpu.memory_space<vmem>>
        %dma_start3A_1004 = tpu.memref_squeeze %dma_start3A_1003 : memref<1x16x64xf32, #tpu.memory_space<vmem>> -> memref<16x64xf32, #tpu.memory_space<vmem>>
        %dma_start3A_1005 = arith.constant 0 : i32
        %dma_start3A_1006 = arith.constant 0 : i32
        %dma_start3A_1007 = tpu.memref_slice %arg3[%dma_start3A_1005, %dma_start3A_1006] : memref<1000000x64xf32, #tpu.memory_space<hbm>> -> memref<1000000x64xf32, #tpu.memory_space<hbm>>
        tpu.enqueue_indirect_dma source(%dma_start3A_1007 : memref<1000000x64xf32, #tpu.memory_space<hbm>>) target(%dma_start3A_1004 : memref<16x64xf32, #tpu.memory_space<vmem>>) offsets(%get3A_999 : vector<16xi32>) semaphore(%arg11 : memref<!tpu.dma_semaphore, #tpu.memory_space<semaphore_mem>>)
        %add3A_1008 = arith.constant 224 : i32
        %add3A_1009 = arith.addi %mul3A_825, %add3A_1008 : i32
        %get3A_1010 = arith.index_cast %add3A_1009 : i32 to index
        %get3A_1011 = tpu.vector_load %arg6[%get3A_1010] {strides = array<i32>} : memref<25600xi32, #tpu.memory_space<vmem>>, vector<16xi32>,
        %get3A_1012 = vector.shape_cast %get3A_1011 : vector<16xi32> to vector<16xi32>
        %dma_start3A_1013 = arith.constant 2 : i32
        %dma_start3A_1014 = arith.constant 224 : i32
        %dma_start3A_1015 = arith.constant 0 : i32
        %dma_start3A_1016 = tpu.memref_slice %arg8[%dma_start3A_1013, %dma_start3A_1014, %dma_start3A_1015] : memref<3x400x64xf32, #tpu.memory_space<vmem>> -> memref<1x16x64xf32, #tpu.memory_space<vmem>>
        %dma_start3A_1017 = tpu.memref_squeeze %dma_start3A_1016 : memref<1x16x64xf32, #tpu.memory_space<vmem>> -> memref<16x64xf32, #tpu.memory_space<vmem>>
        %dma_start3A_1018 = arith.constant 0 : i32
        %dma_start3A_1019 = arith.constant 0 : i32
        %dma_start3A_1020 = tpu.memref_slice %arg3[%dma_start3A_1018, %dma_start3A_1019] : memref<1000000x64xf32, #tpu.memory_space<hbm>> -> memref<1000000x64xf32, #tpu.memory_space<hbm>>
        tpu.enqueue_indirect_dma source(%dma_start3A_1020 : memref<1000000x64xf32, #tpu.memory_space<hbm>>) target(%dma_start3A_1017 : memref<16x64xf32, #tpu.memory_space<vmem>>) offsets(%get3A_1012 : vector<16xi32>) semaphore(%arg11 : memref<!tpu.dma_semaphore, #tpu.memory_space<semaphore_mem>>)
        %add3A_1021 = arith.constant 240 : i32
        %add3A_1022 = arith.addi %mul3A_825, %add3A_1021 : i32
        %get3A_1023 = arith.index_cast %add3A_1022 : i32 to index
        %get3A_1024 = tpu.vector_load %arg6[%get3A_1023] {strides = array<i32>} : memref<25600xi32, #tpu.memory_space<vmem>>, vector<16xi32>,
        %get3A_1025 = vector.shape_cast %get3A_1024 : vector<16xi32> to vector<16xi32>
        %dma_start3A_1026 = arith.constant 2 : i32
        %dma_start3A_1027 = arith.constant 240 : i32
        %dma_start3A_1028 = arith.constant 0 : i32
        %dma_start3A_1029 = tpu.memref_slice %arg8[%dma_start3A_1026, %dma_start3A_1027, %dma_start3A_1028] : memref<3x400x64xf32, #tpu.memory_space<vmem>> -> memref<1x16x64xf32, #tpu.memory_space<vmem>>
        %dma_start3A_1030 = tpu.memref_squeeze %dma_start3A_1029 : memref<1x16x64xf32, #tpu.memory_space<vmem>> -> memref<16x64xf32, #tpu.memory_space<vmem>>
        %dma_start3A_1031 = arith.constant 0 : i32
        %dma_start3A_1032 = arith.constant 0 : i32
        %dma_start3A_1033 = tpu.memref_slice %arg3[%dma_start3A_1031, %dma_start3A_1032] : memref<1000000x64xf32, #tpu.memory_space<hbm>> -> memref<1000000x64xf32, #tpu.memory_space<hbm>>
        tpu.enqueue_indirect_dma source(%dma_start3A_1033 : memref<1000000x64xf32, #tpu.memory_space<hbm>>) target(%dma_start3A_1030 : memref<16x64xf32, #tpu.memory_space<vmem>>) offsets(%get3A_1025 : vector<16xi32>) semaphore(%arg11 : memref<!tpu.dma_semaphore, #tpu.memory_space<semaphore_mem>>)
        %add3A_1034 = arith.constant 256 : i32
        %add3A_1035 = arith.addi %mul3A_825, %add3A_1034 : i32
        %get3A_1036 = arith.index_cast %add3A_1035 : i32 to index
        %get3A_1037 = tpu.vector_load %arg6[%get3A_1036] {strides = array<i32>} : memref<25600xi32, #tpu.memory_space<vmem>>, vector<16xi32>,
        %get3A_1038 = vector.shape_cast %get3A_1037 : vector<16xi32> to vector<16xi32>
        %dma_start3A_1039 = arith.constant 2 : i32
        %dma_start3A_1040 = arith.constant 256 : i32
        %dma_start3A_1041 = arith.constant 0 : i32
        %dma_start3A_1042 = tpu.memref_slice %arg8[%dma_start3A_1039, %dma_start3A_1040, %dma_start3A_1041] : memref<3x400x64xf32, #tpu.memory_space<vmem>> -> memref<1x16x64xf32, #tpu.memory_space<vmem>>
        %dma_start3A_1043 = tpu.memref_squeeze %dma_start3A_1042 : memref<1x16x64xf32, #tpu.memory_space<vmem>> -> memref<16x64xf32, #tpu.memory_space<vmem>>
        %dma_start3A_1044 = arith.constant 0 : i32
        %dma_start3A_1045 = arith.constant 0 : i32
        %dma_start3A_1046 = tpu.memref_slice %arg3[%dma_start3A_1044, %dma_start3A_1045] : memref<1000000x64xf32, #tpu.memory_space<hbm>> -> memref<1000000x64xf32, #tpu.memory_space<hbm>>
        tpu.enqueue_indirect_dma source(%dma_start3A_1046 : memref<1000000x64xf32, #tpu.memory_space<hbm>>) target(%dma_start3A_1043 : memref<16x64xf32, #tpu.memory_space<vmem>>) offsets(%get3A_1038 : vector<16xi32>) semaphore(%arg11 : memref<!tpu.dma_semaphore, #tpu.memory_space<semaphore_mem>>)
        %add3A_1047 = arith.constant 272 : i32
        %add3A_1048 = arith.addi %mul3A_825, %add3A_1047 : i32
        %get3A_1049 = arith.index_cast %add3A_1048 : i32 to index
        %get3A_1050 = tpu.vector_load %arg6[%get3A_1049] {strides = array<i32>} : memref<25600xi32, #tpu.memory_space<vmem>>, vector<16xi32>,
        %get3A_1051 = vector.shape_cast %get3A_1050 : vector<16xi32> to vector<16xi32>
        %dma_start3A_1052 = arith.constant 2 : i32
        %dma_start3A_1053 = arith.constant 272 : i32
        %dma_start3A_1054 = arith.constant 0 : i32
        %dma_start3A_1055 = tpu.memref_slice %arg8[%dma_start3A_1052, %dma_start3A_1053, %dma_start3A_1054] : memref<3x400x64xf32, #tpu.memory_space<vmem>> -> memref<1x16x64xf32, #tpu.memory_space<vmem>>
        %dma_start3A_1056 = tpu.memref_squeeze %dma_start3A_1055 : memref<1x16x64xf32, #tpu.memory_space<vmem>> -> memref<16x64xf32, #tpu.memory_space<vmem>>
        %dma_start3A_1057 = arith.constant 0 : i32
        %dma_start3A_1058 = arith.constant 0 : i32
        %dma_start3A_1059 = tpu.memref_slice %arg3[%dma_start3A_1057, %dma_start3A_1058] : memref<1000000x64xf32, #tpu.memory_space<hbm>> -> memref<1000000x64xf32, #tpu.memory_space<hbm>>
        tpu.enqueue_indirect_dma source(%dma_start3A_1059 : memref<1000000x64xf32, #tpu.memory_space<hbm>>) target(%dma_start3A_1056 : memref<16x64xf32, #tpu.memory_space<vmem>>) offsets(%get3A_1051 : vector<16xi32>) semaphore(%arg11 : memref<!tpu.dma_semaphore, #tpu.memory_space<semaphore_mem>>)
        %add3A_1060 = arith.constant 288 : i32
        %add3A_1061 = arith.addi %mul3A_825, %add3A_1060 : i32
        %get3A_1062 = arith.index_cast %add3A_1061 : i32 to index
        %get3A_1063 = tpu.vector_load %arg6[%get3A_1062] {strides = array<i32>} : memref<25600xi32, #tpu.memory_space<vmem>>, vector<16xi32>,
        %get3A_1064 = vector.shape_cast %get3A_1063 : vector<16xi32> to vector<16xi32>
        %dma_start3A_1065 = arith.constant 2 : i32
        %dma_start3A_1066 = arith.constant 288 : i32
        %dma_start3A_1067 = arith.constant 0 : i32
        %dma_start3A_1068 = tpu.memref_slice %arg8[%dma_start3A_1065, %dma_start3A_1066, %dma_start3A_1067] : memref<3x400x64xf32, #tpu.memory_space<vmem>> -> memref<1x16x64xf32, #tpu.memory_space<vmem>>
        %dma_start3A_1069 = tpu.memref_squeeze %dma_start3A_1068 : memref<1x16x64xf32, #tpu.memory_space<vmem>> -> memref<16x64xf32, #tpu.memory_space<vmem>>
        %dma_start3A_1070 = arith.constant 0 : i32
        %dma_start3A_1071 = arith.constant 0 : i32
        %dma_start3A_1072 = tpu.memref_slice %arg3[%dma_start3A_1070, %dma_start3A_1071] : memref<1000000x64xf32, #tpu.memory_space<hbm>> -> memref<1000000x64xf32, #tpu.memory_space<hbm>>
        tpu.enqueue_indirect_dma source(%dma_start3A_1072 : memref<1000000x64xf32, #tpu.memory_space<hbm>>) target(%dma_start3A_1069 : memref<16x64xf32, #tpu.memory_space<vmem>>) offsets(%get3A_1064 : vector<16xi32>) semaphore(%arg11 : memref<!tpu.dma_semaphore, #tpu.memory_space<semaphore_mem>>)
        %add3A_1073 = arith.constant 304 : i32
        %add3A_1074 = arith.addi %mul3A_825, %add3A_1073 : i32
        %get3A_1075 = arith.index_cast %add3A_1074 : i32 to index
        %get3A_1076 = tpu.vector_load %arg6[%get3A_1075] {strides = array<i32>} : memref<25600xi32, #tpu.memory_space<vmem>>, vector<16xi32>,
        %get3A_1077 = vector.shape_cast %get3A_1076 : vector<16xi32> to vector<16xi32>
        %dma_start3A_1078 = arith.constant 2 : i32
        %dma_start3A_1079 = arith.constant 304 : i32
        %dma_start3A_1080 = arith.constant 0 : i32
        %dma_start3A_1081 = tpu.memref_slice %arg8[%dma_start3A_1078, %dma_start3A_1079, %dma_start3A_1080] : memref<3x400x64xf32, #tpu.memory_space<vmem>> -> memref<1x16x64xf32, #tpu.memory_space<vmem>>
        %dma_start3A_1082 = tpu.memref_squeeze %dma_start3A_1081 : memref<1x16x64xf32, #tpu.memory_space<vmem>> -> memref<16x64xf32, #tpu.memory_space<vmem>>
        %dma_start3A_1083 = arith.constant 0 : i32
        %dma_start3A_1084 = arith.constant 0 : i32
        %dma_start3A_1085 = tpu.memref_slice %arg3[%dma_start3A_1083, %dma_start3A_1084] : memref<1000000x64xf32, #tpu.memory_space<hbm>> -> memref<1000000x64xf32, #tpu.memory_space<hbm>>
        tpu.enqueue_indirect_dma source(%dma_start3A_1085 : memref<1000000x64xf32, #tpu.memory_space<hbm>>) target(%dma_start3A_1082 : memref<16x64xf32, #tpu.memory_space<vmem>>) offsets(%get3A_1077 : vector<16xi32>) semaphore(%arg11 : memref<!tpu.dma_semaphore, #tpu.memory_space<semaphore_mem>>)
        %add3A_1086 = arith.constant 320 : i32
        %add3A_1087 = arith.addi %mul3A_825, %add3A_1086 : i32
        %get3A_1088 = arith.index_cast %add3A_1087 : i32 to index
        %get3A_1089 = tpu.vector_load %arg6[%get3A_1088] {strides = array<i32>} : memref<25600xi32, #tpu.memory_space<vmem>>, vector<16xi32>,
        %get3A_1090 = vector.shape_cast %get3A_1089 : vector<16xi32> to vector<16xi32>
        %dma_start3A_1091 = arith.constant 2 : i32
        %dma_start3A_1092 = arith.constant 320 : i32
        %dma_start3A_1093 = arith.constant 0 : i32
        %dma_start3A_1094 = tpu.memref_slice %arg8[%dma_start3A_1091, %dma_start3A_1092, %dma_start3A_1093] : memref<3x400x64xf32, #tpu.memory_space<vmem>> -> memref<1x16x64xf32, #tpu.memory_space<vmem>>
        %dma_start3A_1095 = tpu.memref_squeeze %dma_start3A_1094 : memref<1x16x64xf32, #tpu.memory_space<vmem>> -> memref<16x64xf32, #tpu.memory_space<vmem>>
        %dma_start3A_1096 = arith.constant 0 : i32
        %dma_start3A_1097 = arith.constant 0 : i32
        %dma_start3A_1098 = tpu.memref_slice %arg3[%dma_start3A_1096, %dma_start3A_1097] : memref<1000000x64xf32, #tpu.memory_space<hbm>> -> memref<1000000x64xf32, #tpu.memory_space<hbm>>
        tpu.enqueue_indirect_dma source(%dma_start3A_1098 : memref<1000000x64xf32, #tpu.memory_space<hbm>>) target(%dma_start3A_1095 : memref<16x64xf32, #tpu.memory_space<vmem>>) offsets(%get3A_1090 : vector<16xi32>) semaphore(%arg11 : memref<!tpu.dma_semaphore, #tpu.memory_space<semaphore_mem>>)
        %add3A_1099 = arith.constant 336 : i32
        %add3A_1100 = arith.addi %mul3A_825, %add3A_1099 : i32
        %get3A_1101 = arith.index_cast %add3A_1100 : i32 to index
        %get3A_1102 = tpu.vector_load %arg6[%get3A_1101] {strides = array<i32>} : memref<25600xi32, #tpu.memory_space<vmem>>, vector<16xi32>,
        %get3A_1103 = vector.shape_cast %get3A_1102 : vector<16xi32> to vector<16xi32>
        %dma_start3A_1104 = arith.constant 2 : i32
        %dma_start3A_1105 = arith.constant 336 : i32
        %dma_start3A_1106 = arith.constant 0 : i32
        %dma_start3A_1107 = tpu.memref_slice %arg8[%dma_start3A_1104, %dma_start3A_1105, %dma_start3A_1106] : memref<3x400x64xf32, #tpu.memory_space<vmem>> -> memref<1x16x64xf32, #tpu.memory_space<vmem>>
        %dma_start3A_1108 = tpu.memref_squeeze %dma_start3A_1107 : memref<1x16x64xf32, #tpu.memory_space<vmem>> -> memref<16x64xf32, #tpu.memory_space<vmem>>
        %dma_start3A_1109 = arith.constant 0 : i32
        %dma_start3A_1110 = arith.constant 0 : i32
        %dma_start3A_1111 = tpu.memref_slice %arg3[%dma_start3A_1109, %dma_start3A_1110] : memref<1000000x64xf32, #tpu.memory_space<hbm>> -> memref<1000000x64xf32, #tpu.memory_space<hbm>>
        tpu.enqueue_indirect_dma source(%dma_start3A_1111 : memref<1000000x64xf32, #tpu.memory_space<hbm>>) target(%dma_start3A_1108 : memref<16x64xf32, #tpu.memory_space<vmem>>) offsets(%get3A_1103 : vector<16xi32>) semaphore(%arg11 : memref<!tpu.dma_semaphore, #tpu.memory_space<semaphore_mem>>)
        %add3A_1112 = arith.constant 352 : i32
        %add3A_1113 = arith.addi %mul3A_825, %add3A_1112 : i32
        %get3A_1114 = arith.index_cast %add3A_1113 : i32 to index
        %get3A_1115 = tpu.vector_load %arg6[%get3A_1114] {strides = array<i32>} : memref<25600xi32, #tpu.memory_space<vmem>>, vector<16xi32>,
        %get3A_1116 = vector.shape_cast %get3A_1115 : vector<16xi32> to vector<16xi32>
        %dma_start3A_1117 = arith.constant 2 : i32
        %dma_start3A_1118 = arith.constant 352 : i32
        %dma_start3A_1119 = arith.constant 0 : i32
        %dma_start3A_1120 = tpu.memref_slice %arg8[%dma_start3A_1117, %dma_start3A_1118, %dma_start3A_1119] : memref<3x400x64xf32, #tpu.memory_space<vmem>> -> memref<1x16x64xf32, #tpu.memory_space<vmem>>
        %dma_start3A_1121 = tpu.memref_squeeze %dma_start3A_1120 : memref<1x16x64xf32, #tpu.memory_space<vmem>> -> memref<16x64xf32, #tpu.memory_space<vmem>>
        %dma_start3A_1122 = arith.constant 0 : i32
        %dma_start3A_1123 = arith.constant 0 : i32
        %dma_start3A_1124 = tpu.memref_slice %arg3[%dma_start3A_1122, %dma_start3A_1123] : memref<1000000x64xf32, #tpu.memory_space<hbm>> -> memref<1000000x64xf32, #tpu.memory_space<hbm>>
        tpu.enqueue_indirect_dma source(%dma_start3A_1124 : memref<1000000x64xf32, #tpu.memory_space<hbm>>) target(%dma_start3A_1121 : memref<16x64xf32, #tpu.memory_space<vmem>>) offsets(%get3A_1116 : vector<16xi32>) semaphore(%arg11 : memref<!tpu.dma_semaphore, #tpu.memory_space<semaphore_mem>>)
        %add3A_1125 = arith.constant 368 : i32
        %add3A_1126 = arith.addi %mul3A_825, %add3A_1125 : i32
        %get3A_1127 = arith.index_cast %add3A_1126 : i32 to index
        %get3A_1128 = tpu.vector_load %arg6[%get3A_1127] {strides = array<i32>} : memref<25600xi32, #tpu.memory_space<vmem>>, vector<16xi32>,
        %get3A_1129 = vector.shape_cast %get3A_1128 : vector<16xi32> to vector<16xi32>
        %dma_start3A_1130 = arith.constant 2 : i32
        %dma_start3A_1131 = arith.constant 368 : i32
        %dma_start3A_1132 = arith.constant 0 : i32
        %dma_start3A_1133 = tpu.memref_slice %arg8[%dma_start3A_1130, %dma_start3A_1131, %dma_start3A_1132] : memref<3x400x64xf32, #tpu.memory_space<vmem>> -> memref<1x16x64xf32, #tpu.memory_space<vmem>>
        %dma_start3A_1134 = tpu.memref_squeeze %dma_start3A_1133 : memref<1x16x64xf32, #tpu.memory_space<vmem>> -> memref<16x64xf32, #tpu.memory_space<vmem>>
        %dma_start3A_1135 = arith.constant 0 : i32
        %dma_start3A_1136 = arith.constant 0 : i32
        %dma_start3A_1137 = tpu.memref_slice %arg3[%dma_start3A_1135, %dma_start3A_1136] : memref<1000000x64xf32, #tpu.memory_space<hbm>> -> memref<1000000x64xf32, #tpu.memory_space<hbm>>
        tpu.enqueue_indirect_dma source(%dma_start3A_1137 : memref<1000000x64xf32, #tpu.memory_space<hbm>>) target(%dma_start3A_1134 : memref<16x64xf32, #tpu.memory_space<vmem>>) offsets(%get3A_1129 : vector<16xi32>) semaphore(%arg11 : memref<!tpu.dma_semaphore, #tpu.memory_space<semaphore_mem>>)
        %add3A_1138 = arith.constant 384 : i32
        %add3A_1139 = arith.addi %mul3A_825, %add3A_1138 : i32
        %get3A_1140 = arith.index_cast %add3A_1139 : i32 to index
        %get3A_1141 = tpu.vector_load %arg6[%get3A_1140] {strides = array<i32>} : memref<25600xi32, #tpu.memory_space<vmem>>, vector<16xi32>,
        %get3A_1142 = vector.shape_cast %get3A_1141 : vector<16xi32> to vector<16xi32>
        %dma_start3A_1143 = arith.constant 2 : i32
        %dma_start3A_1144 = arith.constant 384 : i32
        %dma_start3A_1145 = arith.constant 0 : i32
        %dma_start3A_1146 = tpu.memref_slice %arg8[%dma_start3A_1143, %dma_start3A_1144, %dma_start3A_1145] : memref<3x400x64xf32, #tpu.memory_space<vmem>> -> memref<1x16x64xf32, #tpu.memory_space<vmem>>
        %dma_start3A_1147 = tpu.memref_squeeze %dma_start3A_1146 : memref<1x16x64xf32, #tpu.memory_space<vmem>> -> memref<16x64xf32, #tpu.memory_space<vmem>>
        %dma_start3A_1148 = arith.constant 0 : i32
        %dma_start3A_1149 = arith.constant 0 : i32
        %dma_start3A_1150 = tpu.memref_slice %arg3[%dma_start3A_1148, %dma_start3A_1149] : memref<1000000x64xf32, #tpu.memory_space<hbm>> -> memref<1000000x64xf32, #tpu.memory_space<hbm>>
        tpu.enqueue_indirect_dma source(%dma_start3A_1150 : memref<1000000x64xf32, #tpu.memory_space<hbm>>) target(%dma_start3A_1147 : memref<16x64xf32, #tpu.memory_space<vmem>>) offsets(%get3A_1142 : vector<16xi32>) semaphore(%arg11 : memref<!tpu.dma_semaphore, #tpu.memory_space<semaphore_mem>>)
      } else {
      }
      %mul3A_700 = arith.constant 3 : i32
      %mul3A_701 = arith.muli %mul3A_700, %scan3A_644 : i32
      %add3A_702 = arith.constant 1 : i32
      %add3A_703 = arith.addi %mul3A_701, %add3A_702 : i32
      %dma_wait3A_704 = arith.constant 1 : i32
      %dma_wait3A_705 = arith.constant 0 : i32
      %dma_wait3A_706 = arith.constant 0 : i32
      %dma_wait3A_707 = tpu.memref_slice %arg8[%dma_wait3A_704, %dma_wait3A_705, %dma_wait3A_706] : memref<3x400x64xf32, #tpu.memory_space<vmem>> -> memref<1x400x64xf32, #tpu.memory_space<vmem>>
      %dma_wait3A_708 = tpu.memref_squeeze %dma_wait3A_707 : memref<1x400x64xf32, #tpu.memory_space<vmem>> -> memref<400x64xf32, #tpu.memory_space<vmem>>
      %dma_wait3A_709 = arith.constant 0 : i32
      %dma_wait3A_710 = arith.constant 0 : i32
      %dma_wait3A_711 = tpu.memref_slice %arg5[%dma_wait3A_709, %dma_wait3A_710] : memref<819200x128xf32, #tpu.memory_space<hbm>> -> memref<400x64xf32, #tpu.memory_space<hbm>>
      %dma_wait3A_712 = arith.constant 0 : i32
      %dma_wait3A_713 = arith.constant 0 : i32
      %dma_wait3A_714 = tpu.memref_slice %arg8[%dma_wait3A_704, %dma_wait3A_712, %dma_wait3A_713] : memref<3x400x64xf32, #tpu.memory_space<vmem>> -> memref<1x400x64xf32, #tpu.memory_space<vmem>>
      %dma_wait3A_715 = tpu.memref_squeeze %dma_wait3A_714 : memref<1x400x64xf32, #tpu.memory_space<vmem>> -> memref<400x64xf32, #tpu.memory_space<vmem>>
      %dma_wait3A_716 = arith.constant 0 : i32
      %dma_wait3A_717 = arith.constant 0 : i32
      %dma_wait3A_718 = tpu.memref_slice %arg5[%dma_wait3A_716, %dma_wait3A_717] : memref<819200x128xf32, #tpu.memory_space<hbm>> -> memref<400x64xf32, #tpu.memory_space<hbm>>
      tpu.wait_dma2 semaphore(%arg10 : memref<!tpu.dma_semaphore, #tpu.memory_space<semaphore_mem>>) src(%dma_wait3A_718 : memref<400x64xf32, #tpu.memory_space<hbm>>) dst(%dma_wait3A_715 : memref<400x64xf32, #tpu.memory_space<vmem>>)
      %scan3A_719 = arith.constant 0 : i32
      %scan3A_720 = arith.constant 0 : i32
      %scan3A_721 = arith.constant 50 : i32
      %scan3A_722 = arith.addi %scan3A_720, %scan3A_721 : i32
      %scan3A_723 = arith.constant 1 : i32
      %scan3A_724 = scf.for %scan3A_816 = %scan3A_720 to %scan3A_722 step %scan3A_723 iter_args(%scan3A_817 = %scan3A_719) -> (i32)  : i32 {
        %mul3A_818 = arith.constant 4 : i32
        %mul3A_819 = arith.muli %scan3A_816, %mul3A_818 : i32
        %add3A_820 = arith.constant 0 : i32
        %add3A_821 = arith.addi %mul3A_819, %add3A_820 : i32
        %add3A_822 = arith.constant 0 : i32
        %add3A_823 = arith.addi %add3A_822, %add3A_821 : i32
        %get3A_824 = arith.index_cast %add3A_821 : i32 to index
        %get3A_825 = arith.constant 0 : index
        %get3A_826 = tpu.vector_load %arg7[%get3A_824, %get3A_825] {strides = array<i32>} : memref<200x64xf32, #tpu.memory_space<vmem>>, vector<1x16xf32>,
        %get3A_827 = vector.shape_cast %get3A_826 : vector<1x16xf32> to vector<16xf32>
        %swap3A = arith.constant 1 : i32
        %swap3A_828 = arith.index_cast %swap3A : i32 to index
        %swap3A_829 = arith.index_cast %add3A_823 : i32 to index
        %swap3A_830 = arith.constant 0 : index
        %swap3A_831 = tpu.vector_load %arg8[%swap3A_828, %swap3A_829, %swap3A_830] {strides = array<i32>} : memref<3x400x64xf32, #tpu.memory_space<vmem>>, vector<1x1x16xf32>,
        %swap3A_832 = vector.shape_cast %swap3A_831 : vector<1x1x16xf32> to vector<16xf32>
        %swap3A_833 = vector.shape_cast %get3A_827 : vector<16xf32> to vector<1x1x16xf32>
        tpu.vector_store %arg8[%swap3A_828, %swap3A_829, %swap3A_830], %swap3A_833 {add = true, strides = array<i32>} : memref<3x400x64xf32, #tpu.memory_space<vmem>>, vector<1x1x16xf32>,
        %add3A_834 = arith.constant 0 : i32
        %add3A_835 = arith.addi %add3A_834, %add3A_821 : i32
        %get3A_836 = arith.index_cast %add3A_821 : i32 to index
        %get3A_837 = arith.constant 16 : index
        %get3A_838 = tpu.vector_load %arg7[%get3A_836, %get3A_837] {strides = array<i32>} : memref<200x64xf32, #tpu.memory_space<vmem>>, vector<1x16xf32>,
        %get3A_839 = vector.shape_cast %get3A_838 : vector<1x16xf32> to vector<16xf32>
        %swap3A_840 = arith.constant 1 : i32
        %swap3A_841 = arith.index_cast %swap3A_840 : i32 to index
        %swap3A_842 = arith.index_cast %add3A_835 : i32 to index
        %swap3A_843 = arith.constant 16 : index
        %swap3A_844 = tpu.vector_load %arg8[%swap3A_841, %swap3A_842, %swap3A_843] {strides = array<i32>} : memref<3x400x64xf32, #tpu.memory_space<vmem>>, vector<1x1x16xf32>,
        %swap3A_845 = vector.shape_cast %swap3A_844 : vector<1x1x16xf32> to vector<16xf32>
        %swap3A_846 = vector.shape_cast %get3A_839 : vector<16xf32> to vector<1x1x16xf32>
        tpu.vector_store %arg8[%swap3A_841, %swap3A_842, %swap3A_843], %swap3A_846 {add = true, strides = array<i32>} : memref<3x400x64xf32, #tpu.memory_space<vmem>>, vector<1x1x16xf32>,
        %add3A_847 = arith.constant 0 : i32
        %add3A_848 = arith.addi %add3A_847, %add3A_821 : i32
        %get3A_849 = arith.index_cast %add3A_821 : i32 to index
        %get3A_850 = arith.constant 32 : index
        %get3A_851 = tpu.vector_load %arg7[%get3A_849, %get3A_850] {strides = array<i32>} : memref<200x64xf32, #tpu.memory_space<vmem>>, vector<1x16xf32>,
        %get3A_852 = vector.shape_cast %get3A_851 : vector<1x16xf32> to vector<16xf32>
        %swap3A_853 = arith.constant 1 : i32
        %swap3A_854 = arith.index_cast %swap3A_853 : i32 to index
        %swap3A_855 = arith.index_cast %add3A_848 : i32 to index
        %swap3A_856 = arith.constant 32 : index
        %swap3A_857 = tpu.vector_load %arg8[%swap3A_854, %swap3A_855, %swap3A_856] {strides = array<i32>} : memref<3x400x64xf32, #tpu.memory_space<vmem>>, vector<1x1x16xf32>,
        %swap3A_858 = vector.shape_cast %swap3A_857 : vector<1x1x16xf32> to vector<16xf32>
        %swap3A_859 = vector.shape_cast %get3A_852 : vector<16xf32> to vector<1x1x16xf32>
        tpu.vector_store %arg8[%swap3A_854, %swap3A_855, %swap3A_856], %swap3A_859 {add = true, strides = array<i32>} : memref<3x400x64xf32, #tpu.memory_space<vmem>>, vector<1x1x16xf32>,
        %add3A_860 = arith.constant 0 : i32
        %add3A_861 = arith.addi %add3A_860, %add3A_821 : i32
        %get3A_862 = arith.index_cast %add3A_821 : i32 to index
        %get3A_863 = arith.constant 48 : index
        %get3A_864 = tpu.vector_load %arg7[%get3A_862, %get3A_863] {strides = array<i32>} : memref<200x64xf32, #tpu.memory_space<vmem>>, vector<1x16xf32>,
        %get3A_865 = vector.shape_cast %get3A_864 : vector<1x16xf32> to vector<16xf32>
        %swap3A_866 = arith.constant 1 : i32
        %swap3A_867 = arith.index_cast %swap3A_866 : i32 to index
        %swap3A_868 = arith.index_cast %add3A_861 : i32 to index
        %swap3A_869 = arith.constant 48 : index
        %swap3A_870 = tpu.vector_load %arg8[%swap3A_867, %swap3A_868, %swap3A_869] {strides = array<i32>} : memref<3x400x64xf32, #tpu.memory_space<vmem>>, vector<1x1x16xf32>,
        %swap3A_871 = vector.shape_cast %swap3A_870 : vector<1x1x16xf32> to vector<16xf32>
        %swap3A_872 = vector.shape_cast %get3A_865 : vector<16xf32> to vector<1x1x16xf32>
        tpu.vector_store %arg8[%swap3A_867, %swap3A_868, %swap3A_869], %swap3A_872 {add = true, strides = array<i32>} : memref<3x400x64xf32, #tpu.memory_space<vmem>>, vector<1x1x16xf32>,
        %mul3A_873 = arith.constant 4 : i32
        %mul3A_874 = arith.muli %scan3A_816, %mul3A_873 : i32
        %add3A_875 = arith.constant 1 : i32
        %add3A_876 = arith.addi %mul3A_874, %add3A_875 : i32
        %add3A_877 = arith.constant 0 : i32
        %add3A_878 = arith.addi %add3A_877, %add3A_876 : i32
        %get3A_879 = arith.index_cast %add3A_876 : i32 to index
        %get3A_880 = arith.constant 0 : index
        %get3A_881 = tpu.vector_load %arg7[%get3A_879, %get3A_880] {strides = array<i32>} : memref<200x64xf32, #tpu.memory_space<vmem>>, vector<1x16xf32>,
        %get3A_882 = vector.shape_cast %get3A_881 : vector<1x16xf32> to vector<16xf32>
        %swap3A_883 = arith.constant 1 : i32
        %swap3A_884 = arith.index_cast %swap3A_883 : i32 to index
        %swap3A_885 = arith.index_cast %add3A_878 : i32 to index
        %swap3A_886 = arith.constant 0 : index
        %swap3A_887 = tpu.vector_load %arg8[%swap3A_884, %swap3A_885, %swap3A_886] {strides = array<i32>} : memref<3x400x64xf32, #tpu.memory_space<vmem>>, vector<1x1x16xf32>,
        %swap3A_888 = vector.shape_cast %swap3A_887 : vector<1x1x16xf32> to vector<16xf32>
        %swap3A_889 = vector.shape_cast %get3A_882 : vector<16xf32> to vector<1x1x16xf32>
        tpu.vector_store %arg8[%swap3A_884, %swap3A_885, %swap3A_886], %swap3A_889 {add = true, strides = array<i32>} : memref<3x400x64xf32, #tpu.memory_space<vmem>>, vector<1x1x16xf32>,
        %add3A_890 = arith.constant 0 : i32
        %add3A_891 = arith.addi %add3A_890, %add3A_876 : i32
        %get3A_892 = arith.index_cast %add3A_876 : i32 to index
        %get3A_893 = arith.constant 16 : index
        %get3A_894 = tpu.vector_load %arg7[%get3A_892, %get3A_893] {strides = array<i32>} : memref<200x64xf32, #tpu.memory_space<vmem>>, vector<1x16xf32>,
        %get3A_895 = vector.shape_cast %get3A_894 : vector<1x16xf32> to vector<16xf32>
        %swap3A_896 = arith.constant 1 : i32
        %swap3A_897 = arith.index_cast %swap3A_896 : i32 to index
        %swap3A_898 = arith.index_cast %add3A_891 : i32 to index
        %swap3A_899 = arith.constant 16 : index
        %swap3A_900 = tpu.vector_load %arg8[%swap3A_897, %swap3A_898, %swap3A_899] {strides = array<i32>} : memref<3x400x64xf32, #tpu.memory_space<vmem>>, vector<1x1x16xf32>,
        %swap3A_901 = vector.shape_cast %swap3A_900 : vector<1x1x16xf32> to vector<16xf32>
        %swap3A_902 = vector.shape_cast %get3A_895 : vector<16xf32> to vector<1x1x16xf32>
        tpu.vector_store %arg8[%swap3A_897, %swap3A_898, %swap3A_899], %swap3A_902 {add = true, strides = array<i32>} : memref<3x400x64xf32, #tpu.memory_space<vmem>>, vector<1x1x16xf32>,
        %add3A_903 = arith.constant 0 : i32
        %add3A_904 = arith.addi %add3A_903, %add3A_876 : i32
        %get3A_905 = arith.index_cast %add3A_876 : i32 to index
        %get3A_906 = arith.constant 32 : index
        %get3A_907 = tpu.vector_load %arg7[%get3A_905, %get3A_906] {strides = array<i32>} : memref<200x64xf32, #tpu.memory_space<vmem>>, vector<1x16xf32>,
        %get3A_908 = vector.shape_cast %get3A_907 : vector<1x16xf32> to vector<16xf32>
        %swap3A_909 = arith.constant 1 : i32
        %swap3A_910 = arith.index_cast %swap3A_909 : i32 to index
        %swap3A_911 = arith.index_cast %add3A_904 : i32 to index
        %swap3A_912 = arith.constant 32 : index
        %swap3A_913 = tpu.vector_load %arg8[%swap3A_910, %swap3A_911, %swap3A_912] {strides = array<i32>} : memref<3x400x64xf32, #tpu.memory_space<vmem>>, vector<1x1x16xf32>,
        %swap3A_914 = vector.shape_cast %swap3A_913 : vector<1x1x16xf32> to vector<16xf32>
        %swap3A_915 = vector.shape_cast %get3A_908 : vector<16xf32> to vector<1x1x16xf32>
        tpu.vector_store %arg8[%swap3A_910, %swap3A_911, %swap3A_912], %swap3A_915 {add = true, strides = array<i32>} : memref<3x400x64xf32, #tpu.memory_space<vmem>>, vector<1x1x16xf32>,
        %add3A_916 = arith.constant 0 : i32
        %add3A_917 = arith.addi %add3A_916, %add3A_876 : i32
        %get3A_918 = arith.index_cast %add3A_876 : i32 to index
        %get3A_919 = arith.constant 48 : index
        %get3A_920 = tpu.vector_load %arg7[%get3A_918, %get3A_919] {strides = array<i32>} : memref<200x64xf32, #tpu.memory_space<vmem>>, vector<1x16xf32>,
        %get3A_921 = vector.shape_cast %get3A_920 : vector<1x16xf32> to vector<16xf32>
        %swap3A_922 = arith.constant 1 : i32
        %swap3A_923 = arith.index_cast %swap3A_922 : i32 to index
        %swap3A_924 = arith.index_cast %add3A_917 : i32 to index
        %swap3A_925 = arith.constant 48 : index
        %swap3A_926 = tpu.vector_load %arg8[%swap3A_923, %swap3A_924, %swap3A_925] {strides = array<i32>} : memref<3x400x64xf32, #tpu.memory_space<vmem>>, vector<1x1x16xf32>,
        %swap3A_927 = vector.shape_cast %swap3A_926 : vector<1x1x16xf32> to vector<16xf32>
        %swap3A_928 = vector.shape_cast %get3A_921 : vector<16xf32> to vector<1x1x16xf32>
        tpu.vector_store %arg8[%swap3A_923, %swap3A_924, %swap3A_925], %swap3A_928 {add = true, strides = array<i32>} : memref<3x400x64xf32, #tpu.memory_space<vmem>>, vector<1x1x16xf32>,
        %mul3A_929 = arith.constant 4 : i32
        %mul3A_930 = arith.muli %scan3A_816, %mul3A_929 : i32
        %add3A_931 = arith.constant 2 : i32
        %add3A_932 = arith.addi %mul3A_930, %add3A_931 : i32
        %add3A_933 = arith.constant 0 : i32
        %add3A_934 = arith.addi %add3A_933, %add3A_932 : i32
        %get3A_935 = arith.index_cast %add3A_932 : i32 to index
        %get3A_936 = arith.constant 0 : index
        %get3A_937 = tpu.vector_load %arg7[%get3A_935, %get3A_936] {strides = array<i32>} : memref<200x64xf32, #tpu.memory_space<vmem>>, vector<1x16xf32>,
        %get3A_938 = vector.shape_cast %get3A_937 : vector<1x16xf32> to vector<16xf32>
        %swap3A_939 = arith.constant 1 : i32
        %swap3A_940 = arith.index_cast %swap3A_939 : i32 to index
        %swap3A_941 = arith.index_cast %add3A_934 : i32 to index
        %swap3A_942 = arith.constant 0 : index
        %swap3A_943 = tpu.vector_load %arg8[%swap3A_940, %swap3A_941, %swap3A_942] {strides = array<i32>} : memref<3x400x64xf32, #tpu.memory_space<vmem>>, vector<1x1x16xf32>,
        %swap3A_944 = vector.shape_cast %swap3A_943 : vector<1x1x16xf32> to vector<16xf32>
        %swap3A_945 = vector.shape_cast %get3A_938 : vector<16xf32> to vector<1x1x16xf32>
        tpu.vector_store %arg8[%swap3A_940, %swap3A_941, %swap3A_942], %swap3A_945 {add = true, strides = array<i32>} : memref<3x400x64xf32, #tpu.memory_space<vmem>>, vector<1x1x16xf32>,
        %add3A_946 = arith.constant 0 : i32
        %add3A_947 = arith.addi %add3A_946, %add3A_932 : i32
        %get3A_948 = arith.index_cast %add3A_932 : i32 to index
        %get3A_949 = arith.constant 16 : index
        %get3A_950 = tpu.vector_load %arg7[%get3A_948, %get3A_949] {strides = array<i32>} : memref<200x64xf32, #tpu.memory_space<vmem>>, vector<1x16xf32>,
        %get3A_951 = vector.shape_cast %get3A_950 : vector<1x16xf32> to vector<16xf32>
        %swap3A_952 = arith.constant 1 : i32
        %swap3A_953 = arith.index_cast %swap3A_952 : i32 to index
        %swap3A_954 = arith.index_cast %add3A_947 : i32 to index
        %swap3A_955 = arith.constant 16 : index
        %swap3A_956 = tpu.vector_load %arg8[%swap3A_953, %swap3A_954, %swap3A_955] {strides = array<i32>} : memref<3x400x64xf32, #tpu.memory_space<vmem>>, vector<1x1x16xf32>,
        %swap3A_957 = vector.shape_cast %swap3A_956 : vector<1x1x16xf32> to vector<16xf32>
        %swap3A_958 = vector.shape_cast %get3A_951 : vector<16xf32> to vector<1x1x16xf32>
        tpu.vector_store %arg8[%swap3A_953, %swap3A_954, %swap3A_955], %swap3A_958 {add = true, strides = array<i32>} : memref<3x400x64xf32, #tpu.memory_space<vmem>>, vector<1x1x16xf32>,
        %add3A_959 = arith.constant 0 : i32
        %add3A_960 = arith.addi %add3A_959, %add3A_932 : i32
        %get3A_961 = arith.index_cast %add3A_932 : i32 to index
        %get3A_962 = arith.constant 32 : index
        %get3A_963 = tpu.vector_load %arg7[%get3A_961, %get3A_962] {strides = array<i32>} : memref<200x64xf32, #tpu.memory_space<vmem>>, vector<1x16xf32>,
        %get3A_964 = vector.shape_cast %get3A_963 : vector<1x16xf32> to vector<16xf32>
        %swap3A_965 = arith.constant 1 : i32
        %swap3A_966 = arith.index_cast %swap3A_965 : i32 to index
        %swap3A_967 = arith.index_cast %add3A_960 : i32 to index
        %swap3A_968 = arith.constant 32 : index
        %swap3A_969 = tpu.vector_load %arg8[%swap3A_966, %swap3A_967, %swap3A_968] {strides = array<i32>} : memref<3x400x64xf32, #tpu.memory_space<vmem>>, vector<1x1x16xf32>,
        %swap3A_970 = vector.shape_cast %swap3A_969 : vector<1x1x16xf32> to vector<16xf32>
        %swap3A_971 = vector.shape_cast %get3A_964 : vector<16xf32> to vector<1x1x16xf32>
        tpu.vector_store %arg8[%swap3A_966, %swap3A_967, %swap3A_968], %swap3A_971 {add = true, strides = array<i32>} : memref<3x400x64xf32, #tpu.memory_space<vmem>>, vector<1x1x16xf32>,
        %add3A_972 = arith.constant 0 : i32
        %add3A_973 = arith.addi %add3A_972, %add3A_932 : i32
        %get3A_974 = arith.index_cast %add3A_932 : i32 to index
        %get3A_975 = arith.constant 48 : index
        %get3A_976 = tpu.vector_load %arg7[%get3A_974, %get3A_975] {strides = array<i32>} : memref<200x64xf32, #tpu.memory_space<vmem>>, vector<1x16xf32>,
        %get3A_977 = vector.shape_cast %get3A_976 : vector<1x16xf32> to vector<16xf32>
        %swap3A_978 = arith.constant 1 : i32
        %swap3A_979 = arith.index_cast %swap3A_978 : i32 to index
        %swap3A_980 = arith.index_cast %add3A_973 : i32 to index
        %swap3A_981 = arith.constant 48 : index
        %swap3A_982 = tpu.vector_load %arg8[%swap3A_979, %swap3A_980, %swap3A_981] {strides = array<i32>} : memref<3x400x64xf32, #tpu.memory_space<vmem>>, vector<1x1x16xf32>,
        %swap3A_983 = vector.shape_cast %swap3A_982 : vector<1x1x16xf32> to vector<16xf32>
        %swap3A_984 = vector.shape_cast %get3A_977 : vector<16xf32> to vector<1x1x16xf32>
        tpu.vector_store %arg8[%swap3A_979, %swap3A_980, %swap3A_981], %swap3A_984 {add = true, strides = array<i32>} : memref<3x400x64xf32, #tpu.memory_space<vmem>>, vector<1x1x16xf32>,
        %mul3A_985 = arith.constant 4 : i32
        %mul3A_986 = arith.muli %scan3A_816, %mul3A_985 : i32
        %add3A_987 = arith.constant 3 : i32
        %add3A_988 = arith.addi %mul3A_986, %add3A_987 : i32
        %add3A_989 = arith.constant 0 : i32
        %add3A_990 = arith.addi %add3A_989, %add3A_988 : i32
        %get3A_991 = arith.index_cast %add3A_988 : i32 to index
        %get3A_992 = arith.constant 0 : index
        %get3A_993 = tpu.vector_load %arg7[%get3A_991, %get3A_992] {strides = array<i32>} : memref<200x64xf32, #tpu.memory_space<vmem>>, vector<1x16xf32>,
        %get3A_994 = vector.shape_cast %get3A_993 : vector<1x16xf32> to vector<16xf32>
        %swap3A_995 = arith.constant 1 : i32
        %swap3A_996 = arith.index_cast %swap3A_995 : i32 to index
        %swap3A_997 = arith.index_cast %add3A_990 : i32 to index
        %swap3A_998 = arith.constant 0 : index
        %swap3A_999 = tpu.vector_load %arg8[%swap3A_996, %swap3A_997, %swap3A_998] {strides = array<i32>} : memref<3x400x64xf32, #tpu.memory_space<vmem>>, vector<1x1x16xf32>,
        %swap3A_1000 = vector.shape_cast %swap3A_999 : vector<1x1x16xf32> to vector<16xf32>
        %swap3A_1001 = vector.shape_cast %get3A_994 : vector<16xf32> to vector<1x1x16xf32>
        tpu.vector_store %arg8[%swap3A_996, %swap3A_997, %swap3A_998], %swap3A_1001 {add = true, strides = array<i32>} : memref<3x400x64xf32, #tpu.memory_space<vmem>>, vector<1x1x16xf32>,
        %add3A_1002 = arith.constant 0 : i32
        %add3A_1003 = arith.addi %add3A_1002, %add3A_988 : i32
        %get3A_1004 = arith.index_cast %add3A_988 : i32 to index
        %get3A_1005 = arith.constant 16 : index
        %get3A_1006 = tpu.vector_load %arg7[%get3A_1004, %get3A_1005] {strides = array<i32>} : memref<200x64xf32, #tpu.memory_space<vmem>>, vector<1x16xf32>,
        %get3A_1007 = vector.shape_cast %get3A_1006 : vector<1x16xf32> to vector<16xf32>
        %swap3A_1008 = arith.constant 1 : i32
        %swap3A_1009 = arith.index_cast %swap3A_1008 : i32 to index
        %swap3A_1010 = arith.index_cast %add3A_1003 : i32 to index
        %swap3A_1011 = arith.constant 16 : index
        %swap3A_1012 = tpu.vector_load %arg8[%swap3A_1009, %swap3A_1010, %swap3A_1011] {strides = array<i32>} : memref<3x400x64xf32, #tpu.memory_space<vmem>>, vector<1x1x16xf32>,
        %swap3A_1013 = vector.shape_cast %swap3A_1012 : vector<1x1x16xf32> to vector<16xf32>
        %swap3A_1014 = vector.shape_cast %get3A_1007 : vector<16xf32> to vector<1x1x16xf32>
        tpu.vector_store %arg8[%swap3A_1009, %swap3A_1010, %swap3A_1011], %swap3A_1014 {add = true, strides = array<i32>} : memref<3x400x64xf32, #tpu.memory_space<vmem>>, vector<1x1x16xf32>,
        %add3A_1015 = arith.constant 0 : i32
        %add3A_1016 = arith.addi %add3A_1015, %add3A_988 : i32
        %get3A_1017 = arith.index_cast %add3A_988 : i32 to index
        %get3A_1018 = arith.constant 32 : index
        %get3A_1019 = tpu.vector_load %arg7[%get3A_1017, %get3A_1018] {strides = array<i32>} : memref<200x64xf32, #tpu.memory_space<vmem>>, vector<1x16xf32>,
        %get3A_1020 = vector.shape_cast %get3A_1019 : vector<1x16xf32> to vector<16xf32>
        %swap3A_1021 = arith.constant 1 : i32
        %swap3A_1022 = arith.index_cast %swap3A_1021 : i32 to index
        %swap3A_1023 = arith.index_cast %add3A_1016 : i32 to index
        %swap3A_1024 = arith.constant 32 : index
        %swap3A_1025 = tpu.vector_load %arg8[%swap3A_1022, %swap3A_1023, %swap3A_1024] {strides = array<i32>} : memref<3x400x64xf32, #tpu.memory_space<vmem>>, vector<1x1x16xf32>,
        %swap3A_1026 = vector.shape_cast %swap3A_1025 : vector<1x1x16xf32> to vector<16xf32>
        %swap3A_1027 = vector.shape_cast %get3A_1020 : vector<16xf32> to vector<1x1x16xf32>
        tpu.vector_store %arg8[%swap3A_1022, %swap3A_1023, %swap3A_1024], %swap3A_1027 {add = true, strides = array<i32>} : memref<3x400x64xf32, #tpu.memory_space<vmem>>, vector<1x1x16xf32>,
        %add3A_1028 = arith.constant 0 : i32
        %add3A_1029 = arith.addi %add3A_1028, %add3A_988 : i32
        %get3A_1030 = arith.index_cast %add3A_988 : i32 to index
        %get3A_1031 = arith.constant 48 : index
        %get3A_1032 = tpu.vector_load %arg7[%get3A_1030, %get3A_1031] {strides = array<i32>} : memref<200x64xf32, #tpu.memory_space<vmem>>, vector<1x16xf32>,
        %get3A_1033 = vector.shape_cast %get3A_1032 : vector<1x16xf32> to vector<16xf32>
        %swap3A_1034 = arith.constant 1 : i32
        %swap3A_1035 = arith.index_cast %swap3A_1034 : i32 to index
        %swap3A_1036 = arith.index_cast %add3A_1029 : i32 to index
        %swap3A_1037 = arith.constant 48 : index
        %swap3A_1038 = tpu.vector_load %arg8[%swap3A_1035, %swap3A_1036, %swap3A_1037] {strides = array<i32>} : memref<3x400x64xf32, #tpu.memory_space<vmem>>, vector<1x1x16xf32>,
        %swap3A_1039 = vector.shape_cast %swap3A_1038 : vector<1x1x16xf32> to vector<16xf32>
        %swap3A_1040 = vector.shape_cast %get3A_1033 : vector<16xf32> to vector<1x1x16xf32>
        tpu.vector_store %arg8[%swap3A_1035, %swap3A_1036, %swap3A_1037], %swap3A_1040 {add = true, strides = array<i32>} : memref<3x400x64xf32, #tpu.memory_space<vmem>>, vector<1x1x16xf32>,
        %scan3A_1041 = arith.constant 0 : i32
        scf.yield %scan3A_1041 : i32
      }
      %scan3A_725 = arith.constant 50 : i32
      %scan3A_726 = arith.constant 0 : i32
      %scan3A_727 = arith.constant 0 : i32
      %scan3A_728 = arith.constant 50 : i32
      %scan3A_729 = arith.addi %scan3A_727, %scan3A_728 : i32
      %scan3A_730 = arith.constant 1 : i32
      %scan3A_731 = scf.for %scan3A_816 = %scan3A_727 to %scan3A_729 step %scan3A_730 iter_args(%scan3A_817 = %scan3A_726) -> (i32)  : i32 {
        %mul3A_818 = arith.constant 4 : i32
        %mul3A_819 = arith.muli %scan3A_816, %mul3A_818 : i32
        %add3A_820 = arith.constant 0 : i32
        %add3A_821 = arith.addi %mul3A_819, %add3A_820 : i32
        %add3A_822 = arith.constant 200 : i32
        %add3A_823 = arith.addi %add3A_822, %add3A_821 : i32
        %get3A_824 = arith.index_cast %add3A_821 : i32 to index
        %get3A_825 = arith.constant 0 : index
        %get3A_826 = tpu.vector_load %arg7[%get3A_824, %get3A_825] {strides = array<i32>} : memref<200x64xf32, #tpu.memory_space<vmem>>, vector<1x16xf32>,
        %get3A_827 = vector.shape_cast %get3A_826 : vector<1x16xf32> to vector<16xf32>
        %swap3A = arith.constant 1 : i32
        %swap3A_828 = arith.index_cast %swap3A : i32 to index
        %swap3A_829 = arith.index_cast %add3A_823 : i32 to index
        %swap3A_830 = arith.constant 0 : index
        %swap3A_831 = tpu.vector_load %arg8[%swap3A_828, %swap3A_829, %swap3A_830] {strides = array<i32>} : memref<3x400x64xf32, #tpu.memory_space<vmem>>, vector<1x1x16xf32>,
        %swap3A_832 = vector.shape_cast %swap3A_831 : vector<1x1x16xf32> to vector<16xf32>
        %swap3A_833 = vector.shape_cast %get3A_827 : vector<16xf32> to vector<1x1x16xf32>
        tpu.vector_store %arg8[%swap3A_828, %swap3A_829, %swap3A_830], %swap3A_833 {add = true, strides = array<i32>} : memref<3x400x64xf32, #tpu.memory_space<vmem>>, vector<1x1x16xf32>,
        %add3A_834 = arith.constant 200 : i32
        %add3A_835 = arith.addi %add3A_834, %add3A_821 : i32
        %get3A_836 = arith.index_cast %add3A_821 : i32 to index
        %get3A_837 = arith.constant 16 : index
        %get3A_838 = tpu.vector_load %arg7[%get3A_836, %get3A_837] {strides = array<i32>} : memref<200x64xf32, #tpu.memory_space<vmem>>, vector<1x16xf32>,
        %get3A_839 = vector.shape_cast %get3A_838 : vector<1x16xf32> to vector<16xf32>
        %swap3A_840 = arith.constant 1 : i32
        %swap3A_841 = arith.index_cast %swap3A_840 : i32 to index
        %swap3A_842 = arith.index_cast %add3A_835 : i32 to index
        %swap3A_843 = arith.constant 16 : index
        %swap3A_844 = tpu.vector_load %arg8[%swap3A_841, %swap3A_842, %swap3A_843] {strides = array<i32>} : memref<3x400x64xf32, #tpu.memory_space<vmem>>, vector<1x1x16xf32>,
        %swap3A_845 = vector.shape_cast %swap3A_844 : vector<1x1x16xf32> to vector<16xf32>
        %swap3A_846 = vector.shape_cast %get3A_839 : vector<16xf32> to vector<1x1x16xf32>
        tpu.vector_store %arg8[%swap3A_841, %swap3A_842, %swap3A_843], %swap3A_846 {add = true, strides = array<i32>} : memref<3x400x64xf32, #tpu.memory_space<vmem>>, vector<1x1x16xf32>,
        %add3A_847 = arith.constant 200 : i32
        %add3A_848 = arith.addi %add3A_847, %add3A_821 : i32
        %get3A_849 = arith.index_cast %add3A_821 : i32 to index
        %get3A_850 = arith.constant 32 : index
        %get3A_851 = tpu.vector_load %arg7[%get3A_849, %get3A_850] {strides = array<i32>} : memref<200x64xf32, #tpu.memory_space<vmem>>, vector<1x16xf32>,
        %get3A_852 = vector.shape_cast %get3A_851 : vector<1x16xf32> to vector<16xf32>
        %swap3A_853 = arith.constant 1 : i32
        %swap3A_854 = arith.index_cast %swap3A_853 : i32 to index
        %swap3A_855 = arith.index_cast %add3A_848 : i32 to index
        %swap3A_856 = arith.constant 32 : index
        %swap3A_857 = tpu.vector_load %arg8[%swap3A_854, %swap3A_855, %swap3A_856] {strides = array<i32>} : memref<3x400x64xf32, #tpu.memory_space<vmem>>, vector<1x1x16xf32>,
        %swap3A_858 = vector.shape_cast %swap3A_857 : vector<1x1x16xf32> to vector<16xf32>
        %swap3A_859 = vector.shape_cast %get3A_852 : vector<16xf32> to vector<1x1x16xf32>
        tpu.vector_store %arg8[%swap3A_854, %swap3A_855, %swap3A_856], %swap3A_859 {add = true, strides = array<i32>} : memref<3x400x64xf32, #tpu.memory_space<vmem>>, vector<1x1x16xf32>,
        %add3A_860 = arith.constant 200 : i32
        %add3A_861 = arith.addi %add3A_860, %add3A_821 : i32
        %get3A_862 = arith.index_cast %add3A_821 : i32 to index
        %get3A_863 = arith.constant 48 : index
        %get3A_864 = tpu.vector_load %arg7[%get3A_862, %get3A_863] {strides = array<i32>} : memref<200x64xf32, #tpu.memory_space<vmem>>, vector<1x16xf32>,
        %get3A_865 = vector.shape_cast %get3A_864 : vector<1x16xf32> to vector<16xf32>
        %swap3A_866 = arith.constant 1 : i32
        %swap3A_867 = arith.index_cast %swap3A_866 : i32 to index
        %swap3A_868 = arith.index_cast %add3A_861 : i32 to index
        %swap3A_869 = arith.constant 48 : index
        %swap3A_870 = tpu.vector_load %arg8[%swap3A_867, %swap3A_868, %swap3A_869] {strides = array<i32>} : memref<3x400x64xf32, #tpu.memory_space<vmem>>, vector<1x1x16xf32>,
        %swap3A_871 = vector.shape_cast %swap3A_870 : vector<1x1x16xf32> to vector<16xf32>
        %swap3A_872 = vector.shape_cast %get3A_865 : vector<16xf32> to vector<1x1x16xf32>
        tpu.vector_store %arg8[%swap3A_867, %swap3A_868, %swap3A_869], %swap3A_872 {add = true, strides = array<i32>} : memref<3x400x64xf32, #tpu.memory_space<vmem>>, vector<1x1x16xf32>,
        %mul3A_873 = arith.constant 4 : i32
        %mul3A_874 = arith.muli %scan3A_816, %mul3A_873 : i32
        %add3A_875 = arith.constant 1 : i32
        %add3A_876 = arith.addi %mul3A_874, %add3A_875 : i32
        %add3A_877 = arith.constant 200 : i32
        %add3A_878 = arith.addi %add3A_877, %add3A_876 : i32
        %get3A_879 = arith.index_cast %add3A_876 : i32 to index
        %get3A_880 = arith.constant 0 : index
        %get3A_881 = tpu.vector_load %arg7[%get3A_879, %get3A_880] {strides = array<i32>} : memref<200x64xf32, #tpu.memory_space<vmem>>, vector<1x16xf32>,
        %get3A_882 = vector.shape_cast %get3A_881 : vector<1x16xf32> to vector<16xf32>
        %swap3A_883 = arith.constant 1 : i32
        %swap3A_884 = arith.index_cast %swap3A_883 : i32 to index
        %swap3A_885 = arith.index_cast %add3A_878 : i32 to index
        %swap3A_886 = arith.constant 0 : index
        %swap3A_887 = tpu.vector_load %arg8[%swap3A_884, %swap3A_885, %swap3A_886] {strides = array<i32>} : memref<3x400x64xf32, #tpu.memory_space<vmem>>, vector<1x1x16xf32>,
        %swap3A_888 = vector.shape_cast %swap3A_887 : vector<1x1x16xf32> to vector<16xf32>
        %swap3A_889 = vector.shape_cast %get3A_882 : vector<16xf32> to vector<1x1x16xf32>
        tpu.vector_store %arg8[%swap3A_884, %swap3A_885, %swap3A_886], %swap3A_889 {add = true, strides = array<i32>} : memref<3x400x64xf32, #tpu.memory_space<vmem>>, vector<1x1x16xf32>,
        %add3A_890 = arith.constant 200 : i32
        %add3A_891 = arith.addi %add3A_890, %add3A_876 : i32
        %get3A_892 = arith.index_cast %add3A_876 : i32 to index
        %get3A_893 = arith.constant 16 : index
        %get3A_894 = tpu.vector_load %arg7[%get3A_892, %get3A_893] {strides = array<i32>} : memref<200x64xf32, #tpu.memory_space<vmem>>, vector<1x16xf32>,
        %get3A_895 = vector.shape_cast %get3A_894 : vector<1x16xf32> to vector<16xf32>
        %swap3A_896 = arith.constant 1 : i32
        %swap3A_897 = arith.index_cast %swap3A_896 : i32 to index
        %swap3A_898 = arith.index_cast %add3A_891 : i32 to index
        %swap3A_899 = arith.constant 16 : index
        %swap3A_900 = tpu.vector_load %arg8[%swap3A_897, %swap3A_898, %swap3A_899] {strides = array<i32>} : memref<3x400x64xf32, #tpu.memory_space<vmem>>, vector<1x1x16xf32>,
        %swap3A_901 = vector.shape_cast %swap3A_900 : vector<1x1x16xf32> to vector<16xf32>
        %swap3A_902 = vector.shape_cast %get3A_895 : vector<16xf32> to vector<1x1x16xf32>
        tpu.vector_store %arg8[%swap3A_897, %swap3A_898, %swap3A_899], %swap3A_902 {add = true, strides = array<i32>} : memref<3x400x64xf32, #tpu.memory_space<vmem>>, vector<1x1x16xf32>,
        %add3A_903 = arith.constant 200 : i32
        %add3A_904 = arith.addi %add3A_903, %add3A_876 : i32
        %get3A_905 = arith.index_cast %add3A_876 : i32 to index
        %get3A_906 = arith.constant 32 : index
        %get3A_907 = tpu.vector_load %arg7[%get3A_905, %get3A_906] {strides = array<i32>} : memref<200x64xf32, #tpu.memory_space<vmem>>, vector<1x16xf32>,
        %get3A_908 = vector.shape_cast %get3A_907 : vector<1x16xf32> to vector<16xf32>
        %swap3A_909 = arith.constant 1 : i32
        %swap3A_910 = arith.index_cast %swap3A_909 : i32 to index
        %swap3A_911 = arith.index_cast %add3A_904 : i32 to index
        %swap3A_912 = arith.constant 32 : index
        %swap3A_913 = tpu.vector_load %arg8[%swap3A_910, %swap3A_911, %swap3A_912] {strides = array<i32>} : memref<3x400x64xf32, #tpu.memory_space<vmem>>, vector<1x1x16xf32>,
        %swap3A_914 = vector.shape_cast %swap3A_913 : vector<1x1x16xf32> to vector<16xf32>
        %swap3A_915 = vector.shape_cast %get3A_908 : vector<16xf32> to vector<1x1x16xf32>
        tpu.vector_store %arg8[%swap3A_910, %swap3A_911, %swap3A_912], %swap3A_915 {add = true, strides = array<i32>} : memref<3x400x64xf32, #tpu.memory_space<vmem>>, vector<1x1x16xf32>,
        %add3A_916 = arith.constant 200 : i32
        %add3A_917 = arith.addi %add3A_916, %add3A_876 : i32
        %get3A_918 = arith.index_cast %add3A_876 : i32 to index
        %get3A_919 = arith.constant 48 : index
        %get3A_920 = tpu.vector_load %arg7[%get3A_918, %get3A_919] {strides = array<i32>} : memref<200x64xf32, #tpu.memory_space<vmem>>, vector<1x16xf32>,
        %get3A_921 = vector.shape_cast %get3A_920 : vector<1x16xf32> to vector<16xf32>
        %swap3A_922 = arith.constant 1 : i32
        %swap3A_923 = arith.index_cast %swap3A_922 : i32 to index
        %swap3A_924 = arith.index_cast %add3A_917 : i32 to index
        %swap3A_925 = arith.constant 48 : index
        %swap3A_926 = tpu.vector_load %arg8[%swap3A_923, %swap3A_924, %swap3A_925] {strides = array<i32>} : memref<3x400x64xf32, #tpu.memory_space<vmem>>, vector<1x1x16xf32>,
        %swap3A_927 = vector.shape_cast %swap3A_926 : vector<1x1x16xf32> to vector<16xf32>
        %swap3A_928 = vector.shape_cast %get3A_921 : vector<16xf32> to vector<1x1x16xf32>
        tpu.vector_store %arg8[%swap3A_923, %swap3A_924, %swap3A_925], %swap3A_928 {add = true, strides = array<i32>} : memref<3x400x64xf32, #tpu.memory_space<vmem>>, vector<1x1x16xf32>,
        %mul3A_929 = arith.constant 4 : i32
        %mul3A_930 = arith.muli %scan3A_816, %mul3A_929 : i32
        %add3A_931 = arith.constant 2 : i32
        %add3A_932 = arith.addi %mul3A_930, %add3A_931 : i32
        %add3A_933 = arith.constant 200 : i32
        %add3A_934 = arith.addi %add3A_933, %add3A_932 : i32
        %get3A_935 = arith.index_cast %add3A_932 : i32 to index
        %get3A_936 = arith.constant 0 : index
        %get3A_937 = tpu.vector_load %arg7[%get3A_935, %get3A_936] {strides = array<i32>} : memref<200x64xf32, #tpu.memory_space<vmem>>, vector<1x16xf32>,
        %get3A_938 = vector.shape_cast %get3A_937 : vector<1x16xf32> to vector<16xf32>
        %swap3A_939 = arith.constant 1 : i32
        %swap3A_940 = arith.index_cast %swap3A_939 : i32 to index
        %swap3A_941 = arith.index_cast %add3A_934 : i32 to index
        %swap3A_942 = arith.constant 0 : index
        %swap3A_943 = tpu.vector_load %arg8[%swap3A_940, %swap3A_941, %swap3A_942] {strides = array<i32>} : memref<3x400x64xf32, #tpu.memory_space<vmem>>, vector<1x1x16xf32>,
        %swap3A_944 = vector.shape_cast %swap3A_943 : vector<1x1x16xf32> to vector<16xf32>
        %swap3A_945 = vector.shape_cast %get3A_938 : vector<16xf32> to vector<1x1x16xf32>
        tpu.vector_store %arg8[%swap3A_940, %swap3A_941, %swap3A_942], %swap3A_945 {add = true, strides = array<i32>} : memref<3x400x64xf32, #tpu.memory_space<vmem>>, vector<1x1x16xf32>,
        %add3A_946 = arith.constant 200 : i32
        %add3A_947 = arith.addi %add3A_946, %add3A_932 : i32
        %get3A_948 = arith.index_cast %add3A_932 : i32 to index
        %get3A_949 = arith.constant 16 : index
        %get3A_950 = tpu.vector_load %arg7[%get3A_948, %get3A_949] {strides = array<i32>} : memref<200x64xf32, #tpu.memory_space<vmem>>, vector<1x16xf32>,
        %get3A_951 = vector.shape_cast %get3A_950 : vector<1x16xf32> to vector<16xf32>
        %swap3A_952 = arith.constant 1 : i32
        %swap3A_953 = arith.index_cast %swap3A_952 : i32 to index
        %swap3A_954 = arith.index_cast %add3A_947 : i32 to index
        %swap3A_955 = arith.constant 16 : index
        %swap3A_956 = tpu.vector_load %arg8[%swap3A_953, %swap3A_954, %swap3A_955] {strides = array<i32>} : memref<3x400x64xf32, #tpu.memory_space<vmem>>, vector<1x1x16xf32>,
        %swap3A_957 = vector.shape_cast %swap3A_956 : vector<1x1x16xf32> to vector<16xf32>
        %swap3A_958 = vector.shape_cast %get3A_951 : vector<16xf32> to vector<1x1x16xf32>
        tpu.vector_store %arg8[%swap3A_953, %swap3A_954, %swap3A_955], %swap3A_958 {add = true, strides = array<i32>} : memref<3x400x64xf32, #tpu.memory_space<vmem>>, vector<1x1x16xf32>,
        %add3A_959 = arith.constant 200 : i32
        %add3A_960 = arith.addi %add3A_959, %add3A_932 : i32
        %get3A_961 = arith.index_cast %add3A_932 : i32 to index
        %get3A_962 = arith.constant 32 : index
        %get3A_963 = tpu.vector_load %arg7[%get3A_961, %get3A_962] {strides = array<i32>} : memref<200x64xf32, #tpu.memory_space<vmem>>, vector<1x16xf32>,
        %get3A_964 = vector.shape_cast %get3A_963 : vector<1x16xf32> to vector<16xf32>
        %swap3A_965 = arith.constant 1 : i32
        %swap3A_966 = arith.index_cast %swap3A_965 : i32 to index
        %swap3A_967 = arith.index_cast %add3A_960 : i32 to index
        %swap3A_968 = arith.constant 32 : index
        %swap3A_969 = tpu.vector_load %arg8[%swap3A_966, %swap3A_967, %swap3A_968] {strides = array<i32>} : memref<3x400x64xf32, #tpu.memory_space<vmem>>, vector<1x1x16xf32>,
        %swap3A_970 = vector.shape_cast %swap3A_969 : vector<1x1x16xf32> to vector<16xf32>
        %swap3A_971 = vector.shape_cast %get3A_964 : vector<16xf32> to vector<1x1x16xf32>
        tpu.vector_store %arg8[%swap3A_966, %swap3A_967, %swap3A_968], %swap3A_971 {add = true, strides = array<i32>} : memref<3x400x64xf32, #tpu.memory_space<vmem>>, vector<1x1x16xf32>,
        %add3A_972 = arith.constant 200 : i32
        %add3A_973 = arith.addi %add3A_972, %add3A_932 : i32
        %get3A_974 = arith.index_cast %add3A_932 : i32 to index
        %get3A_975 = arith.constant 48 : index
        %get3A_976 = tpu.vector_load %arg7[%get3A_974, %get3A_975] {strides = array<i32>} : memref<200x64xf32, #tpu.memory_space<vmem>>, vector<1x16xf32>,
        %get3A_977 = vector.shape_cast %get3A_976 : vector<1x16xf32> to vector<16xf32>
        %swap3A_978 = arith.constant 1 : i32
        %swap3A_979 = arith.index_cast %swap3A_978 : i32 to index
        %swap3A_980 = arith.index_cast %add3A_973 : i32 to index
        %swap3A_981 = arith.constant 48 : index
        %swap3A_982 = tpu.vector_load %arg8[%swap3A_979, %swap3A_980, %swap3A_981] {strides = array<i32>} : memref<3x400x64xf32, #tpu.memory_space<vmem>>, vector<1x1x16xf32>,
        %swap3A_983 = vector.shape_cast %swap3A_982 : vector<1x1x16xf32> to vector<16xf32>
        %swap3A_984 = vector.shape_cast %get3A_977 : vector<16xf32> to vector<1x1x16xf32>
        tpu.vector_store %arg8[%swap3A_979, %swap3A_980, %swap3A_981], %swap3A_984 {add = true, strides = array<i32>} : memref<3x400x64xf32, #tpu.memory_space<vmem>>, vector<1x1x16xf32>,
        %mul3A_985 = arith.constant 4 : i32
        %mul3A_986 = arith.muli %scan3A_816, %mul3A_985 : i32
        %add3A_987 = arith.constant 3 : i32
        %add3A_988 = arith.addi %mul3A_986, %add3A_987 : i32
        %add3A_989 = arith.constant 200 : i32
        %add3A_990 = arith.addi %add3A_989, %add3A_988 : i32
        %get3A_991 = arith.index_cast %add3A_988 : i32 to index
        %get3A_992 = arith.constant 0 : index
        %get3A_993 = tpu.vector_load %arg7[%get3A_991, %get3A_992] {strides = array<i32>} : memref<200x64xf32, #tpu.memory_space<vmem>>, vector<1x16xf32>,
        %get3A_994 = vector.shape_cast %get3A_993 : vector<1x16xf32> to vector<16xf32>
        %swap3A_995 = arith.constant 1 : i32
        %swap3A_996 = arith.index_cast %swap3A_995 : i32 to index
        %swap3A_997 = arith.index_cast %add3A_990 : i32 to index
        %swap3A_998 = arith.constant 0 : index
        %swap3A_999 = tpu.vector_load %arg8[%swap3A_996, %swap3A_997, %swap3A_998] {strides = array<i32>} : memref<3x400x64xf32, #tpu.memory_space<vmem>>, vector<1x1x16xf32>,
        %swap3A_1000 = vector.shape_cast %swap3A_999 : vector<1x1x16xf32> to vector<16xf32>
        %swap3A_1001 = vector.shape_cast %get3A_994 : vector<16xf32> to vector<1x1x16xf32>
        tpu.vector_store %arg8[%swap3A_996, %swap3A_997, %swap3A_998], %swap3A_1001 {add = true, strides = array<i32>} : memref<3x400x64xf32, #tpu.memory_space<vmem>>, vector<1x1x16xf32>,
        %add3A_1002 = arith.constant 200 : i32
        %add3A_1003 = arith.addi %add3A_1002, %add3A_988 : i32
        %get3A_1004 = arith.index_cast %add3A_988 : i32 to index
        %get3A_1005 = arith.constant 16 : index
        %get3A_1006 = tpu.vector_load %arg7[%get3A_1004, %get3A_1005] {strides = array<i32>} : memref<200x64xf32, #tpu.memory_space<vmem>>, vector<1x16xf32>,
        %get3A_1007 = vector.shape_cast %get3A_1006 : vector<1x16xf32> to vector<16xf32>
        %swap3A_1008 = arith.constant 1 : i32
        %swap3A_1009 = arith.index_cast %swap3A_1008 : i32 to index
        %swap3A_1010 = arith.index_cast %add3A_1003 : i32 to index
        %swap3A_1011 = arith.constant 16 : index
        %swap3A_1012 = tpu.vector_load %arg8[%swap3A_1009, %swap3A_1010, %swap3A_1011] {strides = array<i32>} : memref<3x400x64xf32, #tpu.memory_space<vmem>>, vector<1x1x16xf32>,
        %swap3A_1013 = vector.shape_cast %swap3A_1012 : vector<1x1x16xf32> to vector<16xf32>
        %swap3A_1014 = vector.shape_cast %get3A_1007 : vector<16xf32> to vector<1x1x16xf32>
        tpu.vector_store %arg8[%swap3A_1009, %swap3A_1010, %swap3A_1011], %swap3A_1014 {add = true, strides = array<i32>} : memref<3x400x64xf32, #tpu.memory_space<vmem>>, vector<1x1x16xf32>,
        %add3A_1015 = arith.constant 200 : i32
        %add3A_1016 = arith.addi %add3A_1015, %add3A_988 : i32
        %get3A_1017 = arith.index_cast %add3A_988 : i32 to index
        %get3A_1018 = arith.constant 32 : index
        %get3A_1019 = tpu.vector_load %arg7[%get3A_1017, %get3A_1018] {strides = array<i32>} : memref<200x64xf32, #tpu.memory_space<vmem>>, vector<1x16xf32>,
        %get3A_1020 = vector.shape_cast %get3A_1019 : vector<1x16xf32> to vector<16xf32>
        %swap3A_1021 = arith.constant 1 : i32
        %swap3A_1022 = arith.index_cast %swap3A_1021 : i32 to index
        %swap3A_1023 = arith.index_cast %add3A_1016 : i32 to index
        %swap3A_1024 = arith.constant 32 : index
        %swap3A_1025 = tpu.vector_load %arg8[%swap3A_1022, %swap3A_1023, %swap3A_1024] {strides = array<i32>} : memref<3x400x64xf32, #tpu.memory_space<vmem>>, vector<1x1x16xf32>,
        %swap3A_1026 = vector.shape_cast %swap3A_1025 : vector<1x1x16xf32> to vector<16xf32>
        %swap3A_1027 = vector.shape_cast %get3A_1020 : vector<16xf32> to vector<1x1x16xf32>
        tpu.vector_store %arg8[%swap3A_1022, %swap3A_1023, %swap3A_1024], %swap3A_1027 {add = true, strides = array<i32>} : memref<3x400x64xf32, #tpu.memory_space<vmem>>, vector<1x1x16xf32>,
        %add3A_1028 = arith.constant 200 : i32
        %add3A_1029 = arith.addi %add3A_1028, %add3A_988 : i32
        %get3A_1030 = arith.index_cast %add3A_988 : i32 to index
        %get3A_1031 = arith.constant 48 : index
        %get3A_1032 = tpu.vector_load %arg7[%get3A_1030, %get3A_1031] {strides = array<i32>} : memref<200x64xf32, #tpu.memory_space<vmem>>, vector<1x16xf32>,
        %get3A_1033 = vector.shape_cast %get3A_1032 : vector<1x16xf32> to vector<16xf32>
        %swap3A_1034 = arith.constant 1 : i32
        %swap3A_1035 = arith.index_cast %swap3A_1034 : i32 to index
        %swap3A_1036 = arith.index_cast %add3A_1029 : i32 to index
        %swap3A_1037 = arith.constant 48 : index
        %swap3A_1038 = tpu.vector_load %arg8[%swap3A_1035, %swap3A_1036, %swap3A_1037] {strides = array<i32>} : memref<3x400x64xf32, #tpu.memory_space<vmem>>, vector<1x1x16xf32>,
        %swap3A_1039 = vector.shape_cast %swap3A_1038 : vector<1x1x16xf32> to vector<16xf32>
        %swap3A_1040 = vector.shape_cast %get3A_1033 : vector<16xf32> to vector<1x1x16xf32>
        tpu.vector_store %arg8[%swap3A_1035, %swap3A_1036, %swap3A_1037], %swap3A_1040 {add = true, strides = array<i32>} : memref<3x400x64xf32, #tpu.memory_space<vmem>>, vector<1x1x16xf32>,
        %scan3A_1041 = arith.constant 0 : i32
        scf.yield %scan3A_1041 : i32
      }
      %scan3A_732 = arith.constant 50 : i32
      %mul3A_733 = arith.constant 25600 : i32
      %mul3A_734 = arith.muli %add3A, %mul3A_733 : i32
      %mul3A_735 = arith.constant 400 : i32
      %mul3A_736 = arith.muli %add3A_703, %mul3A_735 : i32
      %add3A_737 = arith.addi %mul3A_734, %mul3A_736 : i32
      %dma_start3A_738 = arith.constant 1 : i32
      %dma_start3A_739 = arith.constant 0 : i32
      %dma_start3A_740 = arith.constant 0 : i32
      %dma_start3A_741 = tpu.memref_slice %arg8[%dma_start3A_738, %dma_start3A_739, %dma_start3A_740] : memref<3x400x64xf32, #tpu.memory_space<vmem>> -> memref<1x400x64xf32, #tpu.memory_space<vmem>>
      %dma_start3A_742 = tpu.memref_squeeze %dma_start3A_741 : memref<1x400x64xf32, #tpu.memory_space<vmem>> -> memref<400x64xf32, #tpu.memory_space<vmem>>
      %dma_start3A_743 = arith.constant 0 : i32
      %dma_start3A_744 = tpu.memref_slice %arg5[%add3A_737, %dma_start3A_743] : memref<819200x128xf32, #tpu.memory_space<hbm>> -> memref<400x64xf32, #tpu.memory_space<hbm>>
      %dma_start3A_745 = arith.constant 0 : i32
      %dma_start3A_746 = tpu.memref_slice %arg5[%add3A_737, %dma_start3A_745] : memref<819200x128xf32, #tpu.memory_space<hbm>> -> memref<400x64xf32, #tpu.memory_space<hbm>>
      %dma_start3A_747 = arith.constant 0 : i32
      %dma_start3A_748 = arith.constant 0 : i32
      %dma_start3A_749 = tpu.memref_slice %arg8[%dma_start3A_738, %dma_start3A_747, %dma_start3A_748] : memref<3x400x64xf32, #tpu.memory_space<vmem>> -> memref<1x400x64xf32, #tpu.memory_space<vmem>>
      %dma_start3A_750 = tpu.memref_squeeze %dma_start3A_749 : memref<1x400x64xf32, #tpu.memory_space<vmem>> -> memref<400x64xf32, #tpu.memory_space<vmem>>
      tpu.enqueue_dma source(%dma_start3A_750 : memref<400x64xf32, #tpu.memory_space<vmem>>) target(%dma_start3A_746 : memref<400x64xf32, #tpu.memory_space<hbm>>) target_semaphore(%arg13 : memref<!tpu.dma_semaphore, #tpu.memory_space<semaphore_mem>>)
      %add3A_751 = arith.constant 2 : i32
      %add3A_752 = arith.addi %add3A_703, %add3A_751 : i32
      %lt3A_753 = arith.constant 64 : i32
      %lt3A_754 = arith.cmpi slt, %add3A_752, %lt3A_753 : i32
      %convert_element_type3A_755 = arith.extui %lt3A_754 : i1 to i32
      %cond3A_756 = arith.constant 0 : i32
      %cond3A_757 = arith.cmpi ne, %convert_element_type3A_755, %cond3A_756 : i32
      scf.if %cond3A_757 {
        %add3A_816 = arith.constant 2 : i32
        %add3A_817 = arith.addi %add3A_703, %add3A_816 : i32
        %ge3A = arith.constant 3 : i32
        %ge3A_818 = arith.cmpi sge, %add3A_817, %ge3A : i32
        %convert_element_type3A_819 = arith.extui %ge3A_818 : i1 to i32
        %cond3A_820 = arith.constant 0 : i32
        %cond3A_821 = arith.cmpi ne, %convert_element_type3A_819, %cond3A_820 : i32
        scf.if %cond3A_821 {
          %dma_wait3A_1151 = arith.constant 0 : i32
          %dma_wait3A_1152 = arith.constant 0 : i32
          %dma_wait3A_1153 = arith.constant 0 : i32
          %dma_wait3A_1154 = tpu.memref_slice %arg8[%dma_wait3A_1151, %dma_wait3A_1152, %dma_wait3A_1153] : memref<3x400x64xf32, #tpu.memory_space<vmem>> -> memref<1x400x64xf32, #tpu.memory_space<vmem>>
          %dma_wait3A_1155 = tpu.memref_squeeze %dma_wait3A_1154 : memref<1x400x64xf32, #tpu.memory_space<vmem>> -> memref<400x64xf32, #tpu.memory_space<vmem>>
          %dma_wait3A_1156 = arith.constant 0 : i32
          %dma_wait3A_1157 = arith.constant 0 : i32
          %dma_wait3A_1158 = tpu.memref_slice %arg5[%dma_wait3A_1156, %dma_wait3A_1157] : memref<819200x128xf32, #tpu.memory_space<hbm>> -> memref<400x64xf32, #tpu.memory_space<hbm>>
          %dma_wait3A_1159 = arith.constant 0 : i32
          %dma_wait3A_1160 = arith.constant 0 : i32
          %dma_wait3A_1161 = tpu.memref_slice %arg8[%dma_wait3A_1151, %dma_wait3A_1159, %dma_wait3A_1160] : memref<3x400x64xf32, #tpu.memory_space<vmem>> -> memref<1x400x64xf32, #tpu.memory_space<vmem>>
          %dma_wait3A_1162 = tpu.memref_squeeze %dma_wait3A_1161 : memref<1x400x64xf32, #tpu.memory_space<vmem>> -> memref<400x64xf32, #tpu.memory_space<vmem>>
          %dma_wait3A_1163 = arith.constant 0 : i32
          %dma_wait3A_1164 = arith.constant 0 : i32
          %dma_wait3A_1165 = tpu.memref_slice %arg5[%dma_wait3A_1163, %dma_wait3A_1164] : memref<819200x128xf32, #tpu.memory_space<hbm>> -> memref<400x64xf32, #tpu.memory_space<hbm>>
          tpu.wait_dma2 semaphore(%arg12 : memref<!tpu.dma_semaphore, #tpu.memory_space<semaphore_mem>>) src(%dma_wait3A_1165 : memref<400x64xf32, #tpu.memory_space<hbm>>) dst(%dma_wait3A_1162 : memref<400x64xf32, #tpu.memory_space<vmem>>)
        } else {
        }
        %add3A_822 = arith.constant 2 : i32
        %add3A_823 = arith.addi %add3A_703, %add3A_822 : i32
        %mul3A_824 = arith.constant 400 : i32
        %mul3A_825 = arith.muli %add3A_823, %mul3A_824 : i32
        %add3A_826 = arith.constant 0 : i32
        %add3A_827 = arith.addi %mul3A_825, %add3A_826 : i32
        %get3A_828 = arith.index_cast %add3A_827 : i32 to index
        %get3A_829 = tpu.vector_load %arg6[%get3A_828] {strides = array<i32>} : memref<25600xi32, #tpu.memory_space<vmem>>, vector<16xi32>,
        %get3A_830 = vector.shape_cast %get3A_829 : vector<16xi32> to vector<16xi32>
        %dma_start3A_831 = arith.constant 0 : i32
        %dma_start3A_832 = arith.constant 0 : i32
        %dma_start3A_833 = arith.constant 0 : i32
        %dma_start3A_834 = tpu.memref_slice %arg8[%dma_start3A_831, %dma_start3A_832, %dma_start3A_833] : memref<3x400x64xf32, #tpu.memory_space<vmem>> -> memref<1x16x64xf32, #tpu.memory_space<vmem>>
        %dma_start3A_835 = tpu.memref_squeeze %dma_start3A_834 : memref<1x16x64xf32, #tpu.memory_space<vmem>> -> memref<16x64xf32, #tpu.memory_space<vmem>>
        %dma_start3A_836 = arith.constant 0 : i32
        %dma_start3A_837 = arith.constant 0 : i32
        %dma_start3A_838 = tpu.memref_slice %arg3[%dma_start3A_836, %dma_start3A_837] : memref<1000000x64xf32, #tpu.memory_space<hbm>> -> memref<1000000x64xf32, #tpu.memory_space<hbm>>
        tpu.enqueue_indirect_dma source(%dma_start3A_838 : memref<1000000x64xf32, #tpu.memory_space<hbm>>) target(%dma_start3A_835 : memref<16x64xf32, #tpu.memory_space<vmem>>) offsets(%get3A_830 : vector<16xi32>) semaphore(%arg9 : memref<!tpu.dma_semaphore, #tpu.memory_space<semaphore_mem>>)
        %add3A_839 = arith.constant 16 : i32
        %add3A_840 = arith.addi %mul3A_825, %add3A_839 : i32
        %get3A_841 = arith.index_cast %add3A_840 : i32 to index
        %get3A_842 = tpu.vector_load %arg6[%get3A_841] {strides = array<i32>} : memref<25600xi32, #tpu.memory_space<vmem>>, vector<16xi32>,
        %get3A_843 = vector.shape_cast %get3A_842 : vector<16xi32> to vector<16xi32>
        %dma_start3A_844 = arith.constant 0 : i32
        %dma_start3A_845 = arith.constant 16 : i32
        %dma_start3A_846 = arith.constant 0 : i32
        %dma_start3A_847 = tpu.memref_slice %arg8[%dma_start3A_844, %dma_start3A_845, %dma_start3A_846] : memref<3x400x64xf32, #tpu.memory_space<vmem>> -> memref<1x16x64xf32, #tpu.memory_space<vmem>>
        %dma_start3A_848 = tpu.memref_squeeze %dma_start3A_847 : memref<1x16x64xf32, #tpu.memory_space<vmem>> -> memref<16x64xf32, #tpu.memory_space<vmem>>
        %dma_start3A_849 = arith.constant 0 : i32
        %dma_start3A_850 = arith.constant 0 : i32
        %dma_start3A_851 = tpu.memref_slice %arg3[%dma_start3A_849, %dma_start3A_850] : memref<1000000x64xf32, #tpu.memory_space<hbm>> -> memref<1000000x64xf32, #tpu.memory_space<hbm>>
        tpu.enqueue_indirect_dma source(%dma_start3A_851 : memref<1000000x64xf32, #tpu.memory_space<hbm>>) target(%dma_start3A_848 : memref<16x64xf32, #tpu.memory_space<vmem>>) offsets(%get3A_843 : vector<16xi32>) semaphore(%arg9 : memref<!tpu.dma_semaphore, #tpu.memory_space<semaphore_mem>>)
        %add3A_852 = arith.constant 32 : i32
        %add3A_853 = arith.addi %mul3A_825, %add3A_852 : i32
        %get3A_854 = arith.index_cast %add3A_853 : i32 to index
        %get3A_855 = tpu.vector_load %arg6[%get3A_854] {strides = array<i32>} : memref<25600xi32, #tpu.memory_space<vmem>>, vector<16xi32>,
        %get3A_856 = vector.shape_cast %get3A_855 : vector<16xi32> to vector<16xi32>
        %dma_start3A_857 = arith.constant 0 : i32
        %dma_start3A_858 = arith.constant 32 : i32
        %dma_start3A_859 = arith.constant 0 : i32
        %dma_start3A_860 = tpu.memref_slice %arg8[%dma_start3A_857, %dma_start3A_858, %dma_start3A_859] : memref<3x400x64xf32, #tpu.memory_space<vmem>> -> memref<1x16x64xf32, #tpu.memory_space<vmem>>
        %dma_start3A_861 = tpu.memref_squeeze %dma_start3A_860 : memref<1x16x64xf32, #tpu.memory_space<vmem>> -> memref<16x64xf32, #tpu.memory_space<vmem>>
        %dma_start3A_862 = arith.constant 0 : i32
        %dma_start3A_863 = arith.constant 0 : i32
        %dma_start3A_864 = tpu.memref_slice %arg3[%dma_start3A_862, %dma_start3A_863] : memref<1000000x64xf32, #tpu.memory_space<hbm>> -> memref<1000000x64xf32, #tpu.memory_space<hbm>>
        tpu.enqueue_indirect_dma source(%dma_start3A_864 : memref<1000000x64xf32, #tpu.memory_space<hbm>>) target(%dma_start3A_861 : memref<16x64xf32, #tpu.memory_space<vmem>>) offsets(%get3A_856 : vector<16xi32>) semaphore(%arg9 : memref<!tpu.dma_semaphore, #tpu.memory_space<semaphore_mem>>)
        %add3A_865 = arith.constant 48 : i32
        %add3A_866 = arith.addi %mul3A_825, %add3A_865 : i32
        %get3A_867 = arith.index_cast %add3A_866 : i32 to index
        %get3A_868 = tpu.vector_load %arg6[%get3A_867] {strides = array<i32>} : memref<25600xi32, #tpu.memory_space<vmem>>, vector<16xi32>,
        %get3A_869 = vector.shape_cast %get3A_868 : vector<16xi32> to vector<16xi32>
        %dma_start3A_870 = arith.constant 0 : i32
        %dma_start3A_871 = arith.constant 48 : i32
        %dma_start3A_872 = arith.constant 0 : i32
        %dma_start3A_873 = tpu.memref_slice %arg8[%dma_start3A_870, %dma_start3A_871, %dma_start3A_872] : memref<3x400x64xf32, #tpu.memory_space<vmem>> -> memref<1x16x64xf32, #tpu.memory_space<vmem>>
        %dma_start3A_874 = tpu.memref_squeeze %dma_start3A_873 : memref<1x16x64xf32, #tpu.memory_space<vmem>> -> memref<16x64xf32, #tpu.memory_space<vmem>>
        %dma_start3A_875 = arith.constant 0 : i32
        %dma_start3A_876 = arith.constant 0 : i32
        %dma_start3A_877 = tpu.memref_slice %arg3[%dma_start3A_875, %dma_start3A_876] : memref<1000000x64xf32, #tpu.memory_space<hbm>> -> memref<1000000x64xf32, #tpu.memory_space<hbm>>
        tpu.enqueue_indirect_dma source(%dma_start3A_877 : memref<1000000x64xf32, #tpu.memory_space<hbm>>) target(%dma_start3A_874 : memref<16x64xf32, #tpu.memory_space<vmem>>) offsets(%get3A_869 : vector<16xi32>) semaphore(%arg9 : memref<!tpu.dma_semaphore, #tpu.memory_space<semaphore_mem>>)
        %add3A_878 = arith.constant 64 : i32
        %add3A_879 = arith.addi %mul3A_825, %add3A_878 : i32
        %get3A_880 = arith.index_cast %add3A_879 : i32 to index
        %get3A_881 = tpu.vector_load %arg6[%get3A_880] {strides = array<i32>} : memref<25600xi32, #tpu.memory_space<vmem>>, vector<16xi32>,
        %get3A_882 = vector.shape_cast %get3A_881 : vector<16xi32> to vector<16xi32>
        %dma_start3A_883 = arith.constant 0 : i32
        %dma_start3A_884 = arith.constant 64 : i32
        %dma_start3A_885 = arith.constant 0 : i32
        %dma_start3A_886 = tpu.memref_slice %arg8[%dma_start3A_883, %dma_start3A_884, %dma_start3A_885] : memref<3x400x64xf32, #tpu.memory_space<vmem>> -> memref<1x16x64xf32, #tpu.memory_space<vmem>>
        %dma_start3A_887 = tpu.memref_squeeze %dma_start3A_886 : memref<1x16x64xf32, #tpu.memory_space<vmem>> -> memref<16x64xf32, #tpu.memory_space<vmem>>
        %dma_start3A_888 = arith.constant 0 : i32
        %dma_start3A_889 = arith.constant 0 : i32
        %dma_start3A_890 = tpu.memref_slice %arg3[%dma_start3A_888, %dma_start3A_889] : memref<1000000x64xf32, #tpu.memory_space<hbm>> -> memref<1000000x64xf32, #tpu.memory_space<hbm>>
        tpu.enqueue_indirect_dma source(%dma_start3A_890 : memref<1000000x64xf32, #tpu.memory_space<hbm>>) target(%dma_start3A_887 : memref<16x64xf32, #tpu.memory_space<vmem>>) offsets(%get3A_882 : vector<16xi32>) semaphore(%arg9 : memref<!tpu.dma_semaphore, #tpu.memory_space<semaphore_mem>>)
        %add3A_891 = arith.constant 80 : i32
        %add3A_892 = arith.addi %mul3A_825, %add3A_891 : i32
        %get3A_893 = arith.index_cast %add3A_892 : i32 to index
        %get3A_894 = tpu.vector_load %arg6[%get3A_893] {strides = array<i32>} : memref<25600xi32, #tpu.memory_space<vmem>>, vector<16xi32>,
        %get3A_895 = vector.shape_cast %get3A_894 : vector<16xi32> to vector<16xi32>
        %dma_start3A_896 = arith.constant 0 : i32
        %dma_start3A_897 = arith.constant 80 : i32
        %dma_start3A_898 = arith.constant 0 : i32
        %dma_start3A_899 = tpu.memref_slice %arg8[%dma_start3A_896, %dma_start3A_897, %dma_start3A_898] : memref<3x400x64xf32, #tpu.memory_space<vmem>> -> memref<1x16x64xf32, #tpu.memory_space<vmem>>
        %dma_start3A_900 = tpu.memref_squeeze %dma_start3A_899 : memref<1x16x64xf32, #tpu.memory_space<vmem>> -> memref<16x64xf32, #tpu.memory_space<vmem>>
        %dma_start3A_901 = arith.constant 0 : i32
        %dma_start3A_902 = arith.constant 0 : i32
        %dma_start3A_903 = tpu.memref_slice %arg3[%dma_start3A_901, %dma_start3A_902] : memref<1000000x64xf32, #tpu.memory_space<hbm>> -> memref<1000000x64xf32, #tpu.memory_space<hbm>>
        tpu.enqueue_indirect_dma source(%dma_start3A_903 : memref<1000000x64xf32, #tpu.memory_space<hbm>>) target(%dma_start3A_900 : memref<16x64xf32, #tpu.memory_space<vmem>>) offsets(%get3A_895 : vector<16xi32>) semaphore(%arg9 : memref<!tpu.dma_semaphore, #tpu.memory_space<semaphore_mem>>)
        %add3A_904 = arith.constant 96 : i32
        %add3A_905 = arith.addi %mul3A_825, %add3A_904 : i32
        %get3A_906 = arith.index_cast %add3A_905 : i32 to index
        %get3A_907 = tpu.vector_load %arg6[%get3A_906] {strides = array<i32>} : memref<25600xi32, #tpu.memory_space<vmem>>, vector<16xi32>,
        %get3A_908 = vector.shape_cast %get3A_907 : vector<16xi32> to vector<16xi32>
        %dma_start3A_909 = arith.constant 0 : i32
        %dma_start3A_910 = arith.constant 96 : i32
        %dma_start3A_911 = arith.constant 0 : i32
        %dma_start3A_912 = tpu.memref_slice %arg8[%dma_start3A_909, %dma_start3A_910, %dma_start3A_911] : memref<3x400x64xf32, #tpu.memory_space<vmem>> -> memref<1x16x64xf32, #tpu.memory_space<vmem>>
        %dma_start3A_913 = tpu.memref_squeeze %dma_start3A_912 : memref<1x16x64xf32, #tpu.memory_space<vmem>> -> memref<16x64xf32, #tpu.memory_space<vmem>>
        %dma_start3A_914 = arith.constant 0 : i32
        %dma_start3A_915 = arith.constant 0 : i32
        %dma_start3A_916 = tpu.memref_slice %arg3[%dma_start3A_914, %dma_start3A_915] : memref<1000000x64xf32, #tpu.memory_space<hbm>> -> memref<1000000x64xf32, #tpu.memory_space<hbm>>
        tpu.enqueue_indirect_dma source(%dma_start3A_916 : memref<1000000x64xf32, #tpu.memory_space<hbm>>) target(%dma_start3A_913 : memref<16x64xf32, #tpu.memory_space<vmem>>) offsets(%get3A_908 : vector<16xi32>) semaphore(%arg9 : memref<!tpu.dma_semaphore, #tpu.memory_space<semaphore_mem>>)
        %add3A_917 = arith.constant 112 : i32
        %add3A_918 = arith.addi %mul3A_825, %add3A_917 : i32
        %get3A_919 = arith.index_cast %add3A_918 : i32 to index
        %get3A_920 = tpu.vector_load %arg6[%get3A_919] {strides = array<i32>} : memref<25600xi32, #tpu.memory_space<vmem>>, vector<16xi32>,
        %get3A_921 = vector.shape_cast %get3A_920 : vector<16xi32> to vector<16xi32>
        %dma_start3A_922 = arith.constant 0 : i32
        %dma_start3A_923 = arith.constant 112 : i32
        %dma_start3A_924 = arith.constant 0 : i32
        %dma_start3A_925 = tpu.memref_slice %arg8[%dma_start3A_922, %dma_start3A_923, %dma_start3A_924] : memref<3x400x64xf32, #tpu.memory_space<vmem>> -> memref<1x16x64xf32, #tpu.memory_space<vmem>>
        %dma_start3A_926 = tpu.memref_squeeze %dma_start3A_925 : memref<1x16x64xf32, #tpu.memory_space<vmem>> -> memref<16x64xf32, #tpu.memory_space<vmem>>
        %dma_start3A_927 = arith.constant 0 : i32
        %dma_start3A_928 = arith.constant 0 : i32
        %dma_start3A_929 = tpu.memref_slice %arg3[%dma_start3A_927, %dma_start3A_928] : memref<1000000x64xf32, #tpu.memory_space<hbm>> -> memref<1000000x64xf32, #tpu.memory_space<hbm>>
        tpu.enqueue_indirect_dma source(%dma_start3A_929 : memref<1000000x64xf32, #tpu.memory_space<hbm>>) target(%dma_start3A_926 : memref<16x64xf32, #tpu.memory_space<vmem>>) offsets(%get3A_921 : vector<16xi32>) semaphore(%arg9 : memref<!tpu.dma_semaphore, #tpu.memory_space<semaphore_mem>>)
        %add3A_930 = arith.constant 128 : i32
        %add3A_931 = arith.addi %mul3A_825, %add3A_930 : i32
        %get3A_932 = arith.index_cast %add3A_931 : i32 to index
        %get3A_933 = tpu.vector_load %arg6[%get3A_932] {strides = array<i32>} : memref<25600xi32, #tpu.memory_space<vmem>>, vector<16xi32>,
        %get3A_934 = vector.shape_cast %get3A_933 : vector<16xi32> to vector<16xi32>
        %dma_start3A_935 = arith.constant 0 : i32
        %dma_start3A_936 = arith.constant 128 : i32
        %dma_start3A_937 = arith.constant 0 : i32
        %dma_start3A_938 = tpu.memref_slice %arg8[%dma_start3A_935, %dma_start3A_936, %dma_start3A_937] : memref<3x400x64xf32, #tpu.memory_space<vmem>> -> memref<1x16x64xf32, #tpu.memory_space<vmem>>
        %dma_start3A_939 = tpu.memref_squeeze %dma_start3A_938 : memref<1x16x64xf32, #tpu.memory_space<vmem>> -> memref<16x64xf32, #tpu.memory_space<vmem>>
        %dma_start3A_940 = arith.constant 0 : i32
        %dma_start3A_941 = arith.constant 0 : i32
        %dma_start3A_942 = tpu.memref_slice %arg3[%dma_start3A_940, %dma_start3A_941] : memref<1000000x64xf32, #tpu.memory_space<hbm>> -> memref<1000000x64xf32, #tpu.memory_space<hbm>>
        tpu.enqueue_indirect_dma source(%dma_start3A_942 : memref<1000000x64xf32, #tpu.memory_space<hbm>>) target(%dma_start3A_939 : memref<16x64xf32, #tpu.memory_space<vmem>>) offsets(%get3A_934 : vector<16xi32>) semaphore(%arg9 : memref<!tpu.dma_semaphore, #tpu.memory_space<semaphore_mem>>)
        %add3A_943 = arith.constant 144 : i32
        %add3A_944 = arith.addi %mul3A_825, %add3A_943 : i32
        %get3A_945 = arith.index_cast %add3A_944 : i32 to index
        %get3A_946 = tpu.vector_load %arg6[%get3A_945] {strides = array<i32>} : memref<25600xi32, #tpu.memory_space<vmem>>, vector<16xi32>,
        %get3A_947 = vector.shape_cast %get3A_946 : vector<16xi32> to vector<16xi32>
        %dma_start3A_948 = arith.constant 0 : i32
        %dma_start3A_949 = arith.constant 144 : i32
        %dma_start3A_950 = arith.constant 0 : i32
        %dma_start3A_951 = tpu.memref_slice %arg8[%dma_start3A_948, %dma_start3A_949, %dma_start3A_950] : memref<3x400x64xf32, #tpu.memory_space<vmem>> -> memref<1x16x64xf32, #tpu.memory_space<vmem>>
        %dma_start3A_952 = tpu.memref_squeeze %dma_start3A_951 : memref<1x16x64xf32, #tpu.memory_space<vmem>> -> memref<16x64xf32, #tpu.memory_space<vmem>>
        %dma_start3A_953 = arith.constant 0 : i32
        %dma_start3A_954 = arith.constant 0 : i32
        %dma_start3A_955 = tpu.memref_slice %arg3[%dma_start3A_953, %dma_start3A_954] : memref<1000000x64xf32, #tpu.memory_space<hbm>> -> memref<1000000x64xf32, #tpu.memory_space<hbm>>
        tpu.enqueue_indirect_dma source(%dma_start3A_955 : memref<1000000x64xf32, #tpu.memory_space<hbm>>) target(%dma_start3A_952 : memref<16x64xf32, #tpu.memory_space<vmem>>) offsets(%get3A_947 : vector<16xi32>) semaphore(%arg9 : memref<!tpu.dma_semaphore, #tpu.memory_space<semaphore_mem>>)
        %add3A_956 = arith.constant 160 : i32
        %add3A_957 = arith.addi %mul3A_825, %add3A_956 : i32
        %get3A_958 = arith.index_cast %add3A_957 : i32 to index
        %get3A_959 = tpu.vector_load %arg6[%get3A_958] {strides = array<i32>} : memref<25600xi32, #tpu.memory_space<vmem>>, vector<16xi32>,
        %get3A_960 = vector.shape_cast %get3A_959 : vector<16xi32> to vector<16xi32>
        %dma_start3A_961 = arith.constant 0 : i32
        %dma_start3A_962 = arith.constant 160 : i32
        %dma_start3A_963 = arith.constant 0 : i32
        %dma_start3A_964 = tpu.memref_slice %arg8[%dma_start3A_961, %dma_start3A_962, %dma_start3A_963] : memref<3x400x64xf32, #tpu.memory_space<vmem>> -> memref<1x16x64xf32, #tpu.memory_space<vmem>>
        %dma_start3A_965 = tpu.memref_squeeze %dma_start3A_964 : memref<1x16x64xf32, #tpu.memory_space<vmem>> -> memref<16x64xf32, #tpu.memory_space<vmem>>
        %dma_start3A_966 = arith.constant 0 : i32
        %dma_start3A_967 = arith.constant 0 : i32
        %dma_start3A_968 = tpu.memref_slice %arg3[%dma_start3A_966, %dma_start3A_967] : memref<1000000x64xf32, #tpu.memory_space<hbm>> -> memref<1000000x64xf32, #tpu.memory_space<hbm>>
        tpu.enqueue_indirect_dma source(%dma_start3A_968 : memref<1000000x64xf32, #tpu.memory_space<hbm>>) target(%dma_start3A_965 : memref<16x64xf32, #tpu.memory_space<vmem>>) offsets(%get3A_960 : vector<16xi32>) semaphore(%arg9 : memref<!tpu.dma_semaphore, #tpu.memory_space<semaphore_mem>>)
        %add3A_969 = arith.constant 176 : i32
        %add3A_970 = arith.addi %mul3A_825, %add3A_969 : i32
        %get3A_971 = arith.index_cast %add3A_970 : i32 to index
        %get3A_972 = tpu.vector_load %arg6[%get3A_971] {strides = array<i32>} : memref<25600xi32, #tpu.memory_space<vmem>>, vector<16xi32>,
        %get3A_973 = vector.shape_cast %get3A_972 : vector<16xi32> to vector<16xi32>
        %dma_start3A_974 = arith.constant 0 : i32
        %dma_start3A_975 = arith.constant 176 : i32
        %dma_start3A_976 = arith.constant 0 : i32
        %dma_start3A_977 = tpu.memref_slice %arg8[%dma_start3A_974, %dma_start3A_975, %dma_start3A_976] : memref<3x400x64xf32, #tpu.memory_space<vmem>> -> memref<1x16x64xf32, #tpu.memory_space<vmem>>
        %dma_start3A_978 = tpu.memref_squeeze %dma_start3A_977 : memref<1x16x64xf32, #tpu.memory_space<vmem>> -> memref<16x64xf32, #tpu.memory_space<vmem>>
        %dma_start3A_979 = arith.constant 0 : i32
        %dma_start3A_980 = arith.constant 0 : i32
        %dma_start3A_981 = tpu.memref_slice %arg3[%dma_start3A_979, %dma_start3A_980] : memref<1000000x64xf32, #tpu.memory_space<hbm>> -> memref<1000000x64xf32, #tpu.memory_space<hbm>>
        tpu.enqueue_indirect_dma source(%dma_start3A_981 : memref<1000000x64xf32, #tpu.memory_space<hbm>>) target(%dma_start3A_978 : memref<16x64xf32, #tpu.memory_space<vmem>>) offsets(%get3A_973 : vector<16xi32>) semaphore(%arg9 : memref<!tpu.dma_semaphore, #tpu.memory_space<semaphore_mem>>)
        %add3A_982 = arith.constant 192 : i32
        %add3A_983 = arith.addi %mul3A_825, %add3A_982 : i32
        %get3A_984 = arith.index_cast %add3A_983 : i32 to index
        %get3A_985 = tpu.vector_load %arg6[%get3A_984] {strides = array<i32>} : memref<25600xi32, #tpu.memory_space<vmem>>, vector<16xi32>,
        %get3A_986 = vector.shape_cast %get3A_985 : vector<16xi32> to vector<16xi32>
        %dma_start3A_987 = arith.constant 0 : i32
        %dma_start3A_988 = arith.constant 192 : i32
        %dma_start3A_989 = arith.constant 0 : i32
        %dma_start3A_990 = tpu.memref_slice %arg8[%dma_start3A_987, %dma_start3A_988, %dma_start3A_989] : memref<3x400x64xf32, #tpu.memory_space<vmem>> -> memref<1x16x64xf32, #tpu.memory_space<vmem>>
        %dma_start3A_991 = tpu.memref_squeeze %dma_start3A_990 : memref<1x16x64xf32, #tpu.memory_space<vmem>> -> memref<16x64xf32, #tpu.memory_space<vmem>>
        %dma_start3A_992 = arith.constant 0 : i32
        %dma_start3A_993 = arith.constant 0 : i32
        %dma_start3A_994 = tpu.memref_slice %arg3[%dma_start3A_992, %dma_start3A_993] : memref<1000000x64xf32, #tpu.memory_space<hbm>> -> memref<1000000x64xf32, #tpu.memory_space<hbm>>
        tpu.enqueue_indirect_dma source(%dma_start3A_994 : memref<1000000x64xf32, #tpu.memory_space<hbm>>) target(%dma_start3A_991 : memref<16x64xf32, #tpu.memory_space<vmem>>) offsets(%get3A_986 : vector<16xi32>) semaphore(%arg9 : memref<!tpu.dma_semaphore, #tpu.memory_space<semaphore_mem>>)
        %add3A_995 = arith.constant 208 : i32
        %add3A_996 = arith.addi %mul3A_825, %add3A_995 : i32
        %get3A_997 = arith.index_cast %add3A_996 : i32 to index
        %get3A_998 = tpu.vector_load %arg6[%get3A_997] {strides = array<i32>} : memref<25600xi32, #tpu.memory_space<vmem>>, vector<16xi32>,
        %get3A_999 = vector.shape_cast %get3A_998 : vector<16xi32> to vector<16xi32>
        %dma_start3A_1000 = arith.constant 0 : i32
        %dma_start3A_1001 = arith.constant 208 : i32
        %dma_start3A_1002 = arith.constant 0 : i32
        %dma_start3A_1003 = tpu.memref_slice %arg8[%dma_start3A_1000, %dma_start3A_1001, %dma_start3A_1002] : memref<3x400x64xf32, #tpu.memory_space<vmem>> -> memref<1x16x64xf32, #tpu.memory_space<vmem>>
        %dma_start3A_1004 = tpu.memref_squeeze %dma_start3A_1003 : memref<1x16x64xf32, #tpu.memory_space<vmem>> -> memref<16x64xf32, #tpu.memory_space<vmem>>
        %dma_start3A_1005 = arith.constant 0 : i32
        %dma_start3A_1006 = arith.constant 0 : i32
        %dma_start3A_1007 = tpu.memref_slice %arg3[%dma_start3A_1005, %dma_start3A_1006] : memref<1000000x64xf32, #tpu.memory_space<hbm>> -> memref<1000000x64xf32, #tpu.memory_space<hbm>>
        tpu.enqueue_indirect_dma source(%dma_start3A_1007 : memref<1000000x64xf32, #tpu.memory_space<hbm>>) target(%dma_start3A_1004 : memref<16x64xf32, #tpu.memory_space<vmem>>) offsets(%get3A_999 : vector<16xi32>) semaphore(%arg9 : memref<!tpu.dma_semaphore, #tpu.memory_space<semaphore_mem>>)
        %add3A_1008 = arith.constant 224 : i32
        %add3A_1009 = arith.addi %mul3A_825, %add3A_1008 : i32
        %get3A_1010 = arith.index_cast %add3A_1009 : i32 to index
        %get3A_1011 = tpu.vector_load %arg6[%get3A_1010] {strides = array<i32>} : memref<25600xi32, #tpu.memory_space<vmem>>, vector<16xi32>,
        %get3A_1012 = vector.shape_cast %get3A_1011 : vector<16xi32> to vector<16xi32>
        %dma_start3A_1013 = arith.constant 0 : i32
        %dma_start3A_1014 = arith.constant 224 : i32
        %dma_start3A_1015 = arith.constant 0 : i32
        %dma_start3A_1016 = tpu.memref_slice %arg8[%dma_start3A_1013, %dma_start3A_1014, %dma_start3A_1015] : memref<3x400x64xf32, #tpu.memory_space<vmem>> -> memref<1x16x64xf32, #tpu.memory_space<vmem>>
        %dma_start3A_1017 = tpu.memref_squeeze %dma_start3A_1016 : memref<1x16x64xf32, #tpu.memory_space<vmem>> -> memref<16x64xf32, #tpu.memory_space<vmem>>
        %dma_start3A_1018 = arith.constant 0 : i32
        %dma_start3A_1019 = arith.constant 0 : i32
        %dma_start3A_1020 = tpu.memref_slice %arg3[%dma_start3A_1018, %dma_start3A_1019] : memref<1000000x64xf32, #tpu.memory_space<hbm>> -> memref<1000000x64xf32, #tpu.memory_space<hbm>>
        tpu.enqueue_indirect_dma source(%dma_start3A_1020 : memref<1000000x64xf32, #tpu.memory_space<hbm>>) target(%dma_start3A_1017 : memref<16x64xf32, #tpu.memory_space<vmem>>) offsets(%get3A_1012 : vector<16xi32>) semaphore(%arg9 : memref<!tpu.dma_semaphore, #tpu.memory_space<semaphore_mem>>)
        %add3A_1021 = arith.constant 240 : i32
        %add3A_1022 = arith.addi %mul3A_825, %add3A_1021 : i32
        %get3A_1023 = arith.index_cast %add3A_1022 : i32 to index
        %get3A_1024 = tpu.vector_load %arg6[%get3A_1023] {strides = array<i32>} : memref<25600xi32, #tpu.memory_space<vmem>>, vector<16xi32>,
        %get3A_1025 = vector.shape_cast %get3A_1024 : vector<16xi32> to vector<16xi32>
        %dma_start3A_1026 = arith.constant 0 : i32
        %dma_start3A_1027 = arith.constant 240 : i32
        %dma_start3A_1028 = arith.constant 0 : i32
        %dma_start3A_1029 = tpu.memref_slice %arg8[%dma_start3A_1026, %dma_start3A_1027, %dma_start3A_1028] : memref<3x400x64xf32, #tpu.memory_space<vmem>> -> memref<1x16x64xf32, #tpu.memory_space<vmem>>
        %dma_start3A_1030 = tpu.memref_squeeze %dma_start3A_1029 : memref<1x16x64xf32, #tpu.memory_space<vmem>> -> memref<16x64xf32, #tpu.memory_space<vmem>>
        %dma_start3A_1031 = arith.constant 0 : i32
        %dma_start3A_1032 = arith.constant 0 : i32
        %dma_start3A_1033 = tpu.memref_slice %arg3[%dma_start3A_1031, %dma_start3A_1032] : memref<1000000x64xf32, #tpu.memory_space<hbm>> -> memref<1000000x64xf32, #tpu.memory_space<hbm>>
        tpu.enqueue_indirect_dma source(%dma_start3A_1033 : memref<1000000x64xf32, #tpu.memory_space<hbm>>) target(%dma_start3A_1030 : memref<16x64xf32, #tpu.memory_space<vmem>>) offsets(%get3A_1025 : vector<16xi32>) semaphore(%arg9 : memref<!tpu.dma_semaphore, #tpu.memory_space<semaphore_mem>>)
        %add3A_1034 = arith.constant 256 : i32
        %add3A_1035 = arith.addi %mul3A_825, %add3A_1034 : i32
        %get3A_1036 = arith.index_cast %add3A_1035 : i32 to index
        %get3A_1037 = tpu.vector_load %arg6[%get3A_1036] {strides = array<i32>} : memref<25600xi32, #tpu.memory_space<vmem>>, vector<16xi32>,
        %get3A_1038 = vector.shape_cast %get3A_1037 : vector<16xi32> to vector<16xi32>
        %dma_start3A_1039 = arith.constant 0 : i32
        %dma_start3A_1040 = arith.constant 256 : i32
        %dma_start3A_1041 = arith.constant 0 : i32
        %dma_start3A_1042 = tpu.memref_slice %arg8[%dma_start3A_1039, %dma_start3A_1040, %dma_start3A_1041] : memref<3x400x64xf32, #tpu.memory_space<vmem>> -> memref<1x16x64xf32, #tpu.memory_space<vmem>>
        %dma_start3A_1043 = tpu.memref_squeeze %dma_start3A_1042 : memref<1x16x64xf32, #tpu.memory_space<vmem>> -> memref<16x64xf32, #tpu.memory_space<vmem>>
        %dma_start3A_1044 = arith.constant 0 : i32
        %dma_start3A_1045 = arith.constant 0 : i32
        %dma_start3A_1046 = tpu.memref_slice %arg3[%dma_start3A_1044, %dma_start3A_1045] : memref<1000000x64xf32, #tpu.memory_space<hbm>> -> memref<1000000x64xf32, #tpu.memory_space<hbm>>
        tpu.enqueue_indirect_dma source(%dma_start3A_1046 : memref<1000000x64xf32, #tpu.memory_space<hbm>>) target(%dma_start3A_1043 : memref<16x64xf32, #tpu.memory_space<vmem>>) offsets(%get3A_1038 : vector<16xi32>) semaphore(%arg9 : memref<!tpu.dma_semaphore, #tpu.memory_space<semaphore_mem>>)
        %add3A_1047 = arith.constant 272 : i32
        %add3A_1048 = arith.addi %mul3A_825, %add3A_1047 : i32
        %get3A_1049 = arith.index_cast %add3A_1048 : i32 to index
        %get3A_1050 = tpu.vector_load %arg6[%get3A_1049] {strides = array<i32>} : memref<25600xi32, #tpu.memory_space<vmem>>, vector<16xi32>,
        %get3A_1051 = vector.shape_cast %get3A_1050 : vector<16xi32> to vector<16xi32>
        %dma_start3A_1052 = arith.constant 0 : i32
        %dma_start3A_1053 = arith.constant 272 : i32
        %dma_start3A_1054 = arith.constant 0 : i32
        %dma_start3A_1055 = tpu.memref_slice %arg8[%dma_start3A_1052, %dma_start3A_1053, %dma_start3A_1054] : memref<3x400x64xf32, #tpu.memory_space<vmem>> -> memref<1x16x64xf32, #tpu.memory_space<vmem>>
        %dma_start3A_1056 = tpu.memref_squeeze %dma_start3A_1055 : memref<1x16x64xf32, #tpu.memory_space<vmem>> -> memref<16x64xf32, #tpu.memory_space<vmem>>
        %dma_start3A_1057 = arith.constant 0 : i32
        %dma_start3A_1058 = arith.constant 0 : i32
        %dma_start3A_1059 = tpu.memref_slice %arg3[%dma_start3A_1057, %dma_start3A_1058] : memref<1000000x64xf32, #tpu.memory_space<hbm>> -> memref<1000000x64xf32, #tpu.memory_space<hbm>>
        tpu.enqueue_indirect_dma source(%dma_start3A_1059 : memref<1000000x64xf32, #tpu.memory_space<hbm>>) target(%dma_start3A_1056 : memref<16x64xf32, #tpu.memory_space<vmem>>) offsets(%get3A_1051 : vector<16xi32>) semaphore(%arg9 : memref<!tpu.dma_semaphore, #tpu.memory_space<semaphore_mem>>)
        %add3A_1060 = arith.constant 288 : i32
        %add3A_1061 = arith.addi %mul3A_825, %add3A_1060 : i32
        %get3A_1062 = arith.index_cast %add3A_1061 : i32 to index
        %get3A_1063 = tpu.vector_load %arg6[%get3A_1062] {strides = array<i32>} : memref<25600xi32, #tpu.memory_space<vmem>>, vector<16xi32>,
        %get3A_1064 = vector.shape_cast %get3A_1063 : vector<16xi32> to vector<16xi32>
        %dma_start3A_1065 = arith.constant 0 : i32
        %dma_start3A_1066 = arith.constant 288 : i32
        %dma_start3A_1067 = arith.constant 0 : i32
        %dma_start3A_1068 = tpu.memref_slice %arg8[%dma_start3A_1065, %dma_start3A_1066, %dma_start3A_1067] : memref<3x400x64xf32, #tpu.memory_space<vmem>> -> memref<1x16x64xf32, #tpu.memory_space<vmem>>
        %dma_start3A_1069 = tpu.memref_squeeze %dma_start3A_1068 : memref<1x16x64xf32, #tpu.memory_space<vmem>> -> memref<16x64xf32, #tpu.memory_space<vmem>>
        %dma_start3A_1070 = arith.constant 0 : i32
        %dma_start3A_1071 = arith.constant 0 : i32
        %dma_start3A_1072 = tpu.memref_slice %arg3[%dma_start3A_1070, %dma_start3A_1071] : memref<1000000x64xf32, #tpu.memory_space<hbm>> -> memref<1000000x64xf32, #tpu.memory_space<hbm>>
        tpu.enqueue_indirect_dma source(%dma_start3A_1072 : memref<1000000x64xf32, #tpu.memory_space<hbm>>) target(%dma_start3A_1069 : memref<16x64xf32, #tpu.memory_space<vmem>>) offsets(%get3A_1064 : vector<16xi32>) semaphore(%arg9 : memref<!tpu.dma_semaphore, #tpu.memory_space<semaphore_mem>>)
        %add3A_1073 = arith.constant 304 : i32
        %add3A_1074 = arith.addi %mul3A_825, %add3A_1073 : i32
        %get3A_1075 = arith.index_cast %add3A_1074 : i32 to index
        %get3A_1076 = tpu.vector_load %arg6[%get3A_1075] {strides = array<i32>} : memref<25600xi32, #tpu.memory_space<vmem>>, vector<16xi32>,
        %get3A_1077 = vector.shape_cast %get3A_1076 : vector<16xi32> to vector<16xi32>
        %dma_start3A_1078 = arith.constant 0 : i32
        %dma_start3A_1079 = arith.constant 304 : i32
        %dma_start3A_1080 = arith.constant 0 : i32
        %dma_start3A_1081 = tpu.memref_slice %arg8[%dma_start3A_1078, %dma_start3A_1079, %dma_start3A_1080] : memref<3x400x64xf32, #tpu.memory_space<vmem>> -> memref<1x16x64xf32, #tpu.memory_space<vmem>>
        %dma_start3A_1082 = tpu.memref_squeeze %dma_start3A_1081 : memref<1x16x64xf32, #tpu.memory_space<vmem>> -> memref<16x64xf32, #tpu.memory_space<vmem>>
        %dma_start3A_1083 = arith.constant 0 : i32
        %dma_start3A_1084 = arith.constant 0 : i32
        %dma_start3A_1085 = tpu.memref_slice %arg3[%dma_start3A_1083, %dma_start3A_1084] : memref<1000000x64xf32, #tpu.memory_space<hbm>> -> memref<1000000x64xf32, #tpu.memory_space<hbm>>
        tpu.enqueue_indirect_dma source(%dma_start3A_1085 : memref<1000000x64xf32, #tpu.memory_space<hbm>>) target(%dma_start3A_1082 : memref<16x64xf32, #tpu.memory_space<vmem>>) offsets(%get3A_1077 : vector<16xi32>) semaphore(%arg9 : memref<!tpu.dma_semaphore, #tpu.memory_space<semaphore_mem>>)
        %add3A_1086 = arith.constant 320 : i32
        %add3A_1087 = arith.addi %mul3A_825, %add3A_1086 : i32
        %get3A_1088 = arith.index_cast %add3A_1087 : i32 to index
        %get3A_1089 = tpu.vector_load %arg6[%get3A_1088] {strides = array<i32>} : memref<25600xi32, #tpu.memory_space<vmem>>, vector<16xi32>,
        %get3A_1090 = vector.shape_cast %get3A_1089 : vector<16xi32> to vector<16xi32>
        %dma_start3A_1091 = arith.constant 0 : i32
        %dma_start3A_1092 = arith.constant 320 : i32
        %dma_start3A_1093 = arith.constant 0 : i32
        %dma_start3A_1094 = tpu.memref_slice %arg8[%dma_start3A_1091, %dma_start3A_1092, %dma_start3A_1093] : memref<3x400x64xf32, #tpu.memory_space<vmem>> -> memref<1x16x64xf32, #tpu.memory_space<vmem>>
        %dma_start3A_1095 = tpu.memref_squeeze %dma_start3A_1094 : memref<1x16x64xf32, #tpu.memory_space<vmem>> -> memref<16x64xf32, #tpu.memory_space<vmem>>
        %dma_start3A_1096 = arith.constant 0 : i32
        %dma_start3A_1097 = arith.constant 0 : i32
        %dma_start3A_1098 = tpu.memref_slice %arg3[%dma_start3A_1096, %dma_start3A_1097] : memref<1000000x64xf32, #tpu.memory_space<hbm>> -> memref<1000000x64xf32, #tpu.memory_space<hbm>>
        tpu.enqueue_indirect_dma source(%dma_start3A_1098 : memref<1000000x64xf32, #tpu.memory_space<hbm>>) target(%dma_start3A_1095 : memref<16x64xf32, #tpu.memory_space<vmem>>) offsets(%get3A_1090 : vector<16xi32>) semaphore(%arg9 : memref<!tpu.dma_semaphore, #tpu.memory_space<semaphore_mem>>)
        %add3A_1099 = arith.constant 336 : i32
        %add3A_1100 = arith.addi %mul3A_825, %add3A_1099 : i32
        %get3A_1101 = arith.index_cast %add3A_1100 : i32 to index
        %get3A_1102 = tpu.vector_load %arg6[%get3A_1101] {strides = array<i32>} : memref<25600xi32, #tpu.memory_space<vmem>>, vector<16xi32>,
        %get3A_1103 = vector.shape_cast %get3A_1102 : vector<16xi32> to vector<16xi32>
        %dma_start3A_1104 = arith.constant 0 : i32
        %dma_start3A_1105 = arith.constant 336 : i32
        %dma_start3A_1106 = arith.constant 0 : i32
        %dma_start3A_1107 = tpu.memref_slice %arg8[%dma_start3A_1104, %dma_start3A_1105, %dma_start3A_1106] : memref<3x400x64xf32, #tpu.memory_space<vmem>> -> memref<1x16x64xf32, #tpu.memory_space<vmem>>
        %dma_start3A_1108 = tpu.memref_squeeze %dma_start3A_1107 : memref<1x16x64xf32, #tpu.memory_space<vmem>> -> memref<16x64xf32, #tpu.memory_space<vmem>>
        %dma_start3A_1109 = arith.constant 0 : i32
        %dma_start3A_1110 = arith.constant 0 : i32
        %dma_start3A_1111 = tpu.memref_slice %arg3[%dma_start3A_1109, %dma_start3A_1110] : memref<1000000x64xf32, #tpu.memory_space<hbm>> -> memref<1000000x64xf32, #tpu.memory_space<hbm>>
        tpu.enqueue_indirect_dma source(%dma_start3A_1111 : memref<1000000x64xf32, #tpu.memory_space<hbm>>) target(%dma_start3A_1108 : memref<16x64xf32, #tpu.memory_space<vmem>>) offsets(%get3A_1103 : vector<16xi32>) semaphore(%arg9 : memref<!tpu.dma_semaphore, #tpu.memory_space<semaphore_mem>>)
        %add3A_1112 = arith.constant 352 : i32
        %add3A_1113 = arith.addi %mul3A_825, %add3A_1112 : i32
        %get3A_1114 = arith.index_cast %add3A_1113 : i32 to index
        %get3A_1115 = tpu.vector_load %arg6[%get3A_1114] {strides = array<i32>} : memref<25600xi32, #tpu.memory_space<vmem>>, vector<16xi32>,
        %get3A_1116 = vector.shape_cast %get3A_1115 : vector<16xi32> to vector<16xi32>
        %dma_start3A_1117 = arith.constant 0 : i32
        %dma_start3A_1118 = arith.constant 352 : i32
        %dma_start3A_1119 = arith.constant 0 : i32
        %dma_start3A_1120 = tpu.memref_slice %arg8[%dma_start3A_1117, %dma_start3A_1118, %dma_start3A_1119] : memref<3x400x64xf32, #tpu.memory_space<vmem>> -> memref<1x16x64xf32, #tpu.memory_space<vmem>>
        %dma_start3A_1121 = tpu.memref_squeeze %dma_start3A_1120 : memref<1x16x64xf32, #tpu.memory_space<vmem>> -> memref<16x64xf32, #tpu.memory_space<vmem>>
        %dma_start3A_1122 = arith.constant 0 : i32
        %dma_start3A_1123 = arith.constant 0 : i32
        %dma_start3A_1124 = tpu.memref_slice %arg3[%dma_start3A_1122, %dma_start3A_1123] : memref<1000000x64xf32, #tpu.memory_space<hbm>> -> memref<1000000x64xf32, #tpu.memory_space<hbm>>
        tpu.enqueue_indirect_dma source(%dma_start3A_1124 : memref<1000000x64xf32, #tpu.memory_space<hbm>>) target(%dma_start3A_1121 : memref<16x64xf32, #tpu.memory_space<vmem>>) offsets(%get3A_1116 : vector<16xi32>) semaphore(%arg9 : memref<!tpu.dma_semaphore, #tpu.memory_space<semaphore_mem>>)
        %add3A_1125 = arith.constant 368 : i32
        %add3A_1126 = arith.addi %mul3A_825, %add3A_1125 : i32
        %get3A_1127 = arith.index_cast %add3A_1126 : i32 to index
        %get3A_1128 = tpu.vector_load %arg6[%get3A_1127] {strides = array<i32>} : memref<25600xi32, #tpu.memory_space<vmem>>, vector<16xi32>,
        %get3A_1129 = vector.shape_cast %get3A_1128 : vector<16xi32> to vector<16xi32>
        %dma_start3A_1130 = arith.constant 0 : i32
        %dma_start3A_1131 = arith.constant 368 : i32
        %dma_start3A_1132 = arith.constant 0 : i32
        %dma_start3A_1133 = tpu.memref_slice %arg8[%dma_start3A_1130, %dma_start3A_1131, %dma_start3A_1132] : memref<3x400x64xf32, #tpu.memory_space<vmem>> -> memref<1x16x64xf32, #tpu.memory_space<vmem>>
        %dma_start3A_1134 = tpu.memref_squeeze %dma_start3A_1133 : memref<1x16x64xf32, #tpu.memory_space<vmem>> -> memref<16x64xf32, #tpu.memory_space<vmem>>
        %dma_start3A_1135 = arith.constant 0 : i32
        %dma_start3A_1136 = arith.constant 0 : i32
        %dma_start3A_1137 = tpu.memref_slice %arg3[%dma_start3A_1135, %dma_start3A_1136] : memref<1000000x64xf32, #tpu.memory_space<hbm>> -> memref<1000000x64xf32, #tpu.memory_space<hbm>>
        tpu.enqueue_indirect_dma source(%dma_start3A_1137 : memref<1000000x64xf32, #tpu.memory_space<hbm>>) target(%dma_start3A_1134 : memref<16x64xf32, #tpu.memory_space<vmem>>) offsets(%get3A_1129 : vector<16xi32>) semaphore(%arg9 : memref<!tpu.dma_semaphore, #tpu.memory_space<semaphore_mem>>)
        %add3A_1138 = arith.constant 384 : i32
        %add3A_1139 = arith.addi %mul3A_825, %add3A_1138 : i32
        %get3A_1140 = arith.index_cast %add3A_1139 : i32 to index
        %get3A_1141 = tpu.vector_load %arg6[%get3A_1140] {strides = array<i32>} : memref<25600xi32, #tpu.memory_space<vmem>>, vector<16xi32>,
        %get3A_1142 = vector.shape_cast %get3A_1141 : vector<16xi32> to vector<16xi32>
        %dma_start3A_1143 = arith.constant 0 : i32
        %dma_start3A_1144 = arith.constant 384 : i32
        %dma_start3A_1145 = arith.constant 0 : i32
        %dma_start3A_1146 = tpu.memref_slice %arg8[%dma_start3A_1143, %dma_start3A_1144, %dma_start3A_1145] : memref<3x400x64xf32, #tpu.memory_space<vmem>> -> memref<1x16x64xf32, #tpu.memory_space<vmem>>
        %dma_start3A_1147 = tpu.memref_squeeze %dma_start3A_1146 : memref<1x16x64xf32, #tpu.memory_space<vmem>> -> memref<16x64xf32, #tpu.memory_space<vmem>>
        %dma_start3A_1148 = arith.constant 0 : i32
        %dma_start3A_1149 = arith.constant 0 : i32
        %dma_start3A_1150 = tpu.memref_slice %arg3[%dma_start3A_1148, %dma_start3A_1149] : memref<1000000x64xf32, #tpu.memory_space<hbm>> -> memref<1000000x64xf32, #tpu.memory_space<hbm>>
        tpu.enqueue_indirect_dma source(%dma_start3A_1150 : memref<1000000x64xf32, #tpu.memory_space<hbm>>) target(%dma_start3A_1147 : memref<16x64xf32, #tpu.memory_space<vmem>>) offsets(%get3A_1142 : vector<16xi32>) semaphore(%arg9 : memref<!tpu.dma_semaphore, #tpu.memory_space<semaphore_mem>>)
      } else {
      }
      %mul3A_758 = arith.constant 3 : i32
      %mul3A_759 = arith.muli %mul3A_758, %scan3A_644 : i32
      %add3A_760 = arith.constant 2 : i32
      %add3A_761 = arith.addi %mul3A_759, %add3A_760 : i32
      %dma_wait3A_762 = arith.constant 2 : i32
      %dma_wait3A_763 = arith.constant 0 : i32
      %dma_wait3A_764 = arith.constant 0 : i32
      %dma_wait3A_765 = tpu.memref_slice %arg8[%dma_wait3A_762, %dma_wait3A_763, %dma_wait3A_764] : memref<3x400x64xf32, #tpu.memory_space<vmem>> -> memref<1x400x64xf32, #tpu.memory_space<vmem>>
      %dma_wait3A_766 = tpu.memref_squeeze %dma_wait3A_765 : memref<1x400x64xf32, #tpu.memory_space<vmem>> -> memref<400x64xf32, #tpu.memory_space<vmem>>
      %dma_wait3A_767 = arith.constant 0 : i32
      %dma_wait3A_768 = arith.constant 0 : i32
      %dma_wait3A_769 = tpu.memref_slice %arg5[%dma_wait3A_767, %dma_wait3A_768] : memref<819200x128xf32, #tpu.memory_space<hbm>> -> memref<400x64xf32, #tpu.memory_space<hbm>>
      %dma_wait3A_770 = arith.constant 0 : i32
      %dma_wait3A_771 = arith.constant 0 : i32
      %dma_wait3A_772 = tpu.memref_slice %arg8[%dma_wait3A_762, %dma_wait3A_770, %dma_wait3A_771] : memref<3x400x64xf32, #tpu.memory_space<vmem>> -> memref<1x400x64xf32, #tpu.memory_space<vmem>>
      %dma_wait3A_773 = tpu.memref_squeeze %dma_wait3A_772 : memref<1x400x64xf32, #tpu.memory_space<vmem>> -> memref<400x64xf32, #tpu.memory_space<vmem>>
      %dma_wait3A_774 = arith.constant 0 : i32
      %dma_wait3A_775 = arith.constant 0 : i32
      %dma_wait3A_776 = tpu.memref_slice %arg5[%dma_wait3A_774, %dma_wait3A_775] : memref<819200x128xf32, #tpu.memory_space<hbm>> -> memref<400x64xf32, #tpu.memory_space<hbm>>
      tpu.wait_dma2 semaphore(%arg11 : memref<!tpu.dma_semaphore, #tpu.memory_space<semaphore_mem>>) src(%dma_wait3A_776 : memref<400x64xf32, #tpu.memory_space<hbm>>) dst(%dma_wait3A_773 : memref<400x64xf32, #tpu.memory_space<vmem>>)
      %scan3A_777 = arith.constant 0 : i32
      %scan3A_778 = arith.constant 0 : i32
      %scan3A_779 = arith.constant 50 : i32
      %scan3A_780 = arith.addi %scan3A_778, %scan3A_779 : i32
      %scan3A_781 = arith.constant 1 : i32
      %scan3A_782 = scf.for %scan3A_816 = %scan3A_778 to %scan3A_780 step %scan3A_781 iter_args(%scan3A_817 = %scan3A_777) -> (i32)  : i32 {
        %mul3A_818 = arith.constant 4 : i32
        %mul3A_819 = arith.muli %scan3A_816, %mul3A_818 : i32
        %add3A_820 = arith.constant 0 : i32
        %add3A_821 = arith.addi %mul3A_819, %add3A_820 : i32
        %add3A_822 = arith.constant 0 : i32
        %add3A_823 = arith.addi %add3A_822, %add3A_821 : i32
        %get3A_824 = arith.index_cast %add3A_821 : i32 to index
        %get3A_825 = arith.constant 0 : index
        %get3A_826 = tpu.vector_load %arg7[%get3A_824, %get3A_825] {strides = array<i32>} : memref<200x64xf32, #tpu.memory_space<vmem>>, vector<1x16xf32>,
        %get3A_827 = vector.shape_cast %get3A_826 : vector<1x16xf32> to vector<16xf32>
        %swap3A = arith.constant 2 : i32
        %swap3A_828 = arith.index_cast %swap3A : i32 to index
        %swap3A_829 = arith.index_cast %add3A_823 : i32 to index
        %swap3A_830 = arith.constant 0 : index
        %swap3A_831 = tpu.vector_load %arg8[%swap3A_828, %swap3A_829, %swap3A_830] {strides = array<i32>} : memref<3x400x64xf32, #tpu.memory_space<vmem>>, vector<1x1x16xf32>,
        %swap3A_832 = vector.shape_cast %swap3A_831 : vector<1x1x16xf32> to vector<16xf32>
        %swap3A_833 = vector.shape_cast %get3A_827 : vector<16xf32> to vector<1x1x16xf32>
        tpu.vector_store %arg8[%swap3A_828, %swap3A_829, %swap3A_830], %swap3A_833 {add = true, strides = array<i32>} : memref<3x400x64xf32, #tpu.memory_space<vmem>>, vector<1x1x16xf32>,
        %add3A_834 = arith.constant 0 : i32
        %add3A_835 = arith.addi %add3A_834, %add3A_821 : i32
        %get3A_836 = arith.index_cast %add3A_821 : i32 to index
        %get3A_837 = arith.constant 16 : index
        %get3A_838 = tpu.vector_load %arg7[%get3A_836, %get3A_837] {strides = array<i32>} : memref<200x64xf32, #tpu.memory_space<vmem>>, vector<1x16xf32>,
        %get3A_839 = vector.shape_cast %get3A_838 : vector<1x16xf32> to vector<16xf32>
        %swap3A_840 = arith.constant 2 : i32
        %swap3A_841 = arith.index_cast %swap3A_840 : i32 to index
        %swap3A_842 = arith.index_cast %add3A_835 : i32 to index
        %swap3A_843 = arith.constant 16 : index
        %swap3A_844 = tpu.vector_load %arg8[%swap3A_841, %swap3A_842, %swap3A_843] {strides = array<i32>} : memref<3x400x64xf32, #tpu.memory_space<vmem>>, vector<1x1x16xf32>,
        %swap3A_845 = vector.shape_cast %swap3A_844 : vector<1x1x16xf32> to vector<16xf32>
        %swap3A_846 = vector.shape_cast %get3A_839 : vector<16xf32> to vector<1x1x16xf32>
        tpu.vector_store %arg8[%swap3A_841, %swap3A_842, %swap3A_843], %swap3A_846 {add = true, strides = array<i32>} : memref<3x400x64xf32, #tpu.memory_space<vmem>>, vector<1x1x16xf32>,
        %add3A_847 = arith.constant 0 : i32
        %add3A_848 = arith.addi %add3A_847, %add3A_821 : i32
        %get3A_849 = arith.index_cast %add3A_821 : i32 to index
        %get3A_850 = arith.constant 32 : index
        %get3A_851 = tpu.vector_load %arg7[%get3A_849, %get3A_850] {strides = array<i32>} : memref<200x64xf32, #tpu.memory_space<vmem>>, vector<1x16xf32>,
        %get3A_852 = vector.shape_cast %get3A_851 : vector<1x16xf32> to vector<16xf32>
        %swap3A_853 = arith.constant 2 : i32
        %swap3A_854 = arith.index_cast %swap3A_853 : i32 to index
        %swap3A_855 = arith.index_cast %add3A_848 : i32 to index
        %swap3A_856 = arith.constant 32 : index
        %swap3A_857 = tpu.vector_load %arg8[%swap3A_854, %swap3A_855, %swap3A_856] {strides = array<i32>} : memref<3x400x64xf32, #tpu.memory_space<vmem>>, vector<1x1x16xf32>,
        %swap3A_858 = vector.shape_cast %swap3A_857 : vector<1x1x16xf32> to vector<16xf32>
        %swap3A_859 = vector.shape_cast %get3A_852 : vector<16xf32> to vector<1x1x16xf32>
        tpu.vector_store %arg8[%swap3A_854, %swap3A_855, %swap3A_856], %swap3A_859 {add = true, strides = array<i32>} : memref<3x400x64xf32, #tpu.memory_space<vmem>>, vector<1x1x16xf32>,
        %add3A_860 = arith.constant 0 : i32
        %add3A_861 = arith.addi %add3A_860, %add3A_821 : i32
        %get3A_862 = arith.index_cast %add3A_821 : i32 to index
        %get3A_863 = arith.constant 48 : index
        %get3A_864 = tpu.vector_load %arg7[%get3A_862, %get3A_863] {strides = array<i32>} : memref<200x64xf32, #tpu.memory_space<vmem>>, vector<1x16xf32>,
        %get3A_865 = vector.shape_cast %get3A_864 : vector<1x16xf32> to vector<16xf32>
        %swap3A_866 = arith.constant 2 : i32
        %swap3A_867 = arith.index_cast %swap3A_866 : i32 to index
        %swap3A_868 = arith.index_cast %add3A_861 : i32 to index
        %swap3A_869 = arith.constant 48 : index
        %swap3A_870 = tpu.vector_load %arg8[%swap3A_867, %swap3A_868, %swap3A_869] {strides = array<i32>} : memref<3x400x64xf32, #tpu.memory_space<vmem>>, vector<1x1x16xf32>,
        %swap3A_871 = vector.shape_cast %swap3A_870 : vector<1x1x16xf32> to vector<16xf32>
        %swap3A_872 = vector.shape_cast %get3A_865 : vector<16xf32> to vector<1x1x16xf32>
        tpu.vector_store %arg8[%swap3A_867, %swap3A_868, %swap3A_869], %swap3A_872 {add = true, strides = array<i32>} : memref<3x400x64xf32, #tpu.memory_space<vmem>>, vector<1x1x16xf32>,
        %mul3A_873 = arith.constant 4 : i32
        %mul3A_874 = arith.muli %scan3A_816, %mul3A_873 : i32
        %add3A_875 = arith.constant 1 : i32
        %add3A_876 = arith.addi %mul3A_874, %add3A_875 : i32
        %add3A_877 = arith.constant 0 : i32
        %add3A_878 = arith.addi %add3A_877, %add3A_876 : i32
        %get3A_879 = arith.index_cast %add3A_876 : i32 to index
        %get3A_880 = arith.constant 0 : index
        %get3A_881 = tpu.vector_load %arg7[%get3A_879, %get3A_880] {strides = array<i32>} : memref<200x64xf32, #tpu.memory_space<vmem>>, vector<1x16xf32>,
        %get3A_882 = vector.shape_cast %get3A_881 : vector<1x16xf32> to vector<16xf32>
        %swap3A_883 = arith.constant 2 : i32
        %swap3A_884 = arith.index_cast %swap3A_883 : i32 to index
        %swap3A_885 = arith.index_cast %add3A_878 : i32 to index
        %swap3A_886 = arith.constant 0 : index
        %swap3A_887 = tpu.vector_load %arg8[%swap3A_884, %swap3A_885, %swap3A_886] {strides = array<i32>} : memref<3x400x64xf32, #tpu.memory_space<vmem>>, vector<1x1x16xf32>,
        %swap3A_888 = vector.shape_cast %swap3A_887 : vector<1x1x16xf32> to vector<16xf32>
        %swap3A_889 = vector.shape_cast %get3A_882 : vector<16xf32> to vector<1x1x16xf32>
        tpu.vector_store %arg8[%swap3A_884, %swap3A_885, %swap3A_886], %swap3A_889 {add = true, strides = array<i32>} : memref<3x400x64xf32, #tpu.memory_space<vmem>>, vector<1x1x16xf32>,
        %add3A_890 = arith.constant 0 : i32
        %add3A_891 = arith.addi %add3A_890, %add3A_876 : i32
        %get3A_892 = arith.index_cast %add3A_876 : i32 to index
        %get3A_893 = arith.constant 16 : index
        %get3A_894 = tpu.vector_load %arg7[%get3A_892, %get3A_893] {strides = array<i32>} : memref<200x64xf32, #tpu.memory_space<vmem>>, vector<1x16xf32>,
        %get3A_895 = vector.shape_cast %get3A_894 : vector<1x16xf32> to vector<16xf32>
        %swap3A_896 = arith.constant 2 : i32
        %swap3A_897 = arith.index_cast %swap3A_896 : i32 to index
        %swap3A_898 = arith.index_cast %add3A_891 : i32 to index
        %swap3A_899 = arith.constant 16 : index
        %swap3A_900 = tpu.vector_load %arg8[%swap3A_897, %swap3A_898, %swap3A_899] {strides = array<i32>} : memref<3x400x64xf32, #tpu.memory_space<vmem>>, vector<1x1x16xf32>,
        %swap3A_901 = vector.shape_cast %swap3A_900 : vector<1x1x16xf32> to vector<16xf32>
        %swap3A_902 = vector.shape_cast %get3A_895 : vector<16xf32> to vector<1x1x16xf32>
        tpu.vector_store %arg8[%swap3A_897, %swap3A_898, %swap3A_899], %swap3A_902 {add = true, strides = array<i32>} : memref<3x400x64xf32, #tpu.memory_space<vmem>>, vector<1x1x16xf32>,
        %add3A_903 = arith.constant 0 : i32
        %add3A_904 = arith.addi %add3A_903, %add3A_876 : i32
        %get3A_905 = arith.index_cast %add3A_876 : i32 to index
        %get3A_906 = arith.constant 32 : index
        %get3A_907 = tpu.vector_load %arg7[%get3A_905, %get3A_906] {strides = array<i32>} : memref<200x64xf32, #tpu.memory_space<vmem>>, vector<1x16xf32>,
        %get3A_908 = vector.shape_cast %get3A_907 : vector<1x16xf32> to vector<16xf32>
        %swap3A_909 = arith.constant 2 : i32
        %swap3A_910 = arith.index_cast %swap3A_909 : i32 to index
        %swap3A_911 = arith.index_cast %add3A_904 : i32 to index
        %swap3A_912 = arith.constant 32 : index
        %swap3A_913 = tpu.vector_load %arg8[%swap3A_910, %swap3A_911, %swap3A_912] {strides = array<i32>} : memref<3x400x64xf32, #tpu.memory_space<vmem>>, vector<1x1x16xf32>,
        %swap3A_914 = vector.shape_cast %swap3A_913 : vector<1x1x16xf32> to vector<16xf32>
        %swap3A_915 = vector.shape_cast %get3A_908 : vector<16xf32> to vector<1x1x16xf32>
        tpu.vector_store %arg8[%swap3A_910, %swap3A_911, %swap3A_912], %swap3A_915 {add = true, strides = array<i32>} : memref<3x400x64xf32, #tpu.memory_space<vmem>>, vector<1x1x16xf32>,
        %add3A_916 = arith.constant 0 : i32
        %add3A_917 = arith.addi %add3A_916, %add3A_876 : i32
        %get3A_918 = arith.index_cast %add3A_876 : i32 to index
        %get3A_919 = arith.constant 48 : index
        %get3A_920 = tpu.vector_load %arg7[%get3A_918, %get3A_919] {strides = array<i32>} : memref<200x64xf32, #tpu.memory_space<vmem>>, vector<1x16xf32>,
        %get3A_921 = vector.shape_cast %get3A_920 : vector<1x16xf32> to vector<16xf32>
        %swap3A_922 = arith.constant 2 : i32
        %swap3A_923 = arith.index_cast %swap3A_922 : i32 to index
        %swap3A_924 = arith.index_cast %add3A_917 : i32 to index
        %swap3A_925 = arith.constant 48 : index
        %swap3A_926 = tpu.vector_load %arg8[%swap3A_923, %swap3A_924, %swap3A_925] {strides = array<i32>} : memref<3x400x64xf32, #tpu.memory_space<vmem>>, vector<1x1x16xf32>,
        %swap3A_927 = vector.shape_cast %swap3A_926 : vector<1x1x16xf32> to vector<16xf32>
        %swap3A_928 = vector.shape_cast %get3A_921 : vector<16xf32> to vector<1x1x16xf32>
        tpu.vector_store %arg8[%swap3A_923, %swap3A_924, %swap3A_925], %swap3A_928 {add = true, strides = array<i32>} : memref<3x400x64xf32, #tpu.memory_space<vmem>>, vector<1x1x16xf32>,
        %mul3A_929 = arith.constant 4 : i32
        %mul3A_930 = arith.muli %scan3A_816, %mul3A_929 : i32
        %add3A_931 = arith.constant 2 : i32
        %add3A_932 = arith.addi %mul3A_930, %add3A_931 : i32
        %add3A_933 = arith.constant 0 : i32
        %add3A_934 = arith.addi %add3A_933, %add3A_932 : i32
        %get3A_935 = arith.index_cast %add3A_932 : i32 to index
        %get3A_936 = arith.constant 0 : index
        %get3A_937 = tpu.vector_load %arg7[%get3A_935, %get3A_936] {strides = array<i32>} : memref<200x64xf32, #tpu.memory_space<vmem>>, vector<1x16xf32>,
        %get3A_938 = vector.shape_cast %get3A_937 : vector<1x16xf32> to vector<16xf32>
        %swap3A_939 = arith.constant 2 : i32
        %swap3A_940 = arith.index_cast %swap3A_939 : i32 to index
        %swap3A_941 = arith.index_cast %add3A_934 : i32 to index
        %swap3A_942 = arith.constant 0 : index
        %swap3A_943 = tpu.vector_load %arg8[%swap3A_940, %swap3A_941, %swap3A_942] {strides = array<i32>} : memref<3x400x64xf32, #tpu.memory_space<vmem>>, vector<1x1x16xf32>,
        %swap3A_944 = vector.shape_cast %swap3A_943 : vector<1x1x16xf32> to vector<16xf32>
        %swap3A_945 = vector.shape_cast %get3A_938 : vector<16xf32> to vector<1x1x16xf32>
        tpu.vector_store %arg8[%swap3A_940, %swap3A_941, %swap3A_942], %swap3A_945 {add = true, strides = array<i32>} : memref<3x400x64xf32, #tpu.memory_space<vmem>>, vector<1x1x16xf32>,
        %add3A_946 = arith.constant 0 : i32
        %add3A_947 = arith.addi %add3A_946, %add3A_932 : i32
        %get3A_948 = arith.index_cast %add3A_932 : i32 to index
        %get3A_949 = arith.constant 16 : index
        %get3A_950 = tpu.vector_load %arg7[%get3A_948, %get3A_949] {strides = array<i32>} : memref<200x64xf32, #tpu.memory_space<vmem>>, vector<1x16xf32>,
        %get3A_951 = vector.shape_cast %get3A_950 : vector<1x16xf32> to vector<16xf32>
        %swap3A_952 = arith.constant 2 : i32
        %swap3A_953 = arith.index_cast %swap3A_952 : i32 to index
        %swap3A_954 = arith.index_cast %add3A_947 : i32 to index
        %swap3A_955 = arith.constant 16 : index
        %swap3A_956 = tpu.vector_load %arg8[%swap3A_953, %swap3A_954, %swap3A_955] {strides = array<i32>} : memref<3x400x64xf32, #tpu.memory_space<vmem>>, vector<1x1x16xf32>,
        %swap3A_957 = vector.shape_cast %swap3A_956 : vector<1x1x16xf32> to vector<16xf32>
        %swap3A_958 = vector.shape_cast %get3A_951 : vector<16xf32> to vector<1x1x16xf32>
        tpu.vector_store %arg8[%swap3A_953, %swap3A_954, %swap3A_955], %swap3A_958 {add = true, strides = array<i32>} : memref<3x400x64xf32, #tpu.memory_space<vmem>>, vector<1x1x16xf32>,
        %add3A_959 = arith.constant 0 : i32
        %add3A_960 = arith.addi %add3A_959, %add3A_932 : i32
        %get3A_961 = arith.index_cast %add3A_932 : i32 to index
        %get3A_962 = arith.constant 32 : index
        %get3A_963 = tpu.vector_load %arg7[%get3A_961, %get3A_962] {strides = array<i32>} : memref<200x64xf32, #tpu.memory_space<vmem>>, vector<1x16xf32>,
        %get3A_964 = vector.shape_cast %get3A_963 : vector<1x16xf32> to vector<16xf32>
        %swap3A_965 = arith.constant 2 : i32
        %swap3A_966 = arith.index_cast %swap3A_965 : i32 to index
        %swap3A_967 = arith.index_cast %add3A_960 : i32 to index
        %swap3A_968 = arith.constant 32 : index
        %swap3A_969 = tpu.vector_load %arg8[%swap3A_966, %swap3A_967, %swap3A_968] {strides = array<i32>} : memref<3x400x64xf32, #tpu.memory_space<vmem>>, vector<1x1x16xf32>,
        %swap3A_970 = vector.shape_cast %swap3A_969 : vector<1x1x16xf32> to vector<16xf32>
        %swap3A_971 = vector.shape_cast %get3A_964 : vector<16xf32> to vector<1x1x16xf32>
        tpu.vector_store %arg8[%swap3A_966, %swap3A_967, %swap3A_968], %swap3A_971 {add = true, strides = array<i32>} : memref<3x400x64xf32, #tpu.memory_space<vmem>>, vector<1x1x16xf32>,
        %add3A_972 = arith.constant 0 : i32
        %add3A_973 = arith.addi %add3A_972, %add3A_932 : i32
        %get3A_974 = arith.index_cast %add3A_932 : i32 to index
        %get3A_975 = arith.constant 48 : index
        %get3A_976 = tpu.vector_load %arg7[%get3A_974, %get3A_975] {strides = array<i32>} : memref<200x64xf32, #tpu.memory_space<vmem>>, vector<1x16xf32>,
        %get3A_977 = vector.shape_cast %get3A_976 : vector<1x16xf32> to vector<16xf32>
        %swap3A_978 = arith.constant 2 : i32
        %swap3A_979 = arith.index_cast %swap3A_978 : i32 to index
        %swap3A_980 = arith.index_cast %add3A_973 : i32 to index
        %swap3A_981 = arith.constant 48 : index
        %swap3A_982 = tpu.vector_load %arg8[%swap3A_979, %swap3A_980, %swap3A_981] {strides = array<i32>} : memref<3x400x64xf32, #tpu.memory_space<vmem>>, vector<1x1x16xf32>,
        %swap3A_983 = vector.shape_cast %swap3A_982 : vector<1x1x16xf32> to vector<16xf32>
        %swap3A_984 = vector.shape_cast %get3A_977 : vector<16xf32> to vector<1x1x16xf32>
        tpu.vector_store %arg8[%swap3A_979, %swap3A_980, %swap3A_981], %swap3A_984 {add = true, strides = array<i32>} : memref<3x400x64xf32, #tpu.memory_space<vmem>>, vector<1x1x16xf32>,
        %mul3A_985 = arith.constant 4 : i32
        %mul3A_986 = arith.muli %scan3A_816, %mul3A_985 : i32
        %add3A_987 = arith.constant 3 : i32
        %add3A_988 = arith.addi %mul3A_986, %add3A_987 : i32
        %add3A_989 = arith.constant 0 : i32
        %add3A_990 = arith.addi %add3A_989, %add3A_988 : i32
        %get3A_991 = arith.index_cast %add3A_988 : i32 to index
        %get3A_992 = arith.constant 0 : index
        %get3A_993 = tpu.vector_load %arg7[%get3A_991, %get3A_992] {strides = array<i32>} : memref<200x64xf32, #tpu.memory_space<vmem>>, vector<1x16xf32>,
        %get3A_994 = vector.shape_cast %get3A_993 : vector<1x16xf32> to vector<16xf32>
        %swap3A_995 = arith.constant 2 : i32
        %swap3A_996 = arith.index_cast %swap3A_995 : i32 to index
        %swap3A_997 = arith.index_cast %add3A_990 : i32 to index
        %swap3A_998 = arith.constant 0 : index
        %swap3A_999 = tpu.vector_load %arg8[%swap3A_996, %swap3A_997, %swap3A_998] {strides = array<i32>} : memref<3x400x64xf32, #tpu.memory_space<vmem>>, vector<1x1x16xf32>,
        %swap3A_1000 = vector.shape_cast %swap3A_999 : vector<1x1x16xf32> to vector<16xf32>
        %swap3A_1001 = vector.shape_cast %get3A_994 : vector<16xf32> to vector<1x1x16xf32>
        tpu.vector_store %arg8[%swap3A_996, %swap3A_997, %swap3A_998], %swap3A_1001 {add = true, strides = array<i32>} : memref<3x400x64xf32, #tpu.memory_space<vmem>>, vector<1x1x16xf32>,
        %add3A_1002 = arith.constant 0 : i32
        %add3A_1003 = arith.addi %add3A_1002, %add3A_988 : i32
        %get3A_1004 = arith.index_cast %add3A_988 : i32 to index
        %get3A_1005 = arith.constant 16 : index
        %get3A_1006 = tpu.vector_load %arg7[%get3A_1004, %get3A_1005] {strides = array<i32>} : memref<200x64xf32, #tpu.memory_space<vmem>>, vector<1x16xf32>,
        %get3A_1007 = vector.shape_cast %get3A_1006 : vector<1x16xf32> to vector<16xf32>
        %swap3A_1008 = arith.constant 2 : i32
        %swap3A_1009 = arith.index_cast %swap3A_1008 : i32 to index
        %swap3A_1010 = arith.index_cast %add3A_1003 : i32 to index
        %swap3A_1011 = arith.constant 16 : index
        %swap3A_1012 = tpu.vector_load %arg8[%swap3A_1009, %swap3A_1010, %swap3A_1011] {strides = array<i32>} : memref<3x400x64xf32, #tpu.memory_space<vmem>>, vector<1x1x16xf32>,
        %swap3A_1013 = vector.shape_cast %swap3A_1012 : vector<1x1x16xf32> to vector<16xf32>
        %swap3A_1014 = vector.shape_cast %get3A_1007 : vector<16xf32> to vector<1x1x16xf32>
        tpu.vector_store %arg8[%swap3A_1009, %swap3A_1010, %swap3A_1011], %swap3A_1014 {add = true, strides = array<i32>} : memref<3x400x64xf32, #tpu.memory_space<vmem>>, vector<1x1x16xf32>,
        %add3A_1015 = arith.constant 0 : i32
        %add3A_1016 = arith.addi %add3A_1015, %add3A_988 : i32
        %get3A_1017 = arith.index_cast %add3A_988 : i32 to index
        %get3A_1018 = arith.constant 32 : index
        %get3A_1019 = tpu.vector_load %arg7[%get3A_1017, %get3A_1018] {strides = array<i32>} : memref<200x64xf32, #tpu.memory_space<vmem>>, vector<1x16xf32>,
        %get3A_1020 = vector.shape_cast %get3A_1019 : vector<1x16xf32> to vector<16xf32>
        %swap3A_1021 = arith.constant 2 : i32
        %swap3A_1022 = arith.index_cast %swap3A_1021 : i32 to index
        %swap3A_1023 = arith.index_cast %add3A_1016 : i32 to index
        %swap3A_1024 = arith.constant 32 : index
        %swap3A_1025 = tpu.vector_load %arg8[%swap3A_1022, %swap3A_1023, %swap3A_1024] {strides = array<i32>} : memref<3x400x64xf32, #tpu.memory_space<vmem>>, vector<1x1x16xf32>,
        %swap3A_1026 = vector.shape_cast %swap3A_1025 : vector<1x1x16xf32> to vector<16xf32>
        %swap3A_1027 = vector.shape_cast %get3A_1020 : vector<16xf32> to vector<1x1x16xf32>
        tpu.vector_store %arg8[%swap3A_1022, %swap3A_1023, %swap3A_1024], %swap3A_1027 {add = true, strides = array<i32>} : memref<3x400x64xf32, #tpu.memory_space<vmem>>, vector<1x1x16xf32>,
        %add3A_1028 = arith.constant 0 : i32
        %add3A_1029 = arith.addi %add3A_1028, %add3A_988 : i32
        %get3A_1030 = arith.index_cast %add3A_988 : i32 to index
        %get3A_1031 = arith.constant 48 : index
        %get3A_1032 = tpu.vector_load %arg7[%get3A_1030, %get3A_1031] {strides = array<i32>} : memref<200x64xf32, #tpu.memory_space<vmem>>, vector<1x16xf32>,
        %get3A_1033 = vector.shape_cast %get3A_1032 : vector<1x16xf32> to vector<16xf32>
        %swap3A_1034 = arith.constant 2 : i32
        %swap3A_1035 = arith.index_cast %swap3A_1034 : i32 to index
        %swap3A_1036 = arith.index_cast %add3A_1029 : i32 to index
        %swap3A_1037 = arith.constant 48 : index
        %swap3A_1038 = tpu.vector_load %arg8[%swap3A_1035, %swap3A_1036, %swap3A_1037] {strides = array<i32>} : memref<3x400x64xf32, #tpu.memory_space<vmem>>, vector<1x1x16xf32>,
        %swap3A_1039 = vector.shape_cast %swap3A_1038 : vector<1x1x16xf32> to vector<16xf32>
        %swap3A_1040 = vector.shape_cast %get3A_1033 : vector<16xf32> to vector<1x1x16xf32>
        tpu.vector_store %arg8[%swap3A_1035, %swap3A_1036, %swap3A_1037], %swap3A_1040 {add = true, strides = array<i32>} : memref<3x400x64xf32, #tpu.memory_space<vmem>>, vector<1x1x16xf32>,
        %scan3A_1041 = arith.constant 0 : i32
        scf.yield %scan3A_1041 : i32
      }
      %scan3A_783 = arith.constant 50 : i32
      %scan3A_784 = arith.constant 0 : i32
      %scan3A_785 = arith.constant 0 : i32
      %scan3A_786 = arith.constant 50 : i32
      %scan3A_787 = arith.addi %scan3A_785, %scan3A_786 : i32
      %scan3A_788 = arith.constant 1 : i32
      %scan3A_789 = scf.for %scan3A_816 = %scan3A_785 to %scan3A_787 step %scan3A_788 iter_args(%scan3A_817 = %scan3A_784) -> (i32)  : i32 {
        %mul3A_818 = arith.constant 4 : i32
        %mul3A_819 = arith.muli %scan3A_816, %mul3A_818 : i32
        %add3A_820 = arith.constant 0 : i32
        %add3A_821 = arith.addi %mul3A_819, %add3A_820 : i32
        %add3A_822 = arith.constant 200 : i32
        %add3A_823 = arith.addi %add3A_822, %add3A_821 : i32
        %get3A_824 = arith.index_cast %add3A_821 : i32 to index
        %get3A_825 = arith.constant 0 : index
        %get3A_826 = tpu.vector_load %arg7[%get3A_824, %get3A_825] {strides = array<i32>} : memref<200x64xf32, #tpu.memory_space<vmem>>, vector<1x16xf32>,
        %get3A_827 = vector.shape_cast %get3A_826 : vector<1x16xf32> to vector<16xf32>
        %swap3A = arith.constant 2 : i32
        %swap3A_828 = arith.index_cast %swap3A : i32 to index
        %swap3A_829 = arith.index_cast %add3A_823 : i32 to index
        %swap3A_830 = arith.constant 0 : index
        %swap3A_831 = tpu.vector_load %arg8[%swap3A_828, %swap3A_829, %swap3A_830] {strides = array<i32>} : memref<3x400x64xf32, #tpu.memory_space<vmem>>, vector<1x1x16xf32>,
        %swap3A_832 = vector.shape_cast %swap3A_831 : vector<1x1x16xf32> to vector<16xf32>
        %swap3A_833 = vector.shape_cast %get3A_827 : vector<16xf32> to vector<1x1x16xf32>
        tpu.vector_store %arg8[%swap3A_828, %swap3A_829, %swap3A_830], %swap3A_833 {add = true, strides = array<i32>} : memref<3x400x64xf32, #tpu.memory_space<vmem>>, vector<1x1x16xf32>,
        %add3A_834 = arith.constant 200 : i32
        %add3A_835 = arith.addi %add3A_834, %add3A_821 : i32
        %get3A_836 = arith.index_cast %add3A_821 : i32 to index
        %get3A_837 = arith.constant 16 : index
        %get3A_838 = tpu.vector_load %arg7[%get3A_836, %get3A_837] {strides = array<i32>} : memref<200x64xf32, #tpu.memory_space<vmem>>, vector<1x16xf32>,
        %get3A_839 = vector.shape_cast %get3A_838 : vector<1x16xf32> to vector<16xf32>
        %swap3A_840 = arith.constant 2 : i32
        %swap3A_841 = arith.index_cast %swap3A_840 : i32 to index
        %swap3A_842 = arith.index_cast %add3A_835 : i32 to index
        %swap3A_843 = arith.constant 16 : index
        %swap3A_844 = tpu.vector_load %arg8[%swap3A_841, %swap3A_842, %swap3A_843] {strides = array<i32>} : memref<3x400x64xf32, #tpu.memory_space<vmem>>, vector<1x1x16xf32>,
        %swap3A_845 = vector.shape_cast %swap3A_844 : vector<1x1x16xf32> to vector<16xf32>
        %swap3A_846 = vector.shape_cast %get3A_839 : vector<16xf32> to vector<1x1x16xf32>
        tpu.vector_store %arg8[%swap3A_841, %swap3A_842, %swap3A_843], %swap3A_846 {add = true, strides = array<i32>} : memref<3x400x64xf32, #tpu.memory_space<vmem>>, vector<1x1x16xf32>,
        %add3A_847 = arith.constant 200 : i32
        %add3A_848 = arith.addi %add3A_847, %add3A_821 : i32
        %get3A_849 = arith.index_cast %add3A_821 : i32 to index
        %get3A_850 = arith.constant 32 : index
        %get3A_851 = tpu.vector_load %arg7[%get3A_849, %get3A_850] {strides = array<i32>} : memref<200x64xf32, #tpu.memory_space<vmem>>, vector<1x16xf32>,
        %get3A_852 = vector.shape_cast %get3A_851 : vector<1x16xf32> to vector<16xf32>
        %swap3A_853 = arith.constant 2 : i32
        %swap3A_854 = arith.index_cast %swap3A_853 : i32 to index
        %swap3A_855 = arith.index_cast %add3A_848 : i32 to index
        %swap3A_856 = arith.constant 32 : index
        %swap3A_857 = tpu.vector_load %arg8[%swap3A_854, %swap3A_855, %swap3A_856] {strides = array<i32>} : memref<3x400x64xf32, #tpu.memory_space<vmem>>, vector<1x1x16xf32>,
        %swap3A_858 = vector.shape_cast %swap3A_857 : vector<1x1x16xf32> to vector<16xf32>
        %swap3A_859 = vector.shape_cast %get3A_852 : vector<16xf32> to vector<1x1x16xf32>
        tpu.vector_store %arg8[%swap3A_854, %swap3A_855, %swap3A_856], %swap3A_859 {add = true, strides = array<i32>} : memref<3x400x64xf32, #tpu.memory_space<vmem>>, vector<1x1x16xf32>,
        %add3A_860 = arith.constant 200 : i32
        %add3A_861 = arith.addi %add3A_860, %add3A_821 : i32
        %get3A_862 = arith.index_cast %add3A_821 : i32 to index
        %get3A_863 = arith.constant 48 : index
        %get3A_864 = tpu.vector_load %arg7[%get3A_862, %get3A_863] {strides = array<i32>} : memref<200x64xf32, #tpu.memory_space<vmem>>, vector<1x16xf32>,
        %get3A_865 = vector.shape_cast %get3A_864 : vector<1x16xf32> to vector<16xf32>
        %swap3A_866 = arith.constant 2 : i32
        %swap3A_867 = arith.index_cast %swap3A_866 : i32 to index
        %swap3A_868 = arith.index_cast %add3A_861 : i32 to index
        %swap3A_869 = arith.constant 48 : index
        %swap3A_870 = tpu.vector_load %arg8[%swap3A_867, %swap3A_868, %swap3A_869] {strides = array<i32>} : memref<3x400x64xf32, #tpu.memory_space<vmem>>, vector<1x1x16xf32>,
        %swap3A_871 = vector.shape_cast %swap3A_870 : vector<1x1x16xf32> to vector<16xf32>
        %swap3A_872 = vector.shape_cast %get3A_865 : vector<16xf32> to vector<1x1x16xf32>
        tpu.vector_store %arg8[%swap3A_867, %swap3A_868, %swap3A_869], %swap3A_872 {add = true, strides = array<i32>} : memref<3x400x64xf32, #tpu.memory_space<vmem>>, vector<1x1x16xf32>,
        %mul3A_873 = arith.constant 4 : i32
        %mul3A_874 = arith.muli %scan3A_816, %mul3A_873 : i32
        %add3A_875 = arith.constant 1 : i32
        %add3A_876 = arith.addi %mul3A_874, %add3A_875 : i32
        %add3A_877 = arith.constant 200 : i32
        %add3A_878 = arith.addi %add3A_877, %add3A_876 : i32
        %get3A_879 = arith.index_cast %add3A_876 : i32 to index
        %get3A_880 = arith.constant 0 : index
        %get3A_881 = tpu.vector_load %arg7[%get3A_879, %get3A_880] {strides = array<i32>} : memref<200x64xf32, #tpu.memory_space<vmem>>, vector<1x16xf32>,
        %get3A_882 = vector.shape_cast %get3A_881 : vector<1x16xf32> to vector<16xf32>
        %swap3A_883 = arith.constant 2 : i32
        %swap3A_884 = arith.index_cast %swap3A_883 : i32 to index
        %swap3A_885 = arith.index_cast %add3A_878 : i32 to index
        %swap3A_886 = arith.constant 0 : index
        %swap3A_887 = tpu.vector_load %arg8[%swap3A_884, %swap3A_885, %swap3A_886] {strides = array<i32>} : memref<3x400x64xf32, #tpu.memory_space<vmem>>, vector<1x1x16xf32>,
        %swap3A_888 = vector.shape_cast %swap3A_887 : vector<1x1x16xf32> to vector<16xf32>
        %swap3A_889 = vector.shape_cast %get3A_882 : vector<16xf32> to vector<1x1x16xf32>
        tpu.vector_store %arg8[%swap3A_884, %swap3A_885, %swap3A_886], %swap3A_889 {add = true, strides = array<i32>} : memref<3x400x64xf32, #tpu.memory_space<vmem>>, vector<1x1x16xf32>,
        %add3A_890 = arith.constant 200 : i32
        %add3A_891 = arith.addi %add3A_890, %add3A_876 : i32
        %get3A_892 = arith.index_cast %add3A_876 : i32 to index
        %get3A_893 = arith.constant 16 : index
        %get3A_894 = tpu.vector_load %arg7[%get3A_892, %get3A_893] {strides = array<i32>} : memref<200x64xf32, #tpu.memory_space<vmem>>, vector<1x16xf32>,
        %get3A_895 = vector.shape_cast %get3A_894 : vector<1x16xf32> to vector<16xf32>
        %swap3A_896 = arith.constant 2 : i32
        %swap3A_897 = arith.index_cast %swap3A_896 : i32 to index
        %swap3A_898 = arith.index_cast %add3A_891 : i32 to index
        %swap3A_899 = arith.constant 16 : index
        %swap3A_900 = tpu.vector_load %arg8[%swap3A_897, %swap3A_898, %swap3A_899] {strides = array<i32>} : memref<3x400x64xf32, #tpu.memory_space<vmem>>, vector<1x1x16xf32>,
        %swap3A_901 = vector.shape_cast %swap3A_900 : vector<1x1x16xf32> to vector<16xf32>
        %swap3A_902 = vector.shape_cast %get3A_895 : vector<16xf32> to vector<1x1x16xf32>
        tpu.vector_store %arg8[%swap3A_897, %swap3A_898, %swap3A_899], %swap3A_902 {add = true, strides = array<i32>} : memref<3x400x64xf32, #tpu.memory_space<vmem>>, vector<1x1x16xf32>,
        %add3A_903 = arith.constant 200 : i32
        %add3A_904 = arith.addi %add3A_903, %add3A_876 : i32
        %get3A_905 = arith.index_cast %add3A_876 : i32 to index
        %get3A_906 = arith.constant 32 : index
        %get3A_907 = tpu.vector_load %arg7[%get3A_905, %get3A_906] {strides = array<i32>} : memref<200x64xf32, #tpu.memory_space<vmem>>, vector<1x16xf32>,
        %get3A_908 = vector.shape_cast %get3A_907 : vector<1x16xf32> to vector<16xf32>
        %swap3A_909 = arith.constant 2 : i32
        %swap3A_910 = arith.index_cast %swap3A_909 : i32 to index
        %swap3A_911 = arith.index_cast %add3A_904 : i32 to index
        %swap3A_912 = arith.constant 32 : index
        %swap3A_913 = tpu.vector_load %arg8[%swap3A_910, %swap3A_911, %swap3A_912] {strides = array<i32>} : memref<3x400x64xf32, #tpu.memory_space<vmem>>, vector<1x1x16xf32>,
        %swap3A_914 = vector.shape_cast %swap3A_913 : vector<1x1x16xf32> to vector<16xf32>
        %swap3A_915 = vector.shape_cast %get3A_908 : vector<16xf32> to vector<1x1x16xf32>
        tpu.vector_store %arg8[%swap3A_910, %swap3A_911, %swap3A_912], %swap3A_915 {add = true, strides = array<i32>} : memref<3x400x64xf32, #tpu.memory_space<vmem>>, vector<1x1x16xf32>,
        %add3A_916 = arith.constant 200 : i32
        %add3A_917 = arith.addi %add3A_916, %add3A_876 : i32
        %get3A_918 = arith.index_cast %add3A_876 : i32 to index
        %get3A_919 = arith.constant 48 : index
        %get3A_920 = tpu.vector_load %arg7[%get3A_918, %get3A_919] {strides = array<i32>} : memref<200x64xf32, #tpu.memory_space<vmem>>, vector<1x16xf32>,
        %get3A_921 = vector.shape_cast %get3A_920 : vector<1x16xf32> to vector<16xf32>
        %swap3A_922 = arith.constant 2 : i32
        %swap3A_923 = arith.index_cast %swap3A_922 : i32 to index
        %swap3A_924 = arith.index_cast %add3A_917 : i32 to index
        %swap3A_925 = arith.constant 48 : index
        %swap3A_926 = tpu.vector_load %arg8[%swap3A_923, %swap3A_924, %swap3A_925] {strides = array<i32>} : memref<3x400x64xf32, #tpu.memory_space<vmem>>, vector<1x1x16xf32>,
        %swap3A_927 = vector.shape_cast %swap3A_926 : vector<1x1x16xf32> to vector<16xf32>
        %swap3A_928 = vector.shape_cast %get3A_921 : vector<16xf32> to vector<1x1x16xf32>
        tpu.vector_store %arg8[%swap3A_923, %swap3A_924, %swap3A_925], %swap3A_928 {add = true, strides = array<i32>} : memref<3x400x64xf32, #tpu.memory_space<vmem>>, vector<1x1x16xf32>,
        %mul3A_929 = arith.constant 4 : i32
        %mul3A_930 = arith.muli %scan3A_816, %mul3A_929 : i32
        %add3A_931 = arith.constant 2 : i32
        %add3A_932 = arith.addi %mul3A_930, %add3A_931 : i32
        %add3A_933 = arith.constant 200 : i32
        %add3A_934 = arith.addi %add3A_933, %add3A_932 : i32
        %get3A_935 = arith.index_cast %add3A_932 : i32 to index
        %get3A_936 = arith.constant 0 : index
        %get3A_937 = tpu.vector_load %arg7[%get3A_935, %get3A_936] {strides = array<i32>} : memref<200x64xf32, #tpu.memory_space<vmem>>, vector<1x16xf32>,
        %get3A_938 = vector.shape_cast %get3A_937 : vector<1x16xf32> to vector<16xf32>
        %swap3A_939 = arith.constant 2 : i32
        %swap3A_940 = arith.index_cast %swap3A_939 : i32 to index
        %swap3A_941 = arith.index_cast %add3A_934 : i32 to index
        %swap3A_942 = arith.constant 0 : index
        %swap3A_943 = tpu.vector_load %arg8[%swap3A_940, %swap3A_941, %swap3A_942] {strides = array<i32>} : memref<3x400x64xf32, #tpu.memory_space<vmem>>, vector<1x1x16xf32>,
        %swap3A_944 = vector.shape_cast %swap3A_943 : vector<1x1x16xf32> to vector<16xf32>
        %swap3A_945 = vector.shape_cast %get3A_938 : vector<16xf32> to vector<1x1x16xf32>
        tpu.vector_store %arg8[%swap3A_940, %swap3A_941, %swap3A_942], %swap3A_945 {add = true, strides = array<i32>} : memref<3x400x64xf32, #tpu.memory_space<vmem>>, vector<1x1x16xf32>,
        %add3A_946 = arith.constant 200 : i32
        %add3A_947 = arith.addi %add3A_946, %add3A_932 : i32
        %get3A_948 = arith.index_cast %add3A_932 : i32 to index
        %get3A_949 = arith.constant 16 : index
        %get3A_950 = tpu.vector_load %arg7[%get3A_948, %get3A_949] {strides = array<i32>} : memref<200x64xf32, #tpu.memory_space<vmem>>, vector<1x16xf32>,
        %get3A_951 = vector.shape_cast %get3A_950 : vector<1x16xf32> to vector<16xf32>
        %swap3A_952 = arith.constant 2 : i32
        %swap3A_953 = arith.index_cast %swap3A_952 : i32 to index
        %swap3A_954 = arith.index_cast %add3A_947 : i32 to index
        %swap3A_955 = arith.constant 16 : index
        %swap3A_956 = tpu.vector_load %arg8[%swap3A_953, %swap3A_954, %swap3A_955] {strides = array<i32>} : memref<3x400x64xf32, #tpu.memory_space<vmem>>, vector<1x1x16xf32>,
        %swap3A_957 = vector.shape_cast %swap3A_956 : vector<1x1x16xf32> to vector<16xf32>
        %swap3A_958 = vector.shape_cast %get3A_951 : vector<16xf32> to vector<1x1x16xf32>
        tpu.vector_store %arg8[%swap3A_953, %swap3A_954, %swap3A_955], %swap3A_958 {add = true, strides = array<i32>} : memref<3x400x64xf32, #tpu.memory_space<vmem>>, vector<1x1x16xf32>,
        %add3A_959 = arith.constant 200 : i32
        %add3A_960 = arith.addi %add3A_959, %add3A_932 : i32
        %get3A_961 = arith.index_cast %add3A_932 : i32 to index
        %get3A_962 = arith.constant 32 : index
        %get3A_963 = tpu.vector_load %arg7[%get3A_961, %get3A_962] {strides = array<i32>} : memref<200x64xf32, #tpu.memory_space<vmem>>, vector<1x16xf32>,
        %get3A_964 = vector.shape_cast %get3A_963 : vector<1x16xf32> to vector<16xf32>
        %swap3A_965 = arith.constant 2 : i32
        %swap3A_966 = arith.index_cast %swap3A_965 : i32 to index
        %swap3A_967 = arith.index_cast %add3A_960 : i32 to index
        %swap3A_968 = arith.constant 32 : index
        %swap3A_969 = tpu.vector_load %arg8[%swap3A_966, %swap3A_967, %swap3A_968] {strides = array<i32>} : memref<3x400x64xf32, #tpu.memory_space<vmem>>, vector<1x1x16xf32>,
        %swap3A_970 = vector.shape_cast %swap3A_969 : vector<1x1x16xf32> to vector<16xf32>
        %swap3A_971 = vector.shape_cast %get3A_964 : vector<16xf32> to vector<1x1x16xf32>
        tpu.vector_store %arg8[%swap3A_966, %swap3A_967, %swap3A_968], %swap3A_971 {add = true, strides = array<i32>} : memref<3x400x64xf32, #tpu.memory_space<vmem>>, vector<1x1x16xf32>,
        %add3A_972 = arith.constant 200 : i32
        %add3A_973 = arith.addi %add3A_972, %add3A_932 : i32
        %get3A_974 = arith.index_cast %add3A_932 : i32 to index
        %get3A_975 = arith.constant 48 : index
        %get3A_976 = tpu.vector_load %arg7[%get3A_974, %get3A_975] {strides = array<i32>} : memref<200x64xf32, #tpu.memory_space<vmem>>, vector<1x16xf32>,
        %get3A_977 = vector.shape_cast %get3A_976 : vector<1x16xf32> to vector<16xf32>
        %swap3A_978 = arith.constant 2 : i32
        %swap3A_979 = arith.index_cast %swap3A_978 : i32 to index
        %swap3A_980 = arith.index_cast %add3A_973 : i32 to index
        %swap3A_981 = arith.constant 48 : index
        %swap3A_982 = tpu.vector_load %arg8[%swap3A_979, %swap3A_980, %swap3A_981] {strides = array<i32>} : memref<3x400x64xf32, #tpu.memory_space<vmem>>, vector<1x1x16xf32>,
        %swap3A_983 = vector.shape_cast %swap3A_982 : vector<1x1x16xf32> to vector<16xf32>
        %swap3A_984 = vector.shape_cast %get3A_977 : vector<16xf32> to vector<1x1x16xf32>
        tpu.vector_store %arg8[%swap3A_979, %swap3A_980, %swap3A_981], %swap3A_984 {add = true, strides = array<i32>} : memref<3x400x64xf32, #tpu.memory_space<vmem>>, vector<1x1x16xf32>,
        %mul3A_985 = arith.constant 4 : i32
        %mul3A_986 = arith.muli %scan3A_816, %mul3A_985 : i32
        %add3A_987 = arith.constant 3 : i32
        %add3A_988 = arith.addi %mul3A_986, %add3A_987 : i32
        %add3A_989 = arith.constant 200 : i32
        %add3A_990 = arith.addi %add3A_989, %add3A_988 : i32
        %get3A_991 = arith.index_cast %add3A_988 : i32 to index
        %get3A_992 = arith.constant 0 : index
        %get3A_993 = tpu.vector_load %arg7[%get3A_991, %get3A_992] {strides = array<i32>} : memref<200x64xf32, #tpu.memory_space<vmem>>, vector<1x16xf32>,
        %get3A_994 = vector.shape_cast %get3A_993 : vector<1x16xf32> to vector<16xf32>
        %swap3A_995 = arith.constant 2 : i32
        %swap3A_996 = arith.index_cast %swap3A_995 : i32 to index
        %swap3A_997 = arith.index_cast %add3A_990 : i32 to index
        %swap3A_998 = arith.constant 0 : index
        %swap3A_999 = tpu.vector_load %arg8[%swap3A_996, %swap3A_997, %swap3A_998] {strides = array<i32>} : memref<3x400x64xf32, #tpu.memory_space<vmem>>, vector<1x1x16xf32>,
        %swap3A_1000 = vector.shape_cast %swap3A_999 : vector<1x1x16xf32> to vector<16xf32>
        %swap3A_1001 = vector.shape_cast %get3A_994 : vector<16xf32> to vector<1x1x16xf32>
        tpu.vector_store %arg8[%swap3A_996, %swap3A_997, %swap3A_998], %swap3A_1001 {add = true, strides = array<i32>} : memref<3x400x64xf32, #tpu.memory_space<vmem>>, vector<1x1x16xf32>,
        %add3A_1002 = arith.constant 200 : i32
        %add3A_1003 = arith.addi %add3A_1002, %add3A_988 : i32
        %get3A_1004 = arith.index_cast %add3A_988 : i32 to index
        %get3A_1005 = arith.constant 16 : index
        %get3A_1006 = tpu.vector_load %arg7[%get3A_1004, %get3A_1005] {strides = array<i32>} : memref<200x64xf32, #tpu.memory_space<vmem>>, vector<1x16xf32>,
        %get3A_1007 = vector.shape_cast %get3A_1006 : vector<1x16xf32> to vector<16xf32>
        %swap3A_1008 = arith.constant 2 : i32
        %swap3A_1009 = arith.index_cast %swap3A_1008 : i32 to index
        %swap3A_1010 = arith.index_cast %add3A_1003 : i32 to index
        %swap3A_1011 = arith.constant 16 : index
        %swap3A_1012 = tpu.vector_load %arg8[%swap3A_1009, %swap3A_1010, %swap3A_1011] {strides = array<i32>} : memref<3x400x64xf32, #tpu.memory_space<vmem>>, vector<1x1x16xf32>,
        %swap3A_1013 = vector.shape_cast %swap3A_1012 : vector<1x1x16xf32> to vector<16xf32>
        %swap3A_1014 = vector.shape_cast %get3A_1007 : vector<16xf32> to vector<1x1x16xf32>
        tpu.vector_store %arg8[%swap3A_1009, %swap3A_1010, %swap3A_1011], %swap3A_1014 {add = true, strides = array<i32>} : memref<3x400x64xf32, #tpu.memory_space<vmem>>, vector<1x1x16xf32>,
        %add3A_1015 = arith.constant 200 : i32
        %add3A_1016 = arith.addi %add3A_1015, %add3A_988 : i32
        %get3A_1017 = arith.index_cast %add3A_988 : i32 to index
        %get3A_1018 = arith.constant 32 : index
        %get3A_1019 = tpu.vector_load %arg7[%get3A_1017, %get3A_1018] {strides = array<i32>} : memref<200x64xf32, #tpu.memory_space<vmem>>, vector<1x16xf32>,
        %get3A_1020 = vector.shape_cast %get3A_1019 : vector<1x16xf32> to vector<16xf32>
        %swap3A_1021 = arith.constant 2 : i32
        %swap3A_1022 = arith.index_cast %swap3A_1021 : i32 to index
        %swap3A_1023 = arith.index_cast %add3A_1016 : i32 to index
        %swap3A_1024 = arith.constant 32 : index
        %swap3A_1025 = tpu.vector_load %arg8[%swap3A_1022, %swap3A_1023, %swap3A_1024] {strides = array<i32>} : memref<3x400x64xf32, #tpu.memory_space<vmem>>, vector<1x1x16xf32>,
        %swap3A_1026 = vector.shape_cast %swap3A_1025 : vector<1x1x16xf32> to vector<16xf32>
        %swap3A_1027 = vector.shape_cast %get3A_1020 : vector<16xf32> to vector<1x1x16xf32>
        tpu.vector_store %arg8[%swap3A_1022, %swap3A_1023, %swap3A_1024], %swap3A_1027 {add = true, strides = array<i32>} : memref<3x400x64xf32, #tpu.memory_space<vmem>>, vector<1x1x16xf32>,
        %add3A_1028 = arith.constant 200 : i32
        %add3A_1029 = arith.addi %add3A_1028, %add3A_988 : i32
        %get3A_1030 = arith.index_cast %add3A_988 : i32 to index
        %get3A_1031 = arith.constant 48 : index
        %get3A_1032 = tpu.vector_load %arg7[%get3A_1030, %get3A_1031] {strides = array<i32>} : memref<200x64xf32, #tpu.memory_space<vmem>>, vector<1x16xf32>,
        %get3A_1033 = vector.shape_cast %get3A_1032 : vector<1x16xf32> to vector<16xf32>
        %swap3A_1034 = arith.constant 2 : i32
        %swap3A_1035 = arith.index_cast %swap3A_1034 : i32 to index
        %swap3A_1036 = arith.index_cast %add3A_1029 : i32 to index
        %swap3A_1037 = arith.constant 48 : index
        %swap3A_1038 = tpu.vector_load %arg8[%swap3A_1035, %swap3A_1036, %swap3A_1037] {strides = array<i32>} : memref<3x400x64xf32, #tpu.memory_space<vmem>>, vector<1x1x16xf32>,
        %swap3A_1039 = vector.shape_cast %swap3A_1038 : vector<1x1x16xf32> to vector<16xf32>
        %swap3A_1040 = vector.shape_cast %get3A_1033 : vector<16xf32> to vector<1x1x16xf32>
        tpu.vector_store %arg8[%swap3A_1035, %swap3A_1036, %swap3A_1037], %swap3A_1040 {add = true, strides = array<i32>} : memref<3x400x64xf32, #tpu.memory_space<vmem>>, vector<1x1x16xf32>,
        %scan3A_1041 = arith.constant 0 : i32
        scf.yield %scan3A_1041 : i32
      }
      %scan3A_790 = arith.constant 50 : i32
      %mul3A_791 = arith.constant 25600 : i32
      %mul3A_792 = arith.muli %add3A, %mul3A_791 : i32
      %mul3A_793 = arith.constant 400 : i32
      %mul3A_794 = arith.muli %add3A_761, %mul3A_793 : i32
      %add3A_795 = arith.addi %mul3A_792, %mul3A_794 : i32
      %dma_start3A_796 = arith.constant 2 : i32
      %dma_start3A_797 = arith.constant 0 : i32
      %dma_start3A_798 = arith.constant 0 : i32
      %dma_start3A_799 = tpu.memref_slice %arg8[%dma_start3A_796, %dma_start3A_797, %dma_start3A_798] : memref<3x400x64xf32, #tpu.memory_space<vmem>> -> memref<1x400x64xf32, #tpu.memory_space<vmem>>
      %dma_start3A_800 = tpu.memref_squeeze %dma_start3A_799 : memref<1x400x64xf32, #tpu.memory_space<vmem>> -> memref<400x64xf32, #tpu.memory_space<vmem>>
      %dma_start3A_801 = arith.constant 0 : i32
      %dma_start3A_802 = tpu.memref_slice %arg5[%add3A_795, %dma_start3A_801] : memref<819200x128xf32, #tpu.memory_space<hbm>> -> memref<400x64xf32, #tpu.memory_space<hbm>>
      %dma_start3A_803 = arith.constant 0 : i32
      %dma_start3A_804 = tpu.memref_slice %arg5[%add3A_795, %dma_start3A_803] : memref<819200x128xf32, #tpu.memory_space<hbm>> -> memref<400x64xf32, #tpu.memory_space<hbm>>
      %dma_start3A_805 = arith.constant 0 : i32
      %dma_start3A_806 = arith.constant 0 : i32
      %dma_start3A_807 = tpu.memref_slice %arg8[%dma_start3A_796, %dma_start3A_805, %dma_start3A_806] : memref<3x400x64xf32, #tpu.memory_space<vmem>> -> memref<1x400x64xf32, #tpu.memory_space<vmem>>
      %dma_start3A_808 = tpu.memref_squeeze %dma_start3A_807 : memref<1x400x64xf32, #tpu.memory_space<vmem>> -> memref<400x64xf32, #tpu.memory_space<vmem>>
      tpu.enqueue_dma source(%dma_start3A_808 : memref<400x64xf32, #tpu.memory_space<vmem>>) target(%dma_start3A_804 : memref<400x64xf32, #tpu.memory_space<hbm>>) target_semaphore(%arg14 : memref<!tpu.dma_semaphore, #tpu.memory_space<semaphore_mem>>)
      %add3A_809 = arith.constant 2 : i32
      %add3A_810 = arith.addi %add3A_761, %add3A_809 : i32
      %lt3A_811 = arith.constant 64 : i32
      %lt3A_812 = arith.cmpi slt, %add3A_810, %lt3A_811 : i32
      %convert_element_type3A_813 = arith.extui %lt3A_812 : i1 to i32
      %cond3A_814 = arith.constant 0 : i32
      %cond3A_815 = arith.cmpi ne, %convert_element_type3A_813, %cond3A_814 : i32
      scf.if %cond3A_815 {
        %add3A_816 = arith.constant 2 : i32
        %add3A_817 = arith.addi %add3A_761, %add3A_816 : i32
        %ge3A = arith.constant 3 : i32
        %ge3A_818 = arith.cmpi sge, %add3A_817, %ge3A : i32
        %convert_element_type3A_819 = arith.extui %ge3A_818 : i1 to i32
        %cond3A_820 = arith.constant 0 : i32
        %cond3A_821 = arith.cmpi ne, %convert_element_type3A_819, %cond3A_820 : i32
        scf.if %cond3A_821 {
          %dma_wait3A_1151 = arith.constant 1 : i32
          %dma_wait3A_1152 = arith.constant 0 : i32
          %dma_wait3A_1153 = arith.constant 0 : i32
          %dma_wait3A_1154 = tpu.memref_slice %arg8[%dma_wait3A_1151, %dma_wait3A_1152, %dma_wait3A_1153] : memref<3x400x64xf32, #tpu.memory_space<vmem>> -> memref<1x400x64xf32, #tpu.memory_space<vmem>>
          %dma_wait3A_1155 = tpu.memref_squeeze %dma_wait3A_1154 : memref<1x400x64xf32, #tpu.memory_space<vmem>> -> memref<400x64xf32, #tpu.memory_space<vmem>>
          %dma_wait3A_1156 = arith.constant 0 : i32
          %dma_wait3A_1157 = arith.constant 0 : i32
          %dma_wait3A_1158 = tpu.memref_slice %arg5[%dma_wait3A_1156, %dma_wait3A_1157] : memref<819200x128xf32, #tpu.memory_space<hbm>> -> memref<400x64xf32, #tpu.memory_space<hbm>>
          %dma_wait3A_1159 = arith.constant 0 : i32
          %dma_wait3A_1160 = arith.constant 0 : i32
          %dma_wait3A_1161 = tpu.memref_slice %arg8[%dma_wait3A_1151, %dma_wait3A_1159, %dma_wait3A_1160] : memref<3x400x64xf32, #tpu.memory_space<vmem>> -> memref<1x400x64xf32, #tpu.memory_space<vmem>>
          %dma_wait3A_1162 = tpu.memref_squeeze %dma_wait3A_1161 : memref<1x400x64xf32, #tpu.memory_space<vmem>> -> memref<400x64xf32, #tpu.memory_space<vmem>>
          %dma_wait3A_1163 = arith.constant 0 : i32
          %dma_wait3A_1164 = arith.constant 0 : i32
          %dma_wait3A_1165 = tpu.memref_slice %arg5[%dma_wait3A_1163, %dma_wait3A_1164] : memref<819200x128xf32, #tpu.memory_space<hbm>> -> memref<400x64xf32, #tpu.memory_space<hbm>>
          tpu.wait_dma2 semaphore(%arg13 : memref<!tpu.dma_semaphore, #tpu.memory_space<semaphore_mem>>) src(%dma_wait3A_1165 : memref<400x64xf32, #tpu.memory_space<hbm>>) dst(%dma_wait3A_1162 : memref<400x64xf32, #tpu.memory_space<vmem>>)
        } else {
        }
        %add3A_822 = arith.constant 2 : i32
        %add3A_823 = arith.addi %add3A_761, %add3A_822 : i32
        %mul3A_824 = arith.constant 400 : i32
        %mul3A_825 = arith.muli %add3A_823, %mul3A_824 : i32
        %add3A_826 = arith.constant 0 : i32
        %add3A_827 = arith.addi %mul3A_825, %add3A_826 : i32
        %get3A_828 = arith.index_cast %add3A_827 : i32 to index
        %get3A_829 = tpu.vector_load %arg6[%get3A_828] {strides = array<i32>} : memref<25600xi32, #tpu.memory_space<vmem>>, vector<16xi32>,
        %get3A_830 = vector.shape_cast %get3A_829 : vector<16xi32> to vector<16xi32>
        %dma_start3A_831 = arith.constant 1 : i32
        %dma_start3A_832 = arith.constant 0 : i32
        %dma_start3A_833 = arith.constant 0 : i32
        %dma_start3A_834 = tpu.memref_slice %arg8[%dma_start3A_831, %dma_start3A_832, %dma_start3A_833] : memref<3x400x64xf32, #tpu.memory_space<vmem>> -> memref<1x16x64xf32, #tpu.memory_space<vmem>>
        %dma_start3A_835 = tpu.memref_squeeze %dma_start3A_834 : memref<1x16x64xf32, #tpu.memory_space<vmem>> -> memref<16x64xf32, #tpu.memory_space<vmem>>
        %dma_start3A_836 = arith.constant 0 : i32
        %dma_start3A_837 = arith.constant 0 : i32
        %dma_start3A_838 = tpu.memref_slice %arg3[%dma_start3A_836, %dma_start3A_837] : memref<1000000x64xf32, #tpu.memory_space<hbm>> -> memref<1000000x64xf32, #tpu.memory_space<hbm>>
        tpu.enqueue_indirect_dma source(%dma_start3A_838 : memref<1000000x64xf32, #tpu.memory_space<hbm>>) target(%dma_start3A_835 : memref<16x64xf32, #tpu.memory_space<vmem>>) offsets(%get3A_830 : vector<16xi32>) semaphore(%arg10 : memref<!tpu.dma_semaphore, #tpu.memory_space<semaphore_mem>>)
        %add3A_839 = arith.constant 16 : i32
        %add3A_840 = arith.addi %mul3A_825, %add3A_839 : i32
        %get3A_841 = arith.index_cast %add3A_840 : i32 to index
        %get3A_842 = tpu.vector_load %arg6[%get3A_841] {strides = array<i32>} : memref<25600xi32, #tpu.memory_space<vmem>>, vector<16xi32>,
        %get3A_843 = vector.shape_cast %get3A_842 : vector<16xi32> to vector<16xi32>
        %dma_start3A_844 = arith.constant 1 : i32
        %dma_start3A_845 = arith.constant 16 : i32
        %dma_start3A_846 = arith.constant 0 : i32
        %dma_start3A_847 = tpu.memref_slice %arg8[%dma_start3A_844, %dma_start3A_845, %dma_start3A_846] : memref<3x400x64xf32, #tpu.memory_space<vmem>> -> memref<1x16x64xf32, #tpu.memory_space<vmem>>
        %dma_start3A_848 = tpu.memref_squeeze %dma_start3A_847 : memref<1x16x64xf32, #tpu.memory_space<vmem>> -> memref<16x64xf32, #tpu.memory_space<vmem>>
        %dma_start3A_849 = arith.constant 0 : i32
        %dma_start3A_850 = arith.constant 0 : i32
        %dma_start3A_851 = tpu.memref_slice %arg3[%dma_start3A_849, %dma_start3A_850] : memref<1000000x64xf32, #tpu.memory_space<hbm>> -> memref<1000000x64xf32, #tpu.memory_space<hbm>>
        tpu.enqueue_indirect_dma source(%dma_start3A_851 : memref<1000000x64xf32, #tpu.memory_space<hbm>>) target(%dma_start3A_848 : memref<16x64xf32, #tpu.memory_space<vmem>>) offsets(%get3A_843 : vector<16xi32>) semaphore(%arg10 : memref<!tpu.dma_semaphore, #tpu.memory_space<semaphore_mem>>)
        %add3A_852 = arith.constant 32 : i32
        %add3A_853 = arith.addi %mul3A_825, %add3A_852 : i32
        %get3A_854 = arith.index_cast %add3A_853 : i32 to index
        %get3A_855 = tpu.vector_load %arg6[%get3A_854] {strides = array<i32>} : memref<25600xi32, #tpu.memory_space<vmem>>, vector<16xi32>,
        %get3A_856 = vector.shape_cast %get3A_855 : vector<16xi32> to vector<16xi32>
        %dma_start3A_857 = arith.constant 1 : i32
        %dma_start3A_858 = arith.constant 32 : i32
        %dma_start3A_859 = arith.constant 0 : i32
        %dma_start3A_860 = tpu.memref_slice %arg8[%dma_start3A_857, %dma_start3A_858, %dma_start3A_859] : memref<3x400x64xf32, #tpu.memory_space<vmem>> -> memref<1x16x64xf32, #tpu.memory_space<vmem>>
        %dma_start3A_861 = tpu.memref_squeeze %dma_start3A_860 : memref<1x16x64xf32, #tpu.memory_space<vmem>> -> memref<16x64xf32, #tpu.memory_space<vmem>>
        %dma_start3A_862 = arith.constant 0 : i32
        %dma_start3A_863 = arith.constant 0 : i32
        %dma_start3A_864 = tpu.memref_slice %arg3[%dma_start3A_862, %dma_start3A_863] : memref<1000000x64xf32, #tpu.memory_space<hbm>> -> memref<1000000x64xf32, #tpu.memory_space<hbm>>
        tpu.enqueue_indirect_dma source(%dma_start3A_864 : memref<1000000x64xf32, #tpu.memory_space<hbm>>) target(%dma_start3A_861 : memref<16x64xf32, #tpu.memory_space<vmem>>) offsets(%get3A_856 : vector<16xi32>) semaphore(%arg10 : memref<!tpu.dma_semaphore, #tpu.memory_space<semaphore_mem>>)
        %add3A_865 = arith.constant 48 : i32
        %add3A_866 = arith.addi %mul3A_825, %add3A_865 : i32
        %get3A_867 = arith.index_cast %add3A_866 : i32 to index
        %get3A_868 = tpu.vector_load %arg6[%get3A_867] {strides = array<i32>} : memref<25600xi32, #tpu.memory_space<vmem>>, vector<16xi32>,
        %get3A_869 = vector.shape_cast %get3A_868 : vector<16xi32> to vector<16xi32>
        %dma_start3A_870 = arith.constant 1 : i32
        %dma_start3A_871 = arith.constant 48 : i32
        %dma_start3A_872 = arith.constant 0 : i32
        %dma_start3A_873 = tpu.memref_slice %arg8[%dma_start3A_870, %dma_start3A_871, %dma_start3A_872] : memref<3x400x64xf32, #tpu.memory_space<vmem>> -> memref<1x16x64xf32, #tpu.memory_space<vmem>>
        %dma_start3A_874 = tpu.memref_squeeze %dma_start3A_873 : memref<1x16x64xf32, #tpu.memory_space<vmem>> -> memref<16x64xf32, #tpu.memory_space<vmem>>
        %dma_start3A_875 = arith.constant 0 : i32
        %dma_start3A_876 = arith.constant 0 : i32
        %dma_start3A_877 = tpu.memref_slice %arg3[%dma_start3A_875, %dma_start3A_876] : memref<1000000x64xf32, #tpu.memory_space<hbm>> -> memref<1000000x64xf32, #tpu.memory_space<hbm>>
        tpu.enqueue_indirect_dma source(%dma_start3A_877 : memref<1000000x64xf32, #tpu.memory_space<hbm>>) target(%dma_start3A_874 : memref<16x64xf32, #tpu.memory_space<vmem>>) offsets(%get3A_869 : vector<16xi32>) semaphore(%arg10 : memref<!tpu.dma_semaphore, #tpu.memory_space<semaphore_mem>>)
        %add3A_878 = arith.constant 64 : i32
        %add3A_879 = arith.addi %mul3A_825, %add3A_878 : i32
        %get3A_880 = arith.index_cast %add3A_879 : i32 to index
        %get3A_881 = tpu.vector_load %arg6[%get3A_880] {strides = array<i32>} : memref<25600xi32, #tpu.memory_space<vmem>>, vector<16xi32>,
        %get3A_882 = vector.shape_cast %get3A_881 : vector<16xi32> to vector<16xi32>
        %dma_start3A_883 = arith.constant 1 : i32
        %dma_start3A_884 = arith.constant 64 : i32
        %dma_start3A_885 = arith.constant 0 : i32
        %dma_start3A_886 = tpu.memref_slice %arg8[%dma_start3A_883, %dma_start3A_884, %dma_start3A_885] : memref<3x400x64xf32, #tpu.memory_space<vmem>> -> memref<1x16x64xf32, #tpu.memory_space<vmem>>
        %dma_start3A_887 = tpu.memref_squeeze %dma_start3A_886 : memref<1x16x64xf32, #tpu.memory_space<vmem>> -> memref<16x64xf32, #tpu.memory_space<vmem>>
        %dma_start3A_888 = arith.constant 0 : i32
        %dma_start3A_889 = arith.constant 0 : i32
        %dma_start3A_890 = tpu.memref_slice %arg3[%dma_start3A_888, %dma_start3A_889] : memref<1000000x64xf32, #tpu.memory_space<hbm>> -> memref<1000000x64xf32, #tpu.memory_space<hbm>>
        tpu.enqueue_indirect_dma source(%dma_start3A_890 : memref<1000000x64xf32, #tpu.memory_space<hbm>>) target(%dma_start3A_887 : memref<16x64xf32, #tpu.memory_space<vmem>>) offsets(%get3A_882 : vector<16xi32>) semaphore(%arg10 : memref<!tpu.dma_semaphore, #tpu.memory_space<semaphore_mem>>)
        %add3A_891 = arith.constant 80 : i32
        %add3A_892 = arith.addi %mul3A_825, %add3A_891 : i32
        %get3A_893 = arith.index_cast %add3A_892 : i32 to index
        %get3A_894 = tpu.vector_load %arg6[%get3A_893] {strides = array<i32>} : memref<25600xi32, #tpu.memory_space<vmem>>, vector<16xi32>,
        %get3A_895 = vector.shape_cast %get3A_894 : vector<16xi32> to vector<16xi32>
        %dma_start3A_896 = arith.constant 1 : i32
        %dma_start3A_897 = arith.constant 80 : i32
        %dma_start3A_898 = arith.constant 0 : i32
        %dma_start3A_899 = tpu.memref_slice %arg8[%dma_start3A_896, %dma_start3A_897, %dma_start3A_898] : memref<3x400x64xf32, #tpu.memory_space<vmem>> -> memref<1x16x64xf32, #tpu.memory_space<vmem>>
        %dma_start3A_900 = tpu.memref_squeeze %dma_start3A_899 : memref<1x16x64xf32, #tpu.memory_space<vmem>> -> memref<16x64xf32, #tpu.memory_space<vmem>>
        %dma_start3A_901 = arith.constant 0 : i32
        %dma_start3A_902 = arith.constant 0 : i32
        %dma_start3A_903 = tpu.memref_slice %arg3[%dma_start3A_901, %dma_start3A_902] : memref<1000000x64xf32, #tpu.memory_space<hbm>> -> memref<1000000x64xf32, #tpu.memory_space<hbm>>
        tpu.enqueue_indirect_dma source(%dma_start3A_903 : memref<1000000x64xf32, #tpu.memory_space<hbm>>) target(%dma_start3A_900 : memref<16x64xf32, #tpu.memory_space<vmem>>) offsets(%get3A_895 : vector<16xi32>) semaphore(%arg10 : memref<!tpu.dma_semaphore, #tpu.memory_space<semaphore_mem>>)
        %add3A_904 = arith.constant 96 : i32
        %add3A_905 = arith.addi %mul3A_825, %add3A_904 : i32
        %get3A_906 = arith.index_cast %add3A_905 : i32 to index
        %get3A_907 = tpu.vector_load %arg6[%get3A_906] {strides = array<i32>} : memref<25600xi32, #tpu.memory_space<vmem>>, vector<16xi32>,
        %get3A_908 = vector.shape_cast %get3A_907 : vector<16xi32> to vector<16xi32>
        %dma_start3A_909 = arith.constant 1 : i32
        %dma_start3A_910 = arith.constant 96 : i32
        %dma_start3A_911 = arith.constant 0 : i32
        %dma_start3A_912 = tpu.memref_slice %arg8[%dma_start3A_909, %dma_start3A_910, %dma_start3A_911] : memref<3x400x64xf32, #tpu.memory_space<vmem>> -> memref<1x16x64xf32, #tpu.memory_space<vmem>>
        %dma_start3A_913 = tpu.memref_squeeze %dma_start3A_912 : memref<1x16x64xf32, #tpu.memory_space<vmem>> -> memref<16x64xf32, #tpu.memory_space<vmem>>
        %dma_start3A_914 = arith.constant 0 : i32
        %dma_start3A_915 = arith.constant 0 : i32
        %dma_start3A_916 = tpu.memref_slice %arg3[%dma_start3A_914, %dma_start3A_915] : memref<1000000x64xf32, #tpu.memory_space<hbm>> -> memref<1000000x64xf32, #tpu.memory_space<hbm>>
        tpu.enqueue_indirect_dma source(%dma_start3A_916 : memref<1000000x64xf32, #tpu.memory_space<hbm>>) target(%dma_start3A_913 : memref<16x64xf32, #tpu.memory_space<vmem>>) offsets(%get3A_908 : vector<16xi32>) semaphore(%arg10 : memref<!tpu.dma_semaphore, #tpu.memory_space<semaphore_mem>>)
        %add3A_917 = arith.constant 112 : i32
        %add3A_918 = arith.addi %mul3A_825, %add3A_917 : i32
        %get3A_919 = arith.index_cast %add3A_918 : i32 to index
        %get3A_920 = tpu.vector_load %arg6[%get3A_919] {strides = array<i32>} : memref<25600xi32, #tpu.memory_space<vmem>>, vector<16xi32>,
        %get3A_921 = vector.shape_cast %get3A_920 : vector<16xi32> to vector<16xi32>
        %dma_start3A_922 = arith.constant 1 : i32
        %dma_start3A_923 = arith.constant 112 : i32
        %dma_start3A_924 = arith.constant 0 : i32
        %dma_start3A_925 = tpu.memref_slice %arg8[%dma_start3A_922, %dma_start3A_923, %dma_start3A_924] : memref<3x400x64xf32, #tpu.memory_space<vmem>> -> memref<1x16x64xf32, #tpu.memory_space<vmem>>
        %dma_start3A_926 = tpu.memref_squeeze %dma_start3A_925 : memref<1x16x64xf32, #tpu.memory_space<vmem>> -> memref<16x64xf32, #tpu.memory_space<vmem>>
        %dma_start3A_927 = arith.constant 0 : i32
        %dma_start3A_928 = arith.constant 0 : i32
        %dma_start3A_929 = tpu.memref_slice %arg3[%dma_start3A_927, %dma_start3A_928] : memref<1000000x64xf32, #tpu.memory_space<hbm>> -> memref<1000000x64xf32, #tpu.memory_space<hbm>>
        tpu.enqueue_indirect_dma source(%dma_start3A_929 : memref<1000000x64xf32, #tpu.memory_space<hbm>>) target(%dma_start3A_926 : memref<16x64xf32, #tpu.memory_space<vmem>>) offsets(%get3A_921 : vector<16xi32>) semaphore(%arg10 : memref<!tpu.dma_semaphore, #tpu.memory_space<semaphore_mem>>)
        %add3A_930 = arith.constant 128 : i32
        %add3A_931 = arith.addi %mul3A_825, %add3A_930 : i32
        %get3A_932 = arith.index_cast %add3A_931 : i32 to index
        %get3A_933 = tpu.vector_load %arg6[%get3A_932] {strides = array<i32>} : memref<25600xi32, #tpu.memory_space<vmem>>, vector<16xi32>,
        %get3A_934 = vector.shape_cast %get3A_933 : vector<16xi32> to vector<16xi32>
        %dma_start3A_935 = arith.constant 1 : i32
        %dma_start3A_936 = arith.constant 128 : i32
        %dma_start3A_937 = arith.constant 0 : i32
        %dma_start3A_938 = tpu.memref_slice %arg8[%dma_start3A_935, %dma_start3A_936, %dma_start3A_937] : memref<3x400x64xf32, #tpu.memory_space<vmem>> -> memref<1x16x64xf32, #tpu.memory_space<vmem>>
        %dma_start3A_939 = tpu.memref_squeeze %dma_start3A_938 : memref<1x16x64xf32, #tpu.memory_space<vmem>> -> memref<16x64xf32, #tpu.memory_space<vmem>>
        %dma_start3A_940 = arith.constant 0 : i32
        %dma_start3A_941 = arith.constant 0 : i32
        %dma_start3A_942 = tpu.memref_slice %arg3[%dma_start3A_940, %dma_start3A_941] : memref<1000000x64xf32, #tpu.memory_space<hbm>> -> memref<1000000x64xf32, #tpu.memory_space<hbm>>
        tpu.enqueue_indirect_dma source(%dma_start3A_942 : memref<1000000x64xf32, #tpu.memory_space<hbm>>) target(%dma_start3A_939 : memref<16x64xf32, #tpu.memory_space<vmem>>) offsets(%get3A_934 : vector<16xi32>) semaphore(%arg10 : memref<!tpu.dma_semaphore, #tpu.memory_space<semaphore_mem>>)
        %add3A_943 = arith.constant 144 : i32
        %add3A_944 = arith.addi %mul3A_825, %add3A_943 : i32
        %get3A_945 = arith.index_cast %add3A_944 : i32 to index
        %get3A_946 = tpu.vector_load %arg6[%get3A_945] {strides = array<i32>} : memref<25600xi32, #tpu.memory_space<vmem>>, vector<16xi32>,
        %get3A_947 = vector.shape_cast %get3A_946 : vector<16xi32> to vector<16xi32>
        %dma_start3A_948 = arith.constant 1 : i32
        %dma_start3A_949 = arith.constant 144 : i32
        %dma_start3A_950 = arith.constant 0 : i32
        %dma_start3A_951 = tpu.memref_slice %arg8[%dma_start3A_948, %dma_start3A_949, %dma_start3A_950] : memref<3x400x64xf32, #tpu.memory_space<vmem>> -> memref<1x16x64xf32, #tpu.memory_space<vmem>>
        %dma_start3A_952 = tpu.memref_squeeze %dma_start3A_951 : memref<1x16x64xf32, #tpu.memory_space<vmem>> -> memref<16x64xf32, #tpu.memory_space<vmem>>
        %dma_start3A_953 = arith.constant 0 : i32
        %dma_start3A_954 = arith.constant 0 : i32
        %dma_start3A_955 = tpu.memref_slice %arg3[%dma_start3A_953, %dma_start3A_954] : memref<1000000x64xf32, #tpu.memory_space<hbm>> -> memref<1000000x64xf32, #tpu.memory_space<hbm>>
        tpu.enqueue_indirect_dma source(%dma_start3A_955 : memref<1000000x64xf32, #tpu.memory_space<hbm>>) target(%dma_start3A_952 : memref<16x64xf32, #tpu.memory_space<vmem>>) offsets(%get3A_947 : vector<16xi32>) semaphore(%arg10 : memref<!tpu.dma_semaphore, #tpu.memory_space<semaphore_mem>>)
        %add3A_956 = arith.constant 160 : i32
        %add3A_957 = arith.addi %mul3A_825, %add3A_956 : i32
        %get3A_958 = arith.index_cast %add3A_957 : i32 to index
        %get3A_959 = tpu.vector_load %arg6[%get3A_958] {strides = array<i32>} : memref<25600xi32, #tpu.memory_space<vmem>>, vector<16xi32>,
        %get3A_960 = vector.shape_cast %get3A_959 : vector<16xi32> to vector<16xi32>
        %dma_start3A_961 = arith.constant 1 : i32
        %dma_start3A_962 = arith.constant 160 : i32
        %dma_start3A_963 = arith.constant 0 : i32
        %dma_start3A_964 = tpu.memref_slice %arg8[%dma_start3A_961, %dma_start3A_962, %dma_start3A_963] : memref<3x400x64xf32, #tpu.memory_space<vmem>> -> memref<1x16x64xf32, #tpu.memory_space<vmem>>
        %dma_start3A_965 = tpu.memref_squeeze %dma_start3A_964 : memref<1x16x64xf32, #tpu.memory_space<vmem>> -> memref<16x64xf32, #tpu.memory_space<vmem>>
        %dma_start3A_966 = arith.constant 0 : i32
        %dma_start3A_967 = arith.constant 0 : i32
        %dma_start3A_968 = tpu.memref_slice %arg3[%dma_start3A_966, %dma_start3A_967] : memref<1000000x64xf32, #tpu.memory_space<hbm>> -> memref<1000000x64xf32, #tpu.memory_space<hbm>>
        tpu.enqueue_indirect_dma source(%dma_start3A_968 : memref<1000000x64xf32, #tpu.memory_space<hbm>>) target(%dma_start3A_965 : memref<16x64xf32, #tpu.memory_space<vmem>>) offsets(%get3A_960 : vector<16xi32>) semaphore(%arg10 : memref<!tpu.dma_semaphore, #tpu.memory_space<semaphore_mem>>)
        %add3A_969 = arith.constant 176 : i32
        %add3A_970 = arith.addi %mul3A_825, %add3A_969 : i32
        %get3A_971 = arith.index_cast %add3A_970 : i32 to index
        %get3A_972 = tpu.vector_load %arg6[%get3A_971] {strides = array<i32>} : memref<25600xi32, #tpu.memory_space<vmem>>, vector<16xi32>,
        %get3A_973 = vector.shape_cast %get3A_972 : vector<16xi32> to vector<16xi32>
        %dma_start3A_974 = arith.constant 1 : i32
        %dma_start3A_975 = arith.constant 176 : i32
        %dma_start3A_976 = arith.constant 0 : i32
        %dma_start3A_977 = tpu.memref_slice %arg8[%dma_start3A_974, %dma_start3A_975, %dma_start3A_976] : memref<3x400x64xf32, #tpu.memory_space<vmem>> -> memref<1x16x64xf32, #tpu.memory_space<vmem>>
        %dma_start3A_978 = tpu.memref_squeeze %dma_start3A_977 : memref<1x16x64xf32, #tpu.memory_space<vmem>> -> memref<16x64xf32, #tpu.memory_space<vmem>>
        %dma_start3A_979 = arith.constant 0 : i32
        %dma_start3A_980 = arith.constant 0 : i32
        %dma_start3A_981 = tpu.memref_slice %arg3[%dma_start3A_979, %dma_start3A_980] : memref<1000000x64xf32, #tpu.memory_space<hbm>> -> memref<1000000x64xf32, #tpu.memory_space<hbm>>
        tpu.enqueue_indirect_dma source(%dma_start3A_981 : memref<1000000x64xf32, #tpu.memory_space<hbm>>) target(%dma_start3A_978 : memref<16x64xf32, #tpu.memory_space<vmem>>) offsets(%get3A_973 : vector<16xi32>) semaphore(%arg10 : memref<!tpu.dma_semaphore, #tpu.memory_space<semaphore_mem>>)
        %add3A_982 = arith.constant 192 : i32
        %add3A_983 = arith.addi %mul3A_825, %add3A_982 : i32
        %get3A_984 = arith.index_cast %add3A_983 : i32 to index
        %get3A_985 = tpu.vector_load %arg6[%get3A_984] {strides = array<i32>} : memref<25600xi32, #tpu.memory_space<vmem>>, vector<16xi32>,
        %get3A_986 = vector.shape_cast %get3A_985 : vector<16xi32> to vector<16xi32>
        %dma_start3A_987 = arith.constant 1 : i32
        %dma_start3A_988 = arith.constant 192 : i32
        %dma_start3A_989 = arith.constant 0 : i32
        %dma_start3A_990 = tpu.memref_slice %arg8[%dma_start3A_987, %dma_start3A_988, %dma_start3A_989] : memref<3x400x64xf32, #tpu.memory_space<vmem>> -> memref<1x16x64xf32, #tpu.memory_space<vmem>>
        %dma_start3A_991 = tpu.memref_squeeze %dma_start3A_990 : memref<1x16x64xf32, #tpu.memory_space<vmem>> -> memref<16x64xf32, #tpu.memory_space<vmem>>
        %dma_start3A_992 = arith.constant 0 : i32
        %dma_start3A_993 = arith.constant 0 : i32
        %dma_start3A_994 = tpu.memref_slice %arg3[%dma_start3A_992, %dma_start3A_993] : memref<1000000x64xf32, #tpu.memory_space<hbm>> -> memref<1000000x64xf32, #tpu.memory_space<hbm>>
        tpu.enqueue_indirect_dma source(%dma_start3A_994 : memref<1000000x64xf32, #tpu.memory_space<hbm>>) target(%dma_start3A_991 : memref<16x64xf32, #tpu.memory_space<vmem>>) offsets(%get3A_986 : vector<16xi32>) semaphore(%arg10 : memref<!tpu.dma_semaphore, #tpu.memory_space<semaphore_mem>>)
        %add3A_995 = arith.constant 208 : i32
        %add3A_996 = arith.addi %mul3A_825, %add3A_995 : i32
        %get3A_997 = arith.index_cast %add3A_996 : i32 to index
        %get3A_998 = tpu.vector_load %arg6[%get3A_997] {strides = array<i32>} : memref<25600xi32, #tpu.memory_space<vmem>>, vector<16xi32>,
        %get3A_999 = vector.shape_cast %get3A_998 : vector<16xi32> to vector<16xi32>
        %dma_start3A_1000 = arith.constant 1 : i32
        %dma_start3A_1001 = arith.constant 208 : i32
        %dma_start3A_1002 = arith.constant 0 : i32
        %dma_start3A_1003 = tpu.memref_slice %arg8[%dma_start3A_1000, %dma_start3A_1001, %dma_start3A_1002] : memref<3x400x64xf32, #tpu.memory_space<vmem>> -> memref<1x16x64xf32, #tpu.memory_space<vmem>>
        %dma_start3A_1004 = tpu.memref_squeeze %dma_start3A_1003 : memref<1x16x64xf32, #tpu.memory_space<vmem>> -> memref<16x64xf32, #tpu.memory_space<vmem>>
        %dma_start3A_1005 = arith.constant 0 : i32
        %dma_start3A_1006 = arith.constant 0 : i32
        %dma_start3A_1007 = tpu.memref_slice %arg3[%dma_start3A_1005, %dma_start3A_1006] : memref<1000000x64xf32, #tpu.memory_space<hbm>> -> memref<1000000x64xf32, #tpu.memory_space<hbm>>
        tpu.enqueue_indirect_dma source(%dma_start3A_1007 : memref<1000000x64xf32, #tpu.memory_space<hbm>>) target(%dma_start3A_1004 : memref<16x64xf32, #tpu.memory_space<vmem>>) offsets(%get3A_999 : vector<16xi32>) semaphore(%arg10 : memref<!tpu.dma_semaphore, #tpu.memory_space<semaphore_mem>>)
        %add3A_1008 = arith.constant 224 : i32
        %add3A_1009 = arith.addi %mul3A_825, %add3A_1008 : i32
        %get3A_1010 = arith.index_cast %add3A_1009 : i32 to index
        %get3A_1011 = tpu.vector_load %arg6[%get3A_1010] {strides = array<i32>} : memref<25600xi32, #tpu.memory_space<vmem>>, vector<16xi32>,
        %get3A_1012 = vector.shape_cast %get3A_1011 : vector<16xi32> to vector<16xi32>
        %dma_start3A_1013 = arith.constant 1 : i32
        %dma_start3A_1014 = arith.constant 224 : i32
        %dma_start3A_1015 = arith.constant 0 : i32
        %dma_start3A_1016 = tpu.memref_slice %arg8[%dma_start3A_1013, %dma_start3A_1014, %dma_start3A_1015] : memref<3x400x64xf32, #tpu.memory_space<vmem>> -> memref<1x16x64xf32, #tpu.memory_space<vmem>>
        %dma_start3A_1017 = tpu.memref_squeeze %dma_start3A_1016 : memref<1x16x64xf32, #tpu.memory_space<vmem>> -> memref<16x64xf32, #tpu.memory_space<vmem>>
        %dma_start3A_1018 = arith.constant 0 : i32
        %dma_start3A_1019 = arith.constant 0 : i32
        %dma_start3A_1020 = tpu.memref_slice %arg3[%dma_start3A_1018, %dma_start3A_1019] : memref<1000000x64xf32, #tpu.memory_space<hbm>> -> memref<1000000x64xf32, #tpu.memory_space<hbm>>
        tpu.enqueue_indirect_dma source(%dma_start3A_1020 : memref<1000000x64xf32, #tpu.memory_space<hbm>>) target(%dma_start3A_1017 : memref<16x64xf32, #tpu.memory_space<vmem>>) offsets(%get3A_1012 : vector<16xi32>) semaphore(%arg10 : memref<!tpu.dma_semaphore, #tpu.memory_space<semaphore_mem>>)
        %add3A_1021 = arith.constant 240 : i32
        %add3A_1022 = arith.addi %mul3A_825, %add3A_1021 : i32
        %get3A_1023 = arith.index_cast %add3A_1022 : i32 to index
        %get3A_1024 = tpu.vector_load %arg6[%get3A_1023] {strides = array<i32>} : memref<25600xi32, #tpu.memory_space<vmem>>, vector<16xi32>,
        %get3A_1025 = vector.shape_cast %get3A_1024 : vector<16xi32> to vector<16xi32>
        %dma_start3A_1026 = arith.constant 1 : i32
        %dma_start3A_1027 = arith.constant 240 : i32
        %dma_start3A_1028 = arith.constant 0 : i32
        %dma_start3A_1029 = tpu.memref_slice %arg8[%dma_start3A_1026, %dma_start3A_1027, %dma_start3A_1028] : memref<3x400x64xf32, #tpu.memory_space<vmem>> -> memref<1x16x64xf32, #tpu.memory_space<vmem>>
        %dma_start3A_1030 = tpu.memref_squeeze %dma_start3A_1029 : memref<1x16x64xf32, #tpu.memory_space<vmem>> -> memref<16x64xf32, #tpu.memory_space<vmem>>
        %dma_start3A_1031 = arith.constant 0 : i32
        %dma_start3A_1032 = arith.constant 0 : i32
        %dma_start3A_1033 = tpu.memref_slice %arg3[%dma_start3A_1031, %dma_start3A_1032] : memref<1000000x64xf32, #tpu.memory_space<hbm>> -> memref<1000000x64xf32, #tpu.memory_space<hbm>>
        tpu.enqueue_indirect_dma source(%dma_start3A_1033 : memref<1000000x64xf32, #tpu.memory_space<hbm>>) target(%dma_start3A_1030 : memref<16x64xf32, #tpu.memory_space<vmem>>) offsets(%get3A_1025 : vector<16xi32>) semaphore(%arg10 : memref<!tpu.dma_semaphore, #tpu.memory_space<semaphore_mem>>)
        %add3A_1034 = arith.constant 256 : i32
        %add3A_1035 = arith.addi %mul3A_825, %add3A_1034 : i32
        %get3A_1036 = arith.index_cast %add3A_1035 : i32 to index
        %get3A_1037 = tpu.vector_load %arg6[%get3A_1036] {strides = array<i32>} : memref<25600xi32, #tpu.memory_space<vmem>>, vector<16xi32>,
        %get3A_1038 = vector.shape_cast %get3A_1037 : vector<16xi32> to vector<16xi32>
        %dma_start3A_1039 = arith.constant 1 : i32
        %dma_start3A_1040 = arith.constant 256 : i32
        %dma_start3A_1041 = arith.constant 0 : i32
        %dma_start3A_1042 = tpu.memref_slice %arg8[%dma_start3A_1039, %dma_start3A_1040, %dma_start3A_1041] : memref<3x400x64xf32, #tpu.memory_space<vmem>> -> memref<1x16x64xf32, #tpu.memory_space<vmem>>
        %dma_start3A_1043 = tpu.memref_squeeze %dma_start3A_1042 : memref<1x16x64xf32, #tpu.memory_space<vmem>> -> memref<16x64xf32, #tpu.memory_space<vmem>>
        %dma_start3A_1044 = arith.constant 0 : i32
        %dma_start3A_1045 = arith.constant 0 : i32
        %dma_start3A_1046 = tpu.memref_slice %arg3[%dma_start3A_1044, %dma_start3A_1045] : memref<1000000x64xf32, #tpu.memory_space<hbm>> -> memref<1000000x64xf32, #tpu.memory_space<hbm>>
        tpu.enqueue_indirect_dma source(%dma_start3A_1046 : memref<1000000x64xf32, #tpu.memory_space<hbm>>) target(%dma_start3A_1043 : memref<16x64xf32, #tpu.memory_space<vmem>>) offsets(%get3A_1038 : vector<16xi32>) semaphore(%arg10 : memref<!tpu.dma_semaphore, #tpu.memory_space<semaphore_mem>>)
        %add3A_1047 = arith.constant 272 : i32
        %add3A_1048 = arith.addi %mul3A_825, %add3A_1047 : i32
        %get3A_1049 = arith.index_cast %add3A_1048 : i32 to index
        %get3A_1050 = tpu.vector_load %arg6[%get3A_1049] {strides = array<i32>} : memref<25600xi32, #tpu.memory_space<vmem>>, vector<16xi32>,
        %get3A_1051 = vector.shape_cast %get3A_1050 : vector<16xi32> to vector<16xi32>
        %dma_start3A_1052 = arith.constant 1 : i32
        %dma_start3A_1053 = arith.constant 272 : i32
        %dma_start3A_1054 = arith.constant 0 : i32
        %dma_start3A_1055 = tpu.memref_slice %arg8[%dma_start3A_1052, %dma_start3A_1053, %dma_start3A_1054] : memref<3x400x64xf32, #tpu.memory_space<vmem>> -> memref<1x16x64xf32, #tpu.memory_space<vmem>>
        %dma_start3A_1056 = tpu.memref_squeeze %dma_start3A_1055 : memref<1x16x64xf32, #tpu.memory_space<vmem>> -> memref<16x64xf32, #tpu.memory_space<vmem>>
        %dma_start3A_1057 = arith.constant 0 : i32
        %dma_start3A_1058 = arith.constant 0 : i32
        %dma_start3A_1059 = tpu.memref_slice %arg3[%dma_start3A_1057, %dma_start3A_1058] : memref<1000000x64xf32, #tpu.memory_space<hbm>> -> memref<1000000x64xf32, #tpu.memory_space<hbm>>
        tpu.enqueue_indirect_dma source(%dma_start3A_1059 : memref<1000000x64xf32, #tpu.memory_space<hbm>>) target(%dma_start3A_1056 : memref<16x64xf32, #tpu.memory_space<vmem>>) offsets(%get3A_1051 : vector<16xi32>) semaphore(%arg10 : memref<!tpu.dma_semaphore, #tpu.memory_space<semaphore_mem>>)
        %add3A_1060 = arith.constant 288 : i32
        %add3A_1061 = arith.addi %mul3A_825, %add3A_1060 : i32
        %get3A_1062 = arith.index_cast %add3A_1061 : i32 to index
        %get3A_1063 = tpu.vector_load %arg6[%get3A_1062] {strides = array<i32>} : memref<25600xi32, #tpu.memory_space<vmem>>, vector<16xi32>,
        %get3A_1064 = vector.shape_cast %get3A_1063 : vector<16xi32> to vector<16xi32>
        %dma_start3A_1065 = arith.constant 1 : i32
        %dma_start3A_1066 = arith.constant 288 : i32
        %dma_start3A_1067 = arith.constant 0 : i32
        %dma_start3A_1068 = tpu.memref_slice %arg8[%dma_start3A_1065, %dma_start3A_1066, %dma_start3A_1067] : memref<3x400x64xf32, #tpu.memory_space<vmem>> -> memref<1x16x64xf32, #tpu.memory_space<vmem>>
        %dma_start3A_1069 = tpu.memref_squeeze %dma_start3A_1068 : memref<1x16x64xf32, #tpu.memory_space<vmem>> -> memref<16x64xf32, #tpu.memory_space<vmem>>
        %dma_start3A_1070 = arith.constant 0 : i32
        %dma_start3A_1071 = arith.constant 0 : i32
        %dma_start3A_1072 = tpu.memref_slice %arg3[%dma_start3A_1070, %dma_start3A_1071] : memref<1000000x64xf32, #tpu.memory_space<hbm>> -> memref<1000000x64xf32, #tpu.memory_space<hbm>>
        tpu.enqueue_indirect_dma source(%dma_start3A_1072 : memref<1000000x64xf32, #tpu.memory_space<hbm>>) target(%dma_start3A_1069 : memref<16x64xf32, #tpu.memory_space<vmem>>) offsets(%get3A_1064 : vector<16xi32>) semaphore(%arg10 : memref<!tpu.dma_semaphore, #tpu.memory_space<semaphore_mem>>)
        %add3A_1073 = arith.constant 304 : i32
        %add3A_1074 = arith.addi %mul3A_825, %add3A_1073 : i32
        %get3A_1075 = arith.index_cast %add3A_1074 : i32 to index
        %get3A_1076 = tpu.vector_load %arg6[%get3A_1075] {strides = array<i32>} : memref<25600xi32, #tpu.memory_space<vmem>>, vector<16xi32>,
        %get3A_1077 = vector.shape_cast %get3A_1076 : vector<16xi32> to vector<16xi32>
        %dma_start3A_1078 = arith.constant 1 : i32
        %dma_start3A_1079 = arith.constant 304 : i32
        %dma_start3A_1080 = arith.constant 0 : i32
        %dma_start3A_1081 = tpu.memref_slice %arg8[%dma_start3A_1078, %dma_start3A_1079, %dma_start3A_1080] : memref<3x400x64xf32, #tpu.memory_space<vmem>> -> memref<1x16x64xf32, #tpu.memory_space<vmem>>
        %dma_start3A_1082 = tpu.memref_squeeze %dma_start3A_1081 : memref<1x16x64xf32, #tpu.memory_space<vmem>> -> memref<16x64xf32, #tpu.memory_space<vmem>>
        %dma_start3A_1083 = arith.constant 0 : i32
        %dma_start3A_1084 = arith.constant 0 : i32
        %dma_start3A_1085 = tpu.memref_slice %arg3[%dma_start3A_1083, %dma_start3A_1084] : memref<1000000x64xf32, #tpu.memory_space<hbm>> -> memref<1000000x64xf32, #tpu.memory_space<hbm>>
        tpu.enqueue_indirect_dma source(%dma_start3A_1085 : memref<1000000x64xf32, #tpu.memory_space<hbm>>) target(%dma_start3A_1082 : memref<16x64xf32, #tpu.memory_space<vmem>>) offsets(%get3A_1077 : vector<16xi32>) semaphore(%arg10 : memref<!tpu.dma_semaphore, #tpu.memory_space<semaphore_mem>>)
        %add3A_1086 = arith.constant 320 : i32
        %add3A_1087 = arith.addi %mul3A_825, %add3A_1086 : i32
        %get3A_1088 = arith.index_cast %add3A_1087 : i32 to index
        %get3A_1089 = tpu.vector_load %arg6[%get3A_1088] {strides = array<i32>} : memref<25600xi32, #tpu.memory_space<vmem>>, vector<16xi32>,
        %get3A_1090 = vector.shape_cast %get3A_1089 : vector<16xi32> to vector<16xi32>
        %dma_start3A_1091 = arith.constant 1 : i32
        %dma_start3A_1092 = arith.constant 320 : i32
        %dma_start3A_1093 = arith.constant 0 : i32
        %dma_start3A_1094 = tpu.memref_slice %arg8[%dma_start3A_1091, %dma_start3A_1092, %dma_start3A_1093] : memref<3x400x64xf32, #tpu.memory_space<vmem>> -> memref<1x16x64xf32, #tpu.memory_space<vmem>>
        %dma_start3A_1095 = tpu.memref_squeeze %dma_start3A_1094 : memref<1x16x64xf32, #tpu.memory_space<vmem>> -> memref<16x64xf32, #tpu.memory_space<vmem>>
        %dma_start3A_1096 = arith.constant 0 : i32
        %dma_start3A_1097 = arith.constant 0 : i32
        %dma_start3A_1098 = tpu.memref_slice %arg3[%dma_start3A_1096, %dma_start3A_1097] : memref<1000000x64xf32, #tpu.memory_space<hbm>> -> memref<1000000x64xf32, #tpu.memory_space<hbm>>
        tpu.enqueue_indirect_dma source(%dma_start3A_1098 : memref<1000000x64xf32, #tpu.memory_space<hbm>>) target(%dma_start3A_1095 : memref<16x64xf32, #tpu.memory_space<vmem>>) offsets(%get3A_1090 : vector<16xi32>) semaphore(%arg10 : memref<!tpu.dma_semaphore, #tpu.memory_space<semaphore_mem>>)
        %add3A_1099 = arith.constant 336 : i32
        %add3A_1100 = arith.addi %mul3A_825, %add3A_1099 : i32
        %get3A_1101 = arith.index_cast %add3A_1100 : i32 to index
        %get3A_1102 = tpu.vector_load %arg6[%get3A_1101] {strides = array<i32>} : memref<25600xi32, #tpu.memory_space<vmem>>, vector<16xi32>,
        %get3A_1103 = vector.shape_cast %get3A_1102 : vector<16xi32> to vector<16xi32>
        %dma_start3A_1104 = arith.constant 1 : i32
        %dma_start3A_1105 = arith.constant 336 : i32
        %dma_start3A_1106 = arith.constant 0 : i32
        %dma_start3A_1107 = tpu.memref_slice %arg8[%dma_start3A_1104, %dma_start3A_1105, %dma_start3A_1106] : memref<3x400x64xf32, #tpu.memory_space<vmem>> -> memref<1x16x64xf32, #tpu.memory_space<vmem>>
        %dma_start3A_1108 = tpu.memref_squeeze %dma_start3A_1107 : memref<1x16x64xf32, #tpu.memory_space<vmem>> -> memref<16x64xf32, #tpu.memory_space<vmem>>
        %dma_start3A_1109 = arith.constant 0 : i32
        %dma_start3A_1110 = arith.constant 0 : i32
        %dma_start3A_1111 = tpu.memref_slice %arg3[%dma_start3A_1109, %dma_start3A_1110] : memref<1000000x64xf32, #tpu.memory_space<hbm>> -> memref<1000000x64xf32, #tpu.memory_space<hbm>>
        tpu.enqueue_indirect_dma source(%dma_start3A_1111 : memref<1000000x64xf32, #tpu.memory_space<hbm>>) target(%dma_start3A_1108 : memref<16x64xf32, #tpu.memory_space<vmem>>) offsets(%get3A_1103 : vector<16xi32>) semaphore(%arg10 : memref<!tpu.dma_semaphore, #tpu.memory_space<semaphore_mem>>)
        %add3A_1112 = arith.constant 352 : i32
        %add3A_1113 = arith.addi %mul3A_825, %add3A_1112 : i32
        %get3A_1114 = arith.index_cast %add3A_1113 : i32 to index
        %get3A_1115 = tpu.vector_load %arg6[%get3A_1114] {strides = array<i32>} : memref<25600xi32, #tpu.memory_space<vmem>>, vector<16xi32>,
        %get3A_1116 = vector.shape_cast %get3A_1115 : vector<16xi32> to vector<16xi32>
        %dma_start3A_1117 = arith.constant 1 : i32
        %dma_start3A_1118 = arith.constant 352 : i32
        %dma_start3A_1119 = arith.constant 0 : i32
        %dma_start3A_1120 = tpu.memref_slice %arg8[%dma_start3A_1117, %dma_start3A_1118, %dma_start3A_1119] : memref<3x400x64xf32, #tpu.memory_space<vmem>> -> memref<1x16x64xf32, #tpu.memory_space<vmem>>
        %dma_start3A_1121 = tpu.memref_squeeze %dma_start3A_1120 : memref<1x16x64xf32, #tpu.memory_space<vmem>> -> memref<16x64xf32, #tpu.memory_space<vmem>>
        %dma_start3A_1122 = arith.constant 0 : i32
        %dma_start3A_1123 = arith.constant 0 : i32
        %dma_start3A_1124 = tpu.memref_slice %arg3[%dma_start3A_1122, %dma_start3A_1123] : memref<1000000x64xf32, #tpu.memory_space<hbm>> -> memref<1000000x64xf32, #tpu.memory_space<hbm>>
        tpu.enqueue_indirect_dma source(%dma_start3A_1124 : memref<1000000x64xf32, #tpu.memory_space<hbm>>) target(%dma_start3A_1121 : memref<16x64xf32, #tpu.memory_space<vmem>>) offsets(%get3A_1116 : vector<16xi32>) semaphore(%arg10 : memref<!tpu.dma_semaphore, #tpu.memory_space<semaphore_mem>>)
        %add3A_1125 = arith.constant 368 : i32
        %add3A_1126 = arith.addi %mul3A_825, %add3A_1125 : i32
        %get3A_1127 = arith.index_cast %add3A_1126 : i32 to index
        %get3A_1128 = tpu.vector_load %arg6[%get3A_1127] {strides = array<i32>} : memref<25600xi32, #tpu.memory_space<vmem>>, vector<16xi32>,
        %get3A_1129 = vector.shape_cast %get3A_1128 : vector<16xi32> to vector<16xi32>
        %dma_start3A_1130 = arith.constant 1 : i32
        %dma_start3A_1131 = arith.constant 368 : i32
        %dma_start3A_1132 = arith.constant 0 : i32
        %dma_start3A_1133 = tpu.memref_slice %arg8[%dma_start3A_1130, %dma_start3A_1131, %dma_start3A_1132] : memref<3x400x64xf32, #tpu.memory_space<vmem>> -> memref<1x16x64xf32, #tpu.memory_space<vmem>>
        %dma_start3A_1134 = tpu.memref_squeeze %dma_start3A_1133 : memref<1x16x64xf32, #tpu.memory_space<vmem>> -> memref<16x64xf32, #tpu.memory_space<vmem>>
        %dma_start3A_1135 = arith.constant 0 : i32
        %dma_start3A_1136 = arith.constant 0 : i32
        %dma_start3A_1137 = tpu.memref_slice %arg3[%dma_start3A_1135, %dma_start3A_1136] : memref<1000000x64xf32, #tpu.memory_space<hbm>> -> memref<1000000x64xf32, #tpu.memory_space<hbm>>
        tpu.enqueue_indirect_dma source(%dma_start3A_1137 : memref<1000000x64xf32, #tpu.memory_space<hbm>>) target(%dma_start3A_1134 : memref<16x64xf32, #tpu.memory_space<vmem>>) offsets(%get3A_1129 : vector<16xi32>) semaphore(%arg10 : memref<!tpu.dma_semaphore, #tpu.memory_space<semaphore_mem>>)
        %add3A_1138 = arith.constant 384 : i32
        %add3A_1139 = arith.addi %mul3A_825, %add3A_1138 : i32
        %get3A_1140 = arith.index_cast %add3A_1139 : i32 to index
        %get3A_1141 = tpu.vector_load %arg6[%get3A_1140] {strides = array<i32>} : memref<25600xi32, #tpu.memory_space<vmem>>, vector<16xi32>,
        %get3A_1142 = vector.shape_cast %get3A_1141 : vector<16xi32> to vector<16xi32>
        %dma_start3A_1143 = arith.constant 1 : i32
        %dma_start3A_1144 = arith.constant 384 : i32
        %dma_start3A_1145 = arith.constant 0 : i32
        %dma_start3A_1146 = tpu.memref_slice %arg8[%dma_start3A_1143, %dma_start3A_1144, %dma_start3A_1145] : memref<3x400x64xf32, #tpu.memory_space<vmem>> -> memref<1x16x64xf32, #tpu.memory_space<vmem>>
        %dma_start3A_1147 = tpu.memref_squeeze %dma_start3A_1146 : memref<1x16x64xf32, #tpu.memory_space<vmem>> -> memref<16x64xf32, #tpu.memory_space<vmem>>
        %dma_start3A_1148 = arith.constant 0 : i32
        %dma_start3A_1149 = arith.constant 0 : i32
        %dma_start3A_1150 = tpu.memref_slice %arg3[%dma_start3A_1148, %dma_start3A_1149] : memref<1000000x64xf32, #tpu.memory_space<hbm>> -> memref<1000000x64xf32, #tpu.memory_space<hbm>>
        tpu.enqueue_indirect_dma source(%dma_start3A_1150 : memref<1000000x64xf32, #tpu.memory_space<hbm>>) target(%dma_start3A_1147 : memref<16x64xf32, #tpu.memory_space<vmem>>) offsets(%get3A_1142 : vector<16xi32>) semaphore(%arg10 : memref<!tpu.dma_semaphore, #tpu.memory_space<semaphore_mem>>)
      } else {
      }
    }
    %scan3A_553 = arith.constant 21 : i32
    %dma_wait3A = arith.constant 0 : i32
    %dma_wait3A_554 = arith.constant 0 : i32
    %dma_wait3A_555 = arith.constant 0 : i32
    %dma_wait3A_556 = tpu.memref_slice %arg8[%dma_wait3A, %dma_wait3A_554, %dma_wait3A_555] : memref<3x400x64xf32, #tpu.memory_space<vmem>> -> memref<1x400x64xf32, #tpu.memory_space<vmem>>
    %dma_wait3A_557 = tpu.memref_squeeze %dma_wait3A_556 : memref<1x400x64xf32, #tpu.memory_space<vmem>> -> memref<400x64xf32, #tpu.memory_space<vmem>>
    %dma_wait3A_558 = arith.constant 0 : i32
    %dma_wait3A_559 = arith.constant 0 : i32
    %dma_wait3A_560 = tpu.memref_slice %arg5[%dma_wait3A_558, %dma_wait3A_559] : memref<819200x128xf32, #tpu.memory_space<hbm>> -> memref<400x64xf32, #tpu.memory_space<hbm>>
    %dma_wait3A_561 = arith.constant 0 : i32
    %dma_wait3A_562 = arith.constant 0 : i32
    %dma_wait3A_563 = tpu.memref_slice %arg8[%dma_wait3A, %dma_wait3A_561, %dma_wait3A_562] : memref<3x400x64xf32, #tpu.memory_space<vmem>> -> memref<1x400x64xf32, #tpu.memory_space<vmem>>
    %dma_wait3A_564 = tpu.memref_squeeze %dma_wait3A_563 : memref<1x400x64xf32, #tpu.memory_space<vmem>> -> memref<400x64xf32, #tpu.memory_space<vmem>>
    %dma_wait3A_565 = arith.constant 0 : i32
    %dma_wait3A_566 = arith.constant 0 : i32
    %dma_wait3A_567 = tpu.memref_slice %arg5[%dma_wait3A_565, %dma_wait3A_566] : memref<819200x128xf32, #tpu.memory_space<hbm>> -> memref<400x64xf32, #tpu.memory_space<hbm>>
    tpu.wait_dma2 semaphore(%arg9 : memref<!tpu.dma_semaphore, #tpu.memory_space<semaphore_mem>>) src(%dma_wait3A_567 : memref<400x64xf32, #tpu.memory_space<hbm>>) dst(%dma_wait3A_564 : memref<400x64xf32, #tpu.memory_space<vmem>>)
    %scan3A_568 = arith.constant 0 : i32
    %scan3A_569 = arith.constant 0 : i32
    %scan3A_570 = arith.constant 50 : i32
    %scan3A_571 = arith.addi %scan3A_569, %scan3A_570 : i32
    %scan3A_572 = arith.constant 1 : i32
    %scan3A_573 = scf.for %scan3A_644 = %scan3A_569 to %scan3A_571 step %scan3A_572 iter_args(%scan3A_645 = %scan3A_568) -> (i32)  : i32 {
      %mul3A_646 = arith.constant 4 : i32
      %mul3A_647 = arith.muli %scan3A_644, %mul3A_646 : i32
      %add3A_648 = arith.constant 0 : i32
      %add3A_649 = arith.addi %mul3A_647, %add3A_648 : i32
      %add3A_650 = arith.constant 0 : i32
      %add3A_651 = arith.addi %add3A_650, %add3A_649 : i32
      %get3A_652 = arith.index_cast %add3A_649 : i32 to index
      %get3A_653 = arith.constant 0 : index
      %get3A_654 = tpu.vector_load %arg7[%get3A_652, %get3A_653] {strides = array<i32>} : memref<200x64xf32, #tpu.memory_space<vmem>>, vector<1x16xf32>,
      %get3A_655 = vector.shape_cast %get3A_654 : vector<1x16xf32> to vector<16xf32>
      %swap3A = arith.constant 0 : i32
      %swap3A_656 = arith.index_cast %swap3A : i32 to index
      %swap3A_657 = arith.index_cast %add3A_651 : i32 to index
      %swap3A_658 = arith.constant 0 : index
      %swap3A_659 = tpu.vector_load %arg8[%swap3A_656, %swap3A_657, %swap3A_658] {strides = array<i32>} : memref<3x400x64xf32, #tpu.memory_space<vmem>>, vector<1x1x16xf32>,
      %swap3A_660 = vector.shape_cast %swap3A_659 : vector<1x1x16xf32> to vector<16xf32>
      %swap3A_661 = vector.shape_cast %get3A_655 : vector<16xf32> to vector<1x1x16xf32>
      tpu.vector_store %arg8[%swap3A_656, %swap3A_657, %swap3A_658], %swap3A_661 {add = true, strides = array<i32>} : memref<3x400x64xf32, #tpu.memory_space<vmem>>, vector<1x1x16xf32>,
      %add3A_662 = arith.constant 0 : i32
      %add3A_663 = arith.addi %add3A_662, %add3A_649 : i32
      %get3A_664 = arith.index_cast %add3A_649 : i32 to index
      %get3A_665 = arith.constant 16 : index
      %get3A_666 = tpu.vector_load %arg7[%get3A_664, %get3A_665] {strides = array<i32>} : memref<200x64xf32, #tpu.memory_space<vmem>>, vector<1x16xf32>,
      %get3A_667 = vector.shape_cast %get3A_666 : vector<1x16xf32> to vector<16xf32>
      %swap3A_668 = arith.constant 0 : i32
      %swap3A_669 = arith.index_cast %swap3A_668 : i32 to index
      %swap3A_670 = arith.index_cast %add3A_663 : i32 to index
      %swap3A_671 = arith.constant 16 : index
      %swap3A_672 = tpu.vector_load %arg8[%swap3A_669, %swap3A_670, %swap3A_671] {strides = array<i32>} : memref<3x400x64xf32, #tpu.memory_space<vmem>>, vector<1x1x16xf32>,
      %swap3A_673 = vector.shape_cast %swap3A_672 : vector<1x1x16xf32> to vector<16xf32>
      %swap3A_674 = vector.shape_cast %get3A_667 : vector<16xf32> to vector<1x1x16xf32>
      tpu.vector_store %arg8[%swap3A_669, %swap3A_670, %swap3A_671], %swap3A_674 {add = true, strides = array<i32>} : memref<3x400x64xf32, #tpu.memory_space<vmem>>, vector<1x1x16xf32>,
      %add3A_675 = arith.constant 0 : i32
      %add3A_676 = arith.addi %add3A_675, %add3A_649 : i32
      %get3A_677 = arith.index_cast %add3A_649 : i32 to index
      %get3A_678 = arith.constant 32 : index
      %get3A_679 = tpu.vector_load %arg7[%get3A_677, %get3A_678] {strides = array<i32>} : memref<200x64xf32, #tpu.memory_space<vmem>>, vector<1x16xf32>,
      %get3A_680 = vector.shape_cast %get3A_679 : vector<1x16xf32> to vector<16xf32>
      %swap3A_681 = arith.constant 0 : i32
      %swap3A_682 = arith.index_cast %swap3A_681 : i32 to index
      %swap3A_683 = arith.index_cast %add3A_676 : i32 to index
      %swap3A_684 = arith.constant 32 : index
      %swap3A_685 = tpu.vector_load %arg8[%swap3A_682, %swap3A_683, %swap3A_684] {strides = array<i32>} : memref<3x400x64xf32, #tpu.memory_space<vmem>>, vector<1x1x16xf32>,
      %swap3A_686 = vector.shape_cast %swap3A_685 : vector<1x1x16xf32> to vector<16xf32>
      %swap3A_687 = vector.shape_cast %get3A_680 : vector<16xf32> to vector<1x1x16xf32>
      tpu.vector_store %arg8[%swap3A_682, %swap3A_683, %swap3A_684], %swap3A_687 {add = true, strides = array<i32>} : memref<3x400x64xf32, #tpu.memory_space<vmem>>, vector<1x1x16xf32>,
      %add3A_688 = arith.constant 0 : i32
      %add3A_689 = arith.addi %add3A_688, %add3A_649 : i32
      %get3A_690 = arith.index_cast %add3A_649 : i32 to index
      %get3A_691 = arith.constant 48 : index
      %get3A_692 = tpu.vector_load %arg7[%get3A_690, %get3A_691] {strides = array<i32>} : memref<200x64xf32, #tpu.memory_space<vmem>>, vector<1x16xf32>,
      %get3A_693 = vector.shape_cast %get3A_692 : vector<1x16xf32> to vector<16xf32>
      %swap3A_694 = arith.constant 0 : i32
      %swap3A_695 = arith.index_cast %swap3A_694 : i32 to index
      %swap3A_696 = arith.index_cast %add3A_689 : i32 to index
      %swap3A_697 = arith.constant 48 : index
      %swap3A_698 = tpu.vector_load %arg8[%swap3A_695, %swap3A_696, %swap3A_697] {strides = array<i32>} : memref<3x400x64xf32, #tpu.memory_space<vmem>>, vector<1x1x16xf32>,
      %swap3A_699 = vector.shape_cast %swap3A_698 : vector<1x1x16xf32> to vector<16xf32>
      %swap3A_700 = vector.shape_cast %get3A_693 : vector<16xf32> to vector<1x1x16xf32>
      tpu.vector_store %arg8[%swap3A_695, %swap3A_696, %swap3A_697], %swap3A_700 {add = true, strides = array<i32>} : memref<3x400x64xf32, #tpu.memory_space<vmem>>, vector<1x1x16xf32>,
      %mul3A_701 = arith.constant 4 : i32
      %mul3A_702 = arith.muli %scan3A_644, %mul3A_701 : i32
      %add3A_703 = arith.constant 1 : i32
      %add3A_704 = arith.addi %mul3A_702, %add3A_703 : i32
      %add3A_705 = arith.constant 0 : i32
      %add3A_706 = arith.addi %add3A_705, %add3A_704 : i32
      %get3A_707 = arith.index_cast %add3A_704 : i32 to index
      %get3A_708 = arith.constant 0 : index
      %get3A_709 = tpu.vector_load %arg7[%get3A_707, %get3A_708] {strides = array<i32>} : memref<200x64xf32, #tpu.memory_space<vmem>>, vector<1x16xf32>,
      %get3A_710 = vector.shape_cast %get3A_709 : vector<1x16xf32> to vector<16xf32>
      %swap3A_711 = arith.constant 0 : i32
      %swap3A_712 = arith.index_cast %swap3A_711 : i32 to index
      %swap3A_713 = arith.index_cast %add3A_706 : i32 to index
      %swap3A_714 = arith.constant 0 : index
      %swap3A_715 = tpu.vector_load %arg8[%swap3A_712, %swap3A_713, %swap3A_714] {strides = array<i32>} : memref<3x400x64xf32, #tpu.memory_space<vmem>>, vector<1x1x16xf32>,
      %swap3A_716 = vector.shape_cast %swap3A_715 : vector<1x1x16xf32> to vector<16xf32>
      %swap3A_717 = vector.shape_cast %get3A_710 : vector<16xf32> to vector<1x1x16xf32>
      tpu.vector_store %arg8[%swap3A_712, %swap3A_713, %swap3A_714], %swap3A_717 {add = true, strides = array<i32>} : memref<3x400x64xf32, #tpu.memory_space<vmem>>, vector<1x1x16xf32>,
      %add3A_718 = arith.constant 0 : i32
      %add3A_719 = arith.addi %add3A_718, %add3A_704 : i32
      %get3A_720 = arith.index_cast %add3A_704 : i32 to index
      %get3A_721 = arith.constant 16 : index
      %get3A_722 = tpu.vector_load %arg7[%get3A_720, %get3A_721] {strides = array<i32>} : memref<200x64xf32, #tpu.memory_space<vmem>>, vector<1x16xf32>,
      %get3A_723 = vector.shape_cast %get3A_722 : vector<1x16xf32> to vector<16xf32>
      %swap3A_724 = arith.constant 0 : i32
      %swap3A_725 = arith.index_cast %swap3A_724 : i32 to index
      %swap3A_726 = arith.index_cast %add3A_719 : i32 to index
      %swap3A_727 = arith.constant 16 : index
      %swap3A_728 = tpu.vector_load %arg8[%swap3A_725, %swap3A_726, %swap3A_727] {strides = array<i32>} : memref<3x400x64xf32, #tpu.memory_space<vmem>>, vector<1x1x16xf32>,
      %swap3A_729 = vector.shape_cast %swap3A_728 : vector<1x1x16xf32> to vector<16xf32>
      %swap3A_730 = vector.shape_cast %get3A_723 : vector<16xf32> to vector<1x1x16xf32>
      tpu.vector_store %arg8[%swap3A_725, %swap3A_726, %swap3A_727], %swap3A_730 {add = true, strides = array<i32>} : memref<3x400x64xf32, #tpu.memory_space<vmem>>, vector<1x1x16xf32>,
      %add3A_731 = arith.constant 0 : i32
      %add3A_732 = arith.addi %add3A_731, %add3A_704 : i32
      %get3A_733 = arith.index_cast %add3A_704 : i32 to index
      %get3A_734 = arith.constant 32 : index
      %get3A_735 = tpu.vector_load %arg7[%get3A_733, %get3A_734] {strides = array<i32>} : memref<200x64xf32, #tpu.memory_space<vmem>>, vector<1x16xf32>,
      %get3A_736 = vector.shape_cast %get3A_735 : vector<1x16xf32> to vector<16xf32>
      %swap3A_737 = arith.constant 0 : i32
      %swap3A_738 = arith.index_cast %swap3A_737 : i32 to index
      %swap3A_739 = arith.index_cast %add3A_732 : i32 to index
      %swap3A_740 = arith.constant 32 : index
      %swap3A_741 = tpu.vector_load %arg8[%swap3A_738, %swap3A_739, %swap3A_740] {strides = array<i32>} : memref<3x400x64xf32, #tpu.memory_space<vmem>>, vector<1x1x16xf32>,
      %swap3A_742 = vector.shape_cast %swap3A_741 : vector<1x1x16xf32> to vector<16xf32>
      %swap3A_743 = vector.shape_cast %get3A_736 : vector<16xf32> to vector<1x1x16xf32>
      tpu.vector_store %arg8[%swap3A_738, %swap3A_739, %swap3A_740], %swap3A_743 {add = true, strides = array<i32>} : memref<3x400x64xf32, #tpu.memory_space<vmem>>, vector<1x1x16xf32>,
      %add3A_744 = arith.constant 0 : i32
      %add3A_745 = arith.addi %add3A_744, %add3A_704 : i32
      %get3A_746 = arith.index_cast %add3A_704 : i32 to index
      %get3A_747 = arith.constant 48 : index
      %get3A_748 = tpu.vector_load %arg7[%get3A_746, %get3A_747] {strides = array<i32>} : memref<200x64xf32, #tpu.memory_space<vmem>>, vector<1x16xf32>,
      %get3A_749 = vector.shape_cast %get3A_748 : vector<1x16xf32> to vector<16xf32>
      %swap3A_750 = arith.constant 0 : i32
      %swap3A_751 = arith.index_cast %swap3A_750 : i32 to index
      %swap3A_752 = arith.index_cast %add3A_745 : i32 to index
      %swap3A_753 = arith.constant 48 : index
      %swap3A_754 = tpu.vector_load %arg8[%swap3A_751, %swap3A_752, %swap3A_753] {strides = array<i32>} : memref<3x400x64xf32, #tpu.memory_space<vmem>>, vector<1x1x16xf32>,
      %swap3A_755 = vector.shape_cast %swap3A_754 : vector<1x1x16xf32> to vector<16xf32>
      %swap3A_756 = vector.shape_cast %get3A_749 : vector<16xf32> to vector<1x1x16xf32>
      tpu.vector_store %arg8[%swap3A_751, %swap3A_752, %swap3A_753], %swap3A_756 {add = true, strides = array<i32>} : memref<3x400x64xf32, #tpu.memory_space<vmem>>, vector<1x1x16xf32>,
      %mul3A_757 = arith.constant 4 : i32
      %mul3A_758 = arith.muli %scan3A_644, %mul3A_757 : i32
      %add3A_759 = arith.constant 2 : i32
      %add3A_760 = arith.addi %mul3A_758, %add3A_759 : i32
      %add3A_761 = arith.constant 0 : i32
      %add3A_762 = arith.addi %add3A_761, %add3A_760 : i32
      %get3A_763 = arith.index_cast %add3A_760 : i32 to index
      %get3A_764 = arith.constant 0 : index
      %get3A_765 = tpu.vector_load %arg7[%get3A_763, %get3A_764] {strides = array<i32>} : memref<200x64xf32, #tpu.memory_space<vmem>>, vector<1x16xf32>,
      %get3A_766 = vector.shape_cast %get3A_765 : vector<1x16xf32> to vector<16xf32>
      %swap3A_767 = arith.constant 0 : i32
      %swap3A_768 = arith.index_cast %swap3A_767 : i32 to index
      %swap3A_769 = arith.index_cast %add3A_762 : i32 to index
      %swap3A_770 = arith.constant 0 : index
      %swap3A_771 = tpu.vector_load %arg8[%swap3A_768, %swap3A_769, %swap3A_770] {strides = array<i32>} : memref<3x400x64xf32, #tpu.memory_space<vmem>>, vector<1x1x16xf32>,
      %swap3A_772 = vector.shape_cast %swap3A_771 : vector<1x1x16xf32> to vector<16xf32>
      %swap3A_773 = vector.shape_cast %get3A_766 : vector<16xf32> to vector<1x1x16xf32>
      tpu.vector_store %arg8[%swap3A_768, %swap3A_769, %swap3A_770], %swap3A_773 {add = true, strides = array<i32>} : memref<3x400x64xf32, #tpu.memory_space<vmem>>, vector<1x1x16xf32>,
      %add3A_774 = arith.constant 0 : i32
      %add3A_775 = arith.addi %add3A_774, %add3A_760 : i32
      %get3A_776 = arith.index_cast %add3A_760 : i32 to index
      %get3A_777 = arith.constant 16 : index
      %get3A_778 = tpu.vector_load %arg7[%get3A_776, %get3A_777] {strides = array<i32>} : memref<200x64xf32, #tpu.memory_space<vmem>>, vector<1x16xf32>,
      %get3A_779 = vector.shape_cast %get3A_778 : vector<1x16xf32> to vector<16xf32>
      %swap3A_780 = arith.constant 0 : i32
      %swap3A_781 = arith.index_cast %swap3A_780 : i32 to index
      %swap3A_782 = arith.index_cast %add3A_775 : i32 to index
      %swap3A_783 = arith.constant 16 : index
      %swap3A_784 = tpu.vector_load %arg8[%swap3A_781, %swap3A_782, %swap3A_783] {strides = array<i32>} : memref<3x400x64xf32, #tpu.memory_space<vmem>>, vector<1x1x16xf32>,
      %swap3A_785 = vector.shape_cast %swap3A_784 : vector<1x1x16xf32> to vector<16xf32>
      %swap3A_786 = vector.shape_cast %get3A_779 : vector<16xf32> to vector<1x1x16xf32>
      tpu.vector_store %arg8[%swap3A_781, %swap3A_782, %swap3A_783], %swap3A_786 {add = true, strides = array<i32>} : memref<3x400x64xf32, #tpu.memory_space<vmem>>, vector<1x1x16xf32>,
      %add3A_787 = arith.constant 0 : i32
      %add3A_788 = arith.addi %add3A_787, %add3A_760 : i32
      %get3A_789 = arith.index_cast %add3A_760 : i32 to index
      %get3A_790 = arith.constant 32 : index
      %get3A_791 = tpu.vector_load %arg7[%get3A_789, %get3A_790] {strides = array<i32>} : memref<200x64xf32, #tpu.memory_space<vmem>>, vector<1x16xf32>,
      %get3A_792 = vector.shape_cast %get3A_791 : vector<1x16xf32> to vector<16xf32>
      %swap3A_793 = arith.constant 0 : i32
      %swap3A_794 = arith.index_cast %swap3A_793 : i32 to index
      %swap3A_795 = arith.index_cast %add3A_788 : i32 to index
      %swap3A_796 = arith.constant 32 : index
      %swap3A_797 = tpu.vector_load %arg8[%swap3A_794, %swap3A_795, %swap3A_796] {strides = array<i32>} : memref<3x400x64xf32, #tpu.memory_space<vmem>>, vector<1x1x16xf32>,
      %swap3A_798 = vector.shape_cast %swap3A_797 : vector<1x1x16xf32> to vector<16xf32>
      %swap3A_799 = vector.shape_cast %get3A_792 : vector<16xf32> to vector<1x1x16xf32>
      tpu.vector_store %arg8[%swap3A_794, %swap3A_795, %swap3A_796], %swap3A_799 {add = true, strides = array<i32>} : memref<3x400x64xf32, #tpu.memory_space<vmem>>, vector<1x1x16xf32>,
      %add3A_800 = arith.constant 0 : i32
      %add3A_801 = arith.addi %add3A_800, %add3A_760 : i32
      %get3A_802 = arith.index_cast %add3A_760 : i32 to index
      %get3A_803 = arith.constant 48 : index
      %get3A_804 = tpu.vector_load %arg7[%get3A_802, %get3A_803] {strides = array<i32>} : memref<200x64xf32, #tpu.memory_space<vmem>>, vector<1x16xf32>,
      %get3A_805 = vector.shape_cast %get3A_804 : vector<1x16xf32> to vector<16xf32>
      %swap3A_806 = arith.constant 0 : i32
      %swap3A_807 = arith.index_cast %swap3A_806 : i32 to index
      %swap3A_808 = arith.index_cast %add3A_801 : i32 to index
      %swap3A_809 = arith.constant 48 : index
      %swap3A_810 = tpu.vector_load %arg8[%swap3A_807, %swap3A_808, %swap3A_809] {strides = array<i32>} : memref<3x400x64xf32, #tpu.memory_space<vmem>>, vector<1x1x16xf32>,
      %swap3A_811 = vector.shape_cast %swap3A_810 : vector<1x1x16xf32> to vector<16xf32>
      %swap3A_812 = vector.shape_cast %get3A_805 : vector<16xf32> to vector<1x1x16xf32>
      tpu.vector_store %arg8[%swap3A_807, %swap3A_808, %swap3A_809], %swap3A_812 {add = true, strides = array<i32>} : memref<3x400x64xf32, #tpu.memory_space<vmem>>, vector<1x1x16xf32>,
      %mul3A_813 = arith.constant 4 : i32
      %mul3A_814 = arith.muli %scan3A_644, %mul3A_813 : i32
      %add3A_815 = arith.constant 3 : i32
      %add3A_816 = arith.addi %mul3A_814, %add3A_815 : i32
      %add3A_817 = arith.constant 0 : i32
      %add3A_818 = arith.addi %add3A_817, %add3A_816 : i32
      %get3A_819 = arith.index_cast %add3A_816 : i32 to index
      %get3A_820 = arith.constant 0 : index
      %get3A_821 = tpu.vector_load %arg7[%get3A_819, %get3A_820] {strides = array<i32>} : memref<200x64xf32, #tpu.memory_space<vmem>>, vector<1x16xf32>,
      %get3A_822 = vector.shape_cast %get3A_821 : vector<1x16xf32> to vector<16xf32>
      %swap3A_823 = arith.constant 0 : i32
      %swap3A_824 = arith.index_cast %swap3A_823 : i32 to index
      %swap3A_825 = arith.index_cast %add3A_818 : i32 to index
      %swap3A_826 = arith.constant 0 : index
      %swap3A_827 = tpu.vector_load %arg8[%swap3A_824, %swap3A_825, %swap3A_826] {strides = array<i32>} : memref<3x400x64xf32, #tpu.memory_space<vmem>>, vector<1x1x16xf32>,
      %swap3A_828 = vector.shape_cast %swap3A_827 : vector<1x1x16xf32> to vector<16xf32>
      %swap3A_829 = vector.shape_cast %get3A_822 : vector<16xf32> to vector<1x1x16xf32>
      tpu.vector_store %arg8[%swap3A_824, %swap3A_825, %swap3A_826], %swap3A_829 {add = true, strides = array<i32>} : memref<3x400x64xf32, #tpu.memory_space<vmem>>, vector<1x1x16xf32>,
      %add3A_830 = arith.constant 0 : i32
      %add3A_831 = arith.addi %add3A_830, %add3A_816 : i32
      %get3A_832 = arith.index_cast %add3A_816 : i32 to index
      %get3A_833 = arith.constant 16 : index
      %get3A_834 = tpu.vector_load %arg7[%get3A_832, %get3A_833] {strides = array<i32>} : memref<200x64xf32, #tpu.memory_space<vmem>>, vector<1x16xf32>,
      %get3A_835 = vector.shape_cast %get3A_834 : vector<1x16xf32> to vector<16xf32>
      %swap3A_836 = arith.constant 0 : i32
      %swap3A_837 = arith.index_cast %swap3A_836 : i32 to index
      %swap3A_838 = arith.index_cast %add3A_831 : i32 to index
      %swap3A_839 = arith.constant 16 : index
      %swap3A_840 = tpu.vector_load %arg8[%swap3A_837, %swap3A_838, %swap3A_839] {strides = array<i32>} : memref<3x400x64xf32, #tpu.memory_space<vmem>>, vector<1x1x16xf32>,
      %swap3A_841 = vector.shape_cast %swap3A_840 : vector<1x1x16xf32> to vector<16xf32>
      %swap3A_842 = vector.shape_cast %get3A_835 : vector<16xf32> to vector<1x1x16xf32>
      tpu.vector_store %arg8[%swap3A_837, %swap3A_838, %swap3A_839], %swap3A_842 {add = true, strides = array<i32>} : memref<3x400x64xf32, #tpu.memory_space<vmem>>, vector<1x1x16xf32>,
      %add3A_843 = arith.constant 0 : i32
      %add3A_844 = arith.addi %add3A_843, %add3A_816 : i32
      %get3A_845 = arith.index_cast %add3A_816 : i32 to index
      %get3A_846 = arith.constant 32 : index
      %get3A_847 = tpu.vector_load %arg7[%get3A_845, %get3A_846] {strides = array<i32>} : memref<200x64xf32, #tpu.memory_space<vmem>>, vector<1x16xf32>,
      %get3A_848 = vector.shape_cast %get3A_847 : vector<1x16xf32> to vector<16xf32>
      %swap3A_849 = arith.constant 0 : i32
      %swap3A_850 = arith.index_cast %swap3A_849 : i32 to index
      %swap3A_851 = arith.index_cast %add3A_844 : i32 to index
      %swap3A_852 = arith.constant 32 : index
      %swap3A_853 = tpu.vector_load %arg8[%swap3A_850, %swap3A_851, %swap3A_852] {strides = array<i32>} : memref<3x400x64xf32, #tpu.memory_space<vmem>>, vector<1x1x16xf32>,
      %swap3A_854 = vector.shape_cast %swap3A_853 : vector<1x1x16xf32> to vector<16xf32>
      %swap3A_855 = vector.shape_cast %get3A_848 : vector<16xf32> to vector<1x1x16xf32>
      tpu.vector_store %arg8[%swap3A_850, %swap3A_851, %swap3A_852], %swap3A_855 {add = true, strides = array<i32>} : memref<3x400x64xf32, #tpu.memory_space<vmem>>, vector<1x1x16xf32>,
      %add3A_856 = arith.constant 0 : i32
      %add3A_857 = arith.addi %add3A_856, %add3A_816 : i32
      %get3A_858 = arith.index_cast %add3A_816 : i32 to index
      %get3A_859 = arith.constant 48 : index
      %get3A_860 = tpu.vector_load %arg7[%get3A_858, %get3A_859] {strides = array<i32>} : memref<200x64xf32, #tpu.memory_space<vmem>>, vector<1x16xf32>,
      %get3A_861 = vector.shape_cast %get3A_860 : vector<1x16xf32> to vector<16xf32>
      %swap3A_862 = arith.constant 0 : i32
      %swap3A_863 = arith.index_cast %swap3A_862 : i32 to index
      %swap3A_864 = arith.index_cast %add3A_857 : i32 to index
      %swap3A_865 = arith.constant 48 : index
      %swap3A_866 = tpu.vector_load %arg8[%swap3A_863, %swap3A_864, %swap3A_865] {strides = array<i32>} : memref<3x400x64xf32, #tpu.memory_space<vmem>>, vector<1x1x16xf32>,
      %swap3A_867 = vector.shape_cast %swap3A_866 : vector<1x1x16xf32> to vector<16xf32>
      %swap3A_868 = vector.shape_cast %get3A_861 : vector<16xf32> to vector<1x1x16xf32>
      tpu.vector_store %arg8[%swap3A_863, %swap3A_864, %swap3A_865], %swap3A_868 {add = true, strides = array<i32>} : memref<3x400x64xf32, #tpu.memory_space<vmem>>, vector<1x1x16xf32>,
      %scan3A_869 = arith.constant 0 : i32
      scf.yield %scan3A_869 : i32
    }
    %scan3A_574 = arith.constant 50 : i32
    %scan3A_575 = arith.constant 0 : i32
    %scan3A_576 = arith.constant 0 : i32
    %scan3A_577 = arith.constant 50 : i32
    %scan3A_578 = arith.addi %scan3A_576, %scan3A_577 : i32
    %scan3A_579 = arith.constant 1 : i32
    %scan3A_580 = scf.for %scan3A_644 = %scan3A_576 to %scan3A_578 step %scan3A_579 iter_args(%scan3A_645 = %scan3A_575) -> (i32)  : i32 {
      %mul3A_646 = arith.constant 4 : i32
      %mul3A_647 = arith.muli %scan3A_644, %mul3A_646 : i32
      %add3A_648 = arith.constant 0 : i32
      %add3A_649 = arith.addi %mul3A_647, %add3A_648 : i32
      %add3A_650 = arith.constant 200 : i32
      %add3A_651 = arith.addi %add3A_650, %add3A_649 : i32
      %get3A_652 = arith.index_cast %add3A_649 : i32 to index
      %get3A_653 = arith.constant 0 : index
      %get3A_654 = tpu.vector_load %arg7[%get3A_652, %get3A_653] {strides = array<i32>} : memref<200x64xf32, #tpu.memory_space<vmem>>, vector<1x16xf32>,
      %get3A_655 = vector.shape_cast %get3A_654 : vector<1x16xf32> to vector<16xf32>
      %swap3A = arith.constant 0 : i32
      %swap3A_656 = arith.index_cast %swap3A : i32 to index
      %swap3A_657 = arith.index_cast %add3A_651 : i32 to index
      %swap3A_658 = arith.constant 0 : index
      %swap3A_659 = tpu.vector_load %arg8[%swap3A_656, %swap3A_657, %swap3A_658] {strides = array<i32>} : memref<3x400x64xf32, #tpu.memory_space<vmem>>, vector<1x1x16xf32>,
      %swap3A_660 = vector.shape_cast %swap3A_659 : vector<1x1x16xf32> to vector<16xf32>
      %swap3A_661 = vector.shape_cast %get3A_655 : vector<16xf32> to vector<1x1x16xf32>
      tpu.vector_store %arg8[%swap3A_656, %swap3A_657, %swap3A_658], %swap3A_661 {add = true, strides = array<i32>} : memref<3x400x64xf32, #tpu.memory_space<vmem>>, vector<1x1x16xf32>,
      %add3A_662 = arith.constant 200 : i32
      %add3A_663 = arith.addi %add3A_662, %add3A_649 : i32
      %get3A_664 = arith.index_cast %add3A_649 : i32 to index
      %get3A_665 = arith.constant 16 : index
      %get3A_666 = tpu.vector_load %arg7[%get3A_664, %get3A_665] {strides = array<i32>} : memref<200x64xf32, #tpu.memory_space<vmem>>, vector<1x16xf32>,
      %get3A_667 = vector.shape_cast %get3A_666 : vector<1x16xf32> to vector<16xf32>
      %swap3A_668 = arith.constant 0 : i32
      %swap3A_669 = arith.index_cast %swap3A_668 : i32 to index
      %swap3A_670 = arith.index_cast %add3A_663 : i32 to index
      %swap3A_671 = arith.constant 16 : index
      %swap3A_672 = tpu.vector_load %arg8[%swap3A_669, %swap3A_670, %swap3A_671] {strides = array<i32>} : memref<3x400x64xf32, #tpu.memory_space<vmem>>, vector<1x1x16xf32>,
      %swap3A_673 = vector.shape_cast %swap3A_672 : vector<1x1x16xf32> to vector<16xf32>
      %swap3A_674 = vector.shape_cast %get3A_667 : vector<16xf32> to vector<1x1x16xf32>
      tpu.vector_store %arg8[%swap3A_669, %swap3A_670, %swap3A_671], %swap3A_674 {add = true, strides = array<i32>} : memref<3x400x64xf32, #tpu.memory_space<vmem>>, vector<1x1x16xf32>,
      %add3A_675 = arith.constant 200 : i32
      %add3A_676 = arith.addi %add3A_675, %add3A_649 : i32
      %get3A_677 = arith.index_cast %add3A_649 : i32 to index
      %get3A_678 = arith.constant 32 : index
      %get3A_679 = tpu.vector_load %arg7[%get3A_677, %get3A_678] {strides = array<i32>} : memref<200x64xf32, #tpu.memory_space<vmem>>, vector<1x16xf32>,
      %get3A_680 = vector.shape_cast %get3A_679 : vector<1x16xf32> to vector<16xf32>
      %swap3A_681 = arith.constant 0 : i32
      %swap3A_682 = arith.index_cast %swap3A_681 : i32 to index
      %swap3A_683 = arith.index_cast %add3A_676 : i32 to index
      %swap3A_684 = arith.constant 32 : index
      %swap3A_685 = tpu.vector_load %arg8[%swap3A_682, %swap3A_683, %swap3A_684] {strides = array<i32>} : memref<3x400x64xf32, #tpu.memory_space<vmem>>, vector<1x1x16xf32>,
      %swap3A_686 = vector.shape_cast %swap3A_685 : vector<1x1x16xf32> to vector<16xf32>
      %swap3A_687 = vector.shape_cast %get3A_680 : vector<16xf32> to vector<1x1x16xf32>
      tpu.vector_store %arg8[%swap3A_682, %swap3A_683, %swap3A_684], %swap3A_687 {add = true, strides = array<i32>} : memref<3x400x64xf32, #tpu.memory_space<vmem>>, vector<1x1x16xf32>,
      %add3A_688 = arith.constant 200 : i32
      %add3A_689 = arith.addi %add3A_688, %add3A_649 : i32
      %get3A_690 = arith.index_cast %add3A_649 : i32 to index
      %get3A_691 = arith.constant 48 : index
      %get3A_692 = tpu.vector_load %arg7[%get3A_690, %get3A_691] {strides = array<i32>} : memref<200x64xf32, #tpu.memory_space<vmem>>, vector<1x16xf32>,
      %get3A_693 = vector.shape_cast %get3A_692 : vector<1x16xf32> to vector<16xf32>
      %swap3A_694 = arith.constant 0 : i32
      %swap3A_695 = arith.index_cast %swap3A_694 : i32 to index
      %swap3A_696 = arith.index_cast %add3A_689 : i32 to index
      %swap3A_697 = arith.constant 48 : index
      %swap3A_698 = tpu.vector_load %arg8[%swap3A_695, %swap3A_696, %swap3A_697] {strides = array<i32>} : memref<3x400x64xf32, #tpu.memory_space<vmem>>, vector<1x1x16xf32>,
      %swap3A_699 = vector.shape_cast %swap3A_698 : vector<1x1x16xf32> to vector<16xf32>
      %swap3A_700 = vector.shape_cast %get3A_693 : vector<16xf32> to vector<1x1x16xf32>
      tpu.vector_store %arg8[%swap3A_695, %swap3A_696, %swap3A_697], %swap3A_700 {add = true, strides = array<i32>} : memref<3x400x64xf32, #tpu.memory_space<vmem>>, vector<1x1x16xf32>,
      %mul3A_701 = arith.constant 4 : i32
      %mul3A_702 = arith.muli %scan3A_644, %mul3A_701 : i32
      %add3A_703 = arith.constant 1 : i32
      %add3A_704 = arith.addi %mul3A_702, %add3A_703 : i32
      %add3A_705 = arith.constant 200 : i32
      %add3A_706 = arith.addi %add3A_705, %add3A_704 : i32
      %get3A_707 = arith.index_cast %add3A_704 : i32 to index
      %get3A_708 = arith.constant 0 : index
      %get3A_709 = tpu.vector_load %arg7[%get3A_707, %get3A_708] {strides = array<i32>} : memref<200x64xf32, #tpu.memory_space<vmem>>, vector<1x16xf32>,
      %get3A_710 = vector.shape_cast %get3A_709 : vector<1x16xf32> to vector<16xf32>
      %swap3A_711 = arith.constant 0 : i32
      %swap3A_712 = arith.index_cast %swap3A_711 : i32 to index
      %swap3A_713 = arith.index_cast %add3A_706 : i32 to index
      %swap3A_714 = arith.constant 0 : index
      %swap3A_715 = tpu.vector_load %arg8[%swap3A_712, %swap3A_713, %swap3A_714] {strides = array<i32>} : memref<3x400x64xf32, #tpu.memory_space<vmem>>, vector<1x1x16xf32>,
      %swap3A_716 = vector.shape_cast %swap3A_715 : vector<1x1x16xf32> to vector<16xf32>
      %swap3A_717 = vector.shape_cast %get3A_710 : vector<16xf32> to vector<1x1x16xf32>
      tpu.vector_store %arg8[%swap3A_712, %swap3A_713, %swap3A_714], %swap3A_717 {add = true, strides = array<i32>} : memref<3x400x64xf32, #tpu.memory_space<vmem>>, vector<1x1x16xf32>,
      %add3A_718 = arith.constant 200 : i32
      %add3A_719 = arith.addi %add3A_718, %add3A_704 : i32
      %get3A_720 = arith.index_cast %add3A_704 : i32 to index
      %get3A_721 = arith.constant 16 : index
      %get3A_722 = tpu.vector_load %arg7[%get3A_720, %get3A_721] {strides = array<i32>} : memref<200x64xf32, #tpu.memory_space<vmem>>, vector<1x16xf32>,
      %get3A_723 = vector.shape_cast %get3A_722 : vector<1x16xf32> to vector<16xf32>
      %swap3A_724 = arith.constant 0 : i32
      %swap3A_725 = arith.index_cast %swap3A_724 : i32 to index
      %swap3A_726 = arith.index_cast %add3A_719 : i32 to index
      %swap3A_727 = arith.constant 16 : index
      %swap3A_728 = tpu.vector_load %arg8[%swap3A_725, %swap3A_726, %swap3A_727] {strides = array<i32>} : memref<3x400x64xf32, #tpu.memory_space<vmem>>, vector<1x1x16xf32>,
      %swap3A_729 = vector.shape_cast %swap3A_728 : vector<1x1x16xf32> to vector<16xf32>
      %swap3A_730 = vector.shape_cast %get3A_723 : vector<16xf32> to vector<1x1x16xf32>
      tpu.vector_store %arg8[%swap3A_725, %swap3A_726, %swap3A_727], %swap3A_730 {add = true, strides = array<i32>} : memref<3x400x64xf32, #tpu.memory_space<vmem>>, vector<1x1x16xf32>,
      %add3A_731 = arith.constant 200 : i32
      %add3A_732 = arith.addi %add3A_731, %add3A_704 : i32
      %get3A_733 = arith.index_cast %add3A_704 : i32 to index
      %get3A_734 = arith.constant 32 : index
      %get3A_735 = tpu.vector_load %arg7[%get3A_733, %get3A_734] {strides = array<i32>} : memref<200x64xf32, #tpu.memory_space<vmem>>, vector<1x16xf32>,
      %get3A_736 = vector.shape_cast %get3A_735 : vector<1x16xf32> to vector<16xf32>
      %swap3A_737 = arith.constant 0 : i32
      %swap3A_738 = arith.index_cast %swap3A_737 : i32 to index
      %swap3A_739 = arith.index_cast %add3A_732 : i32 to index
      %swap3A_740 = arith.constant 32 : index
      %swap3A_741 = tpu.vector_load %arg8[%swap3A_738, %swap3A_739, %swap3A_740] {strides = array<i32>} : memref<3x400x64xf32, #tpu.memory_space<vmem>>, vector<1x1x16xf32>,
      %swap3A_742 = vector.shape_cast %swap3A_741 : vector<1x1x16xf32> to vector<16xf32>
      %swap3A_743 = vector.shape_cast %get3A_736 : vector<16xf32> to vector<1x1x16xf32>
      tpu.vector_store %arg8[%swap3A_738, %swap3A_739, %swap3A_740], %swap3A_743 {add = true, strides = array<i32>} : memref<3x400x64xf32, #tpu.memory_space<vmem>>, vector<1x1x16xf32>,
      %add3A_744 = arith.constant 200 : i32
      %add3A_745 = arith.addi %add3A_744, %add3A_704 : i32
      %get3A_746 = arith.index_cast %add3A_704 : i32 to index
      %get3A_747 = arith.constant 48 : index
      %get3A_748 = tpu.vector_load %arg7[%get3A_746, %get3A_747] {strides = array<i32>} : memref<200x64xf32, #tpu.memory_space<vmem>>, vector<1x16xf32>,
      %get3A_749 = vector.shape_cast %get3A_748 : vector<1x16xf32> to vector<16xf32>
      %swap3A_750 = arith.constant 0 : i32
      %swap3A_751 = arith.index_cast %swap3A_750 : i32 to index
      %swap3A_752 = arith.index_cast %add3A_745 : i32 to index
      %swap3A_753 = arith.constant 48 : index
      %swap3A_754 = tpu.vector_load %arg8[%swap3A_751, %swap3A_752, %swap3A_753] {strides = array<i32>} : memref<3x400x64xf32, #tpu.memory_space<vmem>>, vector<1x1x16xf32>,
      %swap3A_755 = vector.shape_cast %swap3A_754 : vector<1x1x16xf32> to vector<16xf32>
      %swap3A_756 = vector.shape_cast %get3A_749 : vector<16xf32> to vector<1x1x16xf32>
      tpu.vector_store %arg8[%swap3A_751, %swap3A_752, %swap3A_753], %swap3A_756 {add = true, strides = array<i32>} : memref<3x400x64xf32, #tpu.memory_space<vmem>>, vector<1x1x16xf32>,
      %mul3A_757 = arith.constant 4 : i32
      %mul3A_758 = arith.muli %scan3A_644, %mul3A_757 : i32
      %add3A_759 = arith.constant 2 : i32
      %add3A_760 = arith.addi %mul3A_758, %add3A_759 : i32
      %add3A_761 = arith.constant 200 : i32
      %add3A_762 = arith.addi %add3A_761, %add3A_760 : i32
      %get3A_763 = arith.index_cast %add3A_760 : i32 to index
      %get3A_764 = arith.constant 0 : index
      %get3A_765 = tpu.vector_load %arg7[%get3A_763, %get3A_764] {strides = array<i32>} : memref<200x64xf32, #tpu.memory_space<vmem>>, vector<1x16xf32>,
      %get3A_766 = vector.shape_cast %get3A_765 : vector<1x16xf32> to vector<16xf32>
      %swap3A_767 = arith.constant 0 : i32
      %swap3A_768 = arith.index_cast %swap3A_767 : i32 to index
      %swap3A_769 = arith.index_cast %add3A_762 : i32 to index
      %swap3A_770 = arith.constant 0 : index
      %swap3A_771 = tpu.vector_load %arg8[%swap3A_768, %swap3A_769, %swap3A_770] {strides = array<i32>} : memref<3x400x64xf32, #tpu.memory_space<vmem>>, vector<1x1x16xf32>,
      %swap3A_772 = vector.shape_cast %swap3A_771 : vector<1x1x16xf32> to vector<16xf32>
      %swap3A_773 = vector.shape_cast %get3A_766 : vector<16xf32> to vector<1x1x16xf32>
      tpu.vector_store %arg8[%swap3A_768, %swap3A_769, %swap3A_770], %swap3A_773 {add = true, strides = array<i32>} : memref<3x400x64xf32, #tpu.memory_space<vmem>>, vector<1x1x16xf32>,
      %add3A_774 = arith.constant 200 : i32
      %add3A_775 = arith.addi %add3A_774, %add3A_760 : i32
      %get3A_776 = arith.index_cast %add3A_760 : i32 to index
      %get3A_777 = arith.constant 16 : index
      %get3A_778 = tpu.vector_load %arg7[%get3A_776, %get3A_777] {strides = array<i32>} : memref<200x64xf32, #tpu.memory_space<vmem>>, vector<1x16xf32>,
      %get3A_779 = vector.shape_cast %get3A_778 : vector<1x16xf32> to vector<16xf32>
      %swap3A_780 = arith.constant 0 : i32
      %swap3A_781 = arith.index_cast %swap3A_780 : i32 to index
      %swap3A_782 = arith.index_cast %add3A_775 : i32 to index
      %swap3A_783 = arith.constant 16 : index
      %swap3A_784 = tpu.vector_load %arg8[%swap3A_781, %swap3A_782, %swap3A_783] {strides = array<i32>} : memref<3x400x64xf32, #tpu.memory_space<vmem>>, vector<1x1x16xf32>,
      %swap3A_785 = vector.shape_cast %swap3A_784 : vector<1x1x16xf32> to vector<16xf32>
      %swap3A_786 = vector.shape_cast %get3A_779 : vector<16xf32> to vector<1x1x16xf32>
      tpu.vector_store %arg8[%swap3A_781, %swap3A_782, %swap3A_783], %swap3A_786 {add = true, strides = array<i32>} : memref<3x400x64xf32, #tpu.memory_space<vmem>>, vector<1x1x16xf32>,
      %add3A_787 = arith.constant 200 : i32
      %add3A_788 = arith.addi %add3A_787, %add3A_760 : i32
      %get3A_789 = arith.index_cast %add3A_760 : i32 to index
      %get3A_790 = arith.constant 32 : index
      %get3A_791 = tpu.vector_load %arg7[%get3A_789, %get3A_790] {strides = array<i32>} : memref<200x64xf32, #tpu.memory_space<vmem>>, vector<1x16xf32>,
      %get3A_792 = vector.shape_cast %get3A_791 : vector<1x16xf32> to vector<16xf32>
      %swap3A_793 = arith.constant 0 : i32
      %swap3A_794 = arith.index_cast %swap3A_793 : i32 to index
      %swap3A_795 = arith.index_cast %add3A_788 : i32 to index
      %swap3A_796 = arith.constant 32 : index
      %swap3A_797 = tpu.vector_load %arg8[%swap3A_794, %swap3A_795, %swap3A_796] {strides = array<i32>} : memref<3x400x64xf32, #tpu.memory_space<vmem>>, vector<1x1x16xf32>,
      %swap3A_798 = vector.shape_cast %swap3A_797 : vector<1x1x16xf32> to vector<16xf32>
      %swap3A_799 = vector.shape_cast %get3A_792 : vector<16xf32> to vector<1x1x16xf32>
      tpu.vector_store %arg8[%swap3A_794, %swap3A_795, %swap3A_796], %swap3A_799 {add = true, strides = array<i32>} : memref<3x400x64xf32, #tpu.memory_space<vmem>>, vector<1x1x16xf32>,
      %add3A_800 = arith.constant 200 : i32
      %add3A_801 = arith.addi %add3A_800, %add3A_760 : i32
      %get3A_802 = arith.index_cast %add3A_760 : i32 to index
      %get3A_803 = arith.constant 48 : index
      %get3A_804 = tpu.vector_load %arg7[%get3A_802, %get3A_803] {strides = array<i32>} : memref<200x64xf32, #tpu.memory_space<vmem>>, vector<1x16xf32>,
      %get3A_805 = vector.shape_cast %get3A_804 : vector<1x16xf32> to vector<16xf32>
      %swap3A_806 = arith.constant 0 : i32
      %swap3A_807 = arith.index_cast %swap3A_806 : i32 to index
      %swap3A_808 = arith.index_cast %add3A_801 : i32 to index
      %swap3A_809 = arith.constant 48 : index
      %swap3A_810 = tpu.vector_load %arg8[%swap3A_807, %swap3A_808, %swap3A_809] {strides = array<i32>} : memref<3x400x64xf32, #tpu.memory_space<vmem>>, vector<1x1x16xf32>,
      %swap3A_811 = vector.shape_cast %swap3A_810 : vector<1x1x16xf32> to vector<16xf32>
      %swap3A_812 = vector.shape_cast %get3A_805 : vector<16xf32> to vector<1x1x16xf32>
      tpu.vector_store %arg8[%swap3A_807, %swap3A_808, %swap3A_809], %swap3A_812 {add = true, strides = array<i32>} : memref<3x400x64xf32, #tpu.memory_space<vmem>>, vector<1x1x16xf32>,
      %mul3A_813 = arith.constant 4 : i32
      %mul3A_814 = arith.muli %scan3A_644, %mul3A_813 : i32
      %add3A_815 = arith.constant 3 : i32
      %add3A_816 = arith.addi %mul3A_814, %add3A_815 : i32
      %add3A_817 = arith.constant 200 : i32
      %add3A_818 = arith.addi %add3A_817, %add3A_816 : i32
      %get3A_819 = arith.index_cast %add3A_816 : i32 to index
      %get3A_820 = arith.constant 0 : index
      %get3A_821 = tpu.vector_load %arg7[%get3A_819, %get3A_820] {strides = array<i32>} : memref<200x64xf32, #tpu.memory_space<vmem>>, vector<1x16xf32>,
      %get3A_822 = vector.shape_cast %get3A_821 : vector<1x16xf32> to vector<16xf32>
      %swap3A_823 = arith.constant 0 : i32
      %swap3A_824 = arith.index_cast %swap3A_823 : i32 to index
      %swap3A_825 = arith.index_cast %add3A_818 : i32 to index
      %swap3A_826 = arith.constant 0 : index
      %swap3A_827 = tpu.vector_load %arg8[%swap3A_824, %swap3A_825, %swap3A_826] {strides = array<i32>} : memref<3x400x64xf32, #tpu.memory_space<vmem>>, vector<1x1x16xf32>,
      %swap3A_828 = vector.shape_cast %swap3A_827 : vector<1x1x16xf32> to vector<16xf32>
      %swap3A_829 = vector.shape_cast %get3A_822 : vector<16xf32> to vector<1x1x16xf32>
      tpu.vector_store %arg8[%swap3A_824, %swap3A_825, %swap3A_826], %swap3A_829 {add = true, strides = array<i32>} : memref<3x400x64xf32, #tpu.memory_space<vmem>>, vector<1x1x16xf32>,
      %add3A_830 = arith.constant 200 : i32
      %add3A_831 = arith.addi %add3A_830, %add3A_816 : i32
      %get3A_832 = arith.index_cast %add3A_816 : i32 to index
      %get3A_833 = arith.constant 16 : index
      %get3A_834 = tpu.vector_load %arg7[%get3A_832, %get3A_833] {strides = array<i32>} : memref<200x64xf32, #tpu.memory_space<vmem>>, vector<1x16xf32>,
      %get3A_835 = vector.shape_cast %get3A_834 : vector<1x16xf32> to vector<16xf32>
      %swap3A_836 = arith.constant 0 : i32
      %swap3A_837 = arith.index_cast %swap3A_836 : i32 to index
      %swap3A_838 = arith.index_cast %add3A_831 : i32 to index
      %swap3A_839 = arith.constant 16 : index
      %swap3A_840 = tpu.vector_load %arg8[%swap3A_837, %swap3A_838, %swap3A_839] {strides = array<i32>} : memref<3x400x64xf32, #tpu.memory_space<vmem>>, vector<1x1x16xf32>,
      %swap3A_841 = vector.shape_cast %swap3A_840 : vector<1x1x16xf32> to vector<16xf32>
      %swap3A_842 = vector.shape_cast %get3A_835 : vector<16xf32> to vector<1x1x16xf32>
      tpu.vector_store %arg8[%swap3A_837, %swap3A_838, %swap3A_839], %swap3A_842 {add = true, strides = array<i32>} : memref<3x400x64xf32, #tpu.memory_space<vmem>>, vector<1x1x16xf32>,
      %add3A_843 = arith.constant 200 : i32
      %add3A_844 = arith.addi %add3A_843, %add3A_816 : i32
      %get3A_845 = arith.index_cast %add3A_816 : i32 to index
      %get3A_846 = arith.constant 32 : index
      %get3A_847 = tpu.vector_load %arg7[%get3A_845, %get3A_846] {strides = array<i32>} : memref<200x64xf32, #tpu.memory_space<vmem>>, vector<1x16xf32>,
      %get3A_848 = vector.shape_cast %get3A_847 : vector<1x16xf32> to vector<16xf32>
      %swap3A_849 = arith.constant 0 : i32
      %swap3A_850 = arith.index_cast %swap3A_849 : i32 to index
      %swap3A_851 = arith.index_cast %add3A_844 : i32 to index
      %swap3A_852 = arith.constant 32 : index
      %swap3A_853 = tpu.vector_load %arg8[%swap3A_850, %swap3A_851, %swap3A_852] {strides = array<i32>} : memref<3x400x64xf32, #tpu.memory_space<vmem>>, vector<1x1x16xf32>,
      %swap3A_854 = vector.shape_cast %swap3A_853 : vector<1x1x16xf32> to vector<16xf32>
      %swap3A_855 = vector.shape_cast %get3A_848 : vector<16xf32> to vector<1x1x16xf32>
      tpu.vector_store %arg8[%swap3A_850, %swap3A_851, %swap3A_852], %swap3A_855 {add = true, strides = array<i32>} : memref<3x400x64xf32, #tpu.memory_space<vmem>>, vector<1x1x16xf32>,
      %add3A_856 = arith.constant 200 : i32
      %add3A_857 = arith.addi %add3A_856, %add3A_816 : i32
      %get3A_858 = arith.index_cast %add3A_816 : i32 to index
      %get3A_859 = arith.constant 48 : index
      %get3A_860 = tpu.vector_load %arg7[%get3A_858, %get3A_859] {strides = array<i32>} : memref<200x64xf32, #tpu.memory_space<vmem>>, vector<1x16xf32>,
      %get3A_861 = vector.shape_cast %get3A_860 : vector<1x16xf32> to vector<16xf32>
      %swap3A_862 = arith.constant 0 : i32
      %swap3A_863 = arith.index_cast %swap3A_862 : i32 to index
      %swap3A_864 = arith.index_cast %add3A_857 : i32 to index
      %swap3A_865 = arith.constant 48 : index
      %swap3A_866 = tpu.vector_load %arg8[%swap3A_863, %swap3A_864, %swap3A_865] {strides = array<i32>} : memref<3x400x64xf32, #tpu.memory_space<vmem>>, vector<1x1x16xf32>,
      %swap3A_867 = vector.shape_cast %swap3A_866 : vector<1x1x16xf32> to vector<16xf32>
      %swap3A_868 = vector.shape_cast %get3A_861 : vector<16xf32> to vector<1x1x16xf32>
      tpu.vector_store %arg8[%swap3A_863, %swap3A_864, %swap3A_865], %swap3A_868 {add = true, strides = array<i32>} : memref<3x400x64xf32, #tpu.memory_space<vmem>>, vector<1x1x16xf32>,
      %scan3A_869 = arith.constant 0 : i32
      scf.yield %scan3A_869 : i32
    }
    %scan3A_581 = arith.constant 50 : i32
    %mul3A_582 = arith.constant 25600 : i32
    %mul3A_583 = arith.muli %add3A, %mul3A_582 : i32
    %add3A_584 = arith.constant 25200 : i32
    %add3A_585 = arith.addi %mul3A_583, %add3A_584 : i32
    %dma_start3A_586 = arith.constant 0 : i32
    %dma_start3A_587 = arith.constant 0 : i32
    %dma_start3A_588 = arith.constant 0 : i32
    %dma_start3A_589 = tpu.memref_slice %arg8[%dma_start3A_586, %dma_start3A_587, %dma_start3A_588] : memref<3x400x64xf32, #tpu.memory_space<vmem>> -> memref<1x400x64xf32, #tpu.memory_space<vmem>>
    %dma_start3A_590 = tpu.memref_squeeze %dma_start3A_589 : memref<1x400x64xf32, #tpu.memory_space<vmem>> -> memref<400x64xf32, #tpu.memory_space<vmem>>
    %dma_start3A_591 = arith.constant 0 : i32
    %dma_start3A_592 = tpu.memref_slice %arg5[%add3A_585, %dma_start3A_591] : memref<819200x128xf32, #tpu.memory_space<hbm>> -> memref<400x64xf32, #tpu.memory_space<hbm>>
    %dma_start3A_593 = arith.constant 0 : i32
    %dma_start3A_594 = tpu.memref_slice %arg5[%add3A_585, %dma_start3A_593] : memref<819200x128xf32, #tpu.memory_space<hbm>> -> memref<400x64xf32, #tpu.memory_space<hbm>>
    %dma_start3A_595 = arith.constant 0 : i32
    %dma_start3A_596 = arith.constant 0 : i32
    %dma_start3A_597 = tpu.memref_slice %arg8[%dma_start3A_586, %dma_start3A_595, %dma_start3A_596] : memref<3x400x64xf32, #tpu.memory_space<vmem>> -> memref<1x400x64xf32, #tpu.memory_space<vmem>>
    %dma_start3A_598 = tpu.memref_squeeze %dma_start3A_597 : memref<1x400x64xf32, #tpu.memory_space<vmem>> -> memref<400x64xf32, #tpu.memory_space<vmem>>
    tpu.enqueue_dma source(%dma_start3A_598 : memref<400x64xf32, #tpu.memory_space<vmem>>) target(%dma_start3A_594 : memref<400x64xf32, #tpu.memory_space<hbm>>) target_semaphore(%arg12 : memref<!tpu.dma_semaphore, #tpu.memory_space<semaphore_mem>>)
    %dma_wait3A_599 = arith.constant 1 : i32
    %dma_wait3A_600 = arith.constant 0 : i32
    %dma_wait3A_601 = arith.constant 0 : i32
    %dma_wait3A_602 = tpu.memref_slice %arg8[%dma_wait3A_599, %dma_wait3A_600, %dma_wait3A_601] : memref<3x400x64xf32, #tpu.memory_space<vmem>> -> memref<1x400x64xf32, #tpu.memory_space<vmem>>
    %dma_wait3A_603 = tpu.memref_squeeze %dma_wait3A_602 : memref<1x400x64xf32, #tpu.memory_space<vmem>> -> memref<400x64xf32, #tpu.memory_space<vmem>>
    %dma_wait3A_604 = arith.constant 0 : i32
    %dma_wait3A_605 = arith.constant 0 : i32
    %dma_wait3A_606 = tpu.memref_slice %arg5[%dma_wait3A_604, %dma_wait3A_605] : memref<819200x128xf32, #tpu.memory_space<hbm>> -> memref<400x64xf32, #tpu.memory_space<hbm>>
    %dma_wait3A_607 = arith.constant 0 : i32
    %dma_wait3A_608 = arith.constant 0 : i32
    %dma_wait3A_609 = tpu.memref_slice %arg8[%dma_wait3A_599, %dma_wait3A_607, %dma_wait3A_608] : memref<3x400x64xf32, #tpu.memory_space<vmem>> -> memref<1x400x64xf32, #tpu.memory_space<vmem>>
    %dma_wait3A_610 = tpu.memref_squeeze %dma_wait3A_609 : memref<1x400x64xf32, #tpu.memory_space<vmem>> -> memref<400x64xf32, #tpu.memory_space<vmem>>
    %dma_wait3A_611 = arith.constant 0 : i32
    %dma_wait3A_612 = arith.constant 0 : i32
    %dma_wait3A_613 = tpu.memref_slice %arg5[%dma_wait3A_611, %dma_wait3A_612] : memref<819200x128xf32, #tpu.memory_space<hbm>> -> memref<400x64xf32, #tpu.memory_space<hbm>>
    tpu.wait_dma2 semaphore(%arg13 : memref<!tpu.dma_semaphore, #tpu.memory_space<semaphore_mem>>) src(%dma_wait3A_613 : memref<400x64xf32, #tpu.memory_space<hbm>>) dst(%dma_wait3A_610 : memref<400x64xf32, #tpu.memory_space<vmem>>)
    %dma_wait3A_614 = arith.constant 2 : i32
    %dma_wait3A_615 = arith.constant 0 : i32
    %dma_wait3A_616 = arith.constant 0 : i32
    %dma_wait3A_617 = tpu.memref_slice %arg8[%dma_wait3A_614, %dma_wait3A_615, %dma_wait3A_616] : memref<3x400x64xf32, #tpu.memory_space<vmem>> -> memref<1x400x64xf32, #tpu.memory_space<vmem>>
    %dma_wait3A_618 = tpu.memref_squeeze %dma_wait3A_617 : memref<1x400x64xf32, #tpu.memory_space<vmem>> -> memref<400x64xf32, #tpu.memory_space<vmem>>
    %dma_wait3A_619 = arith.constant 0 : i32
    %dma_wait3A_620 = arith.constant 0 : i32
    %dma_wait3A_621 = tpu.memref_slice %arg5[%dma_wait3A_619, %dma_wait3A_620] : memref<819200x128xf32, #tpu.memory_space<hbm>> -> memref<400x64xf32, #tpu.memory_space<hbm>>
    %dma_wait3A_622 = arith.constant 0 : i32
    %dma_wait3A_623 = arith.constant 0 : i32
    %dma_wait3A_624 = tpu.memref_slice %arg8[%dma_wait3A_614, %dma_wait3A_622, %dma_wait3A_623] : memref<3x400x64xf32, #tpu.memory_space<vmem>> -> memref<1x400x64xf32, #tpu.memory_space<vmem>>
    %dma_wait3A_625 = tpu.memref_squeeze %dma_wait3A_624 : memref<1x400x64xf32, #tpu.memory_space<vmem>> -> memref<400x64xf32, #tpu.memory_space<vmem>>
    %dma_wait3A_626 = arith.constant 0 : i32
    %dma_wait3A_627 = arith.constant 0 : i32
    %dma_wait3A_628 = tpu.memref_slice %arg5[%dma_wait3A_626, %dma_wait3A_627] : memref<819200x128xf32, #tpu.memory_space<hbm>> -> memref<400x64xf32, #tpu.memory_space<hbm>>
    tpu.wait_dma2 semaphore(%arg14 : memref<!tpu.dma_semaphore, #tpu.memory_space<semaphore_mem>>) src(%dma_wait3A_628 : memref<400x64xf32, #tpu.memory_space<hbm>>) dst(%dma_wait3A_625 : memref<400x64xf32, #tpu.memory_space<vmem>>)
    %dma_wait3A_629 = arith.constant 0 : i32
    %dma_wait3A_630 = arith.constant 0 : i32
    %dma_wait3A_631 = arith.constant 0 : i32
    %dma_wait3A_632 = tpu.memref_slice %arg8[%dma_wait3A_629, %dma_wait3A_630, %dma_wait3A_631] : memref<3x400x64xf32, #tpu.memory_space<vmem>> -> memref<1x400x64xf32, #tpu.memory_space<vmem>>
    %dma_wait3A_633 = tpu.memref_squeeze %dma_wait3A_632 : memref<1x400x64xf32, #tpu.memory_space<vmem>> -> memref<400x64xf32, #tpu.memory_space<vmem>>
    %dma_wait3A_634 = arith.constant 0 : i32
    %dma_wait3A_635 = arith.constant 0 : i32
    %dma_wait3A_636 = tpu.memref_slice %arg5[%dma_wait3A_634, %dma_wait3A_635] : memref<819200x128xf32, #tpu.memory_space<hbm>> -> memref<400x64xf32, #tpu.memory_space<hbm>>
    %dma_wait3A_637 = arith.constant 0 : i32
    %dma_wait3A_638 = arith.constant 0 : i32
    %dma_wait3A_639 = tpu.memref_slice %arg8[%dma_wait3A_629, %dma_wait3A_637, %dma_wait3A_638] : memref<3x400x64xf32, #tpu.memory_space<vmem>> -> memref<1x400x64xf32, #tpu.memory_space<vmem>>
    %dma_wait3A_640 = tpu.memref_squeeze %dma_wait3A_639 : memref<1x400x64xf32, #tpu.memory_space<vmem>> -> memref<400x64xf32, #tpu.memory_space<vmem>>
    %dma_wait3A_641 = arith.constant 0 : i32
    %dma_wait3A_642 = arith.constant 0 : i32
    %dma_wait3A_643 = tpu.memref_slice %arg5[%dma_wait3A_641, %dma_wait3A_642] : memref<819200x128xf32, #tpu.memory_space<hbm>> -> memref<400x64xf32, #tpu.memory_space<hbm>>
    tpu.wait_dma2 semaphore(%arg12 : memref<!tpu.dma_semaphore, #tpu.memory_space<semaphore_mem>>) src(%dma_wait3A_643 : memref<400x64xf32, #tpu.memory_space<hbm>>) dst(%dma_wait3A_640 : memref<400x64xf32, #tpu.memory_space<vmem>>)
    return
  }
}

</mosaic_0001>

<sc_bundles>
// kernel: _tok_pos_embed.3.cloned.1.call-start
scs
__scs_entry_jumppad:
0x0: {  	(pc) =	sbr.rel $0x88, $3  }
0x1: {  	(tag) =	ssettag $0x0;
	lr =	simm.s32 $0x1  }
0x2: {  	[smem:$0x3F9E] =	sst lr;
	_ =	strace $0xD0000000  }
0x3: {  	_ = 	snop  }
0x4: {  	_ = 	snop  }
0x5: {  	_ = 	snop  }
0x6: {  	_ = 	snop  }
0x7: {  	_ = 	snop  }
__scs_overlays_trampoline_lowered:
0x8: {  	[smem:$0x3FAD] =	sst s0  }
0x9: {  	[smem:$0x3FAE] =	sst s1  }
0xa: {  	[smem:$0x3FAF] =	sst s2  }
0xb: {  	[smem:$0x3FB0] =	sst s3  }
0xc: {  	[smem:$0x3FB1] =	sst s4  }
0xd: {  	[smem:$0x3FB2] =	sst s5  }
0xe: {  	[smem:$0x3FB3] =	sst s6  }
0xf: {  	[smem:$0x3FB4] =	sst s7  }
0x10: {  	[smem:$0x3FB5] =	sst s8  }
0x11: {  	[smem:$0x3FB6] =	sst s9;
	s0 =	simm.s32 @!p0 $0x0  }
0x12: {  	s1 =	sld [smem:$0x3F9C];
	s0 =	simm.s32 @p0 $0x1  }
0x13: {  	[smem:$0x3FB7] =	sst s0;
	s0 =	simm.s32 @!p1 $0x0  }
0x14: {  	s2 =	sld [smem:$0x3F9B];
	s0 =	simm.s32 @p1 $0x1  }
0x15: {  	[smem:$0x3FB8] =	sst s0;
	s0 =	simm.s32 @!p2 $0x0  }
0x16: {  	s3 =	sld [smem:$0x3FDB];
	s0 =	simm.s32 @p2 $0x1  }
0x17: {  	s4 =	simm.s32 $0x1BF5;
	[smem:$0x3FBA] =	sst s0  }
0x18: {  	s0 =	sld [smem:$0x3F9D];
	_ =	swait.ge [sflag:s4], $0x0  }
0x19: {  	s7 =	sld [smem:$0x3F9E]  }
0x1a: {  	s8 =	sadd.s32 $0xFFFFE003, lr  }
0x1b: {  	s9 =	sadd.s32 $0xFFFFFEF7, lr;
	s5 =	simm.s32 $0xFFFFFFFF;
	p2 =	slt.u32 s8, $0xFFFFF086  }
0x1c: {  	p1 =	slt.u32 s9, $0xF7A;
	s5 =	simm.s32 @!p2 $0x0  }
0x1d: {  	s5 =	simm.s32 @p1 $0x1;
	p0 =	seq.s32 s7, s2  }
0x1e: {  	s7 =	smul.u32 @!p0 $0xF7A, s2;
	p2 =	seq.s32 @!p0 s5, $0x0  }
0x1f: {  	s9 =	smul.u32 $0xF7A, s1;
	s8 =	simm.s32 @!p0 $0x1BF5;
	p2 =	por !p2, p0  }
0x20: {  	[sflag:s8] =	ssyncset.s32 @!p0 $0xFFFFF086;
	s6 =	sadd.s32 @!p0 s3, s7;
	s7 =	simm.s32 @!p0 $0x108  }
0x21: {  	s3 =	sadd.s32 s3, s9;
	s6 =	sadd.s32 @!p0 $0x88, s6;
	s7 =	simm.s32 @p2 $0x1082  }
0x22: {  	[simem:s7], [sflag:s8] =	dma.local @!p0 [hbm:s6], $0xF7A  }
0x23: {  	s9 =	sor.u32 $0xD0000000, s2;
	s6 =	simm.s32 $0x108;
	_ =	swait.ge @!p0 [sflag:s8], $0x0  }
0x24: {  	s3 =	sadd.s32 $0x88, s3;
	s6 =	simm.s32 @!p1 $0x1082;
	[sflag:s4] =	ssyncset.s32 $0xFFFFF086  }
0x25: {  	[simem:s6], [sflag:s4] =	dma.local [hbm:s3], $0xF7A  }
0x26: {  	[smem:$0x3F9E] =	sst s1;
	(tag) =	ssettag s2;
	_ =	strace s9  }
0x27: {  	s1 =	sld [smem:$0x3FAE]  }
0x28: {  	s2 =	sld [smem:$0x3FAF]  }
0x29: {  	s4 =	sld [smem:$0x3FB1]  }
0x2a: {  	p0 =	seq.s32 s5, $0x0;
	s5 =	sld [smem:$0x3FB2]  }
0x2b: {  	s6 =	sld [smem:$0x3FB3]  }
0x2c: {  	s7 =	sld [smem:$0x3FB4]  }
0x2d: {  	s3 =	simm.s32 $0x108;
	s8 =	sld [smem:$0x3FB5]  }
0x2e: {  	s3 =	simm.s32 @!p0 $0x1082;
	s9 =	sld [smem:$0x3FB6]  }
0x2f: {  	lr =	sadd.s32 s0, s3;
	s0 =	sld [smem:$0x3FAD]  }
0x30: {  	s3 =	sld [smem:$0x3FB0]  }
0x31: {  	[smem:$0x3FB9] =	sst s10  }
0x32: {  	s10 =	sld [smem:$0x3FB7];
	_ =	sdelay $0x3  }
0x33: {  	p0 =	seq.s32 s10, $0x1;
	s10 =	sld [smem:$0x3FB9];
	_ =	sdelay $0x3  }
0x34: {  	[smem:$0x3FB9] =	sst s10  }
0x35: {  	s10 =	sld [smem:$0x3FB8];
	_ =	sdelay $0x3  }
0x36: {  	p1 =	seq.s32 s10, $0x1;
	s10 =	sld [smem:$0x3FB9];
	_ =	sdelay $0x3  }
0x37: {  	[smem:$0x3FB9] =	sst s10  }
0x38: {  	s10 =	sld [smem:$0x3FBA]  }
0x39: {  	_ = 	snop;
	(pc) =	sbr.ind lr, $3  }
0x3a: {  	_ = 	snop  }
0x3b: {  	_ = 	snop  }
0x3c: {  	p2 =	seq.s32 s10, $0x1;
	s10 =	sld [smem:$0x3FB9]  }
0x3d: {  	_ =	shalt  }
0x3e: {  	_ =	shalt  }
0x3f: {  	_ =	shalt  }
0x40: {  	_ =	shalt  }
0x41: {  	_ =	shalt  }
0x42: {  	_ =	shalt  }
0x43: {  	_ =	shalt  }
0x44: {  	_ =	shalt  }
0x45: {  	_ =	shalt  }
0x46: {  	_ =	shalt  }
0x47: {  	_ =	shalt  }
0x48: {  	_ =	shalt  }
0x49: {  	_ =	shalt  }
0x4a: {  	_ =	shalt  }
0x4b: {  	_ =	shalt  }
0x4c: {  	_ =	shalt  }
0x4d: {  	_ =	shalt  }
0x4e: {  	_ =	shalt  }
0x4f: {  	_ =	shalt  }
0x50: {  	_ =	shalt  }
0x51: {  	_ =	shalt  }
0x52: {  	_ =	shalt  }
0x53: {  	_ =	shalt  }
0x54: {  	_ =	shalt  }
0x55: {  	_ =	shalt  }
0x56: {  	_ =	shalt  }
0x57: {  	_ =	shalt  }
0x58: {  	_ =	shalt  }
0x59: {  	_ =	shalt  }
0x5a: {  	_ =	shalt  }
0x5b: {  	_ =	shalt  }
0x5c: {  	_ =	shalt  }
0x5d: {  	_ =	shalt  }
0x5e: {  	_ =	shalt  }
0x5f: {  	_ =	shalt  }
0x60: {  	_ =	shalt  }
0x61: {  	_ =	shalt  }
0x62: {  	_ =	shalt  }
0x63: {  	_ =	shalt  }
0x64: {  	_ =	shalt  }
0x65: {  	_ =	shalt  }
0x66: {  	_ =	shalt  }
0x67: {  	_ =	shalt  }
0x68: {  	_ =	shalt  }
0x69: {  	_ =	shalt  }
0x6a: {  	_ =	shalt  }
0x6b: {  	_ =	shalt  }
0x6c: {  	_ =	shalt  }
0x6d: {  	_ =	shalt  }
0x6e: {  	_ =	shalt  }
0x6f: {  	_ =	shalt  }
0x70: {  	_ =	shalt  }
0x71: {  	_ =	shalt  }
0x72: {  	_ =	shalt  }
0x73: {  	_ =	shalt  }
0x74: {  	_ =	shalt  }
0x75: {  	_ =	shalt  }
0x76: {  	_ =	shalt  }
0x77: {  	_ =	shalt  }
0x78: {  	_ =	shalt  }
0x79: {  	_ =	shalt  }
0x7a: {  	_ =	shalt  }
0x7b: {  	_ =	shalt  }
0x7c: {  	_ =	shalt  }
0x7d: {  	_ =	shalt  }
0x7e: {  	_ =	shalt  }
0x7f: {  	_ =	shalt  }
0x80: {  	_ =	shalt  }
0x81: {  	_ =	shalt  }
0x82: {  	_ =	shalt  }
0x83: {  	_ =	shalt  }
0x84: {  	_ =	shalt  }
0x85: {  	_ =	shalt  }
0x86: {  	_ =	shalt  }
0x87: {  	_ =	shalt  }
.Lfunc_end0:
.L_simem_size_0:
called_computation_lowered:
.L_overlay_start_0:
0x88: {  	s2 =	sld [smem:$0x3FD9]  }
0x89: {  	s3 =	sld [smem:$0x3FFE];
	_ =	sdelay $0x1  }
0x8a: {  	s1 =	srdreg.scid  }
0x8b: {  	s0 =	sand.u32 $0x1, s1  }
0x8c: {  	s17 =	sshll.u32 s0, $0xA;
	s2 =	sadd.s32 s3, s2  }
0x8d: {  	s2 =	sadd.s32 s2, s17  }
0x8e: {  	[smem:$0x3FC5] =	sst s2  }
0x8f: {  	_ = 	snop  }
0x90: {  	s2 =	sld [smem:$0x3FD0];
	(tm) =	ssettm $0x1  }
0x91: {  	s18 =	sld [smem:$0x3FFB];
	_ =	sdelay $0x3  }
0x92: {  	_ =	strace s18  }
0x93: {  	s3 =	sld [smem:$0x3FFC];
	_ =	sdelay $0x3  }
0x94: {  	_ =	strace s3  }
0x95: {  	s3 =	sld [smem:$0x3FFD];
	_ =	sdelay $0x3  }
0x96: {  	_ =	strace s3  }
0x97: {  	_ =	strace $0x8FFFFFFF  }
0x98: {  	s19 =	sld [smem:$0x3FDB];
	_ =	sdelay $0x1  }
0x99: {  	s4 =	simm.s32 $_scs_section_size  }
0x9a: {  	s5 =	simm.s32 $_size__tile_overlayer_lowered;
	s6 =	simm.s32 $_tile_overlayer_lowered  }
0x9b: {  	s22 =	simm.s32 $0x1BFF;
	s21 =	sshll.u32 s6, $0x1;
	s3 =	sadd.s32 s4, s19  }
0x9c: {  	s7 =	simm.s32 $0x0;
	s20 =	sshll.u32 s5, $0x1;
	s5 =	sadd.s32 s21, s3  }
0x9d: {  	[timem:s7], [sflag:s22] =	dma.local [hbm:s5], s20  }
0x9e: {  	_ =	swait.ge [sflag:s22], s20  }
0x9f: {  	s4 =	ssub.s32 $0x0, s20;
	[sflag:s22] =	ssyncset.done $0x0  }
0xa0: {  	[sflag:s22] =	ssyncadd.s32 s4;
	_ =	sdelay $0x1  }
0xa1: {  	s23 =	simm.s32 $0x1B8B  }
0xa2: {  	_ =	swait.ge [sflag:s23], $0x1  }
0xa3: {  	[sflag:s23] =	ssyncset.done $0x0  }
0xa4: {  	s25 =	simm.s32 $0x1B8E;
	s24 =	sld [smem:$0x3FFE];
	[sflag:s23] =	ssyncadd.s32 $0xFFFFFFFF  }
0xa5: {  	s26 =	simm.s32 $execute0_lowered;
	[smem:$0x3FD2] =	sst s25  }
0xa6: {  	s5 =	sshll.u32 s26, $0x1;
	_ =	strace $0x80000046;
	[dreg:$0x1] =	wrdreg $0xFFFFFFFF  }
0xa7: {  	s28 =	simm.s32 $_size_execute0_lowered;
	s3 =	sadd.s32 s3, s5;
	[dreg:$0x0] =	wrdreg $0x0  }
0xa8: {  	s5 =	sshll.u32 s28, $0x1;
	[dreg:$0x2] =	wrdreg s3  }
0xa9: {  	[dreg:$0x3] =	wrdreg s5  }
0xaa: {  	[dreg:$0x4] =	wrdreg $0xC0  }
0xab: {  	_ =	task [dreg:s7], $0x5FFFF  }
0xac: {  	[dreg:$0x1] =	wrdreg $0xFFFFFFFF  }
0xad: {  	[dreg:$0x0] =	wrdreg $0x60  }
0xae: {  	[dreg:$0x2] =	wrdreg s24  }
0xaf: {  	[dreg:$0x3] =	wrdreg s2  }
0xb0: {  	[dreg:$0x4] =	wrdreg $0x9  }
0xb1: {  	_ =	task.clear_ibuf [dreg:s7], $0x5FFFF;
	_ =	strace $0x90000046  }
0xb2: {  	s29 =	simm.s32 $0x9;
	_ =	strace $0x80000048  }
0xb3: {  	_ =	swait.ge [sflag:s29], $0x1  }
0xb4: {  	[sflag:s29] =	ssyncadd.s32 $0xFFFFFFFF  }
0xb5: {  	_ =	strace $0x90000048  }
0xb6: {  	_ =	sfence  }
0xb7: {  	s30 =	sld [smem:$0x0];
	_ =	sdelay $0x2  }
0xb8: {  	s31 =	sshll.u32 s1, $0xD;
	s1 =	sshrl.u32 s1, $0x2  }
0xb9: {  	s3 =	sand.u32 $0x4000, s31;
	s1 =	sadd.s32 s1, s30  }
0xba: {  	s0 =	sor.u32 s3, s0;
	s1 =	sshll.u32 s1, $0x11  }
0xbb: {  	s0 =	sor.u32 s1, s0  }
0xbc: {  	s0 =	sadd.s32 $0x8F2B, s0  }
0xbd: {  	[sflag:s0] =	ssyncadd.remote.s32 $0x1  }
0xbe: {  	_ =	sfence.sel $0xFFFF  }
0xbf: {  	[dreg:$0x0] =	wrdreg $0xFFFFFFFF;
	(pc) =	sbr.abs _section_cstart, $3  }
0xc0: {  	[dreg:$0x1] =	wrdreg $0xFFFFFFFF  }
0xc1: {  	_ =	task.clear_ibuf [dreg:s7], $0x2FFFF;
	_ =	strace $0x9FFFFFFF  }
0xc2: {  	(tm) =	ssettm $0x7FFFFFFF  }
0xc3: {  	_ =	shalt  }
tec
execute0_lowered:
.L_overlay_start_1:
0x0: {  	(tag) =	ssettag $0x1  }
0x1: {  	s0 =	srdreg.scid  }
0x2: {  	s1 =	stileid.u32;
	s6 =	rddreg [dreg:$0x0]  }
0x3: {  	s2 =	rddreg [dreg:$0x1];
	s4 =	simm.s32 $0x0;
	s13 =	simm.s32 $0x9600  }
0x4: {  	s11 =	simm.s32 $0xFA00;
	s19 =	simm.s32 $0x1;
	s15 =	simm.s32 $0x40  }
0x5: {  	s20 =	simm.s32 $0x80;
	s17 =	simm.s32 $0x15E00;
	s14 =	simm.s32 $0x19600  }
0x6: {  	s31 =	simm.s32 $0x19A00;
	s22 =	simm.s32 $0x1A200;
	s18 =	simm.s32 $0x1AA00  }
0x7: {  	s12 =	simm.s32 $0x1AE00;
	s23 =	simm.s32 $0x1B200;
	s16 =	simm.s32 $0x1BA00  }
0x8: {  	s24 =	simm.s32 $0x2;
	s0 =	sand.u32 $0x1, s0;
	s1 =	sshll.u32 s1, $0x1  }
0x9: {  	s9 =	simm.s32 $0x4;
	s25 =	simm.s32 $0x3;
	s1 =	sor.u32 s0, s1  }
0xa: {  	s10 =	simm.s32 $0x5;
	s0 =	ssub.s32 $0x2, s0;
	s3 =	smul.u32 $0x6400, s1  }
0xb: {  	[smem:$0x7FF] =	sst s4;
	s1 =	smul.u32 $0x320000, s1;
	s8 =	sshrl.u32 s0, $0x1  }
0xc: {  	s26 =	simm.s32 $0x0;
	_ =	strace $0x80000047;
	s0 =	ssub.s32 s0, s8  }
0xd: {  	s5 =	sshrl.u32 s3, $0x3;
	s1 =	sshrl.u32 s1, $0x3;
	s8 =	sor.u32 $0x190, s3  }
0xe: {  	s0 =	smax.u32 s0, $0x1;
	s7 =	sadd.s32 s5, s6;
	s5 =	sadd.s32 $0xF42C00, s6  }
0xf: {  	s6 =	sadd.s32 $0x19800, s6;
	s1 =	sadd.s32 s2, s1;
	[dreg:$0x6] =	wrdreg s0  }
0x10: {  	s0 =	simm.s32 $0x1A600;
	[dreg:$0x3] =	wrdreg s6;
	s30 =	sadd.s32 $0x800, s7  }
0x11: {  	s1 =	sadd.s32 $0x62700, s1;
	s6 =	simm.s32 $0x1B600;
	[dreg:$0x4] =	wrdreg s30  }
0x12: {  	vm0 =	vmmov $0xffff;
	s7 =	simm.s32 $0x1BE00;
	[dreg:$0x5] =	wrdreg s1;
	s1 =	simm.s32 $0x19E00  }
.LBB2_1:
0x13: {  	[dreg:$0x7] =	wrdreg s26  }
0x14: {  	s21 =	rddreg [dreg:$0x4];
	s29 =	simm.s32 $0x7  }
0x15: {  	[tilespmem:s4], [sflag:$0x7] =	stream.linear.gather [hbm4b:s21+s4], $0x6400, $0x38;
	[tilespmem:$0x1C200] =	vst v63  }
0x16: {  	_ =	swait.ge [sflag:s29], $0x6400  }
0x17: {  	[sflag:s29] =	ssyncset.done $0x0  }
0x18: {  	s28 =	simm.s32 $0x6400;
	s30 =	rddreg [dreg:$0x3];
	[sflag:s29] =	ssyncadd.s32 $0xFFFF9C00  }
0x19: {  	[tilespmem:s28], [sflag:$0x7] =	stream.linear.gather [hbm4b:s30+s4], $0x3200, $0x38;
	[tilespmem:$0x1C200] =	vst v63  }
0x1a: {  	_ =	swait.ge [sflag:s29], $0x3200  }
0x1b: {  	[sflag:s29] =	ssyncset.done $0x0  }
0x1c: {  	[sflag:s29] =	ssyncadd.s32 $0xFFFFCE00  }
0x1d: {  	v0 =	vld [tilespmem:$0x0];
	_ =	sdelay $0x7  }
0x1e: {  	[tilespmem:s13], [sflag:$0x1] =	stream.indirect_vreg.gather [hbm4b:s5+s4], $0x40, v0, vm0, $0xb8;
	[tilespmem:$0x1C200] =	vst v63  }
0x1f: {  	v0 =	vld [tilespmem:$0x10];
	_ =	sdelay $0x6  }
0x20: {  	s26 =	simm.s32 $0x9A00  }
0x21: {  	[tilespmem:s26], [sflag:$0x1] =	stream.indirect_vreg.gather [hbm4b:s5+s4], $0x40, v0, vm0, $0xb8;
	[tilespmem:$0x1C200] =	vst v63  }
0x22: {  	v0 =	vld [tilespmem:$0x20];
	_ =	sdelay $0x6  }
0x23: {  	s28 =	simm.s32 $0x9E00  }
0x24: {  	[tilespmem:s28], [sflag:$0x1] =	stream.indirect_vreg.gather [hbm4b:s5+s4], $0x40, v0, vm0, $0xb8;
	[tilespmem:$0x1C200] =	vst v63  }
0x25: {  	v0 =	vld [tilespmem:$0x30];
	_ =	sdelay $0x6  }
0x26: {  	s29 =	simm.s32 $0xA200  }
0x27: {  	[tilespmem:s29], [sflag:$0x1] =	stream.indirect_vreg.gather [hbm4b:s5+s4], $0x40, v0, vm0, $0xb8;
	[tilespmem:$0x1C200] =	vst v63  }
0x28: {  	v0 =	vld [tilespmem:$0x40];
	_ =	sdelay $0x6  }
0x29: {  	s30 =	simm.s32 $0xA600  }
0x2a: {  	[tilespmem:s30], [sflag:$0x1] =	stream.indirect_vreg.gather [hbm4b:s5+s4], $0x40, v0, vm0, $0xb8;
	[tilespmem:$0x1C200] =	vst v63  }
0x2b: {  	v0 =	vld [tilespmem:$0x50];
	_ =	sdelay $0x6  }
0x2c: {  	s26 =	simm.s32 $0xAA00  }
0x2d: {  	[tilespmem:s26], [sflag:$0x1] =	stream.indirect_vreg.gather [hbm4b:s5+s4], $0x40, v0, vm0, $0xb8;
	[tilespmem:$0x1C200] =	vst v63  }
0x2e: {  	v0 =	vld [tilespmem:$0x60];
	_ =	sdelay $0x6  }
0x2f: {  	s28 =	simm.s32 $0xAE00  }
0x30: {  	[tilespmem:s28], [sflag:$0x1] =	stream.indirect_vreg.gather [hbm4b:s5+s4], $0x40, v0, vm0, $0xb8;
	[tilespmem:$0x1C200] =	vst v63  }
0x31: {  	v0 =	vld [tilespmem:$0x70];
	_ =	sdelay $0x6  }
0x32: {  	s29 =	simm.s32 $0xB200  }
0x33: {  	[tilespmem:s29], [sflag:$0x1] =	stream.indirect_vreg.gather [hbm4b:s5+s4], $0x40, v0, vm0, $0xb8;
	[tilespmem:$0x1C200] =	vst v63  }
0x34: {  	v0 =	vld [tilespmem:$0x80];
	_ =	sdelay $0x6  }
0x35: {  	s30 =	simm.s32 $0xB600  }
0x36: {  	[tilespmem:s30], [sflag:$0x1] =	stream.indirect_vreg.gather [hbm4b:s5+s4], $0x40, v0, vm0, $0xb8;
	[tilespmem:$0x1C200] =	vst v63  }
0x37: {  	v0 =	vld [tilespmem:$0x90];
	_ =	sdelay $0x6  }
0x38: {  	s26 =	simm.s32 $0xBA00  }
0x39: {  	[tilespmem:s26], [sflag:$0x1] =	stream.indirect_vreg.gather [hbm4b:s5+s4], $0x40, v0, vm0, $0xb8;
	[tilespmem:$0x1C200] =	vst v63  }
0x3a: {  	v0 =	vld [tilespmem:$0xA0];
	_ =	sdelay $0x6  }
0x3b: {  	s28 =	simm.s32 $0xBE00  }
0x3c: {  	[tilespmem:s28], [sflag:$0x1] =	stream.indirect_vreg.gather [hbm4b:s5+s4], $0x40, v0, vm0, $0xb8;
	[tilespmem:$0x1C200] =	vst v63  }
0x3d: {  	v0 =	vld [tilespmem:$0xB0];
	_ =	sdelay $0x6  }
0x3e: {  	s29 =	simm.s32 $0xC200  }
0x3f: {  	[tilespmem:s29], [sflag:$0x1] =	stream.indirect_vreg.gather [hbm4b:s5+s4], $0x40, v0, vm0, $0xb8;
	[tilespmem:$0x1C200] =	vst v63  }
0x40: {  	v0 =	vld [tilespmem:$0xC0];
	_ =	sdelay $0x6  }
0x41: {  	s30 =	simm.s32 $0xC600  }
0x42: {  	[tilespmem:s30], [sflag:$0x1] =	stream.indirect_vreg.gather [hbm4b:s5+s4], $0x40, v0, vm0, $0xb8;
	[tilespmem:$0x1C200] =	vst v63  }
0x43: {  	v0 =	vld [tilespmem:$0xD0];
	_ =	sdelay $0x6  }
0x44: {  	s26 =	simm.s32 $0xCA00  }
0x45: {  	[tilespmem:s26], [sflag:$0x1] =	stream.indirect_vreg.gather [hbm4b:s5+s4], $0x40, v0, vm0, $0xb8;
	[tilespmem:$0x1C200] =	vst v63  }
0x46: {  	v0 =	vld [tilespmem:$0xE0];
	_ =	sdelay $0x6  }
0x47: {  	s28 =	simm.s32 $0xCE00  }
0x48: {  	[tilespmem:s28], [sflag:$0x1] =	stream.indirect_vreg.gather [hbm4b:s5+s4], $0x40, v0, vm0, $0xb8;
	[tilespmem:$0x1C200] =	vst v63  }
0x49: {  	v0 =	vld [tilespmem:$0xF0];
	_ =	sdelay $0x6  }
0x4a: {  	s29 =	simm.s32 $0xD200  }
0x4b: {  	[tilespmem:s29], [sflag:$0x1] =	stream.indirect_vreg.gather [hbm4b:s5+s4], $0x40, v0, vm0, $0xb8;
	[tilespmem:$0x1C200] =	vst v63  }
0x4c: {  	v0 =	vld [tilespmem:$0x100];
	_ =	sdelay $0x6  }
0x4d: {  	s30 =	simm.s32 $0xD600  }
0x4e: {  	[tilespmem:s30], [sflag:$0x1] =	stream.indirect_vreg.gather [hbm4b:s5+s4], $0x40, v0, vm0, $0xb8;
	[tilespmem:$0x1C200] =	vst v63  }
0x4f: {  	v0 =	vld [tilespmem:$0x110];
	_ =	sdelay $0x6  }
0x50: {  	s26 =	simm.s32 $0xDA00  }
0x51: {  	[tilespmem:s26], [sflag:$0x1] =	stream.indirect_vreg.gather [hbm4b:s5+s4], $0x40, v0, vm0, $0xb8;
	[tilespmem:$0x1C200] =	vst v63  }
0x52: {  	v0 =	vld [tilespmem:$0x120];
	_ =	sdelay $0x6  }
0x53: {  	s28 =	simm.s32 $0xDE00  }
0x54: {  	[tilespmem:s28], [sflag:$0x1] =	stream.indirect_vreg.gather [hbm4b:s5+s4], $0x40, v0, vm0, $0xb8;
	[tilespmem:$0x1C200] =	vst v63  }
0x55: {  	v0 =	vld [tilespmem:$0x130];
	_ =	sdelay $0x6  }
0x56: {  	s29 =	simm.s32 $0xE200  }
0x57: {  	[tilespmem:s29], [sflag:$0x1] =	stream.indirect_vreg.gather [hbm4b:s5+s4], $0x40, v0, vm0, $0xb8;
	[tilespmem:$0x1C200] =	vst v63  }
0x58: {  	v0 =	vld [tilespmem:$0x140];
	_ =	sdelay $0x6  }
0x59: {  	s30 =	simm.s32 $0xE600  }
0x5a: {  	[tilespmem:s30], [sflag:$0x1] =	stream.indirect_vreg.gather [hbm4b:s5+s4], $0x40, v0, vm0, $0xb8;
	[tilespmem:$0x1C200] =	vst v63  }
0x5b: {  	v0 =	vld [tilespmem:$0x150];
	_ =	sdelay $0x6  }
0x5c: {  	s26 =	simm.s32 $0xEA00  }
0x5d: {  	[tilespmem:s26], [sflag:$0x1] =	stream.indirect_vreg.gather [hbm4b:s5+s4], $0x40, v0, vm0, $0xb8;
	[tilespmem:$0x1C200] =	vst v63  }
0x5e: {  	v0 =	vld [tilespmem:$0x160];
	_ =	sdelay $0x6  }
0x5f: {  	s28 =	simm.s32 $0xEE00  }
0x60: {  	[tilespmem:s28], [sflag:$0x1] =	stream.indirect_vreg.gather [hbm4b:s5+s4], $0x40, v0, vm0, $0xb8;
	[tilespmem:$0x1C200] =	vst v63  }
0x61: {  	v0 =	vld [tilespmem:$0x170];
	_ =	sdelay $0x6  }
0x62: {  	s29 =	simm.s32 $0xF200  }
0x63: {  	[tilespmem:s29], [sflag:$0x1] =	stream.indirect_vreg.gather [hbm4b:s5+s4], $0x40, v0, vm0, $0xb8;
	[tilespmem:$0x1C200] =	vst v63  }
0x64: {  	v0 =	vld [tilespmem:$0x180];
	_ =	sdelay $0x6  }
0x65: {  	s30 =	simm.s32 $0xF600  }
0x66: {  	[tilespmem:s30], [sflag:$0x1] =	stream.indirect_vreg.gather [hbm4b:s5+s4], $0x40, v0, vm0, $0xb8;
	[tilespmem:$0x1C200] =	vst v63  }
0x67: {  	v0 =	vld [tilespmem:$0x190];
	_ =	sdelay $0x7  }
0x68: {  	[tilespmem:s11], [sflag:$0x2] =	stream.indirect_vreg.gather [hbm4b:s5+s4], $0x40, v0, vm0, $0xb8;
	[tilespmem:$0x1C200] =	vst v63  }
0x69: {  	v0 =	vld [tilespmem:$0x1A0];
	_ =	sdelay $0x6  }
0x6a: {  	s26 =	simm.s32 $0xFE00  }
0x6b: {  	[tilespmem:s26], [sflag:$0x2] =	stream.indirect_vreg.gather [hbm4b:s5+s4], $0x40, v0, vm0, $0xb8;
	[tilespmem:$0x1C200] =	vst v63  }
0x6c: {  	v0 =	vld [tilespmem:$0x1B0];
	_ =	sdelay $0x6  }
0x6d: {  	s28 =	simm.s32 $0x10200  }
0x6e: {  	[tilespmem:s28], [sflag:$0x2] =	stream.indirect_vreg.gather [hbm4b:s5+s4], $0x40, v0, vm0, $0xb8;
	[tilespmem:$0x1C200] =	vst v63  }
0x6f: {  	v0 =	vld [tilespmem:$0x1C0];
	_ =	sdelay $0x6  }
0x70: {  	s29 =	simm.s32 $0x10600  }
0x71: {  	[tilespmem:s29], [sflag:$0x2] =	stream.indirect_vreg.gather [hbm4b:s5+s4], $0x40, v0, vm0, $0xb8;
	[tilespmem:$0x1C200] =	vst v63  }
0x72: {  	v0 =	vld [tilespmem:$0x1D0];
	_ =	sdelay $0x6  }
0x73: {  	s30 =	simm.s32 $0x10A00  }
0x74: {  	[tilespmem:s30], [sflag:$0x2] =	stream.indirect_vreg.gather [hbm4b:s5+s4], $0x40, v0, vm0, $0xb8;
	[tilespmem:$0x1C200] =	vst v63  }
0x75: {  	v0 =	vld [tilespmem:$0x1E0];
	_ =	sdelay $0x6  }
0x76: {  	s26 =	simm.s32 $0x10E00  }
0x77: {  	[tilespmem:s26], [sflag:$0x2] =	stream.indirect_vreg.gather [hbm4b:s5+s4], $0x40, v0, vm0, $0xb8;
	[tilespmem:$0x1C200] =	vst v63  }
0x78: {  	v0 =	vld [tilespmem:$0x1F0];
	_ =	sdelay $0x6  }
0x79: {  	s28 =	simm.s32 $0x11200  }
0x7a: {  	[tilespmem:s28], [sflag:$0x2] =	stream.indirect_vreg.gather [hbm4b:s5+s4], $0x40, v0, vm0, $0xb8;
	[tilespmem:$0x1C200] =	vst v63  }
0x7b: {  	v0 =	vld [tilespmem:$0x200];
	_ =	sdelay $0x6  }
0x7c: {  	s29 =	simm.s32 $0x11600  }
0x7d: {  	[tilespmem:s29], [sflag:$0x2] =	stream.indirect_vreg.gather [hbm4b:s5+s4], $0x40, v0, vm0, $0xb8;
	[tilespmem:$0x1C200] =	vst v63  }
0x7e: {  	v0 =	vld [tilespmem:$0x210];
	_ =	sdelay $0x6  }
0x7f: {  	s30 =	simm.s32 $0x11A00  }
0x80: {  	[tilespmem:s30], [sflag:$0x2] =	stream.indirect_vreg.gather [hbm4b:s5+s4], $0x40, v0, vm0, $0xb8;
	[tilespmem:$0x1C200] =	vst v63  }
0x81: {  	v0 =	vld [tilespmem:$0x220];
	_ =	sdelay $0x6  }
0x82: {  	s26 =	simm.s32 $0x11E00  }
0x83: {  	[tilespmem:s26], [sflag:$0x2] =	stream.indirect_vreg.gather [hbm4b:s5+s4], $0x40, v0, vm0, $0xb8;
	[tilespmem:$0x1C200] =	vst v63  }
0x84: {  	v0 =	vld [tilespmem:$0x230];
	_ =	sdelay $0x6  }
0x85: {  	s28 =	simm.s32 $0x12200  }
0x86: {  	[tilespmem:s28], [sflag:$0x2] =	stream.indirect_vreg.gather [hbm4b:s5+s4], $0x40, v0, vm0, $0xb8;
	[tilespmem:$0x1C200] =	vst v63  }
0x87: {  	v0 =	vld [tilespmem:$0x240];
	_ =	sdelay $0x6  }
0x88: {  	s29 =	simm.s32 $0x12600  }
0x89: {  	[tilespmem:s29], [sflag:$0x2] =	stream.indirect_vreg.gather [hbm4b:s5+s4], $0x40, v0, vm0, $0xb8;
	[tilespmem:$0x1C200] =	vst v63  }
0x8a: {  	v0 =	vld [tilespmem:$0x250];
	_ =	sdelay $0x6  }
0x8b: {  	s30 =	simm.s32 $0x12A00  }
0x8c: {  	[tilespmem:s30], [sflag:$0x2] =	stream.indirect_vreg.gather [hbm4b:s5+s4], $0x40, v0, vm0, $0xb8;
	[tilespmem:$0x1C200] =	vst v63  }
0x8d: {  	v0 =	vld [tilespmem:$0x260];
	_ =	sdelay $0x6  }
0x8e: {  	s26 =	simm.s32 $0x12E00  }
0x8f: {  	[tilespmem:s26], [sflag:$0x2] =	stream.indirect_vreg.gather [hbm4b:s5+s4], $0x40, v0, vm0, $0xb8;
	[tilespmem:$0x1C200] =	vst v63  }
0x90: {  	v0 =	vld [tilespmem:$0x270];
	_ =	sdelay $0x6  }
0x91: {  	s28 =	simm.s32 $0x13200  }
0x92: {  	[tilespmem:s28], [sflag:$0x2] =	stream.indirect_vreg.gather [hbm4b:s5+s4], $0x40, v0, vm0, $0xb8;
	[tilespmem:$0x1C200] =	vst v63  }
0x93: {  	v0 =	vld [tilespmem:$0x280];
	_ =	sdelay $0x6  }
0x94: {  	s29 =	simm.s32 $0x13600  }
0x95: {  	[tilespmem:s29], [sflag:$0x2] =	stream.indirect_vreg.gather [hbm4b:s5+s4], $0x40, v0, vm0, $0xb8;
	[tilespmem:$0x1C200] =	vst v63  }
0x96: {  	v0 =	vld [tilespmem:$0x290];
	_ =	sdelay $0x6  }
0x97: {  	s30 =	simm.s32 $0x13A00  }
0x98: {  	[tilespmem:s30], [sflag:$0x2] =	stream.indirect_vreg.gather [hbm4b:s5+s4], $0x40, v0, vm0, $0xb8;
	[tilespmem:$0x1C200] =	vst v63  }
0x99: {  	v0 =	vld [tilespmem:$0x2A0];
	_ =	sdelay $0x6  }
0x9a: {  	s26 =	simm.s32 $0x13E00  }
0x9b: {  	[tilespmem:s26], [sflag:$0x2] =	stream.indirect_vreg.gather [hbm4b:s5+s4], $0x40, v0, vm0, $0xb8;
	[tilespmem:$0x1C200] =	vst v63  }
0x9c: {  	v0 =	vld [tilespmem:$0x2B0];
	_ =	sdelay $0x6  }
0x9d: {  	s28 =	simm.s32 $0x14200  }
0x9e: {  	[tilespmem:s28], [sflag:$0x2] =	stream.indirect_vreg.gather [hbm4b:s5+s4], $0x40, v0, vm0, $0xb8;
	[tilespmem:$0x1C200] =	vst v63  }
0x9f: {  	v0 =	vld [tilespmem:$0x2C0];
	_ =	sdelay $0x6  }
0xa0: {  	s29 =	simm.s32 $0x14600  }
0xa1: {  	[tilespmem:s29], [sflag:$0x2] =	stream.indirect_vreg.gather [hbm4b:s5+s4], $0x40, v0, vm0, $0xb8;
	[tilespmem:$0x1C200] =	vst v63  }
0xa2: {  	v0 =	vld [tilespmem:$0x2D0];
	_ =	sdelay $0x6  }
0xa3: {  	s30 =	simm.s32 $0x14A00  }
0xa4: {  	[tilespmem:s30], [sflag:$0x2] =	stream.indirect_vreg.gather [hbm4b:s5+s4], $0x40, v0, vm0, $0xb8;
	[tilespmem:$0x1C200] =	vst v63  }
0xa5: {  	v0 =	vld [tilespmem:$0x2E0];
	_ =	sdelay $0x6  }
0xa6: {  	s26 =	simm.s32 $0x14E00  }
0xa7: {  	[tilespmem:s26], [sflag:$0x2] =	stream.indirect_vreg.gather [hbm4b:s5+s4], $0x40, v0, vm0, $0xb8;
	[tilespmem:$0x1C200] =	vst v63  }
0xa8: {  	v0 =	vld [tilespmem:$0x2F0];
	_ =	sdelay $0x6  }
0xa9: {  	s28 =	simm.s32 $0x15200  }
0xaa: {  	[tilespmem:s28], [sflag:$0x2] =	stream.indirect_vreg.gather [hbm4b:s5+s4], $0x40, v0, vm0, $0xb8;
	[tilespmem:$0x1C200] =	vst v63  }
0xab: {  	v0 =	vld [tilespmem:$0x300];
	_ =	sdelay $0x6  }
0xac: {  	s29 =	simm.s32 $0x15600  }
0xad: {  	[tilespmem:s29], [sflag:$0x2] =	stream.indirect_vreg.gather [hbm4b:s5+s4], $0x40, v0, vm0, $0xb8;
	[tilespmem:$0x1C200] =	vst v63  }
0xae: {  	v0 =	vld [tilespmem:$0x310];
	_ =	sdelay $0x6  }
0xaf: {  	s30 =	simm.s32 $0x15A00;
	s26 =	simm.s32 $0x0  }
0xb0: {  	[tilespmem:s30], [sflag:$0x2] =	stream.indirect_vreg.gather [hbm4b:s5+s4], $0x40, v0, vm0, $0xb8;
	[tilespmem:$0x1C200] =	vst v63  }
.LBB2_2:
0xb1: {  	_ =	swait.ge [sflag:s19], $0x6400  }
0xb2: {  	[sflag:s19] =	ssyncset.done $0x0  }
0xb3: {  	s21 =	simm.s32 $0x0;
	s28 =	simm.s32 $0x400;
	[sflag:s19] =	ssyncadd.s32 $0xFFFF9C00  }
.LBB2_3:
0xb4: {  	p0 =	sne.s32 s28, $0xC400;
	v0 =	vld [tilespmem:s21+$0x64F0]  }
0xb5: {  	v1 =	vld [tilespmem:s21+$0x6400]  }
0xb6: {  	v2 =	vld [tilespmem:s21+$0x6410]  }
0xb7: {  	v3 =	vld [tilespmem:s21+$0x6420]  }
0xb8: {  	v4 =	vld [tilespmem:s21+$0x6430]  }
0xb9: {  	[tilespmem:s21+$0x96F0] =	vst.add.f32.msk $0xffff, v0  }
0xba: {  	v0 =	vld [tilespmem:s21+$0x6440]  }
0xbb: {  	v5 =	vld [tilespmem:s21+$0x6450]  }
0xbc: {  	v6 =	vld [tilespmem:s21+$0x6460]  }
0xbd: {  	v7 =	vld [tilespmem:s21+$0x6470]  }
0xbe: {  	v8 =	vld [tilespmem:s21+$0x6480]  }
0xbf: {  	v9 =	vld [tilespmem:s21+$0x6490]  }
0xc0: {  	v10 =	vld [tilespmem:s21+$0x64A0]  }
0xc1: {  	v11 =	vld [tilespmem:s21+$0x64B0]  }
0xc2: {  	v12 =	vld [tilespmem:s21+$0x64C0]  }
0xc3: {  	v13 =	vld [tilespmem:s21+$0x64D0]  }
0xc4: {  	v14 =	vld [tilespmem:s21+$0x64E0]  }
0xc5: {  	[tilespmem:s21+$0x9600] =	vst.add.f32.msk $0xffff, v1  }
0xc6: {  	[tilespmem:s21+$0x9610] =	vst.add.f32.msk $0xffff, v2  }
0xc7: {  	[tilespmem:s21+$0x9620] =	vst.add.f32.msk $0xffff, v3  }
0xc8: {  	[tilespmem:s21+$0x9630] =	vst.add.f32.msk $0xffff, v4  }
0xc9: {  	[tilespmem:s21+$0x9640] =	vst.add.f32.msk $0xffff, v0  }
0xca: {  	[tilespmem:s21+$0x9650] =	vst.add.f32.msk $0xffff, v5  }
0xcb: {  	[tilespmem:s21+$0x9660] =	vst.add.f32.msk $0xffff, v6  }
0xcc: {  	[tilespmem:s21+$0x9670] =	vst.add.f32.msk $0xffff, v7  }
0xcd: {  	[tilespmem:s21+$0x9680] =	vst.add.f32.msk $0xffff, v8  }
0xce: {  	[tilespmem:s21+$0x9690] =	vst.add.f32.msk $0xffff, v9  }
.Ltmp0:
0xcf: {  	[tilespmem:s21+$0x96A0] =	vst.add.f32.msk $0xffff, v10;
	(pc) =	sbr.rel @p0 .LBB2_3-.Ltmp0, $4  }
0xd0: {  	[tilespmem:s21+$0x96B0] =	vst.add.f32.msk $0xffff, v11  }
0xd1: {  	[tilespmem:s21+$0x96C0] =	vst.add.f32.msk $0xffff, v12  }
0xd2: {  	[tilespmem:s21+$0x96D0] =	vst.add.f32.msk $0xffff, v13  }
0xd3: {  	[tilespmem:s21+$0x96E0] =	vst.add.f32.msk $0xffff, v14;
	s21 =	sshra.s32 s28, $0x2;
	s28 =	sadd.s32 $0x400, s28  }
0xd4: {  	v0 =	vld [tilespmem:s21+$0x64F0]  }
0xd5: {  	v1 =	vld [tilespmem:s21+$0x6400]  }
0xd6: {  	v2 =	vld [tilespmem:s21+$0x6410]  }
0xd7: {  	v3 =	vld [tilespmem:s21+$0x6420]  }
0xd8: {  	v4 =	vld [tilespmem:s21+$0x6430]  }
0xd9: {  	v63 =	vld [tilespmem:s21+$0x6440]  }
0xda: {  	v5 =	vld [tilespmem:s21+$0x6450]  }
0xdb: {  	v6 =	vld [tilespmem:s21+$0x6460]  }
0xdc: {  	v7 =	vld [tilespmem:s21+$0x6470]  }
0xdd: {  	v8 =	vld [tilespmem:s21+$0x6480]  }
0xde: {  	v9 =	vld [tilespmem:s21+$0x6490]  }
0xdf: {  	v10 =	vld [tilespmem:s21+$0x64A0]  }
0xe0: {  	v11 =	vld [tilespmem:s21+$0x64B0]  }
0xe1: {  	v12 =	vld [tilespmem:s21+$0x64C0]  }
0xe2: {  	v13 =	vld [tilespmem:s21+$0x64D0]  }
0xe3: {  	v14 =	vld [tilespmem:s21+$0x64E0]  }
0xe4: {  	[tilespmem:s21+$0x96F0] =	vst.add.f32.msk $0xffff, v0  }
0xe5: {  	[tilespmem:s21+$0x9600] =	vst.add.f32.msk $0xffff, v1  }
0xe6: {  	[tilespmem:s21+$0x9610] =	vst.add.f32.msk $0xffff, v2  }
0xe7: {  	[tilespmem:s21+$0x9620] =	vst.add.f32.msk $0xffff, v3  }
0xe8: {  	[tilespmem:s21+$0x9630] =	vst.add.f32.msk $0xffff, v4  }
0xe9: {  	[tilespmem:s21+$0x9640] =	vst.add.f32.msk $0xffff, v63  }
0xea: {  	[tilespmem:s21+$0x9650] =	vst.add.f32.msk $0xffff, v5  }
0xeb: {  	[tilespmem:s21+$0x9660] =	vst.add.f32.msk $0xffff, v6  }
0xec: {  	[tilespmem:s21+$0x9670] =	vst.add.f32.msk $0xffff, v7  }
0xed: {  	[tilespmem:s21+$0x9680] =	vst.add.f32.msk $0xffff, v8  }
0xee: {  	[tilespmem:s21+$0x9690] =	vst.add.f32.msk $0xffff, v9  }
0xef: {  	[tilespmem:s21+$0x96A0] =	vst.add.f32.msk $0xffff, v10  }
0xf0: {  	[tilespmem:s21+$0x96B0] =	vst.add.f32.msk $0xffff, v11  }
0xf1: {  	[tilespmem:s21+$0x96C0] =	vst.add.f32.msk $0xffff, v12  }
0xf2: {  	[tilespmem:s21+$0x96D0] =	vst.add.f32.msk $0xffff, v13  }
0xf3: {  	s29 =	simm.s32 $0x0;
	[tilespmem:s21+$0x96E0] =	vst.add.f32.msk $0xffff, v14;
	s21 =	simm.s32 $0x400  }
.LBB2_5:
0xf4: {  	p0 =	sne.s32 s21, $0xC400;
	v0 =	vld [tilespmem:s29+$0x64F0]  }
0xf5: {  	v1 =	vld [tilespmem:s29+$0x6400]  }
0xf6: {  	v2 =	vld [tilespmem:s29+$0x6410]  }
0xf7: {  	v3 =	vld [tilespmem:s29+$0x6420]  }
0xf8: {  	v4 =	vld [tilespmem:s29+$0x6430]  }
0xf9: {  	[tilespmem:s29+$0xC8F0] =	vst.add.f32.msk $0xffff, v0  }
0xfa: {  	v0 =	vld [tilespmem:s29+$0x6440]  }
0xfb: {  	v5 =	vld [tilespmem:s29+$0x6450]  }
0xfc: {  	v6 =	vld [tilespmem:s29+$0x6460]  }
0xfd: {  	v7 =	vld [tilespmem:s29+$0x6470]  }
0xfe: {  	v8 =	vld [tilespmem:s29+$0x6480]  }
0xff: {  	v9 =	vld [tilespmem:s29+$0x6490]  }
0x100: {  	v10 =	vld [tilespmem:s29+$0x64A0]  }
0x101: {  	v11 =	vld [tilespmem:s29+$0x64B0]  }
0x102: {  	v12 =	vld [tilespmem:s29+$0x64C0]  }
0x103: {  	v13 =	vld [tilespmem:s29+$0x64D0]  }
0x104: {  	v14 =	vld [tilespmem:s29+$0x64E0]  }
0x105: {  	[tilespmem:s29+$0xC800] =	vst.add.f32.msk $0xffff, v1  }
0x106: {  	[tilespmem:s29+$0xC810] =	vst.add.f32.msk $0xffff, v2  }
0x107: {  	[tilespmem:s29+$0xC820] =	vst.add.f32.msk $0xffff, v3  }
0x108: {  	[tilespmem:s29+$0xC830] =	vst.add.f32.msk $0xffff, v4  }
0x109: {  	[tilespmem:s29+$0xC840] =	vst.add.f32.msk $0xffff, v0  }
0x10a: {  	[tilespmem:s29+$0xC850] =	vst.add.f32.msk $0xffff, v5  }
0x10b: {  	[tilespmem:s29+$0xC860] =	vst.add.f32.msk $0xffff, v6  }
0x10c: {  	[tilespmem:s29+$0xC870] =	vst.add.f32.msk $0xffff, v7  }
0x10d: {  	[tilespmem:s29+$0xC880] =	vst.add.f32.msk $0xffff, v8  }
0x10e: {  	[tilespmem:s29+$0xC890] =	vst.add.f32.msk $0xffff, v9  }
.Ltmp1:
0x10f: {  	[tilespmem:s29+$0xC8A0] =	vst.add.f32.msk $0xffff, v10;
	(pc) =	sbr.rel @p0 .LBB2_5-.Ltmp1, $4  }
0x110: {  	[tilespmem:s29+$0xC8B0] =	vst.add.f32.msk $0xffff, v11  }
0x111: {  	[tilespmem:s29+$0xC8C0] =	vst.add.f32.msk $0xffff, v12  }
0x112: {  	[tilespmem:s29+$0xC8D0] =	vst.add.f32.msk $0xffff, v13  }
0x113: {  	[tilespmem:s29+$0xC8E0] =	vst.add.f32.msk $0xffff, v14;
	s29 =	sshra.s32 s21, $0x2;
	s21 =	sadd.s32 $0x400, s21  }
0x114: {  	v0 =	vld [tilespmem:s29+$0x64F0]  }
0x115: {  	v1 =	vld [tilespmem:s29+$0x6400]  }
0x116: {  	v2 =	vld [tilespmem:s29+$0x6410]  }
0x117: {  	v3 =	vld [tilespmem:s29+$0x6420]  }
0x118: {  	v4 =	vld [tilespmem:s29+$0x6430]  }
0x119: {  	v62 =	vld [tilespmem:s29+$0x6440]  }
0x11a: {  	v5 =	vld [tilespmem:s29+$0x6450]  }
0x11b: {  	v6 =	vld [tilespmem:s29+$0x6460]  }
0x11c: {  	v7 =	vld [tilespmem:s29+$0x6470]  }
0x11d: {  	v8 =	vld [tilespmem:s29+$0x6480]  }
0x11e: {  	v9 =	vld [tilespmem:s29+$0x6490]  }
0x11f: {  	v10 =	vld [tilespmem:s29+$0x64A0]  }
0x120: {  	v11 =	vld [tilespmem:s29+$0x64B0]  }
0x121: {  	v12 =	vld [tilespmem:s29+$0x64C0]  }
0x122: {  	v13 =	vld [tilespmem:s29+$0x64D0]  }
0x123: {  	v14 =	vld [tilespmem:s29+$0x64E0]  }
0x124: {  	[tilespmem:s29+$0xC8F0] =	vst.add.f32.msk $0xffff, v0  }
0x125: {  	[tilespmem:s29+$0xC800] =	vst.add.f32.msk $0xffff, v1  }
0x126: {  	[tilespmem:s29+$0xC810] =	vst.add.f32.msk $0xffff, v2  }
0x127: {  	[tilespmem:s29+$0xC820] =	vst.add.f32.msk $0xffff, v3  }
0x128: {  	[tilespmem:s29+$0xC830] =	vst.add.f32.msk $0xffff, v4  }
0x129: {  	[tilespmem:s29+$0xC840] =	vst.add.f32.msk $0xffff, v62  }
0x12a: {  	[tilespmem:s29+$0xC850] =	vst.add.f32.msk $0xffff, v5  }
0x12b: {  	[tilespmem:s29+$0xC860] =	vst.add.f32.msk $0xffff, v6  }
0x12c: {  	[tilespmem:s29+$0xC870] =	vst.add.f32.msk $0xffff, v7  }
0x12d: {  	[tilespmem:s29+$0xC880] =	vst.add.f32.msk $0xffff, v8  }
0x12e: {  	[tilespmem:s29+$0xC890] =	vst.add.f32.msk $0xffff, v9  }
0x12f: {  	s28 =	smul.u32 $0x4B0, s26;
	[tilespmem:s29+$0xC8A0] =	vst.add.f32.msk $0xffff, v10  }
0x130: {  	[tilespmem:s29+$0xC8B0] =	vst.add.f32.msk $0xffff, v11  }
0x131: {  	s21 =	sadd.s32 s3, s28;
	[tilespmem:s29+$0xC8C0] =	vst.add.f32.msk $0xffff, v12  }
0x132: {  	s21 =	sshll.u32 s21, $0x4;
	[tilespmem:s29+$0xC8D0] =	vst.add.f32.msk $0xffff, v13  }
0x133: {  	p0 =	seq.s32 s26, $0x0;
	s21 =	sadd.s32 s2, s21;
	[tilespmem:s29+$0xC8E0] =	vst.add.f32.msk $0xffff, v14  }
0x134: {  	[hbm4b:s21+s15] =	stream.strided.scatter [tilespmem:s13], [sflag:$0x4], $0x6400, s20, s15, $0x38;
	[tilespmem:$0x1C200] =	vst v63  }
0x135: {  	s21 =	simm.s32 @!p0 $0x6  }
0x136: {  	_ =	swait.ge @!p0 [sflag:s21], $0x6400  }
0x137: {  	[sflag:s21] =	ssyncset.done @!p0 $0x0  }
0x138: {  	[sflag:s21] =	ssyncadd.s32 @!p0 $0xFFFF9C00  }
0x139: {  	v63 =	vld [tilespmem:s28+$0x320];
	_ =	sdelay $0x6  }
0x13a: {  	s21 =	simm.s32 $0x0  }
0x13b: {  	[tilespmem:s17], [sflag:$0x3] =	stream.indirect_vreg.gather [hbm4b:s5+s21], $0x40, v63, vm0, $0xb8;
	[tilespmem:$0x1C200] =	vst v63  }
0x13c: {  	v0 =	vld [tilespmem:s28+$0x330];
	_ =	sdelay $0x6  }
0x13d: {  	s29 =	simm.s32 $0x16200  }
0x13e: {  	[tilespmem:s29], [sflag:$0x3] =	stream.indirect_vreg.gather [hbm4b:s5+s21], $0x40, v0, vm0, $0xb8;
	[tilespmem:$0x1C200] =	vst v63  }
0x13f: {  	v0 =	vld [tilespmem:s28+$0x340];
	_ =	sdelay $0x6  }
0x140: {  	s29 =	simm.s32 $0x16600  }
0x141: {  	[tilespmem:s29], [sflag:$0x3] =	stream.indirect_vreg.gather [hbm4b:s5+s21], $0x40, v0, vm0, $0xb8;
	[tilespmem:$0x1C200] =	vst v63  }
0x142: {  	v0 =	vld [tilespmem:s28+$0x350];
	_ =	sdelay $0x6  }
0x143: {  	s29 =	simm.s32 $0x16A00  }
0x144: {  	[tilespmem:s29], [sflag:$0x3] =	stream.indirect_vreg.gather [hbm4b:s5+s21], $0x40, v0, vm0, $0xb8;
	[tilespmem:$0x1C200] =	vst v63  }
0x145: {  	v0 =	vld [tilespmem:s28+$0x360];
	_ =	sdelay $0x6  }
0x146: {  	s29 =	simm.s32 $0x16E00  }
0x147: {  	[tilespmem:s29], [sflag:$0x3] =	stream.indirect_vreg.gather [hbm4b:s5+s21], $0x40, v0, vm0, $0xb8;
	[tilespmem:$0x1C200] =	vst v63  }
0x148: {  	v0 =	vld [tilespmem:s28+$0x370];
	_ =	sdelay $0x6  }
0x149: {  	s29 =	simm.s32 $0x17200  }
0x14a: {  	[tilespmem:s29], [sflag:$0x3] =	stream.indirect_vreg.gather [hbm4b:s5+s21], $0x40, v0, vm0, $0xb8;
	[tilespmem:$0x1C200] =	vst v63  }
0x14b: {  	v0 =	vld [tilespmem:s28+$0x380];
	_ =	sdelay $0x6  }
0x14c: {  	s29 =	simm.s32 $0x17600  }
0x14d: {  	[tilespmem:s29], [sflag:$0x3] =	stream.indirect_vreg.gather [hbm4b:s5+s21], $0x40, v0, vm0, $0xb8;
	[tilespmem:$0x1C200] =	vst v63  }
0x14e: {  	v0 =	vld [tilespmem:s28+$0x390];
	_ =	sdelay $0x6  }
0x14f: {  	s29 =	simm.s32 $0x17A00  }
0x150: {  	[tilespmem:s29], [sflag:$0x3] =	stream.indirect_vreg.gather [hbm4b:s5+s21], $0x40, v0, vm0, $0xb8;
	[tilespmem:$0x1C200] =	vst v63  }
0x151: {  	v0 =	vld [tilespmem:s28+$0x3A0];
	_ =	sdelay $0x6  }
0x152: {  	s29 =	simm.s32 $0x17E00  }
0x153: {  	[tilespmem:s29], [sflag:$0x3] =	stream.indirect_vreg.gather [hbm4b:s5+s21], $0x40, v0, vm0, $0xb8;
	[tilespmem:$0x1C200] =	vst v63  }
0x154: {  	v0 =	vld [tilespmem:s28+$0x3B0];
	_ =	sdelay $0x6  }
0x155: {  	s29 =	simm.s32 $0x18200  }
0x156: {  	[tilespmem:s29], [sflag:$0x3] =	stream.indirect_vreg.gather [hbm4b:s5+s21], $0x40, v0, vm0, $0xb8;
	[tilespmem:$0x1C200] =	vst v63  }
0x157: {  	v0 =	vld [tilespmem:s28+$0x3C0];
	_ =	sdelay $0x6  }
0x158: {  	s29 =	simm.s32 $0x18600  }
0x159: {  	[tilespmem:s29], [sflag:$0x3] =	stream.indirect_vreg.gather [hbm4b:s5+s21], $0x40, v0, vm0, $0xb8;
	[tilespmem:$0x1C200] =	vst v63  }
0x15a: {  	v0 =	vld [tilespmem:s28+$0x3D0];
	_ =	sdelay $0x6  }
0x15b: {  	s29 =	simm.s32 $0x18A00  }
0x15c: {  	[tilespmem:s29], [sflag:$0x3] =	stream.indirect_vreg.gather [hbm4b:s5+s21], $0x40, v0, vm0, $0xb8;
	[tilespmem:$0x1C200] =	vst v63  }
0x15d: {  	v0 =	vld [tilespmem:s28+$0x3E0];
	_ =	sdelay $0x6  }
0x15e: {  	s29 =	simm.s32 $0x18E00  }
0x15f: {  	[tilespmem:s29], [sflag:$0x3] =	stream.indirect_vreg.gather [hbm4b:s5+s21], $0x40, v0, vm0, $0xb8;
	[tilespmem:$0x1C200] =	vst v63  }
0x160: {  	v0 =	vld [tilespmem:s28+$0x3F0];
	_ =	sdelay $0x6  }
0x161: {  	s29 =	simm.s32 $0x19200  }
0x162: {  	[tilespmem:s29], [sflag:$0x3] =	stream.indirect_vreg.gather [hbm4b:s5+s21], $0x40, v0, vm0, $0xb8;
	[tilespmem:$0x1C200] =	vst v63  }
0x163: {  	v0 =	vld [tilespmem:s28+$0x400];
	_ =	sdelay $0x7  }
0x164: {  	[tilespmem:s14], [sflag:$0x3] =	stream.indirect_vreg.gather [hbm4b:s5+s21], $0x40, v0, vm0, $0xb8;
	[tilespmem:$0x1C200] =	vst v63  }
0x165: {  	v0 =	vld [tilespmem:s28+$0x410];
	_ =	sdelay $0x7  }
0x166: {  	[tilespmem:s31], [sflag:$0x3] =	stream.indirect_vreg.gather [hbm4b:s5+s21], $0x40, v0, vm0, $0xb8;
	[tilespmem:$0x1C200] =	vst v63  }
0x167: {  	v0 =	vld [tilespmem:s28+$0x420];
	_ =	sdelay $0x7  }
0x168: {  	[tilespmem:s1], [sflag:$0x3] =	stream.indirect_vreg.gather [hbm4b:s5+s21], $0x40, v0, vm0, $0xb8;
	[tilespmem:$0x1C200] =	vst v63  }
0x169: {  	v0 =	vld [tilespmem:s28+$0x430];
	_ =	sdelay $0x7  }
0x16a: {  	[tilespmem:s22], [sflag:$0x3] =	stream.indirect_vreg.gather [hbm4b:s5+s21], $0x40, v0, vm0, $0xb8;
	[tilespmem:$0x1C200] =	vst v63  }
0x16b: {  	v0 =	vld [tilespmem:s28+$0x440];
	_ =	sdelay $0x7  }
0x16c: {  	[tilespmem:s0], [sflag:$0x3] =	stream.indirect_vreg.gather [hbm4b:s5+s21], $0x40, v0, vm0, $0xb8;
	[tilespmem:$0x1C200] =	vst v63  }
0x16d: {  	v0 =	vld [tilespmem:s28+$0x450];
	_ =	sdelay $0x7  }
0x16e: {  	[tilespmem:s18], [sflag:$0x3] =	stream.indirect_vreg.gather [hbm4b:s5+s21], $0x40, v0, vm0, $0xb8;
	[tilespmem:$0x1C200] =	vst v63  }
0x16f: {  	v0 =	vld [tilespmem:s28+$0x460];
	_ =	sdelay $0x7  }
0x170: {  	[tilespmem:s12], [sflag:$0x3] =	stream.indirect_vreg.gather [hbm4b:s5+s21], $0x40, v0, vm0, $0xb8;
	[tilespmem:$0x1C200] =	vst v63  }
0x171: {  	v0 =	vld [tilespmem:s28+$0x470];
	_ =	sdelay $0x7  }
0x172: {  	[tilespmem:s23], [sflag:$0x3] =	stream.indirect_vreg.gather [hbm4b:s5+s21], $0x40, v0, vm0, $0xb8;
	[tilespmem:$0x1C200] =	vst v63  }
0x173: {  	v0 =	vld [tilespmem:s28+$0x480];
	_ =	sdelay $0x7  }
0x174: {  	[tilespmem:s6], [sflag:$0x3] =	stream.indirect_vreg.gather [hbm4b:s5+s21], $0x40, v0, vm0, $0xb8;
	[tilespmem:$0x1C200] =	vst v63  }
0x175: {  	v0 =	vld [tilespmem:s28+$0x490];
	_ =	sdelay $0x7  }
0x176: {  	[tilespmem:s16], [sflag:$0x3] =	stream.indirect_vreg.gather [hbm4b:s5+s21], $0x40, v0, vm0, $0xb8;
	[tilespmem:$0x1C200] =	vst v63  }
0x177: {  	v0 =	vld [tilespmem:s28+$0x4A0];
	_ =	sdelay $0x7  }
0x178: {  	[tilespmem:s7], [sflag:$0x3] =	stream.indirect_vreg.gather [hbm4b:s5+s21], $0x40, v0, vm0, $0xb8;
	[tilespmem:$0x1C200] =	vst v63  }
0x179: {  	_ =	swait.ge [sflag:s24], $0x6400  }
0x17a: {  	s30 =	simm.s32 $0x400;
	[sflag:s24] =	ssyncset.done $0x0  }
0x17b: {  	s29 =	sadd.s32 $0x320, s28;
	s21 =	simm.s32 $0x0;
	[sflag:s24] =	ssyncadd.s32 $0xFFFF9C00  }
.LBB2_7:
0x17c: {  	p0 =	sne.s32 s30, $0xC400;
	v0 =	vld [tilespmem:s21+$0x64F0]  }
0x17d: {  	v1 =	vld [tilespmem:s21+$0x6400]  }
0x17e: {  	v2 =	vld [tilespmem:s21+$0x6410]  }
0x17f: {  	v3 =	vld [tilespmem:s21+$0x6420]  }
0x180: {  	v4 =	vld [tilespmem:s21+$0x6430]  }
0x181: {  	[tilespmem:s21+$0xFAF0] =	vst.add.f32.msk $0xffff, v0  }
0x182: {  	v0 =	vld [tilespmem:s21+$0x6440]  }
0x183: {  	v5 =	vld [tilespmem:s21+$0x6450]  }
0x184: {  	v6 =	vld [tilespmem:s21+$0x6460]  }
0x185: {  	v7 =	vld [tilespmem:s21+$0x6470]  }
0x186: {  	v8 =	vld [tilespmem:s21+$0x6480]  }
0x187: {  	v9 =	vld [tilespmem:s21+$0x6490]  }
0x188: {  	v10 =	vld [tilespmem:s21+$0x64A0]  }
0x189: {  	v11 =	vld [tilespmem:s21+$0x64B0]  }
0x18a: {  	v12 =	vld [tilespmem:s21+$0x64C0]  }
0x18b: {  	v13 =	vld [tilespmem:s21+$0x64D0]  }
0x18c: {  	v14 =	vld [tilespmem:s21+$0x64E0]  }
0x18d: {  	[tilespmem:s21+$0xFA00] =	vst.add.f32.msk $0xffff, v1  }
0x18e: {  	[tilespmem:s21+$0xFA10] =	vst.add.f32.msk $0xffff, v2  }
0x18f: {  	[tilespmem:s21+$0xFA20] =	vst.add.f32.msk $0xffff, v3  }
0x190: {  	[tilespmem:s21+$0xFA30] =	vst.add.f32.msk $0xffff, v4  }
0x191: {  	[tilespmem:s21+$0xFA40] =	vst.add.f32.msk $0xffff, v0  }
0x192: {  	[tilespmem:s21+$0xFA50] =	vst.add.f32.msk $0xffff, v5  }
0x193: {  	[tilespmem:s21+$0xFA60] =	vst.add.f32.msk $0xffff, v6  }
0x194: {  	[tilespmem:s21+$0xFA70] =	vst.add.f32.msk $0xffff, v7  }
0x195: {  	[tilespmem:s21+$0xFA80] =	vst.add.f32.msk $0xffff, v8  }
0x196: {  	[tilespmem:s21+$0xFA90] =	vst.add.f32.msk $0xffff, v9  }
.Ltmp2:
0x197: {  	[tilespmem:s21+$0xFAA0] =	vst.add.f32.msk $0xffff, v10;
	(pc) =	sbr.rel @p0 .LBB2_7-.Ltmp2, $4  }
0x198: {  	[tilespmem:s21+$0xFAB0] =	vst.add.f32.msk $0xffff, v11  }
0x199: {  	[tilespmem:s21+$0xFAC0] =	vst.add.f32.msk $0xffff, v12  }
0x19a: {  	[tilespmem:s21+$0xFAD0] =	vst.add.f32.msk $0xffff, v13  }
0x19b: {  	[tilespmem:s21+$0xFAE0] =	vst.add.f32.msk $0xffff, v14;
	s21 =	sshra.s32 s30, $0x2;
	s30 =	sadd.s32 $0x400, s30  }
0x19c: {  	v0 =	vld [tilespmem:s21+$0x64F0]  }
0x19d: {  	v1 =	vld [tilespmem:s21+$0x6400]  }
0x19e: {  	v2 =	vld [tilespmem:s21+$0x6410]  }
0x19f: {  	v3 =	vld [tilespmem:s21+$0x6420]  }
0x1a0: {  	v4 =	vld [tilespmem:s21+$0x6430]  }
0x1a1: {  	v63 =	vld [tilespmem:s21+$0x6440]  }
0x1a2: {  	v5 =	vld [tilespmem:s21+$0x6450]  }
0x1a3: {  	v6 =	vld [tilespmem:s21+$0x6460]  }
0x1a4: {  	v7 =	vld [tilespmem:s21+$0x6470]  }
0x1a5: {  	v8 =	vld [tilespmem:s21+$0x6480]  }
0x1a6: {  	v9 =	vld [tilespmem:s21+$0x6490]  }
0x1a7: {  	v10 =	vld [tilespmem:s21+$0x64A0]  }
0x1a8: {  	v11 =	vld [tilespmem:s21+$0x64B0]  }
0x1a9: {  	v12 =	vld [tilespmem:s21+$0x64C0]  }
0x1aa: {  	v13 =	vld [tilespmem:s21+$0x64D0]  }
0x1ab: {  	v14 =	vld [tilespmem:s21+$0x64E0]  }
0x1ac: {  	[tilespmem:s21+$0xFAF0] =	vst.add.f32.msk $0xffff, v0  }
0x1ad: {  	[tilespmem:s21+$0xFA00] =	vst.add.f32.msk $0xffff, v1  }
0x1ae: {  	[tilespmem:s21+$0xFA10] =	vst.add.f32.msk $0xffff, v2  }
0x1af: {  	[tilespmem:s21+$0xFA20] =	vst.add.f32.msk $0xffff, v3  }
0x1b0: {  	[tilespmem:s21+$0xFA30] =	vst.add.f32.msk $0xffff, v4  }
0x1b1: {  	[tilespmem:s21+$0xFA40] =	vst.add.f32.msk $0xffff, v63  }
0x1b2: {  	[tilespmem:s21+$0xFA50] =	vst.add.f32.msk $0xffff, v5  }
0x1b3: {  	[tilespmem:s21+$0xFA60] =	vst.add.f32.msk $0xffff, v6  }
0x1b4: {  	[tilespmem:s21+$0xFA70] =	vst.add.f32.msk $0xffff, v7  }
0x1b5: {  	[tilespmem:s21+$0xFA80] =	vst.add.f32.msk $0xffff, v8  }
0x1b6: {  	[tilespmem:s21+$0xFA90] =	vst.add.f32.msk $0xffff, v9  }
0x1b7: {  	[tilespmem:s21+$0xFAA0] =	vst.add.f32.msk $0xffff, v10  }
0x1b8: {  	[tilespmem:s21+$0xFAB0] =	vst.add.f32.msk $0xffff, v11  }
0x1b9: {  	[tilespmem:s21+$0xFAC0] =	vst.add.f32.msk $0xffff, v12  }
0x1ba: {  	[tilespmem:s21+$0xFAD0] =	vst.add.f32.msk $0xffff, v13  }
0x1bb: {  	s30 =	simm.s32 $0x400;
	[tilespmem:s21+$0xFAE0] =	vst.add.f32.msk $0xffff, v14;
	s21 =	simm.s32 $0x0  }
.LBB2_9:
0x1bc: {  	p0 =	sne.s32 s30, $0xC400;
	v0 =	vld [tilespmem:s21+$0x64F0]  }
0x1bd: {  	v1 =	vld [tilespmem:s21+$0x6400]  }
0x1be: {  	v2 =	vld [tilespmem:s21+$0x6410]  }
0x1bf: {  	v3 =	vld [tilespmem:s21+$0x6420]  }
0x1c0: {  	v4 =	vld [tilespmem:s21+$0x6430]  }
0x1c1: {  	[tilespmem:s21+$0x12CF0] =	vst.add.f32.msk $0xffff, v0  }
0x1c2: {  	v0 =	vld [tilespmem:s21+$0x6440]  }
0x1c3: {  	v5 =	vld [tilespmem:s21+$0x6450]  }
0x1c4: {  	v6 =	vld [tilespmem:s21+$0x6460]  }
0x1c5: {  	v7 =	vld [tilespmem:s21+$0x6470]  }
0x1c6: {  	v8 =	vld [tilespmem:s21+$0x6480]  }
0x1c7: {  	v9 =	vld [tilespmem:s21+$0x6490]  }
0x1c8: {  	v10 =	vld [tilespmem:s21+$0x64A0]  }
0x1c9: {  	v11 =	vld [tilespmem:s21+$0x64B0]  }
0x1ca: {  	v12 =	vld [tilespmem:s21+$0x64C0]  }
0x1cb: {  	v13 =	vld [tilespmem:s21+$0x64D0]  }
0x1cc: {  	v14 =	vld [tilespmem:s21+$0x64E0]  }
0x1cd: {  	[tilespmem:s21+$0x12C00] =	vst.add.f32.msk $0xffff, v1  }
0x1ce: {  	[tilespmem:s21+$0x12C10] =	vst.add.f32.msk $0xffff, v2  }
0x1cf: {  	[tilespmem:s21+$0x12C20] =	vst.add.f32.msk $0xffff, v3  }
0x1d0: {  	[tilespmem:s21+$0x12C30] =	vst.add.f32.msk $0xffff, v4  }
0x1d1: {  	[tilespmem:s21+$0x12C40] =	vst.add.f32.msk $0xffff, v0  }
0x1d2: {  	[tilespmem:s21+$0x12C50] =	vst.add.f32.msk $0xffff, v5  }
0x1d3: {  	[tilespmem:s21+$0x12C60] =	vst.add.f32.msk $0xffff, v6  }
0x1d4: {  	[tilespmem:s21+$0x12C70] =	vst.add.f32.msk $0xffff, v7  }
0x1d5: {  	[tilespmem:s21+$0x12C80] =	vst.add.f32.msk $0xffff, v8  }
0x1d6: {  	[tilespmem:s21+$0x12C90] =	vst.add.f32.msk $0xffff, v9  }
.Ltmp3:
0x1d7: {  	[tilespmem:s21+$0x12CA0] =	vst.add.f32.msk $0xffff, v10;
	(pc) =	sbr.rel @p0 .LBB2_9-.Ltmp3, $4  }
0x1d8: {  	[tilespmem:s21+$0x12CB0] =	vst.add.f32.msk $0xffff, v11  }
0x1d9: {  	[tilespmem:s21+$0x12CC0] =	vst.add.f32.msk $0xffff, v12  }
0x1da: {  	[tilespmem:s21+$0x12CD0] =	vst.add.f32.msk $0xffff, v13  }
0x1db: {  	[tilespmem:s21+$0x12CE0] =	vst.add.f32.msk $0xffff, v14;
	s21 =	sshra.s32 s30, $0x2;
	s30 =	sadd.s32 $0x400, s30  }
0x1dc: {  	v0 =	vld [tilespmem:s21+$0x64F0]  }
0x1dd: {  	v1 =	vld [tilespmem:s21+$0x6400]  }
0x1de: {  	v2 =	vld [tilespmem:s21+$0x6410]  }
0x1df: {  	v3 =	vld [tilespmem:s21+$0x6420]  }
0x1e0: {  	v4 =	vld [tilespmem:s21+$0x6430]  }
0x1e1: {  	v62 =	vld [tilespmem:s21+$0x6440]  }
0x1e2: {  	v5 =	vld [tilespmem:s21+$0x6450]  }
0x1e3: {  	v6 =	vld [tilespmem:s21+$0x6460]  }
0x1e4: {  	v7 =	vld [tilespmem:s21+$0x6470]  }
0x1e5: {  	v8 =	vld [tilespmem:s21+$0x6480]  }
0x1e6: {  	v9 =	vld [tilespmem:s21+$0x6490]  }
0x1e7: {  	v10 =	vld [tilespmem:s21+$0x64A0]  }
0x1e8: {  	v11 =	vld [tilespmem:s21+$0x64B0]  }
0x1e9: {  	v12 =	vld [tilespmem:s21+$0x64C0]  }
0x1ea: {  	v13 =	vld [tilespmem:s21+$0x64D0]  }
0x1eb: {  	v14 =	vld [tilespmem:s21+$0x64E0]  }
0x1ec: {  	[tilespmem:s21+$0x12CF0] =	vst.add.f32.msk $0xffff, v0  }
0x1ed: {  	[tilespmem:s21+$0x12C00] =	vst.add.f32.msk $0xffff, v1  }
0x1ee: {  	[tilespmem:s21+$0x12C10] =	vst.add.f32.msk $0xffff, v2  }
0x1ef: {  	[tilespmem:s21+$0x12C20] =	vst.add.f32.msk $0xffff, v3  }
0x1f0: {  	[tilespmem:s21+$0x12C30] =	vst.add.f32.msk $0xffff, v4  }
0x1f1: {  	[tilespmem:s21+$0x12C40] =	vst.add.f32.msk $0xffff, v62  }
0x1f2: {  	[tilespmem:s21+$0x12C50] =	vst.add.f32.msk $0xffff, v5  }
0x1f3: {  	[tilespmem:s21+$0x12C60] =	vst.add.f32.msk $0xffff, v6  }
0x1f4: {  	[tilespmem:s21+$0x12C70] =	vst.add.f32.msk $0xffff, v7  }
0x1f5: {  	[tilespmem:s21+$0x12C80] =	vst.add.f32.msk $0xffff, v8  }
0x1f6: {  	[tilespmem:s21+$0x12C90] =	vst.add.f32.msk $0xffff, v9  }
0x1f7: {  	[tilespmem:s21+$0x12CA0] =	vst.add.f32.msk $0xffff, v10  }
0x1f8: {  	s30 =	sadd.s32 s28, s8;
	[tilespmem:s21+$0x12CB0] =	vst.add.f32.msk $0xffff, v11  }
0x1f9: {  	s30 =	sshll.u32 s30, $0x4;
	[tilespmem:s21+$0x12CC0] =	vst.add.f32.msk $0xffff, v12  }
0x1fa: {  	s30 =	sand.u32 $0x1FFFFF00, s30;
	[tilespmem:s21+$0x12CD0] =	vst.add.f32.msk $0xffff, v13  }
0x1fb: {  	[tilespmem:s21+$0x12CE0] =	vst.add.f32.msk $0xffff, v14;
	s21 =	sadd.s32 s2, s30  }
0x1fc: {  	[hbm4b:s21+s15] =	stream.strided.scatter [tilespmem:s11], [sflag:$0x5], $0x6400, s20, s15, $0x38;
	[tilespmem:$0x1C200] =	vst v63  }
0x1fd: {  	_ =	swait.ge [sflag:s9], $0x6400  }
0x1fe: {  	[sflag:s9] =	ssyncset.done $0x0  }
0x1ff: {  	[sflag:s9] =	ssyncadd.s32 $0xFFFF9C00  }
0x200: {  	v63 =	vld [tilespmem:s28+$0x4B0];
	_ =	sdelay $0x6  }
0x201: {  	s21 =	simm.s32 $0x0  }
0x202: {  	[tilespmem:s13], [sflag:$0x1] =	stream.indirect_vreg.gather [hbm4b:s5+s21], $0x40, v63, vm0, $0xb8;
	[tilespmem:$0x1C200] =	vst v63  }
0x203: {  	v0 =	vld [tilespmem:s28+$0x4C0];
	_ =	sdelay $0x6  }
0x204: {  	s30 =	simm.s32 $0x9A00  }
0x205: {  	[tilespmem:s30], [sflag:$0x1] =	stream.indirect_vreg.gather [hbm4b:s5+s21], $0x40, v0, vm0, $0xb8;
	[tilespmem:$0x1C200] =	vst v63  }
0x206: {  	v0 =	vld [tilespmem:s28+$0x4D0];
	_ =	sdelay $0x6  }
0x207: {  	s30 =	simm.s32 $0x9E00  }
0x208: {  	[tilespmem:s30], [sflag:$0x1] =	stream.indirect_vreg.gather [hbm4b:s5+s21], $0x40, v0, vm0, $0xb8;
	[tilespmem:$0x1C200] =	vst v63  }
0x209: {  	v0 =	vld [tilespmem:s28+$0x4E0];
	_ =	sdelay $0x6  }
0x20a: {  	s30 =	simm.s32 $0xA200  }
0x20b: {  	[tilespmem:s30], [sflag:$0x1] =	stream.indirect_vreg.gather [hbm4b:s5+s21], $0x40, v0, vm0, $0xb8;
	[tilespmem:$0x1C200] =	vst v63  }
0x20c: {  	v0 =	vld [tilespmem:s28+$0x4F0];
	_ =	sdelay $0x6  }
0x20d: {  	s30 =	simm.s32 $0xA600  }
0x20e: {  	[tilespmem:s30], [sflag:$0x1] =	stream.indirect_vreg.gather [hbm4b:s5+s21], $0x40, v0, vm0, $0xb8;
	[tilespmem:$0x1C200] =	vst v63  }
0x20f: {  	v0 =	vld [tilespmem:s28+$0x500];
	_ =	sdelay $0x6  }
0x210: {  	s30 =	simm.s32 $0xAA00  }
0x211: {  	[tilespmem:s30], [sflag:$0x1] =	stream.indirect_vreg.gather [hbm4b:s5+s21], $0x40, v0, vm0, $0xb8;
	[tilespmem:$0x1C200] =	vst v63  }
0x212: {  	v0 =	vld [tilespmem:s28+$0x510];
	_ =	sdelay $0x6  }
0x213: {  	s30 =	simm.s32 $0xAE00  }
0x214: {  	[tilespmem:s30], [sflag:$0x1] =	stream.indirect_vreg.gather [hbm4b:s5+s21], $0x40, v0, vm0, $0xb8;
	[tilespmem:$0x1C200] =	vst v63  }
0x215: {  	v0 =	vld [tilespmem:s28+$0x520];
	_ =	sdelay $0x6  }
0x216: {  	s30 =	simm.s32 $0xB200  }
0x217: {  	[tilespmem:s30], [sflag:$0x1] =	stream.indirect_vreg.gather [hbm4b:s5+s21], $0x40, v0, vm0, $0xb8;
	[tilespmem:$0x1C200] =	vst v63  }
0x218: {  	v0 =	vld [tilespmem:s28+$0x530];
	_ =	sdelay $0x6  }
0x219: {  	s30 =	simm.s32 $0xB600  }
0x21a: {  	[tilespmem:s30], [sflag:$0x1] =	stream.indirect_vreg.gather [hbm4b:s5+s21], $0x40, v0, vm0, $0xb8;
	[tilespmem:$0x1C200] =	vst v63  }
0x21b: {  	v0 =	vld [tilespmem:s28+$0x540];
	_ =	sdelay $0x6  }
0x21c: {  	s30 =	simm.s32 $0xBA00  }
0x21d: {  	[tilespmem:s30], [sflag:$0x1] =	stream.indirect_vreg.gather [hbm4b:s5+s21], $0x40, v0, vm0, $0xb8;
	[tilespmem:$0x1C200] =	vst v63  }
0x21e: {  	v0 =	vld [tilespmem:s28+$0x550];
	_ =	sdelay $0x6  }
0x21f: {  	s30 =	simm.s32 $0xBE00  }
0x220: {  	[tilespmem:s30], [sflag:$0x1] =	stream.indirect_vreg.gather [hbm4b:s5+s21], $0x40, v0, vm0, $0xb8;
	[tilespmem:$0x1C200] =	vst v63  }
0x221: {  	v0 =	vld [tilespmem:s28+$0x560];
	_ =	sdelay $0x6  }
0x222: {  	s30 =	simm.s32 $0xC200  }
0x223: {  	[tilespmem:s30], [sflag:$0x1] =	stream.indirect_vreg.gather [hbm4b:s5+s21], $0x40, v0, vm0, $0xb8;
	[tilespmem:$0x1C200] =	vst v63  }
0x224: {  	v0 =	vld [tilespmem:s28+$0x570];
	_ =	sdelay $0x6  }
0x225: {  	s30 =	simm.s32 $0xC600  }
0x226: {  	[tilespmem:s30], [sflag:$0x1] =	stream.indirect_vreg.gather [hbm4b:s5+s21], $0x40, v0, vm0, $0xb8;
	[tilespmem:$0x1C200] =	vst v63  }
0x227: {  	v0 =	vld [tilespmem:s28+$0x580];
	_ =	sdelay $0x6  }
0x228: {  	s30 =	simm.s32 $0xCA00  }
0x229: {  	[tilespmem:s30], [sflag:$0x1] =	stream.indirect_vreg.gather [hbm4b:s5+s21], $0x40, v0, vm0, $0xb8;
	[tilespmem:$0x1C200] =	vst v63  }
0x22a: {  	v0 =	vld [tilespmem:s28+$0x590];
	_ =	sdelay $0x6  }
0x22b: {  	s30 =	simm.s32 $0xCE00  }
0x22c: {  	[tilespmem:s30], [sflag:$0x1] =	stream.indirect_vreg.gather [hbm4b:s5+s21], $0x40, v0, vm0, $0xb8;
	[tilespmem:$0x1C200] =	vst v63  }
0x22d: {  	v0 =	vld [tilespmem:s28+$0x5A0];
	_ =	sdelay $0x6  }
0x22e: {  	s30 =	simm.s32 $0xD200  }
0x22f: {  	[tilespmem:s30], [sflag:$0x1] =	stream.indirect_vreg.gather [hbm4b:s5+s21], $0x40, v0, vm0, $0xb8;
	[tilespmem:$0x1C200] =	vst v63  }
0x230: {  	v0 =	vld [tilespmem:s28+$0x5B0];
	_ =	sdelay $0x6  }
0x231: {  	s30 =	simm.s32 $0xD600  }
0x232: {  	[tilespmem:s30], [sflag:$0x1] =	stream.indirect_vreg.gather [hbm4b:s5+s21], $0x40, v0, vm0, $0xb8;
	[tilespmem:$0x1C200] =	vst v63  }
0x233: {  	v0 =	vld [tilespmem:s28+$0x5C0];
	_ =	sdelay $0x6  }
0x234: {  	s30 =	simm.s32 $0xDA00  }
0x235: {  	[tilespmem:s30], [sflag:$0x1] =	stream.indirect_vreg.gather [hbm4b:s5+s21], $0x40, v0, vm0, $0xb8;
	[tilespmem:$0x1C200] =	vst v63  }
0x236: {  	v0 =	vld [tilespmem:s28+$0x5D0];
	_ =	sdelay $0x6  }
0x237: {  	s30 =	simm.s32 $0xDE00  }
0x238: {  	[tilespmem:s30], [sflag:$0x1] =	stream.indirect_vreg.gather [hbm4b:s5+s21], $0x40, v0, vm0, $0xb8;
	[tilespmem:$0x1C200] =	vst v63  }
0x239: {  	v0 =	vld [tilespmem:s28+$0x5E0];
	_ =	sdelay $0x6  }
0x23a: {  	s30 =	simm.s32 $0xE200  }
0x23b: {  	[tilespmem:s30], [sflag:$0x1] =	stream.indirect_vreg.gather [hbm4b:s5+s21], $0x40, v0, vm0, $0xb8;
	[tilespmem:$0x1C200] =	vst v63  }
0x23c: {  	v0 =	vld [tilespmem:s28+$0x5F0];
	_ =	sdelay $0x6  }
0x23d: {  	s30 =	simm.s32 $0xE600  }
0x23e: {  	[tilespmem:s30], [sflag:$0x1] =	stream.indirect_vreg.gather [hbm4b:s5+s21], $0x40, v0, vm0, $0xb8;
	[tilespmem:$0x1C200] =	vst v63  }
0x23f: {  	v0 =	vld [tilespmem:s28+$0x600];
	_ =	sdelay $0x6  }
0x240: {  	s30 =	simm.s32 $0xEA00  }
0x241: {  	[tilespmem:s30], [sflag:$0x1] =	stream.indirect_vreg.gather [hbm4b:s5+s21], $0x40, v0, vm0, $0xb8;
	[tilespmem:$0x1C200] =	vst v63  }
0x242: {  	v0 =	vld [tilespmem:s28+$0x610];
	_ =	sdelay $0x6  }
0x243: {  	s30 =	simm.s32 $0xEE00  }
0x244: {  	[tilespmem:s30], [sflag:$0x1] =	stream.indirect_vreg.gather [hbm4b:s5+s21], $0x40, v0, vm0, $0xb8;
	[tilespmem:$0x1C200] =	vst v63  }
0x245: {  	v0 =	vld [tilespmem:s28+$0x620];
	_ =	sdelay $0x6  }
0x246: {  	s30 =	simm.s32 $0xF200  }
0x247: {  	[tilespmem:s30], [sflag:$0x1] =	stream.indirect_vreg.gather [hbm4b:s5+s21], $0x40, v0, vm0, $0xb8;
	[tilespmem:$0x1C200] =	vst v63  }
0x248: {  	v0 =	vld [tilespmem:s28+$0x630];
	_ =	sdelay $0x6  }
0x249: {  	s30 =	simm.s32 $0xF600  }
0x24a: {  	[tilespmem:s30], [sflag:$0x1] =	stream.indirect_vreg.gather [hbm4b:s5+s21], $0x40, v0, vm0, $0xb8;
	[tilespmem:$0x1C200] =	vst v63  }
0x24b: {  	_ =	swait.ge [sflag:s25], $0x6400  }
0x24c: {  	[sflag:s25] =	ssyncset.done $0x0  }
0x24d: {  	s21 =	simm.s32 $0x0;
	s30 =	simm.s32 $0x400;
	[sflag:s25] =	ssyncadd.s32 $0xFFFF9C00  }
.LBB2_11:
0x24e: {  	p0 =	sne.s32 s30, $0xC400;
	v0 =	vld [tilespmem:s21+$0x64F0]  }
0x24f: {  	v1 =	vld [tilespmem:s21+$0x6400]  }
0x250: {  	v2 =	vld [tilespmem:s21+$0x6410]  }
0x251: {  	v3 =	vld [tilespmem:s21+$0x6420]  }
0x252: {  	v4 =	vld [tilespmem:s21+$0x6430]  }
0x253: {  	[tilespmem:s21+$0x15EF0] =	vst.add.f32.msk $0xffff, v0  }
0x254: {  	v0 =	vld [tilespmem:s21+$0x6440]  }
0x255: {  	v5 =	vld [tilespmem:s21+$0x6450]  }
0x256: {  	v6 =	vld [tilespmem:s21+$0x6460]  }
0x257: {  	v7 =	vld [tilespmem:s21+$0x6470]  }
0x258: {  	v8 =	vld [tilespmem:s21+$0x6480]  }
0x259: {  	v9 =	vld [tilespmem:s21+$0x6490]  }
0x25a: {  	v10 =	vld [tilespmem:s21+$0x64A0]  }
0x25b: {  	v11 =	vld [tilespmem:s21+$0x64B0]  }
0x25c: {  	v12 =	vld [tilespmem:s21+$0x64C0]  }
0x25d: {  	v13 =	vld [tilespmem:s21+$0x64D0]  }
0x25e: {  	v14 =	vld [tilespmem:s21+$0x64E0]  }
0x25f: {  	[tilespmem:s21+$0x15E00] =	vst.add.f32.msk $0xffff, v1  }
0x260: {  	[tilespmem:s21+$0x15E10] =	vst.add.f32.msk $0xffff, v2  }
0x261: {  	[tilespmem:s21+$0x15E20] =	vst.add.f32.msk $0xffff, v3  }
0x262: {  	[tilespmem:s21+$0x15E30] =	vst.add.f32.msk $0xffff, v4  }
0x263: {  	[tilespmem:s21+$0x15E40] =	vst.add.f32.msk $0xffff, v0  }
0x264: {  	[tilespmem:s21+$0x15E50] =	vst.add.f32.msk $0xffff, v5  }
0x265: {  	[tilespmem:s21+$0x15E60] =	vst.add.f32.msk $0xffff, v6  }
0x266: {  	[tilespmem:s21+$0x15E70] =	vst.add.f32.msk $0xffff, v7  }
0x267: {  	[tilespmem:s21+$0x15E80] =	vst.add.f32.msk $0xffff, v8  }
0x268: {  	[tilespmem:s21+$0x15E90] =	vst.add.f32.msk $0xffff, v9  }
.Ltmp4:
0x269: {  	[tilespmem:s21+$0x15EA0] =	vst.add.f32.msk $0xffff, v10;
	(pc) =	sbr.rel @p0 .LBB2_11-.Ltmp4, $4  }
0x26a: {  	[tilespmem:s21+$0x15EB0] =	vst.add.f32.msk $0xffff, v11  }
0x26b: {  	[tilespmem:s21+$0x15EC0] =	vst.add.f32.msk $0xffff, v12  }
0x26c: {  	[tilespmem:s21+$0x15ED0] =	vst.add.f32.msk $0xffff, v13  }
0x26d: {  	[tilespmem:s21+$0x15EE0] =	vst.add.f32.msk $0xffff, v14;
	s21 =	sshra.s32 s30, $0x2;
	s30 =	sadd.s32 $0x400, s30  }
0x26e: {  	v0 =	vld [tilespmem:s21+$0x64F0]  }
0x26f: {  	v1 =	vld [tilespmem:s21+$0x6400]  }
0x270: {  	v2 =	vld [tilespmem:s21+$0x6410]  }
0x271: {  	v3 =	vld [tilespmem:s21+$0x6420]  }
0x272: {  	v4 =	vld [tilespmem:s21+$0x6430]  }
0x273: {  	v63 =	vld [tilespmem:s21+$0x6440]  }
0x274: {  	v5 =	vld [tilespmem:s21+$0x6450]  }
0x275: {  	v6 =	vld [tilespmem:s21+$0x6460]  }
0x276: {  	v7 =	vld [tilespmem:s21+$0x6470]  }
0x277: {  	v8 =	vld [tilespmem:s21+$0x6480]  }
0x278: {  	v9 =	vld [tilespmem:s21+$0x6490]  }
0x279: {  	v10 =	vld [tilespmem:s21+$0x64A0]  }
0x27a: {  	v11 =	vld [tilespmem:s21+$0x64B0]  }
0x27b: {  	v12 =	vld [tilespmem:s21+$0x64C0]  }
0x27c: {  	v13 =	vld [tilespmem:s21+$0x64D0]  }
0x27d: {  	v14 =	vld [tilespmem:s21+$0x64E0]  }
0x27e: {  	[tilespmem:s21+$0x15EF0] =	vst.add.f32.msk $0xffff, v0  }
0x27f: {  	[tilespmem:s21+$0x15E00] =	vst.add.f32.msk $0xffff, v1  }
0x280: {  	[tilespmem:s21+$0x15E10] =	vst.add.f32.msk $0xffff, v2  }
0x281: {  	[tilespmem:s21+$0x15E20] =	vst.add.f32.msk $0xffff, v3  }
0x282: {  	[tilespmem:s21+$0x15E30] =	vst.add.f32.msk $0xffff, v4  }
0x283: {  	[tilespmem:s21+$0x15E40] =	vst.add.f32.msk $0xffff, v63  }
0x284: {  	[tilespmem:s21+$0x15E50] =	vst.add.f32.msk $0xffff, v5  }
0x285: {  	[tilespmem:s21+$0x15E60] =	vst.add.f32.msk $0xffff, v6  }
0x286: {  	[tilespmem:s21+$0x15E70] =	vst.add.f32.msk $0xffff, v7  }
0x287: {  	[tilespmem:s21+$0x15E80] =	vst.add.f32.msk $0xffff, v8  }
0x288: {  	[tilespmem:s21+$0x15E90] =	vst.add.f32.msk $0xffff, v9  }
0x289: {  	[tilespmem:s21+$0x15EA0] =	vst.add.f32.msk $0xffff, v10  }
0x28a: {  	[tilespmem:s21+$0x15EB0] =	vst.add.f32.msk $0xffff, v11  }
0x28b: {  	[tilespmem:s21+$0x15EC0] =	vst.add.f32.msk $0xffff, v12  }
0x28c: {  	[tilespmem:s21+$0x15ED0] =	vst.add.f32.msk $0xffff, v13  }
0x28d: {  	s30 =	simm.s32 $0x400;
	[tilespmem:s21+$0x15EE0] =	vst.add.f32.msk $0xffff, v14;
	s21 =	simm.s32 $0x0  }
.LBB2_13:
0x28e: {  	p0 =	sne.s32 s30, $0xC400;
	v0 =	vld [tilespmem:s21+$0x64F0]  }
0x28f: {  	v1 =	vld [tilespmem:s21+$0x6400]  }
0x290: {  	v2 =	vld [tilespmem:s21+$0x6410]  }
0x291: {  	v3 =	vld [tilespmem:s21+$0x6420]  }
0x292: {  	v4 =	vld [tilespmem:s21+$0x6430]  }
0x293: {  	[tilespmem:s21+$0x190F0] =	vst.add.f32.msk $0xffff, v0  }
0x294: {  	v0 =	vld [tilespmem:s21+$0x6440]  }
0x295: {  	v5 =	vld [tilespmem:s21+$0x6450]  }
0x296: {  	v6 =	vld [tilespmem:s21+$0x6460]  }
0x297: {  	v7 =	vld [tilespmem:s21+$0x6470]  }
0x298: {  	v8 =	vld [tilespmem:s21+$0x6480]  }
0x299: {  	v9 =	vld [tilespmem:s21+$0x6490]  }
0x29a: {  	v10 =	vld [tilespmem:s21+$0x64A0]  }
0x29b: {  	v11 =	vld [tilespmem:s21+$0x64B0]  }
0x29c: {  	v12 =	vld [tilespmem:s21+$0x64C0]  }
0x29d: {  	v13 =	vld [tilespmem:s21+$0x64D0]  }
0x29e: {  	v14 =	vld [tilespmem:s21+$0x64E0]  }
0x29f: {  	[tilespmem:s21+$0x19000] =	vst.add.f32.msk $0xffff, v1  }
0x2a0: {  	[tilespmem:s21+$0x19010] =	vst.add.f32.msk $0xffff, v2  }
0x2a1: {  	[tilespmem:s21+$0x19020] =	vst.add.f32.msk $0xffff, v3  }
0x2a2: {  	[tilespmem:s21+$0x19030] =	vst.add.f32.msk $0xffff, v4  }
0x2a3: {  	[tilespmem:s21+$0x19040] =	vst.add.f32.msk $0xffff, v0  }
0x2a4: {  	[tilespmem:s21+$0x19050] =	vst.add.f32.msk $0xffff, v5  }
0x2a5: {  	[tilespmem:s21+$0x19060] =	vst.add.f32.msk $0xffff, v6  }
0x2a6: {  	[tilespmem:s21+$0x19070] =	vst.add.f32.msk $0xffff, v7  }
0x2a7: {  	[tilespmem:s21+$0x19080] =	vst.add.f32.msk $0xffff, v8  }
0x2a8: {  	[tilespmem:s21+$0x19090] =	vst.add.f32.msk $0xffff, v9  }
.Ltmp5:
0x2a9: {  	[tilespmem:s21+$0x190A0] =	vst.add.f32.msk $0xffff, v10;
	(pc) =	sbr.rel @p0 .LBB2_13-.Ltmp5, $4  }
0x2aa: {  	[tilespmem:s21+$0x190B0] =	vst.add.f32.msk $0xffff, v11  }
0x2ab: {  	[tilespmem:s21+$0x190C0] =	vst.add.f32.msk $0xffff, v12  }
0x2ac: {  	[tilespmem:s21+$0x190D0] =	vst.add.f32.msk $0xffff, v13  }
0x2ad: {  	[tilespmem:s21+$0x190E0] =	vst.add.f32.msk $0xffff, v14;
	s21 =	sshra.s32 s30, $0x2;
	s30 =	sadd.s32 $0x400, s30  }
0x2ae: {  	v0 =	vld [tilespmem:s21+$0x64F0]  }
0x2af: {  	v1 =	vld [tilespmem:s21+$0x6400]  }
0x2b0: {  	v2 =	vld [tilespmem:s21+$0x6410]  }
0x2b1: {  	v3 =	vld [tilespmem:s21+$0x6420]  }
0x2b2: {  	v4 =	vld [tilespmem:s21+$0x6430]  }
0x2b3: {  	v63 =	vld [tilespmem:s21+$0x6440]  }
0x2b4: {  	v5 =	vld [tilespmem:s21+$0x6450]  }
0x2b5: {  	v6 =	vld [tilespmem:s21+$0x6460]  }
0x2b6: {  	v7 =	vld [tilespmem:s21+$0x6470]  }
0x2b7: {  	v8 =	vld [tilespmem:s21+$0x6480]  }
0x2b8: {  	v9 =	vld [tilespmem:s21+$0x6490]  }
0x2b9: {  	v10 =	vld [tilespmem:s21+$0x64A0]  }
0x2ba: {  	v11 =	vld [tilespmem:s21+$0x64B0]  }
0x2bb: {  	v12 =	vld [tilespmem:s21+$0x64C0]  }
0x2bc: {  	v13 =	vld [tilespmem:s21+$0x64D0]  }
0x2bd: {  	v14 =	vld [tilespmem:s21+$0x64E0]  }
0x2be: {  	[tilespmem:s21+$0x190F0] =	vst.add.f32.msk $0xffff, v0  }
0x2bf: {  	[tilespmem:s21+$0x19000] =	vst.add.f32.msk $0xffff, v1  }
0x2c0: {  	[tilespmem:s21+$0x19010] =	vst.add.f32.msk $0xffff, v2  }
0x2c1: {  	[tilespmem:s21+$0x19020] =	vst.add.f32.msk $0xffff, v3  }
0x2c2: {  	[tilespmem:s21+$0x19030] =	vst.add.f32.msk $0xffff, v4  }
0x2c3: {  	[tilespmem:s21+$0x19040] =	vst.add.f32.msk $0xffff, v63  }
0x2c4: {  	[tilespmem:s21+$0x19050] =	vst.add.f32.msk $0xffff, v5  }
0x2c5: {  	[tilespmem:s21+$0x19060] =	vst.add.f32.msk $0xffff, v6  }
0x2c6: {  	[tilespmem:s21+$0x19070] =	vst.add.f32.msk $0xffff, v7  }
0x2c7: {  	[tilespmem:s21+$0x19080] =	vst.add.f32.msk $0xffff, v8  }
0x2c8: {  	[tilespmem:s21+$0x19090] =	vst.add.f32.msk $0xffff, v9  }
0x2c9: {  	p0 =	seq.s32 s26, $0x14;
	[tilespmem:s21+$0x190A0] =	vst.add.f32.msk $0xffff, v10  }
.Ltmp6:
0x2ca: {  	s29 =	sadd.s32 s3, s29;
	[tilespmem:s21+$0x190B0] =	vst.add.f32.msk $0xffff, v11;
	(pc) =	sbr.rel @p0 .LBB2_16-.Ltmp6, $4  }
0x2cb: {  	s29 =	sshll.u32 s29, $0x4;
	[tilespmem:s21+$0x190C0] =	vst.add.f32.msk $0xffff, v12  }
0x2cc: {  	s29 =	sand.u32 $0x1FFFFF00, s29;
	[tilespmem:s21+$0x190D0] =	vst.add.f32.msk $0xffff, v13  }
0x2cd: {  	s30 =	sadd.s32 s2, s29;
	[tilespmem:s21+$0x190E0] =	vst.add.f32.msk $0xffff, v14  }
0x2ce: {  	[hbm4b:s30+s15] =	stream.strided.scatter [tilespmem:s17], [sflag:$0x6], $0x6400, s20, s15, $0x38;
	[tilespmem:$0x1C200] =	vst v63  }
0x2cf: {  	_ =	swait.ge [sflag:s10], $0x6400  }
0x2d0: {  	[sflag:s10] =	ssyncset.done $0x0  }
0x2d1: {  	[sflag:s10] =	ssyncadd.s32 $0xFFFF9C00  }
0x2d2: {  	v0 =	vld [tilespmem:s28+$0x640];
	_ =	sdelay $0x7  }
0x2d3: {  	[tilespmem:s11], [sflag:$0x2] =	stream.indirect_vreg.gather [hbm4b:s5+s4], $0x40, v0, vm0, $0xb8;
	[tilespmem:$0x1C200] =	vst v63  }
0x2d4: {  	v0 =	vld [tilespmem:s28+$0x650];
	_ =	sdelay $0x6  }
0x2d5: {  	s21 =	simm.s32 $0xFE00  }
0x2d6: {  	[tilespmem:s21], [sflag:$0x2] =	stream.indirect_vreg.gather [hbm4b:s5+s4], $0x40, v0, vm0, $0xb8;
	[tilespmem:$0x1C200] =	vst v63  }
0x2d7: {  	v0 =	vld [tilespmem:s28+$0x660];
	_ =	sdelay $0x6  }
0x2d8: {  	s30 =	simm.s32 $0x10200  }
0x2d9: {  	[tilespmem:s30], [sflag:$0x2] =	stream.indirect_vreg.gather [hbm4b:s5+s4], $0x40, v0, vm0, $0xb8;
	[tilespmem:$0x1C200] =	vst v63  }
0x2da: {  	v0 =	vld [tilespmem:s28+$0x670];
	_ =	sdelay $0x6  }
0x2db: {  	s29 =	simm.s32 $0x10600  }
0x2dc: {  	[tilespmem:s29], [sflag:$0x2] =	stream.indirect_vreg.gather [hbm4b:s5+s4], $0x40, v0, vm0, $0xb8;
	[tilespmem:$0x1C200] =	vst v63  }
0x2dd: {  	v0 =	vld [tilespmem:s28+$0x680];
	_ =	sdelay $0x6  }
0x2de: {  	s30 =	simm.s32 $0x10A00  }
0x2df: {  	[tilespmem:s30], [sflag:$0x2] =	stream.indirect_vreg.gather [hbm4b:s5+s4], $0x40, v0, vm0, $0xb8;
	[tilespmem:$0x1C200] =	vst v63  }
0x2e0: {  	v0 =	vld [tilespmem:s28+$0x690];
	_ =	sdelay $0x6  }
0x2e1: {  	s29 =	simm.s32 $0x10E00  }
0x2e2: {  	[tilespmem:s29], [sflag:$0x2] =	stream.indirect_vreg.gather [hbm4b:s5+s4], $0x40, v0, vm0, $0xb8;
	[tilespmem:$0x1C200] =	vst v63  }
0x2e3: {  	v0 =	vld [tilespmem:s28+$0x6A0];
	_ =	sdelay $0x6  }
0x2e4: {  	s30 =	simm.s32 $0x11200  }
0x2e5: {  	[tilespmem:s30], [sflag:$0x2] =	stream.indirect_vreg.gather [hbm4b:s5+s4], $0x40, v0, vm0, $0xb8;
	[tilespmem:$0x1C200] =	vst v63  }
0x2e6: {  	v0 =	vld [tilespmem:s28+$0x6B0];
	_ =	sdelay $0x6  }
0x2e7: {  	s29 =	simm.s32 $0x11600  }
0x2e8: {  	[tilespmem:s29], [sflag:$0x2] =	stream.indirect_vreg.gather [hbm4b:s5+s4], $0x40, v0, vm0, $0xb8;
	[tilespmem:$0x1C200] =	vst v63  }
0x2e9: {  	v0 =	vld [tilespmem:s28+$0x6C0];
	_ =	sdelay $0x6  }
0x2ea: {  	s30 =	simm.s32 $0x11A00  }
0x2eb: {  	[tilespmem:s30], [sflag:$0x2] =	stream.indirect_vreg.gather [hbm4b:s5+s4], $0x40, v0, vm0, $0xb8;
	[tilespmem:$0x1C200] =	vst v63  }
0x2ec: {  	v0 =	vld [tilespmem:s28+$0x6D0];
	_ =	sdelay $0x6  }
0x2ed: {  	s29 =	simm.s32 $0x11E00  }
0x2ee: {  	[tilespmem:s29], [sflag:$0x2] =	stream.indirect_vreg.gather [hbm4b:s5+s4], $0x40, v0, vm0, $0xb8;
	[tilespmem:$0x1C200] =	vst v63  }
0x2ef: {  	v0 =	vld [tilespmem:s28+$0x6E0];
	_ =	sdelay $0x6  }
0x2f0: {  	s30 =	simm.s32 $0x12200  }
0x2f1: {  	[tilespmem:s30], [sflag:$0x2] =	stream.indirect_vreg.gather [hbm4b:s5+s4], $0x40, v0, vm0, $0xb8;
	[tilespmem:$0x1C200] =	vst v63  }
0x2f2: {  	v0 =	vld [tilespmem:s28+$0x6F0];
	_ =	sdelay $0x6  }
0x2f3: {  	s29 =	simm.s32 $0x12600  }
0x2f4: {  	[tilespmem:s29], [sflag:$0x2] =	stream.indirect_vreg.gather [hbm4b:s5+s4], $0x40, v0, vm0, $0xb8;
	[tilespmem:$0x1C200] =	vst v63  }
0x2f5: {  	v0 =	vld [tilespmem:s28+$0x700];
	_ =	sdelay $0x6  }
0x2f6: {  	s30 =	simm.s32 $0x12A00  }
0x2f7: {  	[tilespmem:s30], [sflag:$0x2] =	stream.indirect_vreg.gather [hbm4b:s5+s4], $0x40, v0, vm0, $0xb8;
	[tilespmem:$0x1C200] =	vst v63  }
0x2f8: {  	v0 =	vld [tilespmem:s28+$0x710];
	_ =	sdelay $0x6  }
0x2f9: {  	s29 =	simm.s32 $0x12E00  }
0x2fa: {  	[tilespmem:s29], [sflag:$0x2] =	stream.indirect_vreg.gather [hbm4b:s5+s4], $0x40, v0, vm0, $0xb8;
	[tilespmem:$0x1C200] =	vst v63  }
0x2fb: {  	v0 =	vld [tilespmem:s28+$0x720];
	_ =	sdelay $0x6  }
0x2fc: {  	s30 =	simm.s32 $0x13200  }
0x2fd: {  	[tilespmem:s30], [sflag:$0x2] =	stream.indirect_vreg.gather [hbm4b:s5+s4], $0x40, v0, vm0, $0xb8;
	[tilespmem:$0x1C200] =	vst v63  }
0x2fe: {  	v0 =	vld [tilespmem:s28+$0x730];
	_ =	sdelay $0x6  }
0x2ff: {  	s29 =	simm.s32 $0x13600  }
0x300: {  	[tilespmem:s29], [sflag:$0x2] =	stream.indirect_vreg.gather [hbm4b:s5+s4], $0x40, v0, vm0, $0xb8;
	[tilespmem:$0x1C200] =	vst v63  }
0x301: {  	v0 =	vld [tilespmem:s28+$0x740];
	_ =	sdelay $0x6  }
0x302: {  	s30 =	simm.s32 $0x13A00  }
0x303: {  	[tilespmem:s30], [sflag:$0x2] =	stream.indirect_vreg.gather [hbm4b:s5+s4], $0x40, v0, vm0, $0xb8;
	[tilespmem:$0x1C200] =	vst v63  }
0x304: {  	v0 =	vld [tilespmem:s28+$0x750];
	_ =	sdelay $0x6  }
0x305: {  	s29 =	simm.s32 $0x13E00  }
0x306: {  	[tilespmem:s29], [sflag:$0x2] =	stream.indirect_vreg.gather [hbm4b:s5+s4], $0x40, v0, vm0, $0xb8;
	[tilespmem:$0x1C200] =	vst v63  }
0x307: {  	v0 =	vld [tilespmem:s28+$0x760];
	_ =	sdelay $0x6  }
0x308: {  	s30 =	simm.s32 $0x14200  }
0x309: {  	[tilespmem:s30], [sflag:$0x2] =	stream.indirect_vreg.gather [hbm4b:s5+s4], $0x40, v0, vm0, $0xb8;
	[tilespmem:$0x1C200] =	vst v63  }
0x30a: {  	v0 =	vld [tilespmem:s28+$0x770];
	_ =	sdelay $0x6  }
0x30b: {  	s29 =	simm.s32 $0x14600  }
0x30c: {  	[tilespmem:s29], [sflag:$0x2] =	stream.indirect_vreg.gather [hbm4b:s5+s4], $0x40, v0, vm0, $0xb8;
	[tilespmem:$0x1C200] =	vst v63  }
0x30d: {  	v0 =	vld [tilespmem:s28+$0x780];
	_ =	sdelay $0x6  }
0x30e: {  	s30 =	simm.s32 $0x14A00  }
0x30f: {  	[tilespmem:s30], [sflag:$0x2] =	stream.indirect_vreg.gather [hbm4b:s5+s4], $0x40, v0, vm0, $0xb8;
	[tilespmem:$0x1C200] =	vst v63  }
0x310: {  	v0 =	vld [tilespmem:s28+$0x790];
	_ =	sdelay $0x6  }
0x311: {  	s29 =	simm.s32 $0x14E00  }
0x312: {  	[tilespmem:s29], [sflag:$0x2] =	stream.indirect_vreg.gather [hbm4b:s5+s4], $0x40, v0, vm0, $0xb8;
	[tilespmem:$0x1C200] =	vst v63  }
0x313: {  	v0 =	vld [tilespmem:s28+$0x7A0];
	_ =	sdelay $0x6  }
0x314: {  	s30 =	simm.s32 $0x15200  }
0x315: {  	[tilespmem:s30], [sflag:$0x2] =	stream.indirect_vreg.gather [hbm4b:s5+s4], $0x40, v0, vm0, $0xb8;
	[tilespmem:$0x1C200] =	vst v63  }
0x316: {  	v0 =	vld [tilespmem:s28+$0x7B0];
	_ =	sdelay $0x6  }
0x317: {  	s29 =	simm.s32 $0x15600  }
0x318: {  	[tilespmem:s29], [sflag:$0x2] =	stream.indirect_vreg.gather [hbm4b:s5+s4], $0x40, v0, vm0, $0xb8;
	[tilespmem:$0x1C200] =	vst v63  }
0x319: {  	v0 =	vld [tilespmem:s28+$0x7C0];
	_ =	sdelay $0x3  }
.Ltmp7:
0x31a: {  	_ = 	snop;
	(pc) =	sbr.rel .LBB2_2-.Ltmp7, $3  }
0x31b: {  	_ =	sdelay $0x1  }
0x31c: {  	s26 =	sadd.s32 $0x1, s26;
	s30 =	simm.s32 $0x15A00  }
0x31d: {  	[tilespmem:s30], [sflag:$0x2] =	stream.indirect_vreg.gather [hbm4b:s5+s4], $0x40, v0, vm0, $0xb8;
	[tilespmem:$0x1C200] =	vst v63  }
.LBB2_16:
0x31e: {  	_ =	swait.ge [sflag:s19], $0x6400  }
0x31f: {  	[sflag:s19] =	ssyncset.done $0x0  }
0x320: {  	s21 =	simm.s32 $0x0;
	s26 =	simm.s32 $0x400;
	[sflag:s19] =	ssyncadd.s32 $0xFFFF9C00  }
.LBB2_17:
0x321: {  	p0 =	sne.s32 s26, $0xC400;
	v0 =	vld [tilespmem:s21+$0x64F0]  }
0x322: {  	v1 =	vld [tilespmem:s21+$0x6400]  }
0x323: {  	v2 =	vld [tilespmem:s21+$0x6410]  }
0x324: {  	v3 =	vld [tilespmem:s21+$0x6420]  }
0x325: {  	v4 =	vld [tilespmem:s21+$0x6430]  }
0x326: {  	[tilespmem:s21+$0x96F0] =	vst.add.f32.msk $0xffff, v0  }
0x327: {  	v0 =	vld [tilespmem:s21+$0x6440]  }
0x328: {  	v5 =	vld [tilespmem:s21+$0x6450]  }
0x329: {  	v6 =	vld [tilespmem:s21+$0x6460]  }
0x32a: {  	v7 =	vld [tilespmem:s21+$0x6470]  }
0x32b: {  	v8 =	vld [tilespmem:s21+$0x6480]  }
0x32c: {  	v9 =	vld [tilespmem:s21+$0x6490]  }
0x32d: {  	v10 =	vld [tilespmem:s21+$0x64A0]  }
0x32e: {  	v11 =	vld [tilespmem:s21+$0x64B0]  }
0x32f: {  	v12 =	vld [tilespmem:s21+$0x64C0]  }
0x330: {  	v13 =	vld [tilespmem:s21+$0x64D0]  }
0x331: {  	v14 =	vld [tilespmem:s21+$0x64E0]  }
0x332: {  	[tilespmem:s21+$0x9600] =	vst.add.f32.msk $0xffff, v1  }
0x333: {  	[tilespmem:s21+$0x9610] =	vst.add.f32.msk $0xffff, v2  }
0x334: {  	[tilespmem:s21+$0x9620] =	vst.add.f32.msk $0xffff, v3  }
0x335: {  	[tilespmem:s21+$0x9630] =	vst.add.f32.msk $0xffff, v4  }
0x336: {  	[tilespmem:s21+$0x9640] =	vst.add.f32.msk $0xffff, v0  }
0x337: {  	[tilespmem:s21+$0x9650] =	vst.add.f32.msk $0xffff, v5  }
0x338: {  	[tilespmem:s21+$0x9660] =	vst.add.f32.msk $0xffff, v6  }
0x339: {  	[tilespmem:s21+$0x9670] =	vst.add.f32.msk $0xffff, v7  }
0x33a: {  	[tilespmem:s21+$0x9680] =	vst.add.f32.msk $0xffff, v8  }
0x33b: {  	[tilespmem:s21+$0x9690] =	vst.add.f32.msk $0xffff, v9  }
.Ltmp8:
0x33c: {  	[tilespmem:s21+$0x96A0] =	vst.add.f32.msk $0xffff, v10;
	(pc) =	sbr.rel @p0 .LBB2_17-.Ltmp8, $4  }
0x33d: {  	[tilespmem:s21+$0x96B0] =	vst.add.f32.msk $0xffff, v11  }
0x33e: {  	[tilespmem:s21+$0x96C0] =	vst.add.f32.msk $0xffff, v12  }
0x33f: {  	[tilespmem:s21+$0x96D0] =	vst.add.f32.msk $0xffff, v13  }
0x340: {  	[tilespmem:s21+$0x96E0] =	vst.add.f32.msk $0xffff, v14;
	s21 =	sshra.s32 s26, $0x2;
	s26 =	sadd.s32 $0x400, s26  }
0x341: {  	v0 =	vld [tilespmem:s21+$0x64F0]  }
0x342: {  	v1 =	vld [tilespmem:s21+$0x6400]  }
0x343: {  	v2 =	vld [tilespmem:s21+$0x6410]  }
0x344: {  	v3 =	vld [tilespmem:s21+$0x6420]  }
0x345: {  	v4 =	vld [tilespmem:s21+$0x6430]  }
0x346: {  	v63 =	vld [tilespmem:s21+$0x6440]  }
0x347: {  	v5 =	vld [tilespmem:s21+$0x6450]  }
0x348: {  	v6 =	vld [tilespmem:s21+$0x6460]  }
0x349: {  	v7 =	vld [tilespmem:s21+$0x6470]  }
0x34a: {  	v8 =	vld [tilespmem:s21+$0x6480]  }
0x34b: {  	v9 =	vld [tilespmem:s21+$0x6490]  }
0x34c: {  	v10 =	vld [tilespmem:s21+$0x64A0]  }
0x34d: {  	v11 =	vld [tilespmem:s21+$0x64B0]  }
0x34e: {  	v12 =	vld [tilespmem:s21+$0x64C0]  }
0x34f: {  	v13 =	vld [tilespmem:s21+$0x64D0]  }
0x350: {  	v14 =	vld [tilespmem:s21+$0x64E0]  }
0x351: {  	[tilespmem:s21+$0x96F0] =	vst.add.f32.msk $0xffff, v0  }
0x352: {  	[tilespmem:s21+$0x9600] =	vst.add.f32.msk $0xffff, v1  }
0x353: {  	[tilespmem:s21+$0x9610] =	vst.add.f32.msk $0xffff, v2  }
0x354: {  	[tilespmem:s21+$0x9620] =	vst.add.f32.msk $0xffff, v3  }
0x355: {  	[tilespmem:s21+$0x9630] =	vst.add.f32.msk $0xffff, v4  }
0x356: {  	[tilespmem:s21+$0x9640] =	vst.add.f32.msk $0xffff, v63  }
0x357: {  	[tilespmem:s21+$0x9650] =	vst.add.f32.msk $0xffff, v5  }
0x358: {  	[tilespmem:s21+$0x9660] =	vst.add.f32.msk $0xffff, v6  }
0x359: {  	[tilespmem:s21+$0x9670] =	vst.add.f32.msk $0xffff, v7  }
0x35a: {  	[tilespmem:s21+$0x9680] =	vst.add.f32.msk $0xffff, v8  }
0x35b: {  	[tilespmem:s21+$0x9690] =	vst.add.f32.msk $0xffff, v9  }
0x35c: {  	[tilespmem:s21+$0x96A0] =	vst.add.f32.msk $0xffff, v10  }
0x35d: {  	[tilespmem:s21+$0x96B0] =	vst.add.f32.msk $0xffff, v11  }
0x35e: {  	[tilespmem:s21+$0x96C0] =	vst.add.f32.msk $0xffff, v12  }
0x35f: {  	[tilespmem:s21+$0x96D0] =	vst.add.f32.msk $0xffff, v13  }
0x360: {  	s26 =	simm.s32 $0x400;
	[tilespmem:s21+$0x96E0] =	vst.add.f32.msk $0xffff, v14;
	s21 =	simm.s32 $0x0  }
.LBB2_19:
0x361: {  	p0 =	sne.s32 s26, $0xC400;
	v0 =	vld [tilespmem:s21+$0x64F0]  }
0x362: {  	v1 =	vld [tilespmem:s21+$0x6400]  }
0x363: {  	v2 =	vld [tilespmem:s21+$0x6410]  }
0x364: {  	v3 =	vld [tilespmem:s21+$0x6420]  }
0x365: {  	v4 =	vld [tilespmem:s21+$0x6430]  }
0x366: {  	[tilespmem:s21+$0xC8F0] =	vst.add.f32.msk $0xffff, v0  }
0x367: {  	v0 =	vld [tilespmem:s21+$0x6440]  }
0x368: {  	v5 =	vld [tilespmem:s21+$0x6450]  }
0x369: {  	v6 =	vld [tilespmem:s21+$0x6460]  }
0x36a: {  	v7 =	vld [tilespmem:s21+$0x6470]  }
0x36b: {  	v8 =	vld [tilespmem:s21+$0x6480]  }
0x36c: {  	v9 =	vld [tilespmem:s21+$0x6490]  }
0x36d: {  	v10 =	vld [tilespmem:s21+$0x64A0]  }
0x36e: {  	v11 =	vld [tilespmem:s21+$0x64B0]  }
0x36f: {  	v12 =	vld [tilespmem:s21+$0x64C0]  }
0x370: {  	v13 =	vld [tilespmem:s21+$0x64D0]  }
0x371: {  	v14 =	vld [tilespmem:s21+$0x64E0]  }
0x372: {  	[tilespmem:s21+$0xC800] =	vst.add.f32.msk $0xffff, v1  }
0x373: {  	[tilespmem:s21+$0xC810] =	vst.add.f32.msk $0xffff, v2  }
0x374: {  	[tilespmem:s21+$0xC820] =	vst.add.f32.msk $0xffff, v3  }
0x375: {  	[tilespmem:s21+$0xC830] =	vst.add.f32.msk $0xffff, v4  }
0x376: {  	[tilespmem:s21+$0xC840] =	vst.add.f32.msk $0xffff, v0  }
0x377: {  	[tilespmem:s21+$0xC850] =	vst.add.f32.msk $0xffff, v5  }
0x378: {  	[tilespmem:s21+$0xC860] =	vst.add.f32.msk $0xffff, v6  }
0x379: {  	[tilespmem:s21+$0xC870] =	vst.add.f32.msk $0xffff, v7  }
0x37a: {  	[tilespmem:s21+$0xC880] =	vst.add.f32.msk $0xffff, v8  }
0x37b: {  	[tilespmem:s21+$0xC890] =	vst.add.f32.msk $0xffff, v9  }
.Ltmp9:
0x37c: {  	[tilespmem:s21+$0xC8A0] =	vst.add.f32.msk $0xffff, v10;
	(pc) =	sbr.rel @p0 .LBB2_19-.Ltmp9, $4  }
0x37d: {  	[tilespmem:s21+$0xC8B0] =	vst.add.f32.msk $0xffff, v11  }
0x37e: {  	[tilespmem:s21+$0xC8C0] =	vst.add.f32.msk $0xffff, v12  }
0x37f: {  	[tilespmem:s21+$0xC8D0] =	vst.add.f32.msk $0xffff, v13  }
0x380: {  	[tilespmem:s21+$0xC8E0] =	vst.add.f32.msk $0xffff, v14;
	s21 =	sshra.s32 s26, $0x2;
	s26 =	sadd.s32 $0x400, s26  }
0x381: {  	v0 =	vld [tilespmem:s21+$0x64F0]  }
0x382: {  	v1 =	vld [tilespmem:s21+$0x6400]  }
0x383: {  	v2 =	vld [tilespmem:s21+$0x6410]  }
0x384: {  	v3 =	vld [tilespmem:s21+$0x6420]  }
0x385: {  	v4 =	vld [tilespmem:s21+$0x6430]  }
0x386: {  	v63 =	vld [tilespmem:s21+$0x6440]  }
0x387: {  	v5 =	vld [tilespmem:s21+$0x6450]  }
0x388: {  	v6 =	vld [tilespmem:s21+$0x6460]  }
0x389: {  	v7 =	vld [tilespmem:s21+$0x6470]  }
0x38a: {  	v8 =	vld [tilespmem:s21+$0x6480]  }
0x38b: {  	v9 =	vld [tilespmem:s21+$0x6490]  }
0x38c: {  	v10 =	vld [tilespmem:s21+$0x64A0]  }
0x38d: {  	v11 =	vld [tilespmem:s21+$0x64B0]  }
0x38e: {  	v12 =	vld [tilespmem:s21+$0x64C0]  }
0x38f: {  	v13 =	vld [tilespmem:s21+$0x64D0]  }
0x390: {  	v14 =	vld [tilespmem:s21+$0x64E0]  }
0x391: {  	[tilespmem:s21+$0xC8F0] =	vst.add.f32.msk $0xffff, v0  }
0x392: {  	[tilespmem:s21+$0xC800] =	vst.add.f32.msk $0xffff, v1  }
0x393: {  	[tilespmem:s21+$0xC810] =	vst.add.f32.msk $0xffff, v2  }
0x394: {  	[tilespmem:s21+$0xC820] =	vst.add.f32.msk $0xffff, v3  }
0x395: {  	[tilespmem:s21+$0xC830] =	vst.add.f32.msk $0xffff, v4  }
0x396: {  	[tilespmem:s21+$0xC840] =	vst.add.f32.msk $0xffff, v63  }
0x397: {  	[tilespmem:s21+$0xC850] =	vst.add.f32.msk $0xffff, v5  }
0x398: {  	[tilespmem:s21+$0xC860] =	vst.add.f32.msk $0xffff, v6  }
0x399: {  	[tilespmem:s21+$0xC870] =	vst.add.f32.msk $0xffff, v7  }
0x39a: {  	[tilespmem:s21+$0xC880] =	vst.add.f32.msk $0xffff, v8  }
0x39b: {  	[tilespmem:s21+$0xC890] =	vst.add.f32.msk $0xffff, v9  }
0x39c: {  	[tilespmem:s21+$0xC8A0] =	vst.add.f32.msk $0xffff, v10  }
0x39d: {  	[tilespmem:s21+$0xC8B0] =	vst.add.f32.msk $0xffff, v11  }
0x39e: {  	[tilespmem:s21+$0xC8C0] =	vst.add.f32.msk $0xffff, v12  }
0x39f: {  	[tilespmem:s21+$0xC8D0] =	vst.add.f32.msk $0xffff, v13  }
0x3a0: {  	s28 =	rddreg [dreg:$0x5];
	[tilespmem:s21+$0xC8E0] =	vst.add.f32.msk $0xffff, v14  }
0x3a1: {  	[hbm4b:s28+s15] =	stream.strided.scatter [tilespmem:s13], [sflag:$0x4], $0x6400, s20, s15, $0x38;
	[tilespmem:$0x1C200] =	vst v63  }
0x3a2: {  	_ =	swait.ge [sflag:s10], $0x6400  }
0x3a3: {  	[sflag:s10] =	ssyncset.done $0x0  }
0x3a4: {  	s29 =	simm.s32 $0x6;
	[sflag:s10] =	ssyncadd.s32 $0xFFFF9C00  }
0x3a5: {  	_ =	swait.ge [sflag:s29], $0x6400  }
0x3a6: {  	[sflag:s29] =	ssyncset.done $0x0  }
0x3a7: {  	[sflag:s29] =	ssyncadd.s32 $0xFFFF9C00  }
0x3a8: {  	_ =	swait.ge [sflag:s9], $0x6400  }
0x3a9: {  	s26 =	rddreg [dreg:$0x7]  }
0x3aa: {  	s30 =	rddreg [dreg:$0x6];
	s26 =	sadd.s32 $0x1, s26  }
0x3ab: {  	p0 =	sne.s32 s26, s30  }
.Ltmp10:
0x3ac: {  	_ = 	snop;
	(pc) =	sbr.rel @p0 .LBB2_1-.Ltmp10, $3  }
0x3ad: {  	_ =	sdelay $0x1  }
0x3ae: {  	[sflag:s9] =	ssyncset.done $0x0  }
0x3af: {  	[sflag:s9] =	ssyncadd.s32 $0xFFFF9C00  }
0x3b0: {  	_ =	sfence.sel $0x180000  }
0x3b1: {  	[bflag:$0x0] =	sbarrier.arrive $0xFFFF  }
0x3b2: {  	_ =	strace $0x90000047  }
0x3b3: {  	s0 =	stileid.u32;
	[bflag:$0x2] =	sbarrier.arrive $0xFFFF  }
0x3b4: {  	p0 =	sne.s32 s0, $0x0;
	s0 =	rddreg [dreg:$0x2]  }
0x3b5: {  	s0 =	sadd.s32 @!p0 $0x100000, s0  }
0x3b6: {  	[sflag:s0] =	ssyncadd.tile.s32 @!p0 $0x1;
	_ =	shalt  }
.Lfunc_end2:
_tile_overlayer_lowered:
.L_overlay_start_2:
0x3b7: {  	(tag) =	ssettag $0x2  }
0x3b8: {  	s0 =	rddreg [dreg:$0x0];
	s2 =	stileid.u32  }
0x3b9: {  	s1 =	rddreg [dreg:$0x1];
	p0 =	sne.s32 s2, $0x0  }
0x3ba: {  	s3 =	rddreg [dreg:$0x2];
	[bflag:$0x3] =	sbarrier.arrive $0xFFFF;
	s2 =	simm.s32 @!p0 $0x1C07  }
0x3bb: {  	[timem:s3], [sflag:s2] =	dma.local @!p0 [hbm:s0], s1  }
0x3bc: {  	s0 =	simm.s32 @!p0 $0x7  }
0x3bd: {  	_ =	swait.ge @!p0 [sflag:s0], s1  }
0x3be: {  	s1 =	ssub.s32 @!p0 $0x0, s1;
	[sflag:s0] =	ssyncset.done @!p0 $0x0  }
0x3bf: {  	[sflag:s0] =	ssyncadd.s32 @!p0 s1  }
0x3c0: {  	[bflag:$0x3] =	sbarrier.arrive $0xFFFF  }
0x3c1: {  	_ =	shalt  }

</sc_bundles>
